<compile_context>
chip_gen: v7x
topology: tpu7x:2x2x1
jax: 0.10.2.dev20260603
libtpu: 0.0.44.dev20260713+nightly
codegen_flags: <defaults>
</compile_context>

<pallas_src>
import functools

import jax
import jax.numpy as jnp
from jax import lax
from jax.experimental import pallas as pl
from jax.experimental.pallas import tpu as pltpu
from jax.experimental.pallas import tpu_sc as plsc

NC = 2
NS = 16
CHUNK = 128


def _seg_cuts(d, e):
    if d == 128:
        half = [10080 * k for k in range(1, 12)] + [120720, 130560, 140400, 150240]
    elif d == 64:
        half = [10240 * k for k in range(1, 5)] + [50880 + 9920 * k for k in range(11)]
    else:
        raise NotImplementedError(f"no cut table for feature dim {d}")
    h = e // 2
    assert half[-1] < h
    return half + [h] + [h + c for c in half]


DH = 32


def _make_seg_sum(n, n_pad, phases, t_max):
    dh = DH
    nvec = dh // 16
    t2 = t_max // 2
    rpt = n_pad // NS
    mesh = plsc.VectorSubcoreMesh(core_axis_name="c", subcore_axis_name="s")

    @functools.partial(
        pl.kernel,
        out_type=jax.ShapeDtypeStruct((NC, phases, n_pad, dh), jnp.float32),
        mesh=mesh,
        scratch_types=[
            pltpu.VMEM((t_max, CHUNK), jnp.int32),
            pltpu.VMEM((t_max, CHUNK), jnp.int32),
            pltpu.VMEM((t_max * CHUNK + 16,), jnp.float32),
            pltpu.VMEM((CHUNK, DH), jnp.float32),
            pltpu.VMEM((CHUNK, DH), jnp.float32),
            pltpu.VMEM((CHUNK, DH), jnp.float32),
            pltpu.VMEM((CHUNK, DH), jnp.float32),
            pltpu.VMEM_SHARED((n_pad, DH), jnp.float32),
            pltpu.SemaphoreType.DMA,
            pltpu.SemaphoreType.DMA,
            pltpu.SemaphoreType.DMA,
            pltpu.SemaphoreType.DMA,
        ],
        compiler_params=pltpu.CompilerParams(use_tc_tiling_on_sc=False),
    )
    def seg_sum(x_hbm, gidx_hbm, scat_hbm, keep_hbm, zeros_hbm, out_hbm,
                src_v, scat_v, keep_v, buf0, buf1, stg0, stg1, agg_s,
                sem_g0, sem_g1, sem_s0, sem_s1):
        cid = lax.axis_index("c")
        sid = lax.axis_index("s")
        pltpu.sync_copy(scat_hbm.at[sid], scat_v)
        pltpu.sync_copy(keep_hbm.at[sid], keep_v.at[pl.ds(0, t_max * CHUNK)])
        row0 = sid * rpt

        def g_start(j, buf, sem):
            pltpu.async_copy(x_hbm.at[src_v.at[j]], buf, sem)

        def g_wait(j, buf, sem):
            pltpu.make_async_copy(x_hbm.at[src_v.at[j]], buf, sem).wait()

        def s_start(j, stg, sem):
            pltpu.async_copy(stg, agg_s.at[scat_v.at[j]], sem, add=True)

        def s_wait(j, stg, sem):
            pltpu.make_async_copy(stg, agg_s.at[scat_v.at[j]], sem).wait()

        def run_block(j, buf, stg, acc):
            def edge(el, acc):
                kwin = keep_v[pl.ds(j * CHUNK + el, 16)]
                kv = jnp.full((16,), kwin[0], jnp.float32)
                out = []
                for k in range(nvec):
                    v = buf[el, pl.ds(k * 16, 16)]
                    a = acc[k] + v
                    stg[el, pl.ds(k * 16, 16)] = a
                    out.append(a * kv)
                return tuple(out)

            return lax.fori_loop(0, CHUNK, edge, acc)

        def body(t, acc):
            j0 = 2 * t
            j1 = 2 * t + 1
            g_start(j1, buf1, sem_g1)
            g_wait(j0, buf0, sem_g0)

            @pl.when(t > 0)
            def _():
                s_wait(j0 - 2, stg0, sem_s0)

            acc = run_block(j0, buf0, stg0, acc)
            s_start(j0, stg0, sem_s0)

            @pl.when(t < t2 - 1)
            def _():
                g_start(j1 + 1, buf0, sem_g0)

            g_wait(j1, buf1, sem_g1)

            @pl.when(t > 0)
            def _():
                s_wait(j1 - 2, stg1, sem_s1)

            acc = run_block(j1, buf1, stg1, acc)
            s_start(j1, stg1, sem_s1)
            return acc

        for p in range(phases):
            pltpu.sync_copy(gidx_hbm.at[cid].at[p].at[sid], src_v)
            pltpu.sync_copy(zeros_hbm.at[pl.ds(row0, rpt)],
                            agg_s.at[pl.ds(row0, rpt)])
            plsc.subcore_barrier()
            acc0 = tuple(jnp.zeros((16,), jnp.float32) for _ in range(nvec))
            g_start(0, buf0, sem_g0)
            lax.fori_loop(0, t2, body, acc0)
            s_wait(t_max - 2, stg0, sem_s0)
            s_wait(t_max - 1, stg1, sem_s1)
            plsc.subcore_barrier()
            pltpu.sync_copy(agg_s.at[pl.ds(row0, rpt)],
                            out_hbm.at[cid].at[p].at[pl.ds(row0, rpt)])

    return seg_sum


def _exact_col_mean(w, n):
    nb = n // 128
    rem = n - nb * 128
    acc = w[0:128, :]
    for j in range(1, nb):
        acc = acc + w[128 * j:128 * (j + 1), :]
    if rem:
        acc = jnp.concatenate([acc[0:rem] + w[128 * nb:n], acc[rem:128]], axis=0)
    s = acc[0:8]
    for k in range(1, 16):
        s = s + acc[8 * k:8 * (k + 1)]
    s = s[0:4] + s[4:8]
    s = s[0:2] + s[2:4]
    s = s[0:1] + s[1:2]
    return s * jnp.float32(1.0 / n)


def _layer_body(n, last):
    def body(x_ref, part_ref, w1_ref, b1_ref, w2_ref, b2_ref, g_ref, be_ref,
             eps_ref, *rest):
        if last:
            lw_ref, lb_ref, out_ref = rest
        else:
            (out_ref,) = rest
        nc, phases = part_ref.shape[0], part_ref.shape[1]
        agg = jnp.concatenate([part_ref[c, p, :n, :]
                               for c in range(nc) for p in range(phases)], axis=1)
        h = (1.0 + eps_ref[0]) * x_ref[...] + agg
        h = jnp.maximum(jnp.dot(h, w1_ref[...], preferred_element_type=jnp.float32)
                        + b1_ref[...], 0.0)
        z = jnp.maximum(jnp.dot(h, w2_ref[...], preferred_element_type=jnp.float32)
                        + b2_ref[...], 0.0)
        mean = _exact_col_mean(z, n)
        w = z - mean
        var = _exact_col_mean(w * w, n)
        h = w / jnp.sqrt(var + 1e-5) * g_ref[...] + be_ref[...]
        h = jnp.maximum(h, 0.0)
        if last:
            h = jnp.dot(h, lw_ref[...], preferred_element_type=jnp.float32) \
                + lb_ref[...]
        out_ref[...] = h
    return body


def _vmem():
    return pl.BlockSpec(memory_space=pltpu.VMEM)


def _smem():
    return pl.BlockSpec(memory_space=pltpu.SMEM)


def _prep_edges(ssrc, sdst, n, e, cuts, t_max):
    nxt = jnp.concatenate([sdst[1:], jnp.full((1,), -1, jnp.int32)])
    cutend = jnp.zeros((e,), jnp.bool_).at[jnp.array(cuts, jnp.int32) - 1].set(True)
    is_end = (sdst != nxt) | cutend
    trash = n + (jnp.arange(e, dtype=jnp.int32) % 16)
    scat = jnp.where(is_end, sdst, trash)
    keep = jnp.where(is_end, jnp.float32(0.0), jnp.float32(1.0))
    bounds = [0] + list(cuts) + [e]
    width = t_max * CHUNK
    src_rows, scat_rows, keep_rows = [], [], []
    for t in range(NS):
        a, b = bounds[2 * t], bounds[2 * t + 2]
        padw = width - (b - a)
        src_rows.append(jnp.pad(ssrc[a:b], (0, padw)))
        scat_rows.append(jnp.pad(scat[a:b], (0, padw), constant_values=n))
        keep_rows.append(jnp.pad(keep[a:b], (0, padw)))
    src_t = jnp.stack(src_rows).reshape(NS, t_max, CHUNK)
    scat_t = jnp.stack(scat_rows).reshape(NS, t_max, CHUNK)
    keep_t = jnp.stack(keep_rows).reshape(NS, t_max * CHUNK)
    return src_t, scat_t, keep_t


def kernel(x, edge_index, params):
    n, _ = x.shape
    e = edge_index.shape[1]
    n_pad = -(-(n + 16) // (NS * 8)) * (NS * 8)
    src = edge_index[0].astype(jnp.int32)
    dst = edge_index[1].astype(jnp.int32)
    order = jnp.argsort(dst)
    ssrc = jnp.take(src, order)
    sdst = jnp.take(dst, order)

    streams = {}
    for d in (128, 64):
        cuts = _seg_cuts(d, e)
        bounds = [0] + cuts + [e]
        t_max = max(-(-(bounds[2 * t + 2] - bounds[2 * t]) // CHUNK)
                    for t in range(NS))
        t_max += t_max % 2
        streams[d] = (_prep_edges(ssrc, sdst, n, e, cuts, t_max), t_max)

    h = x
    for i in range(3):
        d = h.shape[1]
        hdim = params[f"conv{i+1}_w1"].shape[1]
        (src_t, scat_t, keep_t), t_max = streams[d]
        phases = d // (NC * DH)
        q = NC * phases
        gidx = jnp.stack([jnp.stack([q * src_t + (c * phases + p)
                                     for p in range(phases)])
                          for c in range(NC)])
        zeros = jnp.zeros((n_pad, DH), jnp.float32)
        part = _make_seg_sum(n, n_pad, phases, t_max)(
            h.reshape(q * n, DH), gidx, scat_t, keep_t, zeros)

        last = i == 2
        args = [h, part,
                params[f"conv{i+1}_w1"], params[f"conv{i+1}_b1"].reshape(1, hdim),
                params[f"conv{i+1}_w2"], params[f"conv{i+1}_b2"].reshape(1, hdim),
                params[f"conv{i+1}_gamma"].reshape(1, hdim),
                params[f"conv{i+1}_beta"].reshape(1, hdim),
                params[f"conv{i+1}_eps"].reshape(1)]
        if last:
            c = params["lin_w"].shape[1]
            args += [params["lin_w"], params["lin_b"].reshape(1, c)]
            out_shape = jax.ShapeDtypeStruct((n, c), jnp.float32)
        else:
            out_shape = jax.ShapeDtypeStruct((n, hdim), jnp.float32)
        in_specs = [_vmem()] * len(args)
        in_specs[8] = _smem()
        h = pl.pallas_call(
            _layer_body(n, last),
            out_shape=out_shape,
            in_specs=in_specs,
            out_specs=_vmem(),
        )(*args)
    return h

# --- scband reference (transcript-rebuilt; emitter-appended) ---
"""Pipeline reference for scband-gin-80487687127440 (READ-ONLY COPY).

The authoritative reference and input builder live on the scoring server;
editing this copy changes nothing except your own understanding.
"""

import jax, jax.numpy as jnp
import numpy as np

N = 10000
E = 320000
D_IN = 128
H = 64
C = 16


def setup_inputs(seed: int = 0):
    key = jax.random.key(seed)
    ks = jax.random.split(key, 16)
    x = jax.random.normal(ks[0], (N, D_IN), dtype=jnp.float32)
    edge_index = jax.random.randint(ks[1], (2, E), 0, N)

    def dense(k, fan_in, fan_out):
        return jax.random.normal(k, (fan_in, fan_out), dtype=jnp.float32) * (1.0 / np.sqrt(fan_in))

    params = {}
    dims = [D_IN, H, H]
    ki = 2
    for i in range(3):
        params[f"conv{i+1}_w1"] = dense(ks[ki], dims[i], H); ki += 1
        params[f"conv{i+1}_b1"] = jnp.zeros((H,), jnp.float32)
        params[f"conv{i+1}_w2"] = dense(ks[ki], H, H); ki += 1
        params[f"conv{i+1}_b2"] = jnp.zeros((H,), jnp.float32)
        params[f"conv{i+1}_gamma"] = jnp.ones((H,), jnp.float32)
        params[f"conv{i+1}_beta"] = jnp.zeros((H,), jnp.float32)
        params[f"conv{i+1}_eps"] = jnp.zeros((), jnp.float32)
    params["lin_w"] = dense(ks[ki], H, C); ki += 1
    params["lin_b"] = jnp.zeros((C,), jnp.float32)
    return {"x": x, "edge_index": edge_index, "params": params}


def _gin_conv(x, edge_index, w1, b1, w2, b2, gamma, beta, eps):
    # GINConv: nn((1+eps)*x + sum_{j in N(i)} x_j), messages flow src -> dst
    src = edge_index[0]
    dst = edge_index[1]
    msgs = jnp.take(x, src, axis=0)
    agg = jax.ops.segment_sum(msgs, dst, num_segments=x.shape[0])
    h = (1.0 + eps) * x + agg
    h = jax.nn.relu(h @ w1 + b1)
    h = jax.nn.relu(h @ w2 + b2)
    # BatchNorm1d (training mode: batch statistics, biased variance)
    mean = jnp.mean(h, axis=0)
    var = jnp.var(h, axis=0)
    h = (h - mean) / jnp.sqrt(var + 1e-5) * gamma + beta
    return h


def reference(x, edge_index, params):
    h = x
    for i in range(3):
        p = [params[f"conv{i+1}_{n}"] for n in ["w1", "b1", "w2", "b2", "gamma", "beta", "eps"]]
        h = jax.nn.relu(_gin_conv(h, edge_index, *p))
    return h @ params["lin_w"] + params["lin_b"]

if __name__ == "__main__":
    import jax
    _d = setup_inputs()
    print(jax.jit(kernel)(*tuple(_d.values())))

</pallas_src>

<mosaic_0001>
#map = affine_map<(d0, d1) -> (0, 0)>
#map1 = affine_map<(d0, d1) -> (0, 0, 0, 0, 0)>
#map2 = affine_map<(d0, d1) -> (0, 0, 0)>
#map3 = affine_map<(d0, d1) -> (0, 0, 0, 0)>
module attributes {stable_mosaic.version = 14 : i64} {
  func.func @seg_sum(%arg0: i32, %arg1: i32, %arg2: memref<20000x32xf32, #tpu.memory_space<hbm>>, %arg3: memref<2x1x16x160x128xi32, #tpu.memory_space<hbm>>, %arg4: memref<16x160x128xi32, #tpu.memory_space<hbm>>, %arg5: memref<16x20480xf32, #tpu.memory_space<hbm>>, %arg6: memref<10112x32xf32, #tpu.memory_space<hbm>>, %arg7: memref<2x1x10112x32xf32, #tpu.memory_space<hbm>>, %arg8: memref<160x128xi32, #tpu.memory_space<vmem>>, %arg9: memref<160x128xi32, #tpu.memory_space<vmem>>, %arg10: memref<20496xf32, #tpu.memory_space<vmem>>, %arg11: memref<128x32xf32, #tpu.memory_space<vmem>>, %arg12: memref<128x32xf32, #tpu.memory_space<vmem>>, %arg13: memref<128x32xf32, #tpu.memory_space<vmem>>, %arg14: memref<128x32xf32, #tpu.memory_space<vmem>>, %arg15: memref<10112x32xf32, #tpu.memory_space<vmem_shared>>, %arg16: memref<!tpu.dma_semaphore, #tpu.memory_space<semaphore_mem>>, %arg17: memref<!tpu.dma_semaphore, #tpu.memory_space<semaphore_mem>>, %arg18: memref<!tpu.dma_semaphore, #tpu.memory_space<semaphore_mem>>, %arg19: memref<!tpu.dma_semaphore, #tpu.memory_space<semaphore_mem>>) attributes {dimension_semantics = [#tpu.dimension_semantics<core_parallel>, #tpu.dimension_semantics<subcore_parallel>], iteration_bounds = array<i64: 2, 16>, scalar_prefetch = 0 : i64, scratch_operands = 12 : i64, tpu.core_type = #tpu.core_type<sc_vector_subcore>, window_params = [{transform_indices = #map}, {transform_indices = #map1}, {transform_indices = #map2}, {transform_indices = #map}, {transform_indices = #map}, {transform_indices = #map3}]} {
    "tpu.region"() ({
      %run_scoped3A_30 = tpu.sem_alloc : memref<!tpu.dma_semaphore, #tpu.memory_space<semaphore_mem>>
      %dma_start3A_31 = arith.constant 0 : i32
      %dma_start3A_32 = arith.constant 0 : i32
      %dma_start3A_33 = tpu.memref_slice %arg4[%arg1, %dma_start3A_31, %dma_start3A_32] : memref<16x160x128xi32, #tpu.memory_space<hbm>> -> memref<1x160x128xi32, #tpu.memory_space<hbm>>
      %dma_start3A_34 = tpu.memref_squeeze %dma_start3A_33 : memref<1x160x128xi32, #tpu.memory_space<hbm>> -> memref<160x128xi32, #tpu.memory_space<hbm>>
      %dma_start3A_35 = arith.constant 0 : i32
      %dma_start3A_36 = arith.constant 0 : i32
      %dma_start3A_37 = tpu.memref_slice %arg4[%arg1, %dma_start3A_35, %dma_start3A_36] : memref<16x160x128xi32, #tpu.memory_space<hbm>> -> memref<1x160x128xi32, #tpu.memory_space<hbm>>
      %dma_start3A_38 = tpu.memref_squeeze %dma_start3A_37 : memref<1x160x128xi32, #tpu.memory_space<hbm>> -> memref<160x128xi32, #tpu.memory_space<hbm>>
      tpu.enqueue_dma source(%dma_start3A_38 : memref<160x128xi32, #tpu.memory_space<hbm>>) target(%arg9 : memref<160x128xi32, #tpu.memory_space<vmem>>) target_semaphore(%run_scoped3A_30 : memref<!tpu.dma_semaphore, #tpu.memory_space<semaphore_mem>>)
      %dma_wait3A_39 = arith.constant 0 : i32
      %dma_wait3A_40 = arith.constant 0 : i32
      %dma_wait3A_41 = tpu.memref_slice %arg4[%arg1, %dma_wait3A_39, %dma_wait3A_40] : memref<16x160x128xi32, #tpu.memory_space<hbm>> -> memref<1x160x128xi32, #tpu.memory_space<hbm>>
      %dma_wait3A_42 = tpu.memref_squeeze %dma_wait3A_41 : memref<1x160x128xi32, #tpu.memory_space<hbm>> -> memref<160x128xi32, #tpu.memory_space<hbm>>
      %dma_wait3A_43 = arith.constant 0 : i32
      %dma_wait3A_44 = arith.constant 0 : i32
      %dma_wait3A_45 = tpu.memref_slice %arg4[%arg1, %dma_wait3A_43, %dma_wait3A_44] : memref<16x160x128xi32, #tpu.memory_space<hbm>> -> memref<1x160x128xi32, #tpu.memory_space<hbm>>
      %dma_wait3A_46 = tpu.memref_squeeze %dma_wait3A_45 : memref<1x160x128xi32, #tpu.memory_space<hbm>> -> memref<160x128xi32, #tpu.memory_space<hbm>>
      tpu.wait_dma2 semaphore(%run_scoped3A_30 : memref<!tpu.dma_semaphore, #tpu.memory_space<semaphore_mem>>) src(%dma_wait3A_46 : memref<160x128xi32, #tpu.memory_space<hbm>>) dst(%arg9 : memref<160x128xi32, #tpu.memory_space<vmem>>)
      tpu.yield
    }) : () -> ()
    "tpu.region"() ({
      %run_scoped3A_30 = tpu.sem_alloc : memref<!tpu.dma_semaphore, #tpu.memory_space<semaphore_mem>>
      %dma_start3A_31 = arith.constant 0 : i32
      %dma_start3A_32 = tpu.memref_slice %arg10[%dma_start3A_31] : memref<20496xf32, #tpu.memory_space<vmem>> -> memref<20480xf32, #tpu.memory_space<vmem>>
      %dma_start3A_33 = arith.constant 0 : i32
      %dma_start3A_34 = tpu.memref_slice %arg5[%arg1, %dma_start3A_33] : memref<16x20480xf32, #tpu.memory_space<hbm>> -> memref<1x20480xf32, #tpu.memory_space<hbm>>
      %dma_start3A_35 = tpu.memref_squeeze %dma_start3A_34 : memref<1x20480xf32, #tpu.memory_space<hbm>> -> memref<20480xf32, #tpu.memory_space<hbm>>
      %dma_start3A_36 = arith.constant 0 : i32
      %dma_start3A_37 = tpu.memref_slice %arg10[%dma_start3A_36] : memref<20496xf32, #tpu.memory_space<vmem>> -> memref<20480xf32, #tpu.memory_space<vmem>>
      %dma_start3A_38 = arith.constant 0 : i32
      %dma_start3A_39 = tpu.memref_slice %arg5[%arg1, %dma_start3A_38] : memref<16x20480xf32, #tpu.memory_space<hbm>> -> memref<1x20480xf32, #tpu.memory_space<hbm>>
      %dma_start3A_40 = tpu.memref_squeeze %dma_start3A_39 : memref<1x20480xf32, #tpu.memory_space<hbm>> -> memref<20480xf32, #tpu.memory_space<hbm>>
      tpu.enqueue_dma source(%dma_start3A_40 : memref<20480xf32, #tpu.memory_space<hbm>>) target(%dma_start3A_37 : memref<20480xf32, #tpu.memory_space<vmem>>) target_semaphore(%run_scoped3A_30 : memref<!tpu.dma_semaphore, #tpu.memory_space<semaphore_mem>>)
      %dma_wait3A_41 = arith.constant 0 : i32
      %dma_wait3A_42 = tpu.memref_slice %arg10[%dma_wait3A_41] : memref<20496xf32, #tpu.memory_space<vmem>> -> memref<20480xf32, #tpu.memory_space<vmem>>
      %dma_wait3A_43 = arith.constant 0 : i32
      %dma_wait3A_44 = tpu.memref_slice %arg5[%arg1, %dma_wait3A_43] : memref<16x20480xf32, #tpu.memory_space<hbm>> -> memref<1x20480xf32, #tpu.memory_space<hbm>>
      %dma_wait3A_45 = tpu.memref_squeeze %dma_wait3A_44 : memref<1x20480xf32, #tpu.memory_space<hbm>> -> memref<20480xf32, #tpu.memory_space<hbm>>
      %dma_wait3A_46 = arith.constant 0 : i32
      %dma_wait3A_47 = tpu.memref_slice %arg10[%dma_wait3A_46] : memref<20496xf32, #tpu.memory_space<vmem>> -> memref<20480xf32, #tpu.memory_space<vmem>>
      %dma_wait3A_48 = arith.constant 0 : i32
      %dma_wait3A_49 = tpu.memref_slice %arg5[%arg1, %dma_wait3A_48] : memref<16x20480xf32, #tpu.memory_space<hbm>> -> memref<1x20480xf32, #tpu.memory_space<hbm>>
      %dma_wait3A_50 = tpu.memref_squeeze %dma_wait3A_49 : memref<1x20480xf32, #tpu.memory_space<hbm>> -> memref<20480xf32, #tpu.memory_space<hbm>>
      tpu.wait_dma2 semaphore(%run_scoped3A_30 : memref<!tpu.dma_semaphore, #tpu.memory_space<semaphore_mem>>) src(%dma_wait3A_50 : memref<20480xf32, #tpu.memory_space<hbm>>) dst(%dma_wait3A_47 : memref<20480xf32, #tpu.memory_space<vmem>>)
      tpu.yield
    }) : () -> ()
    %mul3A = arith.constant 632 : i32
    %mul3A_0 = arith.muli %arg1, %mul3A : i32
    %run_scoped3A = arith.constant 0 : i32
    "tpu.region"() ({
      %run_scoped3A_30 = tpu.sem_alloc : memref<!tpu.dma_semaphore, #tpu.memory_space<semaphore_mem>>
      %dma_start3A_31 = arith.constant 0 : i32
      %dma_start3A_32 = arith.constant 0 : i32
      %dma_start3A_33 = arith.constant 0 : i32
      %dma_start3A_34 = arith.constant 0 : i32
      %dma_start3A_35 = tpu.memref_slice %arg3[%arg0, %dma_start3A_31, %dma_start3A_32, %dma_start3A_33, %dma_start3A_34] : memref<2x1x16x160x128xi32, #tpu.memory_space<hbm>> -> memref<1x1x16x160x128xi32, #tpu.memory_space<hbm>>
      %dma_start3A_36 = tpu.memref_squeeze %dma_start3A_35 : memref<1x1x16x160x128xi32, #tpu.memory_space<hbm>> -> memref<1x16x160x128xi32, #tpu.memory_space<hbm>>
      %dma_start3A_37 = arith.constant 0 : i32
      %dma_start3A_38 = arith.constant 0 : i32
      %dma_start3A_39 = arith.constant 0 : i32
      %dma_start3A_40 = tpu.memref_slice %dma_start3A_36[%run_scoped3A, %dma_start3A_37, %dma_start3A_38, %dma_start3A_39] : memref<1x16x160x128xi32, #tpu.memory_space<hbm>> -> memref<1x16x160x128xi32, #tpu.memory_space<hbm>>
      %dma_start3A_41 = tpu.memref_squeeze %dma_start3A_40 : memref<1x16x160x128xi32, #tpu.memory_space<hbm>> -> memref<16x160x128xi32, #tpu.memory_space<hbm>>
      %dma_start3A_42 = arith.constant 0 : i32
      %dma_start3A_43 = arith.constant 0 : i32
      %dma_start3A_44 = tpu.memref_slice %dma_start3A_41[%arg1, %dma_start3A_42, %dma_start3A_43] : memref<16x160x128xi32, #tpu.memory_space<hbm>> -> memref<1x160x128xi32, #tpu.memory_space<hbm>>
      %dma_start3A_45 = tpu.memref_squeeze %dma_start3A_44 : memref<1x160x128xi32, #tpu.memory_space<hbm>> -> memref<160x128xi32, #tpu.memory_space<hbm>>
      %dma_start3A_46 = arith.constant 0 : i32
      %dma_start3A_47 = arith.constant 0 : i32
      %dma_start3A_48 = arith.constant 0 : i32
      %dma_start3A_49 = arith.constant 0 : i32
      %dma_start3A_50 = tpu.memref_slice %arg3[%arg0, %dma_start3A_46, %dma_start3A_47, %dma_start3A_48, %dma_start3A_49] : memref<2x1x16x160x128xi32, #tpu.memory_space<hbm>> -> memref<1x1x16x160x128xi32, #tpu.memory_space<hbm>>
      %dma_start3A_51 = tpu.memref_squeeze %dma_start3A_50 : memref<1x1x16x160x128xi32, #tpu.memory_space<hbm>> -> memref<1x16x160x128xi32, #tpu.memory_space<hbm>>
      %dma_start3A_52 = arith.constant 0 : i32
      %dma_start3A_53 = arith.constant 0 : i32
      %dma_start3A_54 = arith.constant 0 : i32
      %dma_start3A_55 = tpu.memref_slice %dma_start3A_51[%run_scoped3A, %dma_start3A_52, %dma_start3A_53, %dma_start3A_54] : memref<1x16x160x128xi32, #tpu.memory_space<hbm>> -> memref<1x16x160x128xi32, #tpu.memory_space<hbm>>
      %dma_start3A_56 = tpu.memref_squeeze %dma_start3A_55 : memref<1x16x160x128xi32, #tpu.memory_space<hbm>> -> memref<16x160x128xi32, #tpu.memory_space<hbm>>
      %dma_start3A_57 = arith.constant 0 : i32
      %dma_start3A_58 = arith.constant 0 : i32
      %dma_start3A_59 = tpu.memref_slice %dma_start3A_56[%arg1, %dma_start3A_57, %dma_start3A_58] : memref<16x160x128xi32, #tpu.memory_space<hbm>> -> memref<1x160x128xi32, #tpu.memory_space<hbm>>
      %dma_start3A_60 = tpu.memref_squeeze %dma_start3A_59 : memref<1x160x128xi32, #tpu.memory_space<hbm>> -> memref<160x128xi32, #tpu.memory_space<hbm>>
      tpu.enqueue_dma source(%dma_start3A_60 : memref<160x128xi32, #tpu.memory_space<hbm>>) target(%arg8 : memref<160x128xi32, #tpu.memory_space<vmem>>) target_semaphore(%run_scoped3A_30 : memref<!tpu.dma_semaphore, #tpu.memory_space<semaphore_mem>>)
      %dma_wait3A_61 = arith.constant 0 : i32
      %dma_wait3A_62 = arith.constant 0 : i32
      %dma_wait3A_63 = arith.constant 0 : i32
      %dma_wait3A_64 = arith.constant 0 : i32
      %dma_wait3A_65 = tpu.memref_slice %arg3[%arg0, %dma_wait3A_61, %dma_wait3A_62, %dma_wait3A_63, %dma_wait3A_64] : memref<2x1x16x160x128xi32, #tpu.memory_space<hbm>> -> memref<1x1x16x160x128xi32, #tpu.memory_space<hbm>>
      %dma_wait3A_66 = tpu.memref_squeeze %dma_wait3A_65 : memref<1x1x16x160x128xi32, #tpu.memory_space<hbm>> -> memref<1x16x160x128xi32, #tpu.memory_space<hbm>>
      %dma_wait3A_67 = arith.constant 0 : i32
      %dma_wait3A_68 = arith.constant 0 : i32
      %dma_wait3A_69 = arith.constant 0 : i32
      %dma_wait3A_70 = tpu.memref_slice %dma_wait3A_66[%run_scoped3A, %dma_wait3A_67, %dma_wait3A_68, %dma_wait3A_69] : memref<1x16x160x128xi32, #tpu.memory_space<hbm>> -> memref<1x16x160x128xi32, #tpu.memory_space<hbm>>
      %dma_wait3A_71 = tpu.memref_squeeze %dma_wait3A_70 : memref<1x16x160x128xi32, #tpu.memory_space<hbm>> -> memref<16x160x128xi32, #tpu.memory_space<hbm>>
      %dma_wait3A_72 = arith.constant 0 : i32
      %dma_wait3A_73 = arith.constant 0 : i32
      %dma_wait3A_74 = tpu.memref_slice %dma_wait3A_71[%arg1, %dma_wait3A_72, %dma_wait3A_73] : memref<16x160x128xi32, #tpu.memory_space<hbm>> -> memref<1x160x128xi32, #tpu.memory_space<hbm>>
      %dma_wait3A_75 = tpu.memref_squeeze %dma_wait3A_74 : memref<1x160x128xi32, #tpu.memory_space<hbm>> -> memref<160x128xi32, #tpu.memory_space<hbm>>
      %dma_wait3A_76 = arith.constant 0 : i32
      %dma_wait3A_77 = arith.constant 0 : i32
      %dma_wait3A_78 = arith.constant 0 : i32
      %dma_wait3A_79 = arith.constant 0 : i32
      %dma_wait3A_80 = tpu.memref_slice %arg3[%arg0, %dma_wait3A_76, %dma_wait3A_77, %dma_wait3A_78, %dma_wait3A_79] : memref<2x1x16x160x128xi32, #tpu.memory_space<hbm>> -> memref<1x1x16x160x128xi32, #tpu.memory_space<hbm>>
      %dma_wait3A_81 = tpu.memref_squeeze %dma_wait3A_80 : memref<1x1x16x160x128xi32, #tpu.memory_space<hbm>> -> memref<1x16x160x128xi32, #tpu.memory_space<hbm>>
      %dma_wait3A_82 = arith.constant 0 : i32
      %dma_wait3A_83 = arith.constant 0 : i32
      %dma_wait3A_84 = arith.constant 0 : i32
      %dma_wait3A_85 = tpu.memref_slice %dma_wait3A_81[%run_scoped3A, %dma_wait3A_82, %dma_wait3A_83, %dma_wait3A_84] : memref<1x16x160x128xi32, #tpu.memory_space<hbm>> -> memref<1x16x160x128xi32, #tpu.memory_space<hbm>>
      %dma_wait3A_86 = tpu.memref_squeeze %dma_wait3A_85 : memref<1x16x160x128xi32, #tpu.memory_space<hbm>> -> memref<16x160x128xi32, #tpu.memory_space<hbm>>
      %dma_wait3A_87 = arith.constant 0 : i32
      %dma_wait3A_88 = arith.constant 0 : i32
      %dma_wait3A_89 = tpu.memref_slice %dma_wait3A_86[%arg1, %dma_wait3A_87, %dma_wait3A_88] : memref<16x160x128xi32, #tpu.memory_space<hbm>> -> memref<1x160x128xi32, #tpu.memory_space<hbm>>
      %dma_wait3A_90 = tpu.memref_squeeze %dma_wait3A_89 : memref<1x160x128xi32, #tpu.memory_space<hbm>> -> memref<160x128xi32, #tpu.memory_space<hbm>>
      tpu.wait_dma2 semaphore(%run_scoped3A_30 : memref<!tpu.dma_semaphore, #tpu.memory_space<semaphore_mem>>) src(%dma_wait3A_90 : memref<160x128xi32, #tpu.memory_space<hbm>>) dst(%arg8 : memref<160x128xi32, #tpu.memory_space<vmem>>)
      tpu.yield
    }) : () -> ()
    "tpu.region"() ({
      %run_scoped3A_30 = tpu.sem_alloc : memref<!tpu.dma_semaphore, #tpu.memory_space<semaphore_mem>>
      %dma_start3A_31 = arith.constant 0 : i32
      %dma_start3A_32 = tpu.memref_slice %arg15[%mul3A_0, %dma_start3A_31] : memref<10112x32xf32, #tpu.memory_space<vmem_shared>> -> memref<632x32xf32, #tpu.memory_space<vmem_shared>>
      %dma_start3A_33 = arith.constant 0 : i32
      %dma_start3A_34 = tpu.memref_slice %arg6[%mul3A_0, %dma_start3A_33] : memref<10112x32xf32, #tpu.memory_space<hbm>> -> memref<632x32xf32, #tpu.memory_space<hbm>>
      tpu.enqueue_dma source(%dma_start3A_34 : memref<632x32xf32, #tpu.memory_space<hbm>>) target(%dma_start3A_32 : memref<632x32xf32, #tpu.memory_space<vmem_shared>>) target_semaphore(%run_scoped3A_30 : memref<!tpu.dma_semaphore, #tpu.memory_space<semaphore_mem>>)
      %dma_wait3A_35 = arith.constant 0 : i32
      %dma_wait3A_36 = tpu.memref_slice %arg15[%mul3A_0, %dma_wait3A_35] : memref<10112x32xf32, #tpu.memory_space<vmem_shared>> -> memref<632x32xf32, #tpu.memory_space<vmem_shared>>
      %dma_wait3A_37 = arith.constant 0 : i32
      %dma_wait3A_38 = tpu.memref_slice %arg6[%mul3A_0, %dma_wait3A_37] : memref<10112x32xf32, #tpu.memory_space<hbm>> -> memref<632x32xf32, #tpu.memory_space<hbm>>
      tpu.wait_dma2 semaphore(%run_scoped3A_30 : memref<!tpu.dma_semaphore, #tpu.memory_space<semaphore_mem>>) src(%dma_wait3A_38 : memref<632x32xf32, #tpu.memory_space<hbm>>) dst(%dma_wait3A_36 : memref<632x32xf32, #tpu.memory_space<vmem_shared>>)
      tpu.yield
    }) : () -> ()
    %barrier3A = arith.constant 0 : index
    tpu.barrier barrier_id(%barrier3A)
    %broadcast_in_dim3A = arith.constant 0.000000e+00 : f32
    %broadcast_in_dim3A_1 = vector.broadcast %broadcast_in_dim3A : f32 to vector<16xf32>
    %broadcast_in_dim3A_2 = arith.constant 0.000000e+00 : f32
    %broadcast_in_dim3A_3 = vector.broadcast %broadcast_in_dim3A_2 : f32 to vector<16xf32>
    %dma_start3A = arith.constant 0 : i32
    %dma_start3A_4 = arith.constant 0 : i32
    %dma_start3A_5 = tpu.memref_slice %arg8[%dma_start3A, %dma_start3A_4] : memref<160x128xi32, #tpu.memory_space<vmem>> -> memref<1x128xi32, #tpu.memory_space<vmem>>
    %dma_start3A_6 = tpu.memref_squeeze %dma_start3A_5 : memref<1x128xi32, #tpu.memory_space<vmem>> -> memref<128xi32, #tpu.memory_space<vmem>>
    %dma_start3A_7 = arith.constant 0 : i32
    %dma_start3A_8 = arith.constant 0 : i32
    %dma_start3A_9 = tpu.memref_slice %arg2[%dma_start3A_7, %dma_start3A_8] : memref<20000x32xf32, #tpu.memory_space<hbm>> -> memref<20000x32xf32, #tpu.memory_space<hbm>>
    tpu.enqueue_indirect_dma source(%dma_start3A_9 : memref<20000x32xf32, #tpu.memory_space<hbm>>) target(%arg11 : memref<128x32xf32, #tpu.memory_space<vmem>>) offsets(%dma_start3A_6 : memref<128xi32, #tpu.memory_space<vmem>>) semaphore(%arg16 : memref<!tpu.dma_semaphore, #tpu.memory_space<semaphore_mem>>)
    %scan3A = arith.constant 0 : i32
    %scan3A_10 = arith.constant 80 : i32
    %scan3A_11 = arith.addi %scan3A, %scan3A_10 : i32
    %scan3A_12 = arith.constant 1 : i32
    %scan3A_13:2 = scf.for %scan3A_30 = %scan3A to %scan3A_11 step %scan3A_12 iter_args(%scan3A_31 = %broadcast_in_dim3A_1, %scan3A_32 = %broadcast_in_dim3A_3) -> (vector<16xf32>, vector<16xf32>)  : i32 {
      %mul3A_33 = arith.constant 2 : i32
      %mul3A_34 = arith.muli %mul3A_33, %scan3A_30 : i32
      %mul3A_35 = arith.constant 2 : i32
      %mul3A_36 = arith.muli %mul3A_35, %scan3A_30 : i32
      %add3A = arith.constant 1 : i32
      %add3A_37 = arith.addi %mul3A_36, %add3A : i32
      %dma_start3A_38 = arith.constant 0 : i32
      %dma_start3A_39 = tpu.memref_slice %arg8[%add3A_37, %dma_start3A_38] : memref<160x128xi32, #tpu.memory_space<vmem>> -> memref<1x128xi32, #tpu.memory_space<vmem>>
      %dma_start3A_40 = tpu.memref_squeeze %dma_start3A_39 : memref<1x128xi32, #tpu.memory_space<vmem>> -> memref<128xi32, #tpu.memory_space<vmem>>
      %dma_start3A_41 = arith.constant 0 : i32
      %dma_start3A_42 = arith.constant 0 : i32
      %dma_start3A_43 = tpu.memref_slice %arg2[%dma_start3A_41, %dma_start3A_42] : memref<20000x32xf32, #tpu.memory_space<hbm>> -> memref<20000x32xf32, #tpu.memory_space<hbm>>
      tpu.enqueue_indirect_dma source(%dma_start3A_43 : memref<20000x32xf32, #tpu.memory_space<hbm>>) target(%arg12 : memref<128x32xf32, #tpu.memory_space<vmem>>) offsets(%dma_start3A_40 : memref<128xi32, #tpu.memory_space<vmem>>) semaphore(%arg17 : memref<!tpu.dma_semaphore, #tpu.memory_space<semaphore_mem>>)
      %dma_wait3A_44 = arith.constant 0 : i32
      %dma_wait3A_45 = tpu.memref_slice %arg8[%mul3A_34, %dma_wait3A_44] : memref<160x128xi32, #tpu.memory_space<vmem>> -> memref<1x128xi32, #tpu.memory_space<vmem>>
      %dma_wait3A_46 = tpu.memref_squeeze %dma_wait3A_45 : memref<1x128xi32, #tpu.memory_space<vmem>> -> memref<128xi32, #tpu.memory_space<vmem>>
      %dma_wait3A_47 = arith.constant 0 : i32
      %dma_wait3A_48 = arith.constant 0 : i32
      %dma_wait3A_49 = tpu.memref_slice %arg2[%dma_wait3A_47, %dma_wait3A_48] : memref<20000x32xf32, #tpu.memory_space<hbm>> -> memref<20000x32xf32, #tpu.memory_space<hbm>>
      tpu.wait_indirect_dma semaphore(%arg16 : memref<!tpu.dma_semaphore, #tpu.memory_space<semaphore_mem>>) src(%dma_wait3A_49 : memref<20000x32xf32, #tpu.memory_space<hbm>>) dst(%arg11 : memref<128x32xf32, #tpu.memory_space<vmem>>)
      %gt3A = arith.constant 0 : i32
      %gt3A_50 = arith.cmpi sgt, %scan3A_30, %gt3A : i32
      %convert_element_type3A = arith.extui %gt3A_50 : i1 to i32
      %cond3A = arith.constant 0 : i32
      %cond3A_51 = arith.cmpi ne, %convert_element_type3A, %cond3A : i32
      scf.if %cond3A_51 {
        %sub3A = arith.constant 2 : i32
        %sub3A_91 = arith.subi %mul3A_34, %sub3A : i32
        %dma_wait3A_92 = arith.constant 0 : i32
        %dma_wait3A_93 = tpu.memref_slice %arg9[%sub3A_91, %dma_wait3A_92] : memref<160x128xi32, #tpu.memory_space<vmem>> -> memref<1x128xi32, #tpu.memory_space<vmem>>
        %dma_wait3A_94 = tpu.memref_squeeze %dma_wait3A_93 : memref<1x128xi32, #tpu.memory_space<vmem>> -> memref<128xi32, #tpu.memory_space<vmem>>
        %dma_wait3A_95 = arith.constant 0 : i32
        %dma_wait3A_96 = arith.constant 0 : i32
        %dma_wait3A_97 = tpu.memref_slice %arg15[%dma_wait3A_95, %dma_wait3A_96] : memref<10112x32xf32, #tpu.memory_space<vmem_shared>> -> memref<10112x32xf32, #tpu.memory_space<vmem_shared>>
        tpu.wait_indirect_dma semaphore(%arg18 : memref<!tpu.dma_semaphore, #tpu.memory_space<semaphore_mem>>) src(%arg13 : memref<128x32xf32, #tpu.memory_space<vmem>>) dst(%dma_wait3A_97 : memref<10112x32xf32, #tpu.memory_space<vmem_shared>>)
      } else {
      }
      %scan3A_52 = arith.constant 0 : i32
      %scan3A_53 = arith.constant 128 : i32
      %scan3A_54 = arith.addi %scan3A_52, %scan3A_53 : i32
      %scan3A_55 = arith.constant 1 : i32
      %scan3A_56:2 = scf.for %scan3A_91 = %scan3A_52 to %scan3A_54 step %scan3A_55 iter_args(%scan3A_92 = %scan3A_31, %scan3A_93 = %scan3A_32) -> (vector<16xf32>, vector<16xf32>)  : i32 {
        %mul3A_94 = arith.constant 128 : i32
        %mul3A_95 = arith.muli %mul3A_34, %mul3A_94 : i32
        %add3A_96 = arith.addi %mul3A_95, %scan3A_91 : i32
        %get3A = arith.index_cast %add3A_96 : i32 to index
        %get3A_97 = tpu.vector_load %arg10[%get3A] {strides = array<i32>} : memref<20496xf32, #tpu.memory_space<vmem>>, vector<16xf32>,
        %get3A_98 = vector.shape_cast %get3A_97 : vector<16xf32> to vector<16xf32>
        %slice3A = vector.extract_strided_slice %get3A_98 {offsets = [0], sizes = [1], strides = [1]} : vector<16xf32> to vector<1xf32>
        %squeeze3A = vector.extract %slice3A[0] : f32 from vector<1xf32>
        %broadcast_in_dim3A_99 = vector.broadcast %squeeze3A : f32 to vector<16xf32>
        %get3A_100 = arith.index_cast %scan3A_91 : i32 to index
        %get3A_101 = arith.constant 0 : index
        %get3A_102 = tpu.vector_load %arg11[%get3A_100, %get3A_101] {strides = array<i32>} : memref<128x32xf32, #tpu.memory_space<vmem>>, vector<1x16xf32>,
        %get3A_103 = vector.shape_cast %get3A_102 : vector<1x16xf32> to vector<16xf32>
        %add3A_104 = arith.addf %scan3A_92, %get3A_103 : vector<16xf32>
        %swap3A = arith.index_cast %scan3A_91 : i32 to index
        %swap3A_105 = arith.constant 0 : index
        %swap3A_106 = tpu.vector_load %arg13[%swap3A, %swap3A_105] {strides = array<i32>} : memref<128x32xf32, #tpu.memory_space<vmem>>, vector<1x16xf32>,
        %swap3A_107 = vector.shape_cast %swap3A_106 : vector<1x16xf32> to vector<16xf32>
        %swap3A_108 = vector.shape_cast %add3A_104 : vector<16xf32> to vector<1x16xf32>
        tpu.vector_store %arg13[%swap3A, %swap3A_105], %swap3A_108 {strides = array<i32>} : memref<128x32xf32, #tpu.memory_space<vmem>>, vector<1x16xf32>,
        %mul3A_109 = arith.mulf %add3A_104, %broadcast_in_dim3A_99 : vector<16xf32>
        %get3A_110 = arith.index_cast %scan3A_91 : i32 to index
        %get3A_111 = arith.constant 16 : index
        %get3A_112 = tpu.vector_load %arg11[%get3A_110, %get3A_111] {strides = array<i32>} : memref<128x32xf32, #tpu.memory_space<vmem>>, vector<1x16xf32>,
        %get3A_113 = vector.shape_cast %get3A_112 : vector<1x16xf32> to vector<16xf32>
        %add3A_114 = arith.addf %scan3A_93, %get3A_113 : vector<16xf32>
        %swap3A_115 = arith.index_cast %scan3A_91 : i32 to index
        %swap3A_116 = arith.constant 16 : index
        %swap3A_117 = tpu.vector_load %arg13[%swap3A_115, %swap3A_116] {strides = array<i32>} : memref<128x32xf32, #tpu.memory_space<vmem>>, vector<1x16xf32>,
        %swap3A_118 = vector.shape_cast %swap3A_117 : vector<1x16xf32> to vector<16xf32>
        %swap3A_119 = vector.shape_cast %add3A_114 : vector<16xf32> to vector<1x16xf32>
        tpu.vector_store %arg13[%swap3A_115, %swap3A_116], %swap3A_119 {strides = array<i32>} : memref<128x32xf32, #tpu.memory_space<vmem>>, vector<1x16xf32>,
        %mul3A_120 = arith.mulf %add3A_114, %broadcast_in_dim3A_99 : vector<16xf32>
        scf.yield %mul3A_109, %mul3A_120 : vector<16xf32>, vector<16xf32>
      }
      %scan3A_57 = arith.constant 128 : i32
      %dma_start3A_58 = arith.constant 0 : i32
      %dma_start3A_59 = tpu.memref_slice %arg9[%mul3A_34, %dma_start3A_58] : memref<160x128xi32, #tpu.memory_space<vmem>> -> memref<1x128xi32, #tpu.memory_space<vmem>>
      %dma_start3A_60 = tpu.memref_squeeze %dma_start3A_59 : memref<1x128xi32, #tpu.memory_space<vmem>> -> memref<128xi32, #tpu.memory_space<vmem>>
      %dma_start3A_61 = arith.constant 0 : i32
      %dma_start3A_62 = arith.constant 0 : i32
      %dma_start3A_63 = tpu.memref_slice %arg15[%dma_start3A_61, %dma_start3A_62] : memref<10112x32xf32, #tpu.memory_space<vmem_shared>> -> memref<10112x32xf32, #tpu.memory_space<vmem_shared>>
      tpu.enqueue_indirect_dma source(%arg13 : memref<128x32xf32, #tpu.memory_space<vmem>>) target(%dma_start3A_63 : memref<10112x32xf32, #tpu.memory_space<vmem_shared>>) offsets(%dma_start3A_60 : memref<128xi32, #tpu.memory_space<vmem>>) semaphore(%arg18 : memref<!tpu.dma_semaphore, #tpu.memory_space<semaphore_mem>>) {add = true}
      %lt3A = arith.constant 79 : i32
      %lt3A_64 = arith.cmpi slt, %scan3A_30, %lt3A : i32
      %convert_element_type3A_65 = arith.extui %lt3A_64 : i1 to i32
      %cond3A_66 = arith.constant 0 : i32
      %cond3A_67 = arith.cmpi ne, %convert_element_type3A_65, %cond3A_66 : i32
      scf.if %cond3A_67 {
        %add3A_91 = arith.constant 1 : i32
        %add3A_92 = arith.addi %add3A_37, %add3A_91 : i32
        %dma_start3A_93 = arith.constant 0 : i32
        %dma_start3A_94 = tpu.memref_slice %arg8[%add3A_92, %dma_start3A_93] : memref<160x128xi32, #tpu.memory_space<vmem>> -> memref<1x128xi32, #tpu.memory_space<vmem>>
        %dma_start3A_95 = tpu.memref_squeeze %dma_start3A_94 : memref<1x128xi32, #tpu.memory_space<vmem>> -> memref<128xi32, #tpu.memory_space<vmem>>
        %dma_start3A_96 = arith.constant 0 : i32
        %dma_start3A_97 = arith.constant 0 : i32
        %dma_start3A_98 = tpu.memref_slice %arg2[%dma_start3A_96, %dma_start3A_97] : memref<20000x32xf32, #tpu.memory_space<hbm>> -> memref<20000x32xf32, #tpu.memory_space<hbm>>
        tpu.enqueue_indirect_dma source(%dma_start3A_98 : memref<20000x32xf32, #tpu.memory_space<hbm>>) target(%arg11 : memref<128x32xf32, #tpu.memory_space<vmem>>) offsets(%dma_start3A_95 : memref<128xi32, #tpu.memory_space<vmem>>) semaphore(%arg16 : memref<!tpu.dma_semaphore, #tpu.memory_space<semaphore_mem>>)
      } else {
      }
      %dma_wait3A_68 = arith.constant 0 : i32
      %dma_wait3A_69 = tpu.memref_slice %arg8[%add3A_37, %dma_wait3A_68] : memref<160x128xi32, #tpu.memory_space<vmem>> -> memref<1x128xi32, #tpu.memory_space<vmem>>
      %dma_wait3A_70 = tpu.memref_squeeze %dma_wait3A_69 : memref<1x128xi32, #tpu.memory_space<vmem>> -> memref<128xi32, #tpu.memory_space<vmem>>
      %dma_wait3A_71 = arith.constant 0 : i32
      %dma_wait3A_72 = arith.constant 0 : i32
      %dma_wait3A_73 = tpu.memref_slice %arg2[%dma_wait3A_71, %dma_wait3A_72] : memref<20000x32xf32, #tpu.memory_space<hbm>> -> memref<20000x32xf32, #tpu.memory_space<hbm>>
      tpu.wait_indirect_dma semaphore(%arg17 : memref<!tpu.dma_semaphore, #tpu.memory_space<semaphore_mem>>) src(%dma_wait3A_73 : memref<20000x32xf32, #tpu.memory_space<hbm>>) dst(%arg12 : memref<128x32xf32, #tpu.memory_space<vmem>>)
      %gt3A_74 = arith.constant 0 : i32
      %gt3A_75 = arith.cmpi sgt, %scan3A_30, %gt3A_74 : i32
      %convert_element_type3A_76 = arith.extui %gt3A_75 : i1 to i32
      %cond3A_77 = arith.constant 0 : i32
      %cond3A_78 = arith.cmpi ne, %convert_element_type3A_76, %cond3A_77 : i32
      scf.if %cond3A_78 {
        %sub3A = arith.constant 2 : i32
        %sub3A_91 = arith.subi %add3A_37, %sub3A : i32
        %dma_wait3A_92 = arith.constant 0 : i32
        %dma_wait3A_93 = tpu.memref_slice %arg9[%sub3A_91, %dma_wait3A_92] : memref<160x128xi32, #tpu.memory_space<vmem>> -> memref<1x128xi32, #tpu.memory_space<vmem>>
        %dma_wait3A_94 = tpu.memref_squeeze %dma_wait3A_93 : memref<1x128xi32, #tpu.memory_space<vmem>> -> memref<128xi32, #tpu.memory_space<vmem>>
        %dma_wait3A_95 = arith.constant 0 : i32
        %dma_wait3A_96 = arith.constant 0 : i32
        %dma_wait3A_97 = tpu.memref_slice %arg15[%dma_wait3A_95, %dma_wait3A_96] : memref<10112x32xf32, #tpu.memory_space<vmem_shared>> -> memref<10112x32xf32, #tpu.memory_space<vmem_shared>>
        tpu.wait_indirect_dma semaphore(%arg19 : memref<!tpu.dma_semaphore, #tpu.memory_space<semaphore_mem>>) src(%arg14 : memref<128x32xf32, #tpu.memory_space<vmem>>) dst(%dma_wait3A_97 : memref<10112x32xf32, #tpu.memory_space<vmem_shared>>)
      } else {
      }
      %scan3A_79 = arith.constant 0 : i32
      %scan3A_80 = arith.constant 128 : i32
      %scan3A_81 = arith.addi %scan3A_79, %scan3A_80 : i32
      %scan3A_82 = arith.constant 1 : i32
      %scan3A_83:2 = scf.for %scan3A_91 = %scan3A_79 to %scan3A_81 step %scan3A_82 iter_args(%scan3A_92 = %scan3A_56#0, %scan3A_93 = %scan3A_56#1) -> (vector<16xf32>, vector<16xf32>)  : i32 {
        %mul3A_94 = arith.constant 128 : i32
        %mul3A_95 = arith.muli %add3A_37, %mul3A_94 : i32
        %add3A_96 = arith.addi %mul3A_95, %scan3A_91 : i32
        %get3A = arith.index_cast %add3A_96 : i32 to index
        %get3A_97 = tpu.vector_load %arg10[%get3A] {strides = array<i32>} : memref<20496xf32, #tpu.memory_space<vmem>>, vector<16xf32>,
        %get3A_98 = vector.shape_cast %get3A_97 : vector<16xf32> to vector<16xf32>
        %slice3A = vector.extract_strided_slice %get3A_98 {offsets = [0], sizes = [1], strides = [1]} : vector<16xf32> to vector<1xf32>
        %squeeze3A = vector.extract %slice3A[0] : f32 from vector<1xf32>
        %broadcast_in_dim3A_99 = vector.broadcast %squeeze3A : f32 to vector<16xf32>
        %get3A_100 = arith.index_cast %scan3A_91 : i32 to index
        %get3A_101 = arith.constant 0 : index
        %get3A_102 = tpu.vector_load %arg12[%get3A_100, %get3A_101] {strides = array<i32>} : memref<128x32xf32, #tpu.memory_space<vmem>>, vector<1x16xf32>,
        %get3A_103 = vector.shape_cast %get3A_102 : vector<1x16xf32> to vector<16xf32>
        %add3A_104 = arith.addf %scan3A_92, %get3A_103 : vector<16xf32>
        %swap3A = arith.index_cast %scan3A_91 : i32 to index
        %swap3A_105 = arith.constant 0 : index
        %swap3A_106 = tpu.vector_load %arg14[%swap3A, %swap3A_105] {strides = array<i32>} : memref<128x32xf32, #tpu.memory_space<vmem>>, vector<1x16xf32>,
        %swap3A_107 = vector.shape_cast %swap3A_106 : vector<1x16xf32> to vector<16xf32>
        %swap3A_108 = vector.shape_cast %add3A_104 : vector<16xf32> to vector<1x16xf32>
        tpu.vector_store %arg14[%swap3A, %swap3A_105], %swap3A_108 {strides = array<i32>} : memref<128x32xf32, #tpu.memory_space<vmem>>, vector<1x16xf32>,
        %mul3A_109 = arith.mulf %add3A_104, %broadcast_in_dim3A_99 : vector<16xf32>
        %get3A_110 = arith.index_cast %scan3A_91 : i32 to index
        %get3A_111 = arith.constant 16 : index
        %get3A_112 = tpu.vector_load %arg12[%get3A_110, %get3A_111] {strides = array<i32>} : memref<128x32xf32, #tpu.memory_space<vmem>>, vector<1x16xf32>,
        %get3A_113 = vector.shape_cast %get3A_112 : vector<1x16xf32> to vector<16xf32>
        %add3A_114 = arith.addf %scan3A_93, %get3A_113 : vector<16xf32>
        %swap3A_115 = arith.index_cast %scan3A_91 : i32 to index
        %swap3A_116 = arith.constant 16 : index
        %swap3A_117 = tpu.vector_load %arg14[%swap3A_115, %swap3A_116] {strides = array<i32>} : memref<128x32xf32, #tpu.memory_space<vmem>>, vector<1x16xf32>,
        %swap3A_118 = vector.shape_cast %swap3A_117 : vector<1x16xf32> to vector<16xf32>
        %swap3A_119 = vector.shape_cast %add3A_114 : vector<16xf32> to vector<1x16xf32>
        tpu.vector_store %arg14[%swap3A_115, %swap3A_116], %swap3A_119 {strides = array<i32>} : memref<128x32xf32, #tpu.memory_space<vmem>>, vector<1x16xf32>,
        %mul3A_120 = arith.mulf %add3A_114, %broadcast_in_dim3A_99 : vector<16xf32>
        scf.yield %mul3A_109, %mul3A_120 : vector<16xf32>, vector<16xf32>
      }
      %scan3A_84 = arith.constant 128 : i32
      %dma_start3A_85 = arith.constant 0 : i32
      %dma_start3A_86 = tpu.memref_slice %arg9[%add3A_37, %dma_start3A_85] : memref<160x128xi32, #tpu.memory_space<vmem>> -> memref<1x128xi32, #tpu.memory_space<vmem>>
      %dma_start3A_87 = tpu.memref_squeeze %dma_start3A_86 : memref<1x128xi32, #tpu.memory_space<vmem>> -> memref<128xi32, #tpu.memory_space<vmem>>
      %dma_start3A_88 = arith.constant 0 : i32
      %dma_start3A_89 = arith.constant 0 : i32
      %dma_start3A_90 = tpu.memref_slice %arg15[%dma_start3A_88, %dma_start3A_89] : memref<10112x32xf32, #tpu.memory_space<vmem_shared>> -> memref<10112x32xf32, #tpu.memory_space<vmem_shared>>
      tpu.enqueue_indirect_dma source(%arg14 : memref<128x32xf32, #tpu.memory_space<vmem>>) target(%dma_start3A_90 : memref<10112x32xf32, #tpu.memory_space<vmem_shared>>) offsets(%dma_start3A_87 : memref<128xi32, #tpu.memory_space<vmem>>) semaphore(%arg19 : memref<!tpu.dma_semaphore, #tpu.memory_space<semaphore_mem>>) {add = true}
      scf.yield %scan3A_83#0, %scan3A_83#1 : vector<16xf32>, vector<16xf32>
    }
    %scan3A_14 = arith.constant 80 : i32
    %dma_wait3A = arith.constant 158 : i32
    %dma_wait3A_15 = arith.constant 0 : i32
    %dma_wait3A_16 = tpu.memref_slice %arg9[%dma_wait3A, %dma_wait3A_15] : memref<160x128xi32, #tpu.memory_space<vmem>> -> memref<1x128xi32, #tpu.memory_space<vmem>>
    %dma_wait3A_17 = tpu.memref_squeeze %dma_wait3A_16 : memref<1x128xi32, #tpu.memory_space<vmem>> -> memref<128xi32, #tpu.memory_space<vmem>>
    %dma_wait3A_18 = arith.constant 0 : i32
    %dma_wait3A_19 = arith.constant 0 : i32
    %dma_wait3A_20 = tpu.memref_slice %arg15[%dma_wait3A_18, %dma_wait3A_19] : memref<10112x32xf32, #tpu.memory_space<vmem_shared>> -> memref<10112x32xf32, #tpu.memory_space<vmem_shared>>
    tpu.wait_indirect_dma semaphore(%arg18 : memref<!tpu.dma_semaphore, #tpu.memory_space<semaphore_mem>>) src(%arg13 : memref<128x32xf32, #tpu.memory_space<vmem>>) dst(%dma_wait3A_20 : memref<10112x32xf32, #tpu.memory_space<vmem_shared>>)
    %dma_wait3A_21 = arith.constant 159 : i32
    %dma_wait3A_22 = arith.constant 0 : i32
    %dma_wait3A_23 = tpu.memref_slice %arg9[%dma_wait3A_21, %dma_wait3A_22] : memref<160x128xi32, #tpu.memory_space<vmem>> -> memref<1x128xi32, #tpu.memory_space<vmem>>
    %dma_wait3A_24 = tpu.memref_squeeze %dma_wait3A_23 : memref<1x128xi32, #tpu.memory_space<vmem>> -> memref<128xi32, #tpu.memory_space<vmem>>
    %dma_wait3A_25 = arith.constant 0 : i32
    %dma_wait3A_26 = arith.constant 0 : i32
    %dma_wait3A_27 = tpu.memref_slice %arg15[%dma_wait3A_25, %dma_wait3A_26] : memref<10112x32xf32, #tpu.memory_space<vmem_shared>> -> memref<10112x32xf32, #tpu.memory_space<vmem_shared>>
    tpu.wait_indirect_dma semaphore(%arg19 : memref<!tpu.dma_semaphore, #tpu.memory_space<semaphore_mem>>) src(%arg14 : memref<128x32xf32, #tpu.memory_space<vmem>>) dst(%dma_wait3A_27 : memref<10112x32xf32, #tpu.memory_space<vmem_shared>>)
    %barrier3A_28 = arith.constant 0 : index
    tpu.barrier barrier_id(%barrier3A_28)
    %run_scoped3A_29 = arith.constant 0 : i32
    "tpu.region"() ({
      %run_scoped3A_30 = tpu.sem_alloc : memref<!tpu.dma_semaphore, #tpu.memory_space<semaphore_mem>>
      %dma_start3A_31 = arith.constant 0 : i32
      %dma_start3A_32 = arith.constant 0 : i32
      %dma_start3A_33 = arith.constant 0 : i32
      %dma_start3A_34 = tpu.memref_slice %arg7[%arg0, %dma_start3A_31, %dma_start3A_32, %dma_start3A_33] : memref<2x1x10112x32xf32, #tpu.memory_space<hbm>> -> memref<1x1x10112x32xf32, #tpu.memory_space<hbm>>
      %dma_start3A_35 = tpu.memref_squeeze %dma_start3A_34 : memref<1x1x10112x32xf32, #tpu.memory_space<hbm>> -> memref<1x10112x32xf32, #tpu.memory_space<hbm>>
      %dma_start3A_36 = arith.constant 0 : i32
      %dma_start3A_37 = arith.constant 0 : i32
      %dma_start3A_38 = tpu.memref_slice %dma_start3A_35[%run_scoped3A_29, %dma_start3A_36, %dma_start3A_37] : memref<1x10112x32xf32, #tpu.memory_space<hbm>> -> memref<1x10112x32xf32, #tpu.memory_space<hbm>>
      %dma_start3A_39 = tpu.memref_squeeze %dma_start3A_38 : memref<1x10112x32xf32, #tpu.memory_space<hbm>> -> memref<10112x32xf32, #tpu.memory_space<hbm>>
      %dma_start3A_40 = arith.constant 0 : i32
      %dma_start3A_41 = tpu.memref_slice %dma_start3A_39[%mul3A_0, %dma_start3A_40] : memref<10112x32xf32, #tpu.memory_space<hbm>> -> memref<632x32xf32, #tpu.memory_space<hbm>>
      %dma_start3A_42 = arith.constant 0 : i32
      %dma_start3A_43 = tpu.memref_slice %arg15[%mul3A_0, %dma_start3A_42] : memref<10112x32xf32, #tpu.memory_space<vmem_shared>> -> memref<632x32xf32, #tpu.memory_space<vmem_shared>>
      tpu.enqueue_dma source(%dma_start3A_43 : memref<632x32xf32, #tpu.memory_space<vmem_shared>>) target(%dma_start3A_41 : memref<632x32xf32, #tpu.memory_space<hbm>>) target_semaphore(%run_scoped3A_30 : memref<!tpu.dma_semaphore, #tpu.memory_space<semaphore_mem>>)
      %dma_wait3A_44 = arith.constant 0 : i32
      %dma_wait3A_45 = arith.constant 0 : i32
      %dma_wait3A_46 = arith.constant 0 : i32
      %dma_wait3A_47 = tpu.memref_slice %arg7[%arg0, %dma_wait3A_44, %dma_wait3A_45, %dma_wait3A_46] : memref<2x1x10112x32xf32, #tpu.memory_space<hbm>> -> memref<1x1x10112x32xf32, #tpu.memory_space<hbm>>
      %dma_wait3A_48 = tpu.memref_squeeze %dma_wait3A_47 : memref<1x1x10112x32xf32, #tpu.memory_space<hbm>> -> memref<1x10112x32xf32, #tpu.memory_space<hbm>>
      %dma_wait3A_49 = arith.constant 0 : i32
      %dma_wait3A_50 = arith.constant 0 : i32
      %dma_wait3A_51 = tpu.memref_slice %dma_wait3A_48[%run_scoped3A_29, %dma_wait3A_49, %dma_wait3A_50] : memref<1x10112x32xf32, #tpu.memory_space<hbm>> -> memref<1x10112x32xf32, #tpu.memory_space<hbm>>
      %dma_wait3A_52 = tpu.memref_squeeze %dma_wait3A_51 : memref<1x10112x32xf32, #tpu.memory_space<hbm>> -> memref<10112x32xf32, #tpu.memory_space<hbm>>
      %dma_wait3A_53 = arith.constant 0 : i32
      %dma_wait3A_54 = tpu.memref_slice %dma_wait3A_52[%mul3A_0, %dma_wait3A_53] : memref<10112x32xf32, #tpu.memory_space<hbm>> -> memref<632x32xf32, #tpu.memory_space<hbm>>
      %dma_wait3A_55 = arith.constant 0 : i32
      %dma_wait3A_56 = tpu.memref_slice %arg15[%mul3A_0, %dma_wait3A_55] : memref<10112x32xf32, #tpu.memory_space<vmem_shared>> -> memref<632x32xf32, #tpu.memory_space<vmem_shared>>
      tpu.wait_dma2 semaphore(%run_scoped3A_30 : memref<!tpu.dma_semaphore, #tpu.memory_space<semaphore_mem>>) src(%dma_wait3A_56 : memref<632x32xf32, #tpu.memory_space<vmem_shared>>) dst(%dma_wait3A_54 : memref<632x32xf32, #tpu.memory_space<hbm>>)
      tpu.yield
    }) : () -> ()
    return
  }
}

#map = affine_map<(d0, d1) -> (0, 0)>
#map1 = affine_map<(d0, d1) -> (0, 0, 0, 0, 0)>
#map2 = affine_map<(d0, d1) -> (0, 0, 0)>
#map3 = affine_map<(d0, d1) -> (0, 0, 0, 0)>
module attributes {stable_mosaic.version = 14 : i64} {
  func.func @seg_sum(%arg0: i32, %arg1: i32, %arg2: memref<20000x32xf32, #tpu.memory_space<hbm>>, %arg3: memref<2x1x16x160x128xi32, #tpu.memory_space<hbm>>, %arg4: memref<16x160x128xi32, #tpu.memory_space<hbm>>, %arg5: memref<16x20480xf32, #tpu.memory_space<hbm>>, %arg6: memref<10112x32xf32, #tpu.memory_space<hbm>>, %arg7: memref<2x1x10112x32xf32, #tpu.memory_space<hbm>>, %arg8: memref<160x128xi32, #tpu.memory_space<vmem>>, %arg9: memref<160x128xi32, #tpu.memory_space<vmem>>, %arg10: memref<20496xf32, #tpu.memory_space<vmem>>, %arg11: memref<128x32xf32, #tpu.memory_space<vmem>>, %arg12: memref<128x32xf32, #tpu.memory_space<vmem>>, %arg13: memref<128x32xf32, #tpu.memory_space<vmem>>, %arg14: memref<128x32xf32, #tpu.memory_space<vmem>>, %arg15: memref<10112x32xf32, #tpu.memory_space<vmem_shared>>, %arg16: memref<!tpu.dma_semaphore, #tpu.memory_space<semaphore_mem>>, %arg17: memref<!tpu.dma_semaphore, #tpu.memory_space<semaphore_mem>>, %arg18: memref<!tpu.dma_semaphore, #tpu.memory_space<semaphore_mem>>, %arg19: memref<!tpu.dma_semaphore, #tpu.memory_space<semaphore_mem>>) attributes {dimension_semantics = [#tpu.dimension_semantics<core_parallel>, #tpu.dimension_semantics<subcore_parallel>], iteration_bounds = array<i64: 2, 16>, scalar_prefetch = 0 : i64, scratch_operands = 12 : i64, tpu.core_type = #tpu.core_type<sc_vector_subcore>, window_params = [{transform_indices = #map}, {transform_indices = #map1}, {transform_indices = #map2}, {transform_indices = #map}, {transform_indices = #map}, {transform_indices = #map3}]} {
    "tpu.region"() ({
      %run_scoped3A_30 = tpu.sem_alloc : memref<!tpu.dma_semaphore, #tpu.memory_space<semaphore_mem>>
      %dma_start3A_31 = arith.constant 0 : i32
      %dma_start3A_32 = arith.constant 0 : i32
      %dma_start3A_33 = tpu.memref_slice %arg4[%arg1, %dma_start3A_31, %dma_start3A_32] : memref<16x160x128xi32, #tpu.memory_space<hbm>> -> memref<1x160x128xi32, #tpu.memory_space<hbm>>
      %dma_start3A_34 = tpu.memref_squeeze %dma_start3A_33 : memref<1x160x128xi32, #tpu.memory_space<hbm>> -> memref<160x128xi32, #tpu.memory_space<hbm>>
      %dma_start3A_35 = arith.constant 0 : i32
      %dma_start3A_36 = arith.constant 0 : i32
      %dma_start3A_37 = tpu.memref_slice %arg4[%arg1, %dma_start3A_35, %dma_start3A_36] : memref<16x160x128xi32, #tpu.memory_space<hbm>> -> memref<1x160x128xi32, #tpu.memory_space<hbm>>
      %dma_start3A_38 = tpu.memref_squeeze %dma_start3A_37 : memref<1x160x128xi32, #tpu.memory_space<hbm>> -> memref<160x128xi32, #tpu.memory_space<hbm>>
      tpu.enqueue_dma source(%dma_start3A_38 : memref<160x128xi32, #tpu.memory_space<hbm>>) target(%arg9 : memref<160x128xi32, #tpu.memory_space<vmem>>) target_semaphore(%run_scoped3A_30 : memref<!tpu.dma_semaphore, #tpu.memory_space<semaphore_mem>>)
      %dma_wait3A_39 = arith.constant 0 : i32
      %dma_wait3A_40 = arith.constant 0 : i32
      %dma_wait3A_41 = tpu.memref_slice %arg4[%arg1, %dma_wait3A_39, %dma_wait3A_40] : memref<16x160x128xi32, #tpu.memory_space<hbm>> -> memref<1x160x128xi32, #tpu.memory_space<hbm>>
      %dma_wait3A_42 = tpu.memref_squeeze %dma_wait3A_41 : memref<1x160x128xi32, #tpu.memory_space<hbm>> -> memref<160x128xi32, #tpu.memory_space<hbm>>
      %dma_wait3A_43 = arith.constant 0 : i32
      %dma_wait3A_44 = arith.constant 0 : i32
      %dma_wait3A_45 = tpu.memref_slice %arg4[%arg1, %dma_wait3A_43, %dma_wait3A_44] : memref<16x160x128xi32, #tpu.memory_space<hbm>> -> memref<1x160x128xi32, #tpu.memory_space<hbm>>
      %dma_wait3A_46 = tpu.memref_squeeze %dma_wait3A_45 : memref<1x160x128xi32, #tpu.memory_space<hbm>> -> memref<160x128xi32, #tpu.memory_space<hbm>>
      tpu.wait_dma2 semaphore(%run_scoped3A_30 : memref<!tpu.dma_semaphore, #tpu.memory_space<semaphore_mem>>) src(%dma_wait3A_46 : memref<160x128xi32, #tpu.memory_space<hbm>>) dst(%arg9 : memref<160x128xi32, #tpu.memory_space<vmem>>)
      tpu.yield
    }) : () -> ()
    "tpu.region"() ({
      %run_scoped3A_30 = tpu.sem_alloc : memref<!tpu.dma_semaphore, #tpu.memory_space<semaphore_mem>>
      %dma_start3A_31 = arith.constant 0 : i32
      %dma_start3A_32 = tpu.memref_slice %arg10[%dma_start3A_31] : memref<20496xf32, #tpu.memory_space<vmem>> -> memref<20480xf32, #tpu.memory_space<vmem>>
      %dma_start3A_33 = arith.constant 0 : i32
      %dma_start3A_34 = tpu.memref_slice %arg5[%arg1, %dma_start3A_33] : memref<16x20480xf32, #tpu.memory_space<hbm>> -> memref<1x20480xf32, #tpu.memory_space<hbm>>
      %dma_start3A_35 = tpu.memref_squeeze %dma_start3A_34 : memref<1x20480xf32, #tpu.memory_space<hbm>> -> memref<20480xf32, #tpu.memory_space<hbm>>
      %dma_start3A_36 = arith.constant 0 : i32
      %dma_start3A_37 = tpu.memref_slice %arg10[%dma_start3A_36] : memref<20496xf32, #tpu.memory_space<vmem>> -> memref<20480xf32, #tpu.memory_space<vmem>>
      %dma_start3A_38 = arith.constant 0 : i32
      %dma_start3A_39 = tpu.memref_slice %arg5[%arg1, %dma_start3A_38] : memref<16x20480xf32, #tpu.memory_space<hbm>> -> memref<1x20480xf32, #tpu.memory_space<hbm>>
      %dma_start3A_40 = tpu.memref_squeeze %dma_start3A_39 : memref<1x20480xf32, #tpu.memory_space<hbm>> -> memref<20480xf32, #tpu.memory_space<hbm>>
      tpu.enqueue_dma source(%dma_start3A_40 : memref<20480xf32, #tpu.memory_space<hbm>>) target(%dma_start3A_37 : memref<20480xf32, #tpu.memory_space<vmem>>) target_semaphore(%run_scoped3A_30 : memref<!tpu.dma_semaphore, #tpu.memory_space<semaphore_mem>>)
      %dma_wait3A_41 = arith.constant 0 : i32
      %dma_wait3A_42 = tpu.memref_slice %arg10[%dma_wait3A_41] : memref<20496xf32, #tpu.memory_space<vmem>> -> memref<20480xf32, #tpu.memory_space<vmem>>
      %dma_wait3A_43 = arith.constant 0 : i32
      %dma_wait3A_44 = tpu.memref_slice %arg5[%arg1, %dma_wait3A_43] : memref<16x20480xf32, #tpu.memory_space<hbm>> -> memref<1x20480xf32, #tpu.memory_space<hbm>>
      %dma_wait3A_45 = tpu.memref_squeeze %dma_wait3A_44 : memref<1x20480xf32, #tpu.memory_space<hbm>> -> memref<20480xf32, #tpu.memory_space<hbm>>
      %dma_wait3A_46 = arith.constant 0 : i32
      %dma_wait3A_47 = tpu.memref_slice %arg10[%dma_wait3A_46] : memref<20496xf32, #tpu.memory_space<vmem>> -> memref<20480xf32, #tpu.memory_space<vmem>>
      %dma_wait3A_48 = arith.constant 0 : i32
      %dma_wait3A_49 = tpu.memref_slice %arg5[%arg1, %dma_wait3A_48] : memref<16x20480xf32, #tpu.memory_space<hbm>> -> memref<1x20480xf32, #tpu.memory_space<hbm>>
      %dma_wait3A_50 = tpu.memref_squeeze %dma_wait3A_49 : memref<1x20480xf32, #tpu.memory_space<hbm>> -> memref<20480xf32, #tpu.memory_space<hbm>>
      tpu.wait_dma2 semaphore(%run_scoped3A_30 : memref<!tpu.dma_semaphore, #tpu.memory_space<semaphore_mem>>) src(%dma_wait3A_50 : memref<20480xf32, #tpu.memory_space<hbm>>) dst(%dma_wait3A_47 : memref<20480xf32, #tpu.memory_space<vmem>>)
      tpu.yield
    }) : () -> ()
    %mul3A = arith.constant 632 : i32
    %mul3A_0 = arith.muli %arg1, %mul3A : i32
    %run_scoped3A = arith.constant 0 : i32
    "tpu.region"() ({
      %run_scoped3A_30 = tpu.sem_alloc : memref<!tpu.dma_semaphore, #tpu.memory_space<semaphore_mem>>
      %dma_start3A_31 = arith.constant 0 : i32
      %dma_start3A_32 = arith.constant 0 : i32
      %dma_start3A_33 = arith.constant 0 : i32
      %dma_start3A_34 = arith.constant 0 : i32
      %dma_start3A_35 = tpu.memref_slice %arg3[%arg0, %dma_start3A_31, %dma_start3A_32, %dma_start3A_33, %dma_start3A_34] : memref<2x1x16x160x128xi32, #tpu.memory_space<hbm>> -> memref<1x1x16x160x128xi32, #tpu.memory_space<hbm>>
      %dma_start3A_36 = tpu.memref_squeeze %dma_start3A_35 : memref<1x1x16x160x128xi32, #tpu.memory_space<hbm>> -> memref<1x16x160x128xi32, #tpu.memory_space<hbm>>
      %dma_start3A_37 = arith.constant 0 : i32
      %dma_start3A_38 = arith.constant 0 : i32
      %dma_start3A_39 = arith.constant 0 : i32
      %dma_start3A_40 = tpu.memref_slice %dma_start3A_36[%run_scoped3A, %dma_start3A_37, %dma_start3A_38, %dma_start3A_39] : memref<1x16x160x128xi32, #tpu.memory_space<hbm>> -> memref<1x16x160x128xi32, #tpu.memory_space<hbm>>
      %dma_start3A_41 = tpu.memref_squeeze %dma_start3A_40 : memref<1x16x160x128xi32, #tpu.memory_space<hbm>> -> memref<16x160x128xi32, #tpu.memory_space<hbm>>
      %dma_start3A_42 = arith.constant 0 : i32
      %dma_start3A_43 = arith.constant 0 : i32
      %dma_start3A_44 = tpu.memref_slice %dma_start3A_41[%arg1, %dma_start3A_42, %dma_start3A_43] : memref<16x160x128xi32, #tpu.memory_space<hbm>> -> memref<1x160x128xi32, #tpu.memory_space<hbm>>
      %dma_start3A_45 = tpu.memref_squeeze %dma_start3A_44 : memref<1x160x128xi32, #tpu.memory_space<hbm>> -> memref<160x128xi32, #tpu.memory_space<hbm>>
      %dma_start3A_46 = arith.constant 0 : i32
      %dma_start3A_47 = arith.constant 0 : i32
      %dma_start3A_48 = arith.constant 0 : i32
      %dma_start3A_49 = arith.constant 0 : i32
      %dma_start3A_50 = tpu.memref_slice %arg3[%arg0, %dma_start3A_46, %dma_start3A_47, %dma_start3A_48, %dma_start3A_49] : memref<2x1x16x160x128xi32, #tpu.memory_space<hbm>> -> memref<1x1x16x160x128xi32, #tpu.memory_space<hbm>>
      %dma_start3A_51 = tpu.memref_squeeze %dma_start3A_50 : memref<1x1x16x160x128xi32, #tpu.memory_space<hbm>> -> memref<1x16x160x128xi32, #tpu.memory_space<hbm>>
      %dma_start3A_52 = arith.constant 0 : i32
      %dma_start3A_53 = arith.constant 0 : i32
      %dma_start3A_54 = arith.constant 0 : i32
      %dma_start3A_55 = tpu.memref_slice %dma_start3A_51[%run_scoped3A, %dma_start3A_52, %dma_start3A_53, %dma_start3A_54] : memref<1x16x160x128xi32, #tpu.memory_space<hbm>> -> memref<1x16x160x128xi32, #tpu.memory_space<hbm>>
      %dma_start3A_56 = tpu.memref_squeeze %dma_start3A_55 : memref<1x16x160x128xi32, #tpu.memory_space<hbm>> -> memref<16x160x128xi32, #tpu.memory_space<hbm>>
      %dma_start3A_57 = arith.constant 0 : i32
      %dma_start3A_58 = arith.constant 0 : i32
      %dma_start3A_59 = tpu.memref_slice %dma_start3A_56[%arg1, %dma_start3A_57, %dma_start3A_58] : memref<16x160x128xi32, #tpu.memory_space<hbm>> -> memref<1x160x128xi32, #tpu.memory_space<hbm>>
      %dma_start3A_60 = tpu.memref_squeeze %dma_start3A_59 : memref<1x160x128xi32, #tpu.memory_space<hbm>> -> memref<160x128xi32, #tpu.memory_space<hbm>>
      tpu.enqueue_dma source(%dma_start3A_60 : memref<160x128xi32, #tpu.memory_space<hbm>>) target(%arg8 : memref<160x128xi32, #tpu.memory_space<vmem>>) target_semaphore(%run_scoped3A_30 : memref<!tpu.dma_semaphore, #tpu.memory_space<semaphore_mem>>)
      %dma_wait3A_61 = arith.constant 0 : i32
      %dma_wait3A_62 = arith.constant 0 : i32
      %dma_wait3A_63 = arith.constant 0 : i32
      %dma_wait3A_64 = arith.constant 0 : i32
      %dma_wait3A_65 = tpu.memref_slice %arg3[%arg0, %dma_wait3A_61, %dma_wait3A_62, %dma_wait3A_63, %dma_wait3A_64] : memref<2x1x16x160x128xi32, #tpu.memory_space<hbm>> -> memref<1x1x16x160x128xi32, #tpu.memory_space<hbm>>
      %dma_wait3A_66 = tpu.memref_squeeze %dma_wait3A_65 : memref<1x1x16x160x128xi32, #tpu.memory_space<hbm>> -> memref<1x16x160x128xi32, #tpu.memory_space<hbm>>
      %dma_wait3A_67 = arith.constant 0 : i32
      %dma_wait3A_68 = arith.constant 0 : i32
      %dma_wait3A_69 = arith.constant 0 : i32
      %dma_wait3A_70 = tpu.memref_slice %dma_wait3A_66[%run_scoped3A, %dma_wait3A_67, %dma_wait3A_68, %dma_wait3A_69] : memref<1x16x160x128xi32, #tpu.memory_space<hbm>> -> memref<1x16x160x128xi32, #tpu.memory_space<hbm>>
      %dma_wait3A_71 = tpu.memref_squeeze %dma_wait3A_70 : memref<1x16x160x128xi32, #tpu.memory_space<hbm>> -> memref<16x160x128xi32, #tpu.memory_space<hbm>>
      %dma_wait3A_72 = arith.constant 0 : i32
      %dma_wait3A_73 = arith.constant 0 : i32
      %dma_wait3A_74 = tpu.memref_slice %dma_wait3A_71[%arg1, %dma_wait3A_72, %dma_wait3A_73] : memref<16x160x128xi32, #tpu.memory_space<hbm>> -> memref<1x160x128xi32, #tpu.memory_space<hbm>>
      %dma_wait3A_75 = tpu.memref_squeeze %dma_wait3A_74 : memref<1x160x128xi32, #tpu.memory_space<hbm>> -> memref<160x128xi32, #tpu.memory_space<hbm>>
      %dma_wait3A_76 = arith.constant 0 : i32
      %dma_wait3A_77 = arith.constant 0 : i32
      %dma_wait3A_78 = arith.constant 0 : i32
      %dma_wait3A_79 = arith.constant 0 : i32
      %dma_wait3A_80 = tpu.memref_slice %arg3[%arg0, %dma_wait3A_76, %dma_wait3A_77, %dma_wait3A_78, %dma_wait3A_79] : memref<2x1x16x160x128xi32, #tpu.memory_space<hbm>> -> memref<1x1x16x160x128xi32, #tpu.memory_space<hbm>>
      %dma_wait3A_81 = tpu.memref_squeeze %dma_wait3A_80 : memref<1x1x16x160x128xi32, #tpu.memory_space<hbm>> -> memref<1x16x160x128xi32, #tpu.memory_space<hbm>>
      %dma_wait3A_82 = arith.constant 0 : i32
      %dma_wait3A_83 = arith.constant 0 : i32
      %dma_wait3A_84 = arith.constant 0 : i32
      %dma_wait3A_85 = tpu.memref_slice %dma_wait3A_81[%run_scoped3A, %dma_wait3A_82, %dma_wait3A_83, %dma_wait3A_84] : memref<1x16x160x128xi32, #tpu.memory_space<hbm>> -> memref<1x16x160x128xi32, #tpu.memory_space<hbm>>
      %dma_wait3A_86 = tpu.memref_squeeze %dma_wait3A_85 : memref<1x16x160x128xi32, #tpu.memory_space<hbm>> -> memref<16x160x128xi32, #tpu.memory_space<hbm>>
      %dma_wait3A_87 = arith.constant 0 : i32
      %dma_wait3A_88 = arith.constant 0 : i32
      %dma_wait3A_89 = tpu.memref_slice %dma_wait3A_86[%arg1, %dma_wait3A_87, %dma_wait3A_88] : memref<16x160x128xi32, #tpu.memory_space<hbm>> -> memref<1x160x128xi32, #tpu.memory_space<hbm>>
      %dma_wait3A_90 = tpu.memref_squeeze %dma_wait3A_89 : memref<1x160x128xi32, #tpu.memory_space<hbm>> -> memref<160x128xi32, #tpu.memory_space<hbm>>
      tpu.wait_dma2 semaphore(%run_scoped3A_30 : memref<!tpu.dma_semaphore, #tpu.memory_space<semaphore_mem>>) src(%dma_wait3A_90 : memref<160x128xi32, #tpu.memory_space<hbm>>) dst(%arg8 : memref<160x128xi32, #tpu.memory_space<vmem>>)
      tpu.yield
    }) : () -> ()
    "tpu.region"() ({
      %run_scoped3A_30 = tpu.sem_alloc : memref<!tpu.dma_semaphore, #tpu.memory_space<semaphore_mem>>
      %dma_start3A_31 = arith.constant 0 : i32
      %dma_start3A_32 = tpu.memref_slice %arg15[%mul3A_0, %dma_start3A_31] : memref<10112x32xf32, #tpu.memory_space<vmem_shared>> -> memref<632x32xf32, #tpu.memory_space<vmem_shared>>
      %dma_start3A_33 = arith.constant 0 : i32
      %dma_start3A_34 = tpu.memref_slice %arg6[%mul3A_0, %dma_start3A_33] : memref<10112x32xf32, #tpu.memory_space<hbm>> -> memref<632x32xf32, #tpu.memory_space<hbm>>
      tpu.enqueue_dma source(%dma_start3A_34 : memref<632x32xf32, #tpu.memory_space<hbm>>) target(%dma_start3A_32 : memref<632x32xf32, #tpu.memory_space<vmem_shared>>) target_semaphore(%run_scoped3A_30 : memref<!tpu.dma_semaphore, #tpu.memory_space<semaphore_mem>>)
      %dma_wait3A_35 = arith.constant 0 : i32
      %dma_wait3A_36 = tpu.memref_slice %arg15[%mul3A_0, %dma_wait3A_35] : memref<10112x32xf32, #tpu.memory_space<vmem_shared>> -> memref<632x32xf32, #tpu.memory_space<vmem_shared>>
      %dma_wait3A_37 = arith.constant 0 : i32
      %dma_wait3A_38 = tpu.memref_slice %arg6[%mul3A_0, %dma_wait3A_37] : memref<10112x32xf32, #tpu.memory_space<hbm>> -> memref<632x32xf32, #tpu.memory_space<hbm>>
      tpu.wait_dma2 semaphore(%run_scoped3A_30 : memref<!tpu.dma_semaphore, #tpu.memory_space<semaphore_mem>>) src(%dma_wait3A_38 : memref<632x32xf32, #tpu.memory_space<hbm>>) dst(%dma_wait3A_36 : memref<632x32xf32, #tpu.memory_space<vmem_shared>>)
      tpu.yield
    }) : () -> ()
    %barrier3A = arith.constant 0 : index
    tpu.barrier barrier_id(%barrier3A)
    %broadcast_in_dim3A = arith.constant 0.000000e+00 : f32
    %broadcast_in_dim3A_1 = vector.broadcast %broadcast_in_dim3A : f32 to vector<16xf32>
    %broadcast_in_dim3A_2 = arith.constant 0.000000e+00 : f32
    %broadcast_in_dim3A_3 = vector.broadcast %broadcast_in_dim3A_2 : f32 to vector<16xf32>
    %dma_start3A = arith.constant 0 : i32
    %dma_start3A_4 = arith.constant 0 : i32
    %dma_start3A_5 = tpu.memref_slice %arg8[%dma_start3A, %dma_start3A_4] : memref<160x128xi32, #tpu.memory_space<vmem>> -> memref<1x128xi32, #tpu.memory_space<vmem>>
    %dma_start3A_6 = tpu.memref_squeeze %dma_start3A_5 : memref<1x128xi32, #tpu.memory_space<vmem>> -> memref<128xi32, #tpu.memory_space<vmem>>
    %dma_start3A_7 = arith.constant 0 : i32
    %dma_start3A_8 = arith.constant 0 : i32
    %dma_start3A_9 = tpu.memref_slice %arg2[%dma_start3A_7, %dma_start3A_8] : memref<20000x32xf32, #tpu.memory_space<hbm>> -> memref<20000x32xf32, #tpu.memory_space<hbm>>
    tpu.enqueue_indirect_dma source(%dma_start3A_9 : memref<20000x32xf32, #tpu.memory_space<hbm>>) target(%arg11 : memref<128x32xf32, #tpu.memory_space<vmem>>) offsets(%dma_start3A_6 : memref<128xi32, #tpu.memory_space<vmem>>) semaphore(%arg16 : memref<!tpu.dma_semaphore, #tpu.memory_space<semaphore_mem>>)
    %scan3A = arith.constant 0 : i32
    %scan3A_10 = arith.constant 80 : i32
    %scan3A_11 = arith.addi %scan3A, %scan3A_10 : i32
    %scan3A_12 = arith.constant 1 : i32
    %scan3A_13:2 = scf.for %scan3A_30 = %scan3A to %scan3A_11 step %scan3A_12 iter_args(%scan3A_31 = %broadcast_in_dim3A_1, %scan3A_32 = %broadcast_in_dim3A_3) -> (vector<16xf32>, vector<16xf32>)  : i32 {
      %mul3A_33 = arith.constant 2 : i32
      %mul3A_34 = arith.muli %mul3A_33, %scan3A_30 : i32
      %mul3A_35 = arith.constant 2 : i32
      %mul3A_36 = arith.muli %mul3A_35, %scan3A_30 : i32
      %add3A = arith.constant 1 : i32
      %add3A_37 = arith.addi %mul3A_36, %add3A : i32
      %dma_start3A_38 = arith.constant 0 : i32
      %dma_start3A_39 = tpu.memref_slice %arg8[%add3A_37, %dma_start3A_38] : memref<160x128xi32, #tpu.memory_space<vmem>> -> memref<1x128xi32, #tpu.memory_space<vmem>>
      %dma_start3A_40 = tpu.memref_squeeze %dma_start3A_39 : memref<1x128xi32, #tpu.memory_space<vmem>> -> memref<128xi32, #tpu.memory_space<vmem>>
      %dma_start3A_41 = arith.constant 0 : i32
      %dma_start3A_42 = arith.constant 0 : i32
      %dma_start3A_43 = tpu.memref_slice %arg2[%dma_start3A_41, %dma_start3A_42] : memref<20000x32xf32, #tpu.memory_space<hbm>> -> memref<20000x32xf32, #tpu.memory_space<hbm>>
      tpu.enqueue_indirect_dma source(%dma_start3A_43 : memref<20000x32xf32, #tpu.memory_space<hbm>>) target(%arg12 : memref<128x32xf32, #tpu.memory_space<vmem>>) offsets(%dma_start3A_40 : memref<128xi32, #tpu.memory_space<vmem>>) semaphore(%arg17 : memref<!tpu.dma_semaphore, #tpu.memory_space<semaphore_mem>>)
      %dma_wait3A_44 = arith.constant 0 : i32
      %dma_wait3A_45 = tpu.memref_slice %arg8[%mul3A_34, %dma_wait3A_44] : memref<160x128xi32, #tpu.memory_space<vmem>> -> memref<1x128xi32, #tpu.memory_space<vmem>>
      %dma_wait3A_46 = tpu.memref_squeeze %dma_wait3A_45 : memref<1x128xi32, #tpu.memory_space<vmem>> -> memref<128xi32, #tpu.memory_space<vmem>>
      %dma_wait3A_47 = arith.constant 0 : i32
      %dma_wait3A_48 = arith.constant 0 : i32
      %dma_wait3A_49 = tpu.memref_slice %arg2[%dma_wait3A_47, %dma_wait3A_48] : memref<20000x32xf32, #tpu.memory_space<hbm>> -> memref<20000x32xf32, #tpu.memory_space<hbm>>
      tpu.wait_indirect_dma semaphore(%arg16 : memref<!tpu.dma_semaphore, #tpu.memory_space<semaphore_mem>>) src(%dma_wait3A_49 : memref<20000x32xf32, #tpu.memory_space<hbm>>) dst(%arg11 : memref<128x32xf32, #tpu.memory_space<vmem>>)
      %gt3A = arith.constant 0 : i32
      %gt3A_50 = arith.cmpi sgt, %scan3A_30, %gt3A : i32
      %convert_element_type3A = arith.extui %gt3A_50 : i1 to i32
      %cond3A = arith.constant 0 : i32
      %cond3A_51 = arith.cmpi ne, %convert_element_type3A, %cond3A : i32
      scf.if %cond3A_51 {
        %sub3A = arith.constant 2 : i32
        %sub3A_91 = arith.subi %mul3A_34, %sub3A : i32
        %dma_wait3A_92 = arith.constant 0 : i32
        %dma_wait3A_93 = tpu.memref_slice %arg9[%sub3A_91, %dma_wait3A_92] : memref<160x128xi32, #tpu.memory_space<vmem>> -> memref<1x128xi32, #tpu.memory_space<vmem>>
        %dma_wait3A_94 = tpu.memref_squeeze %dma_wait3A_93 : memref<1x128xi32, #tpu.memory_space<vmem>> -> memref<128xi32, #tpu.memory_space<vmem>>
        %dma_wait3A_95 = arith.constant 0 : i32
        %dma_wait3A_96 = arith.constant 0 : i32
        %dma_wait3A_97 = tpu.memref_slice %arg15[%dma_wait3A_95, %dma_wait3A_96] : memref<10112x32xf32, #tpu.memory_space<vmem_shared>> -> memref<10112x32xf32, #tpu.memory_space<vmem_shared>>
        tpu.wait_indirect_dma semaphore(%arg18 : memref<!tpu.dma_semaphore, #tpu.memory_space<semaphore_mem>>) src(%arg13 : memref<128x32xf32, #tpu.memory_space<vmem>>) dst(%dma_wait3A_97 : memref<10112x32xf32, #tpu.memory_space<vmem_shared>>)
      } else {
      }
      %scan3A_52 = arith.constant 0 : i32
      %scan3A_53 = arith.constant 128 : i32
      %scan3A_54 = arith.addi %scan3A_52, %scan3A_53 : i32
      %scan3A_55 = arith.constant 1 : i32
      %scan3A_56:2 = scf.for %scan3A_91 = %scan3A_52 to %scan3A_54 step %scan3A_55 iter_args(%scan3A_92 = %scan3A_31, %scan3A_93 = %scan3A_32) -> (vector<16xf32>, vector<16xf32>)  : i32 {
        %mul3A_94 = arith.constant 128 : i32
        %mul3A_95 = arith.muli %mul3A_34, %mul3A_94 : i32
        %add3A_96 = arith.addi %mul3A_95, %scan3A_91 : i32
        %get3A = arith.index_cast %add3A_96 : i32 to index
        %get3A_97 = tpu.vector_load %arg10[%get3A] {strides = array<i32>} : memref<20496xf32, #tpu.memory_space<vmem>>, vector<16xf32>,
        %get3A_98 = vector.shape_cast %get3A_97 : vector<16xf32> to vector<16xf32>
        %slice3A = vector.extract_strided_slice %get3A_98 {offsets = [0], sizes = [1], strides = [1]} : vector<16xf32> to vector<1xf32>
        %squeeze3A = vector.extract %slice3A[0] : f32 from vector<1xf32>
        %broadcast_in_dim3A_99 = vector.broadcast %squeeze3A : f32 to vector<16xf32>
        %get3A_100 = arith.index_cast %scan3A_91 : i32 to index
        %get3A_101 = arith.constant 0 : index
        %get3A_102 = tpu.vector_load %arg11[%get3A_100, %get3A_101] {strides = array<i32>} : memref<128x32xf32, #tpu.memory_space<vmem>>, vector<1x16xf32>,
        %get3A_103 = vector.shape_cast %get3A_102 : vector<1x16xf32> to vector<16xf32>
        %add3A_104 = arith.addf %scan3A_92, %get3A_103 : vector<16xf32>
        %swap3A = arith.index_cast %scan3A_91 : i32 to index
        %swap3A_105 = arith.constant 0 : index
        %swap3A_106 = tpu.vector_load %arg13[%swap3A, %swap3A_105] {strides = array<i32>} : memref<128x32xf32, #tpu.memory_space<vmem>>, vector<1x16xf32>,
        %swap3A_107 = vector.shape_cast %swap3A_106 : vector<1x16xf32> to vector<16xf32>
        %swap3A_108 = vector.shape_cast %add3A_104 : vector<16xf32> to vector<1x16xf32>
        tpu.vector_store %arg13[%swap3A, %swap3A_105], %swap3A_108 {strides = array<i32>} : memref<128x32xf32, #tpu.memory_space<vmem>>, vector<1x16xf32>,
        %mul3A_109 = arith.mulf %add3A_104, %broadcast_in_dim3A_99 : vector<16xf32>
        %get3A_110 = arith.index_cast %scan3A_91 : i32 to index
        %get3A_111 = arith.constant 16 : index
        %get3A_112 = tpu.vector_load %arg11[%get3A_110, %get3A_111] {strides = array<i32>} : memref<128x32xf32, #tpu.memory_space<vmem>>, vector<1x16xf32>,
        %get3A_113 = vector.shape_cast %get3A_112 : vector<1x16xf32> to vector<16xf32>
        %add3A_114 = arith.addf %scan3A_93, %get3A_113 : vector<16xf32>
        %swap3A_115 = arith.index_cast %scan3A_91 : i32 to index
        %swap3A_116 = arith.constant 16 : index
        %swap3A_117 = tpu.vector_load %arg13[%swap3A_115, %swap3A_116] {strides = array<i32>} : memref<128x32xf32, #tpu.memory_space<vmem>>, vector<1x16xf32>,
        %swap3A_118 = vector.shape_cast %swap3A_117 : vector<1x16xf32> to vector<16xf32>
        %swap3A_119 = vector.shape_cast %add3A_114 : vector<16xf32> to vector<1x16xf32>
        tpu.vector_store %arg13[%swap3A_115, %swap3A_116], %swap3A_119 {strides = array<i32>} : memref<128x32xf32, #tpu.memory_space<vmem>>, vector<1x16xf32>,
        %mul3A_120 = arith.mulf %add3A_114, %broadcast_in_dim3A_99 : vector<16xf32>
        scf.yield %mul3A_109, %mul3A_120 : vector<16xf32>, vector<16xf32>
      }
      %scan3A_57 = arith.constant 128 : i32
      %dma_start3A_58 = arith.constant 0 : i32
      %dma_start3A_59 = tpu.memref_slice %arg9[%mul3A_34, %dma_start3A_58] : memref<160x128xi32, #tpu.memory_space<vmem>> -> memref<1x128xi32, #tpu.memory_space<vmem>>
      %dma_start3A_60 = tpu.memref_squeeze %dma_start3A_59 : memref<1x128xi32, #tpu.memory_space<vmem>> -> memref<128xi32, #tpu.memory_space<vmem>>
      %dma_start3A_61 = arith.constant 0 : i32
      %dma_start3A_62 = arith.constant 0 : i32
      %dma_start3A_63 = tpu.memref_slice %arg15[%dma_start3A_61, %dma_start3A_62] : memref<10112x32xf32, #tpu.memory_space<vmem_shared>> -> memref<10112x32xf32, #tpu.memory_space<vmem_shared>>
      tpu.enqueue_indirect_dma source(%arg13 : memref<128x32xf32, #tpu.memory_space<vmem>>) target(%dma_start3A_63 : memref<10112x32xf32, #tpu.memory_space<vmem_shared>>) offsets(%dma_start3A_60 : memref<128xi32, #tpu.memory_space<vmem>>) semaphore(%arg18 : memref<!tpu.dma_semaphore, #tpu.memory_space<semaphore_mem>>) {add = true}
      %lt3A = arith.constant 79 : i32
      %lt3A_64 = arith.cmpi slt, %scan3A_30, %lt3A : i32
      %convert_element_type3A_65 = arith.extui %lt3A_64 : i1 to i32
      %cond3A_66 = arith.constant 0 : i32
      %cond3A_67 = arith.cmpi ne, %convert_element_type3A_65, %cond3A_66 : i32
      scf.if %cond3A_67 {
        %add3A_91 = arith.constant 1 : i32
        %add3A_92 = arith.addi %add3A_37, %add3A_91 : i32
        %dma_start3A_93 = arith.constant 0 : i32
        %dma_start3A_94 = tpu.memref_slice %arg8[%add3A_92, %dma_start3A_93] : memref<160x128xi32, #tpu.memory_space<vmem>> -> memref<1x128xi32, #tpu.memory_space<vmem>>
        %dma_start3A_95 = tpu.memref_squeeze %dma_start3A_94 : memref<1x128xi32, #tpu.memory_space<vmem>> -> memref<128xi32, #tpu.memory_space<vmem>>
        %dma_start3A_96 = arith.constant 0 : i32
        %dma_start3A_97 = arith.constant 0 : i32
        %dma_start3A_98 = tpu.memref_slice %arg2[%dma_start3A_96, %dma_start3A_97] : memref<20000x32xf32, #tpu.memory_space<hbm>> -> memref<20000x32xf32, #tpu.memory_space<hbm>>
        tpu.enqueue_indirect_dma source(%dma_start3A_98 : memref<20000x32xf32, #tpu.memory_space<hbm>>) target(%arg11 : memref<128x32xf32, #tpu.memory_space<vmem>>) offsets(%dma_start3A_95 : memref<128xi32, #tpu.memory_space<vmem>>) semaphore(%arg16 : memref<!tpu.dma_semaphore, #tpu.memory_space<semaphore_mem>>)
      } else {
      }
      %dma_wait3A_68 = arith.constant 0 : i32
      %dma_wait3A_69 = tpu.memref_slice %arg8[%add3A_37, %dma_wait3A_68] : memref<160x128xi32, #tpu.memory_space<vmem>> -> memref<1x128xi32, #tpu.memory_space<vmem>>
      %dma_wait3A_70 = tpu.memref_squeeze %dma_wait3A_69 : memref<1x128xi32, #tpu.memory_space<vmem>> -> memref<128xi32, #tpu.memory_space<vmem>>
      %dma_wait3A_71 = arith.constant 0 : i32
      %dma_wait3A_72 = arith.constant 0 : i32
      %dma_wait3A_73 = tpu.memref_slice %arg2[%dma_wait3A_71, %dma_wait3A_72] : memref<20000x32xf32, #tpu.memory_space<hbm>> -> memref<20000x32xf32, #tpu.memory_space<hbm>>
      tpu.wait_indirect_dma semaphore(%arg17 : memref<!tpu.dma_semaphore, #tpu.memory_space<semaphore_mem>>) src(%dma_wait3A_73 : memref<20000x32xf32, #tpu.memory_space<hbm>>) dst(%arg12 : memref<128x32xf32, #tpu.memory_space<vmem>>)
      %gt3A_74 = arith.constant 0 : i32
      %gt3A_75 = arith.cmpi sgt, %scan3A_30, %gt3A_74 : i32
      %convert_element_type3A_76 = arith.extui %gt3A_75 : i1 to i32
      %cond3A_77 = arith.constant 0 : i32
      %cond3A_78 = arith.cmpi ne, %convert_element_type3A_76, %cond3A_77 : i32
      scf.if %cond3A_78 {
        %sub3A = arith.constant 2 : i32
        %sub3A_91 = arith.subi %add3A_37, %sub3A : i32
        %dma_wait3A_92 = arith.constant 0 : i32
        %dma_wait3A_93 = tpu.memref_slice %arg9[%sub3A_91, %dma_wait3A_92] : memref<160x128xi32, #tpu.memory_space<vmem>> -> memref<1x128xi32, #tpu.memory_space<vmem>>
        %dma_wait3A_94 = tpu.memref_squeeze %dma_wait3A_93 : memref<1x128xi32, #tpu.memory_space<vmem>> -> memref<128xi32, #tpu.memory_space<vmem>>
        %dma_wait3A_95 = arith.constant 0 : i32
        %dma_wait3A_96 = arith.constant 0 : i32
        %dma_wait3A_97 = tpu.memref_slice %arg15[%dma_wait3A_95, %dma_wait3A_96] : memref<10112x32xf32, #tpu.memory_space<vmem_shared>> -> memref<10112x32xf32, #tpu.memory_space<vmem_shared>>
        tpu.wait_indirect_dma semaphore(%arg19 : memref<!tpu.dma_semaphore, #tpu.memory_space<semaphore_mem>>) src(%arg14 : memref<128x32xf32, #tpu.memory_space<vmem>>) dst(%dma_wait3A_97 : memref<10112x32xf32, #tpu.memory_space<vmem_shared>>)
      } else {
      }
      %scan3A_79 = arith.constant 0 : i32
      %scan3A_80 = arith.constant 128 : i32
      %scan3A_81 = arith.addi %scan3A_79, %scan3A_80 : i32
      %scan3A_82 = arith.constant 1 : i32
      %scan3A_83:2 = scf.for %scan3A_91 = %scan3A_79 to %scan3A_81 step %scan3A_82 iter_args(%scan3A_92 = %scan3A_56#0, %scan3A_93 = %scan3A_56#1) -> (vector<16xf32>, vector<16xf32>)  : i32 {
        %mul3A_94 = arith.constant 128 : i32
        %mul3A_95 = arith.muli %add3A_37, %mul3A_94 : i32
        %add3A_96 = arith.addi %mul3A_95, %scan3A_91 : i32
        %get3A = arith.index_cast %add3A_96 : i32 to index
        %get3A_97 = tpu.vector_load %arg10[%get3A] {strides = array<i32>} : memref<20496xf32, #tpu.memory_space<vmem>>, vector<16xf32>,
        %get3A_98 = vector.shape_cast %get3A_97 : vector<16xf32> to vector<16xf32>
        %slice3A = vector.extract_strided_slice %get3A_98 {offsets = [0], sizes = [1], strides = [1]} : vector<16xf32> to vector<1xf32>
        %squeeze3A = vector.extract %slice3A[0] : f32 from vector<1xf32>
        %broadcast_in_dim3A_99 = vector.broadcast %squeeze3A : f32 to vector<16xf32>
        %get3A_100 = arith.index_cast %scan3A_91 : i32 to index
        %get3A_101 = arith.constant 0 : index
        %get3A_102 = tpu.vector_load %arg12[%get3A_100, %get3A_101] {strides = array<i32>} : memref<128x32xf32, #tpu.memory_space<vmem>>, vector<1x16xf32>,
        %get3A_103 = vector.shape_cast %get3A_102 : vector<1x16xf32> to vector<16xf32>
        %add3A_104 = arith.addf %scan3A_92, %get3A_103 : vector<16xf32>
        %swap3A = arith.index_cast %scan3A_91 : i32 to index
        %swap3A_105 = arith.constant 0 : index
        %swap3A_106 = tpu.vector_load %arg14[%swap3A, %swap3A_105] {strides = array<i32>} : memref<128x32xf32, #tpu.memory_space<vmem>>, vector<1x16xf32>,
        %swap3A_107 = vector.shape_cast %swap3A_106 : vector<1x16xf32> to vector<16xf32>
        %swap3A_108 = vector.shape_cast %add3A_104 : vector<16xf32> to vector<1x16xf32>
        tpu.vector_store %arg14[%swap3A, %swap3A_105], %swap3A_108 {strides = array<i32>} : memref<128x32xf32, #tpu.memory_space<vmem>>, vector<1x16xf32>,
        %mul3A_109 = arith.mulf %add3A_104, %broadcast_in_dim3A_99 : vector<16xf32>
        %get3A_110 = arith.index_cast %scan3A_91 : i32 to index
        %get3A_111 = arith.constant 16 : index
        %get3A_112 = tpu.vector_load %arg12[%get3A_110, %get3A_111] {strides = array<i32>} : memref<128x32xf32, #tpu.memory_space<vmem>>, vector<1x16xf32>,
        %get3A_113 = vector.shape_cast %get3A_112 : vector<1x16xf32> to vector<16xf32>
        %add3A_114 = arith.addf %scan3A_93, %get3A_113 : vector<16xf32>
        %swap3A_115 = arith.index_cast %scan3A_91 : i32 to index
        %swap3A_116 = arith.constant 16 : index
        %swap3A_117 = tpu.vector_load %arg14[%swap3A_115, %swap3A_116] {strides = array<i32>} : memref<128x32xf32, #tpu.memory_space<vmem>>, vector<1x16xf32>,
        %swap3A_118 = vector.shape_cast %swap3A_117 : vector<1x16xf32> to vector<16xf32>
        %swap3A_119 = vector.shape_cast %add3A_114 : vector<16xf32> to vector<1x16xf32>
        tpu.vector_store %arg14[%swap3A_115, %swap3A_116], %swap3A_119 {strides = array<i32>} : memref<128x32xf32, #tpu.memory_space<vmem>>, vector<1x16xf32>,
        %mul3A_120 = arith.mulf %add3A_114, %broadcast_in_dim3A_99 : vector<16xf32>
        scf.yield %mul3A_109, %mul3A_120 : vector<16xf32>, vector<16xf32>
      }
      %scan3A_84 = arith.constant 128 : i32
      %dma_start3A_85 = arith.constant 0 : i32
      %dma_start3A_86 = tpu.memref_slice %arg9[%add3A_37, %dma_start3A_85] : memref<160x128xi32, #tpu.memory_space<vmem>> -> memref<1x128xi32, #tpu.memory_space<vmem>>
      %dma_start3A_87 = tpu.memref_squeeze %dma_start3A_86 : memref<1x128xi32, #tpu.memory_space<vmem>> -> memref<128xi32, #tpu.memory_space<vmem>>
      %dma_start3A_88 = arith.constant 0 : i32
      %dma_start3A_89 = arith.constant 0 : i32
      %dma_start3A_90 = tpu.memref_slice %arg15[%dma_start3A_88, %dma_start3A_89] : memref<10112x32xf32, #tpu.memory_space<vmem_shared>> -> memref<10112x32xf32, #tpu.memory_space<vmem_shared>>
      tpu.enqueue_indirect_dma source(%arg14 : memref<128x32xf32, #tpu.memory_space<vmem>>) target(%dma_start3A_90 : memref<10112x32xf32, #tpu.memory_space<vmem_shared>>) offsets(%dma_start3A_87 : memref<128xi32, #tpu.memory_space<vmem>>) semaphore(%arg19 : memref<!tpu.dma_semaphore, #tpu.memory_space<semaphore_mem>>) {add = true}
      scf.yield %scan3A_83#0, %scan3A_83#1 : vector<16xf32>, vector<16xf32>
    }
    %scan3A_14 = arith.constant 80 : i32
    %dma_wait3A = arith.constant 158 : i32
    %dma_wait3A_15 = arith.constant 0 : i32
    %dma_wait3A_16 = tpu.memref_slice %arg9[%dma_wait3A, %dma_wait3A_15] : memref<160x128xi32, #tpu.memory_space<vmem>> -> memref<1x128xi32, #tpu.memory_space<vmem>>
    %dma_wait3A_17 = tpu.memref_squeeze %dma_wait3A_16 : memref<1x128xi32, #tpu.memory_space<vmem>> -> memref<128xi32, #tpu.memory_space<vmem>>
    %dma_wait3A_18 = arith.constant 0 : i32
    %dma_wait3A_19 = arith.constant 0 : i32
    %dma_wait3A_20 = tpu.memref_slice %arg15[%dma_wait3A_18, %dma_wait3A_19] : memref<10112x32xf32, #tpu.memory_space<vmem_shared>> -> memref<10112x32xf32, #tpu.memory_space<vmem_shared>>
    tpu.wait_indirect_dma semaphore(%arg18 : memref<!tpu.dma_semaphore, #tpu.memory_space<semaphore_mem>>) src(%arg13 : memref<128x32xf32, #tpu.memory_space<vmem>>) dst(%dma_wait3A_20 : memref<10112x32xf32, #tpu.memory_space<vmem_shared>>)
    %dma_wait3A_21 = arith.constant 159 : i32
    %dma_wait3A_22 = arith.constant 0 : i32
    %dma_wait3A_23 = tpu.memref_slice %arg9[%dma_wait3A_21, %dma_wait3A_22] : memref<160x128xi32, #tpu.memory_space<vmem>> -> memref<1x128xi32, #tpu.memory_space<vmem>>
    %dma_wait3A_24 = tpu.memref_squeeze %dma_wait3A_23 : memref<1x128xi32, #tpu.memory_space<vmem>> -> memref<128xi32, #tpu.memory_space<vmem>>
    %dma_wait3A_25 = arith.constant 0 : i32
    %dma_wait3A_26 = arith.constant 0 : i32
    %dma_wait3A_27 = tpu.memref_slice %arg15[%dma_wait3A_25, %dma_wait3A_26] : memref<10112x32xf32, #tpu.memory_space<vmem_shared>> -> memref<10112x32xf32, #tpu.memory_space<vmem_shared>>
    tpu.wait_indirect_dma semaphore(%arg19 : memref<!tpu.dma_semaphore, #tpu.memory_space<semaphore_mem>>) src(%arg14 : memref<128x32xf32, #tpu.memory_space<vmem>>) dst(%dma_wait3A_27 : memref<10112x32xf32, #tpu.memory_space<vmem_shared>>)
    %barrier3A_28 = arith.constant 0 : index
    tpu.barrier barrier_id(%barrier3A_28)
    %run_scoped3A_29 = arith.constant 0 : i32
    "tpu.region"() ({
      %run_scoped3A_30 = tpu.sem_alloc : memref<!tpu.dma_semaphore, #tpu.memory_space<semaphore_mem>>
      %dma_start3A_31 = arith.constant 0 : i32
      %dma_start3A_32 = arith.constant 0 : i32
      %dma_start3A_33 = arith.constant 0 : i32
      %dma_start3A_34 = tpu.memref_slice %arg7[%arg0, %dma_start3A_31, %dma_start3A_32, %dma_start3A_33] : memref<2x1x10112x32xf32, #tpu.memory_space<hbm>> -> memref<1x1x10112x32xf32, #tpu.memory_space<hbm>>
      %dma_start3A_35 = tpu.memref_squeeze %dma_start3A_34 : memref<1x1x10112x32xf32, #tpu.memory_space<hbm>> -> memref<1x10112x32xf32, #tpu.memory_space<hbm>>
      %dma_start3A_36 = arith.constant 0 : i32
      %dma_start3A_37 = arith.constant 0 : i32
      %dma_start3A_38 = tpu.memref_slice %dma_start3A_35[%run_scoped3A_29, %dma_start3A_36, %dma_start3A_37] : memref<1x10112x32xf32, #tpu.memory_space<hbm>> -> memref<1x10112x32xf32, #tpu.memory_space<hbm>>
      %dma_start3A_39 = tpu.memref_squeeze %dma_start3A_38 : memref<1x10112x32xf32, #tpu.memory_space<hbm>> -> memref<10112x32xf32, #tpu.memory_space<hbm>>
      %dma_start3A_40 = arith.constant 0 : i32
      %dma_start3A_41 = tpu.memref_slice %dma_start3A_39[%mul3A_0, %dma_start3A_40] : memref<10112x32xf32, #tpu.memory_space<hbm>> -> memref<632x32xf32, #tpu.memory_space<hbm>>
      %dma_start3A_42 = arith.constant 0 : i32
      %dma_start3A_43 = tpu.memref_slice %arg15[%mul3A_0, %dma_start3A_42] : memref<10112x32xf32, #tpu.memory_space<vmem_shared>> -> memref<632x32xf32, #tpu.memory_space<vmem_shared>>
      tpu.enqueue_dma source(%dma_start3A_43 : memref<632x32xf32, #tpu.memory_space<vmem_shared>>) target(%dma_start3A_41 : memref<632x32xf32, #tpu.memory_space<hbm>>) target_semaphore(%run_scoped3A_30 : memref<!tpu.dma_semaphore, #tpu.memory_space<semaphore_mem>>)
      %dma_wait3A_44 = arith.constant 0 : i32
      %dma_wait3A_45 = arith.constant 0 : i32
      %dma_wait3A_46 = arith.constant 0 : i32
      %dma_wait3A_47 = tpu.memref_slice %arg7[%arg0, %dma_wait3A_44, %dma_wait3A_45, %dma_wait3A_46] : memref<2x1x10112x32xf32, #tpu.memory_space<hbm>> -> memref<1x1x10112x32xf32, #tpu.memory_space<hbm>>
      %dma_wait3A_48 = tpu.memref_squeeze %dma_wait3A_47 : memref<1x1x10112x32xf32, #tpu.memory_space<hbm>> -> memref<1x10112x32xf32, #tpu.memory_space<hbm>>
      %dma_wait3A_49 = arith.constant 0 : i32
      %dma_wait3A_50 = arith.constant 0 : i32
      %dma_wait3A_51 = tpu.memref_slice %dma_wait3A_48[%run_scoped3A_29, %dma_wait3A_49, %dma_wait3A_50] : memref<1x10112x32xf32, #tpu.memory_space<hbm>> -> memref<1x10112x32xf32, #tpu.memory_space<hbm>>
      %dma_wait3A_52 = tpu.memref_squeeze %dma_wait3A_51 : memref<1x10112x32xf32, #tpu.memory_space<hbm>> -> memref<10112x32xf32, #tpu.memory_space<hbm>>
      %dma_wait3A_53 = arith.constant 0 : i32
      %dma_wait3A_54 = tpu.memref_slice %dma_wait3A_52[%mul3A_0, %dma_wait3A_53] : memref<10112x32xf32, #tpu.memory_space<hbm>> -> memref<632x32xf32, #tpu.memory_space<hbm>>
      %dma_wait3A_55 = arith.constant 0 : i32
      %dma_wait3A_56 = tpu.memref_slice %arg15[%mul3A_0, %dma_wait3A_55] : memref<10112x32xf32, #tpu.memory_space<vmem_shared>> -> memref<632x32xf32, #tpu.memory_space<vmem_shared>>
      tpu.wait_dma2 semaphore(%run_scoped3A_30 : memref<!tpu.dma_semaphore, #tpu.memory_space<semaphore_mem>>) src(%dma_wait3A_56 : memref<632x32xf32, #tpu.memory_space<vmem_shared>>) dst(%dma_wait3A_54 : memref<632x32xf32, #tpu.memory_space<hbm>>)
      tpu.yield
    }) : () -> ()
    return
  }
}

#map = affine_map<(d0, d1) -> (0, 0)>
#map1 = affine_map<(d0, d1) -> (0, 0, 0, 0, 0)>
#map2 = affine_map<(d0, d1) -> (0, 0, 0)>
#map3 = affine_map<(d0, d1) -> (0, 0, 0, 0)>
module attributes {stable_mosaic.version = 14 : i64} {
  func.func @seg_sum(%arg0: i32, %arg1: i32, %arg2: memref<40000x32xf32, #tpu.memory_space<hbm>>, %arg3: memref<2x2x16x158x128xi32, #tpu.memory_space<hbm>>, %arg4: memref<16x158x128xi32, #tpu.memory_space<hbm>>, %arg5: memref<16x20224xf32, #tpu.memory_space<hbm>>, %arg6: memref<10112x32xf32, #tpu.memory_space<hbm>>, %arg7: memref<2x2x10112x32xf32, #tpu.memory_space<hbm>>, %arg8: memref<158x128xi32, #tpu.memory_space<vmem>>, %arg9: memref<158x128xi32, #tpu.memory_space<vmem>>, %arg10: memref<20240xf32, #tpu.memory_space<vmem>>, %arg11: memref<128x32xf32, #tpu.memory_space<vmem>>, %arg12: memref<128x32xf32, #tpu.memory_space<vmem>>, %arg13: memref<128x32xf32, #tpu.memory_space<vmem>>, %arg14: memref<128x32xf32, #tpu.memory_space<vmem>>, %arg15: memref<10112x32xf32, #tpu.memory_space<vmem_shared>>, %arg16: memref<!tpu.dma_semaphore, #tpu.memory_space<semaphore_mem>>, %arg17: memref<!tpu.dma_semaphore, #tpu.memory_space<semaphore_mem>>, %arg18: memref<!tpu.dma_semaphore, #tpu.memory_space<semaphore_mem>>, %arg19: memref<!tpu.dma_semaphore, #tpu.memory_space<semaphore_mem>>) attributes {dimension_semantics = [#tpu.dimension_semantics<core_parallel>, #tpu.dimension_semantics<subcore_parallel>], iteration_bounds = array<i64: 2, 16>, scalar_prefetch = 0 : i64, scratch_operands = 12 : i64, tpu.core_type = #tpu.core_type<sc_vector_subcore>, window_params = [{transform_indices = #map}, {transform_indices = #map1}, {transform_indices = #map2}, {transform_indices = #map}, {transform_indices = #map}, {transform_indices = #map3}]} {
    "tpu.region"() ({
      %run_scoped3A_65 = tpu.sem_alloc : memref<!tpu.dma_semaphore, #tpu.memory_space<semaphore_mem>>
      %dma_start3A_66 = arith.constant 0 : i32
      %dma_start3A_67 = arith.constant 0 : i32
      %dma_start3A_68 = tpu.memref_slice %arg4[%arg1, %dma_start3A_66, %dma_start3A_67] : memref<16x158x128xi32, #tpu.memory_space<hbm>> -> memref<1x158x128xi32, #tpu.memory_space<hbm>>
      %dma_start3A_69 = tpu.memref_squeeze %dma_start3A_68 : memref<1x158x128xi32, #tpu.memory_space<hbm>> -> memref<158x128xi32, #tpu.memory_space<hbm>>
      %dma_start3A_70 = arith.constant 0 : i32
      %dma_start3A_71 = arith.constant 0 : i32
      %dma_start3A_72 = tpu.memref_slice %arg4[%arg1, %dma_start3A_70, %dma_start3A_71] : memref<16x158x128xi32, #tpu.memory_space<hbm>> -> memref<1x158x128xi32, #tpu.memory_space<hbm>>
      %dma_start3A_73 = tpu.memref_squeeze %dma_start3A_72 : memref<1x158x128xi32, #tpu.memory_space<hbm>> -> memref<158x128xi32, #tpu.memory_space<hbm>>
      tpu.enqueue_dma source(%dma_start3A_73 : memref<158x128xi32, #tpu.memory_space<hbm>>) target(%arg9 : memref<158x128xi32, #tpu.memory_space<vmem>>) target_semaphore(%run_scoped3A_65 : memref<!tpu.dma_semaphore, #tpu.memory_space<semaphore_mem>>)
      %dma_wait3A_74 = arith.constant 0 : i32
      %dma_wait3A_75 = arith.constant 0 : i32
      %dma_wait3A_76 = tpu.memref_slice %arg4[%arg1, %dma_wait3A_74, %dma_wait3A_75] : memref<16x158x128xi32, #tpu.memory_space<hbm>> -> memref<1x158x128xi32, #tpu.memory_space<hbm>>
      %dma_wait3A_77 = tpu.memref_squeeze %dma_wait3A_76 : memref<1x158x128xi32, #tpu.memory_space<hbm>> -> memref<158x128xi32, #tpu.memory_space<hbm>>
      %dma_wait3A_78 = arith.constant 0 : i32
      %dma_wait3A_79 = arith.constant 0 : i32
      %dma_wait3A_80 = tpu.memref_slice %arg4[%arg1, %dma_wait3A_78, %dma_wait3A_79] : memref<16x158x128xi32, #tpu.memory_space<hbm>> -> memref<1x158x128xi32, #tpu.memory_space<hbm>>
      %dma_wait3A_81 = tpu.memref_squeeze %dma_wait3A_80 : memref<1x158x128xi32, #tpu.memory_space<hbm>> -> memref<158x128xi32, #tpu.memory_space<hbm>>
      tpu.wait_dma2 semaphore(%run_scoped3A_65 : memref<!tpu.dma_semaphore, #tpu.memory_space<semaphore_mem>>) src(%dma_wait3A_81 : memref<158x128xi32, #tpu.memory_space<hbm>>) dst(%arg9 : memref<158x128xi32, #tpu.memory_space<vmem>>)
      tpu.yield
    }) : () -> ()
    "tpu.region"() ({
      %run_scoped3A_65 = tpu.sem_alloc : memref<!tpu.dma_semaphore, #tpu.memory_space<semaphore_mem>>
      %dma_start3A_66 = arith.constant 0 : i32
      %dma_start3A_67 = tpu.memref_slice %arg10[%dma_start3A_66] : memref<20240xf32, #tpu.memory_space<vmem>> -> memref<20224xf32, #tpu.memory_space<vmem>>
      %dma_start3A_68 = arith.constant 0 : i32
      %dma_start3A_69 = tpu.memref_slice %arg5[%arg1, %dma_start3A_68] : memref<16x20224xf32, #tpu.memory_space<hbm>> -> memref<1x20224xf32, #tpu.memory_space<hbm>>
      %dma_start3A_70 = tpu.memref_squeeze %dma_start3A_69 : memref<1x20224xf32, #tpu.memory_space<hbm>> -> memref<20224xf32, #tpu.memory_space<hbm>>
      %dma_start3A_71 = arith.constant 0 : i32
      %dma_start3A_72 = tpu.memref_slice %arg10[%dma_start3A_71] : memref<20240xf32, #tpu.memory_space<vmem>> -> memref<20224xf32, #tpu.memory_space<vmem>>
      %dma_start3A_73 = arith.constant 0 : i32
      %dma_start3A_74 = tpu.memref_slice %arg5[%arg1, %dma_start3A_73] : memref<16x20224xf32, #tpu.memory_space<hbm>> -> memref<1x20224xf32, #tpu.memory_space<hbm>>
      %dma_start3A_75 = tpu.memref_squeeze %dma_start3A_74 : memref<1x20224xf32, #tpu.memory_space<hbm>> -> memref<20224xf32, #tpu.memory_space<hbm>>
      tpu.enqueue_dma source(%dma_start3A_75 : memref<20224xf32, #tpu.memory_space<hbm>>) target(%dma_start3A_72 : memref<20224xf32, #tpu.memory_space<vmem>>) target_semaphore(%run_scoped3A_65 : memref<!tpu.dma_semaphore, #tpu.memory_space<semaphore_mem>>)
      %dma_wait3A_76 = arith.constant 0 : i32
      %dma_wait3A_77 = tpu.memref_slice %arg10[%dma_wait3A_76] : memref<20240xf32, #tpu.memory_space<vmem>> -> memref<20224xf32, #tpu.memory_space<vmem>>
      %dma_wait3A_78 = arith.constant 0 : i32
      %dma_wait3A_79 = tpu.memref_slice %arg5[%arg1, %dma_wait3A_78] : memref<16x20224xf32, #tpu.memory_space<hbm>> -> memref<1x20224xf32, #tpu.memory_space<hbm>>
      %dma_wait3A_80 = tpu.memref_squeeze %dma_wait3A_79 : memref<1x20224xf32, #tpu.memory_space<hbm>> -> memref<20224xf32, #tpu.memory_space<hbm>>
      %dma_wait3A_81 = arith.constant 0 : i32
      %dma_wait3A_82 = tpu.memref_slice %arg10[%dma_wait3A_81] : memref<20240xf32, #tpu.memory_space<vmem>> -> memref<20224xf32, #tpu.memory_space<vmem>>
      %dma_wait3A_83 = arith.constant 0 : i32
      %dma_wait3A_84 = tpu.memref_slice %arg5[%arg1, %dma_wait3A_83] : memref<16x20224xf32, #tpu.memory_space<hbm>> -> memref<1x20224xf32, #tpu.memory_space<hbm>>
      %dma_wait3A_85 = tpu.memref_squeeze %dma_wait3A_84 : memref<1x20224xf32, #tpu.memory_space<hbm>> -> memref<20224xf32, #tpu.memory_space<hbm>>
      tpu.wait_dma2 semaphore(%run_scoped3A_65 : memref<!tpu.dma_semaphore, #tpu.memory_space<semaphore_mem>>) src(%dma_wait3A_85 : memref<20224xf32, #tpu.memory_space<hbm>>) dst(%dma_wait3A_82 : memref<20224xf32, #tpu.memory_space<vmem>>)
      tpu.yield
    }) : () -> ()
    %mul3A = arith.constant 632 : i32
    %mul3A_0 = arith.muli %arg1, %mul3A : i32
    %run_scoped3A = arith.constant 0 : i32
    "tpu.region"() ({
      %run_scoped3A_65 = tpu.sem_alloc : memref<!tpu.dma_semaphore, #tpu.memory_space<semaphore_mem>>
      %dma_start3A_66 = arith.constant 0 : i32
      %dma_start3A_67 = arith.constant 0 : i32
      %dma_start3A_68 = arith.constant 0 : i32
      %dma_start3A_69 = arith.constant 0 : i32
      %dma_start3A_70 = tpu.memref_slice %arg3[%arg0, %dma_start3A_66, %dma_start3A_67, %dma_start3A_68, %dma_start3A_69] : memref<2x2x16x158x128xi32, #tpu.memory_space<hbm>> -> memref<1x2x16x158x128xi32, #tpu.memory_space<hbm>>
      %dma_start3A_71 = tpu.memref_squeeze %dma_start3A_70 : memref<1x2x16x158x128xi32, #tpu.memory_space<hbm>> -> memref<2x16x158x128xi32, #tpu.memory_space<hbm>>
      %dma_start3A_72 = arith.constant 0 : i32
      %dma_start3A_73 = arith.constant 0 : i32
      %dma_start3A_74 = arith.constant 0 : i32
      %dma_start3A_75 = tpu.memref_slice %dma_start3A_71[%run_scoped3A, %dma_start3A_72, %dma_start3A_73, %dma_start3A_74] : memref<2x16x158x128xi32, #tpu.memory_space<hbm>> -> memref<1x16x158x128xi32, #tpu.memory_space<hbm>>
      %dma_start3A_76 = tpu.memref_squeeze %dma_start3A_75 : memref<1x16x158x128xi32, #tpu.memory_space<hbm>> -> memref<16x158x128xi32, #tpu.memory_space<hbm>>
      %dma_start3A_77 = arith.constant 0 : i32
      %dma_start3A_78 = arith.constant 0 : i32
      %dma_start3A_79 = tpu.memref_slice %dma_start3A_76[%arg1, %dma_start3A_77, %dma_start3A_78] : memref<16x158x128xi32, #tpu.memory_space<hbm>> -> memref<1x158x128xi32, #tpu.memory_space<hbm>>
      %dma_start3A_80 = tpu.memref_squeeze %dma_start3A_79 : memref<1x158x128xi32, #tpu.memory_space<hbm>> -> memref<158x128xi32, #tpu.memory_space<hbm>>
      %dma_start3A_81 = arith.constant 0 : i32
      %dma_start3A_82 = arith.constant 0 : i32
      %dma_start3A_83 = arith.constant 0 : i32
      %dma_start3A_84 = arith.constant 0 : i32
      %dma_start3A_85 = tpu.memref_slice %arg3[%arg0, %dma_start3A_81, %dma_start3A_82, %dma_start3A_83, %dma_start3A_84] : memref<2x2x16x158x128xi32, #tpu.memory_space<hbm>> -> memref<1x2x16x158x128xi32, #tpu.memory_space<hbm>>
      %dma_start3A_86 = tpu.memref_squeeze %dma_start3A_85 : memref<1x2x16x158x128xi32, #tpu.memory_space<hbm>> -> memref<2x16x158x128xi32, #tpu.memory_space<hbm>>
      %dma_start3A_87 = arith.constant 0 : i32
      %dma_start3A_88 = arith.constant 0 : i32
      %dma_start3A_89 = arith.constant 0 : i32
      %dma_start3A_90 = tpu.memref_slice %dma_start3A_86[%run_scoped3A, %dma_start3A_87, %dma_start3A_88, %dma_start3A_89] : memref<2x16x158x128xi32, #tpu.memory_space<hbm>> -> memref<1x16x158x128xi32, #tpu.memory_space<hbm>>
      %dma_start3A_91 = tpu.memref_squeeze %dma_start3A_90 : memref<1x16x158x128xi32, #tpu.memory_space<hbm>> -> memref<16x158x128xi32, #tpu.memory_space<hbm>>
      %dma_start3A_92 = arith.constant 0 : i32
      %dma_start3A_93 = arith.constant 0 : i32
      %dma_start3A_94 = tpu.memref_slice %dma_start3A_91[%arg1, %dma_start3A_92, %dma_start3A_93] : memref<16x158x128xi32, #tpu.memory_space<hbm>> -> memref<1x158x128xi32, #tpu.memory_space<hbm>>
      %dma_start3A_95 = tpu.memref_squeeze %dma_start3A_94 : memref<1x158x128xi32, #tpu.memory_space<hbm>> -> memref<158x128xi32, #tpu.memory_space<hbm>>
      tpu.enqueue_dma source(%dma_start3A_95 : memref<158x128xi32, #tpu.memory_space<hbm>>) target(%arg8 : memref<158x128xi32, #tpu.memory_space<vmem>>) target_semaphore(%run_scoped3A_65 : memref<!tpu.dma_semaphore, #tpu.memory_space<semaphore_mem>>)
      %dma_wait3A_96 = arith.constant 0 : i32
      %dma_wait3A_97 = arith.constant 0 : i32
      %dma_wait3A_98 = arith.constant 0 : i32
      %dma_wait3A_99 = arith.constant 0 : i32
      %dma_wait3A_100 = tpu.memref_slice %arg3[%arg0, %dma_wait3A_96, %dma_wait3A_97, %dma_wait3A_98, %dma_wait3A_99] : memref<2x2x16x158x128xi32, #tpu.memory_space<hbm>> -> memref<1x2x16x158x128xi32, #tpu.memory_space<hbm>>
      %dma_wait3A_101 = tpu.memref_squeeze %dma_wait3A_100 : memref<1x2x16x158x128xi32, #tpu.memory_space<hbm>> -> memref<2x16x158x128xi32, #tpu.memory_space<hbm>>
      %dma_wait3A_102 = arith.constant 0 : i32
      %dma_wait3A_103 = arith.constant 0 : i32
      %dma_wait3A_104 = arith.constant 0 : i32
      %dma_wait3A_105 = tpu.memref_slice %dma_wait3A_101[%run_scoped3A, %dma_wait3A_102, %dma_wait3A_103, %dma_wait3A_104] : memref<2x16x158x128xi32, #tpu.memory_space<hbm>> -> memref<1x16x158x128xi32, #tpu.memory_space<hbm>>
      %dma_wait3A_106 = tpu.memref_squeeze %dma_wait3A_105 : memref<1x16x158x128xi32, #tpu.memory_space<hbm>> -> memref<16x158x128xi32, #tpu.memory_space<hbm>>
      %dma_wait3A_107 = arith.constant 0 : i32
      %dma_wait3A_108 = arith.constant 0 : i32
      %dma_wait3A_109 = tpu.memref_slice %dma_wait3A_106[%arg1, %dma_wait3A_107, %dma_wait3A_108] : memref<16x158x128xi32, #tpu.memory_space<hbm>> -> memref<1x158x128xi32, #tpu.memory_space<hbm>>
      %dma_wait3A_110 = tpu.memref_squeeze %dma_wait3A_109 : memref<1x158x128xi32, #tpu.memory_space<hbm>> -> memref<158x128xi32, #tpu.memory_space<hbm>>
      %dma_wait3A_111 = arith.constant 0 : i32
      %dma_wait3A_112 = arith.constant 0 : i32
      %dma_wait3A_113 = arith.constant 0 : i32
      %dma_wait3A_114 = arith.constant 0 : i32
      %dma_wait3A_115 = tpu.memref_slice %arg3[%arg0, %dma_wait3A_111, %dma_wait3A_112, %dma_wait3A_113, %dma_wait3A_114] : memref<2x2x16x158x128xi32, #tpu.memory_space<hbm>> -> memref<1x2x16x158x128xi32, #tpu.memory_space<hbm>>
      %dma_wait3A_116 = tpu.memref_squeeze %dma_wait3A_115 : memref<1x2x16x158x128xi32, #tpu.memory_space<hbm>> -> memref<2x16x158x128xi32, #tpu.memory_space<hbm>>
      %dma_wait3A_117 = arith.constant 0 : i32
      %dma_wait3A_118 = arith.constant 0 : i32
      %dma_wait3A_119 = arith.constant 0 : i32
      %dma_wait3A_120 = tpu.memref_slice %dma_wait3A_116[%run_scoped3A, %dma_wait3A_117, %dma_wait3A_118, %dma_wait3A_119] : memref<2x16x158x128xi32, #tpu.memory_space<hbm>> -> memref<1x16x158x128xi32, #tpu.memory_space<hbm>>
      %dma_wait3A_121 = tpu.memref_squeeze %dma_wait3A_120 : memref<1x16x158x128xi32, #tpu.memory_space<hbm>> -> memref<16x158x128xi32, #tpu.memory_space<hbm>>
      %dma_wait3A_122 = arith.constant 0 : i32
      %dma_wait3A_123 = arith.constant 0 : i32
      %dma_wait3A_124 = tpu.memref_slice %dma_wait3A_121[%arg1, %dma_wait3A_122, %dma_wait3A_123] : memref<16x158x128xi32, #tpu.memory_space<hbm>> -> memref<1x158x128xi32, #tpu.memory_space<hbm>>
      %dma_wait3A_125 = tpu.memref_squeeze %dma_wait3A_124 : memref<1x158x128xi32, #tpu.memory_space<hbm>> -> memref<158x128xi32, #tpu.memory_space<hbm>>
      tpu.wait_dma2 semaphore(%run_scoped3A_65 : memref<!tpu.dma_semaphore, #tpu.memory_space<semaphore_mem>>) src(%dma_wait3A_125 : memref<158x128xi32, #tpu.memory_space<hbm>>) dst(%arg8 : memref<158x128xi32, #tpu.memory_space<vmem>>)
      tpu.yield
    }) : () -> ()
    "tpu.region"() ({
      %run_scoped3A_65 = tpu.sem_alloc : memref<!tpu.dma_semaphore, #tpu.memory_space<semaphore_mem>>
      %dma_start3A_66 = arith.constant 0 : i32
      %dma_start3A_67 = tpu.memref_slice %arg15[%mul3A_0, %dma_start3A_66] : memref<10112x32xf32, #tpu.memory_space<vmem_shared>> -> memref<632x32xf32, #tpu.memory_space<vmem_shared>>
      %dma_start3A_68 = arith.constant 0 : i32
      %dma_start3A_69 = tpu.memref_slice %arg6[%mul3A_0, %dma_start3A_68] : memref<10112x32xf32, #tpu.memory_space<hbm>> -> memref<632x32xf32, #tpu.memory_space<hbm>>
      tpu.enqueue_dma source(%dma_start3A_69 : memref<632x32xf32, #tpu.memory_space<hbm>>) target(%dma_start3A_67 : memref<632x32xf32, #tpu.memory_space<vmem_shared>>) target_semaphore(%run_scoped3A_65 : memref<!tpu.dma_semaphore, #tpu.memory_space<semaphore_mem>>)
      %dma_wait3A_70 = arith.constant 0 : i32
      %dma_wait3A_71 = tpu.memref_slice %arg15[%mul3A_0, %dma_wait3A_70] : memref<10112x32xf32, #tpu.memory_space<vmem_shared>> -> memref<632x32xf32, #tpu.memory_space<vmem_shared>>
      %dma_wait3A_72 = arith.constant 0 : i32
      %dma_wait3A_73 = tpu.memref_slice %arg6[%mul3A_0, %dma_wait3A_72] : memref<10112x32xf32, #tpu.memory_space<hbm>> -> memref<632x32xf32, #tpu.memory_space<hbm>>
      tpu.wait_dma2 semaphore(%run_scoped3A_65 : memref<!tpu.dma_semaphore, #tpu.memory_space<semaphore_mem>>) src(%dma_wait3A_73 : memref<632x32xf32, #tpu.memory_space<hbm>>) dst(%dma_wait3A_71 : memref<632x32xf32, #tpu.memory_space<vmem_shared>>)
      tpu.yield
    }) : () -> ()
    %barrier3A = arith.constant 0 : index
    tpu.barrier barrier_id(%barrier3A)
    %broadcast_in_dim3A = arith.constant 0.000000e+00 : f32
    %broadcast_in_dim3A_1 = vector.broadcast %broadcast_in_dim3A : f32 to vector<16xf32>
    %broadcast_in_dim3A_2 = arith.constant 0.000000e+00 : f32
    %broadcast_in_dim3A_3 = vector.broadcast %broadcast_in_dim3A_2 : f32 to vector<16xf32>
    %dma_start3A = arith.constant 0 : i32
    %dma_start3A_4 = arith.constant 0 : i32
    %dma_start3A_5 = tpu.memref_slice %arg8[%dma_start3A, %dma_start3A_4] : memref<158x128xi32, #tpu.memory_space<vmem>> -> memref<1x128xi32, #tpu.memory_space<vmem>>
    %dma_start3A_6 = tpu.memref_squeeze %dma_start3A_5 : memref<1x128xi32, #tpu.memory_space<vmem>> -> memref<128xi32, #tpu.memory_space<vmem>>
    %dma_start3A_7 = arith.constant 0 : i32
    %dma_start3A_8 = arith.constant 0 : i32
    %dma_start3A_9 = tpu.memref_slice %arg2[%dma_start3A_7, %dma_start3A_8] : memref<40000x32xf32, #tpu.memory_space<hbm>> -> memref<40000x32xf32, #tpu.memory_space<hbm>>
    tpu.enqueue_indirect_dma source(%dma_start3A_9 : memref<40000x32xf32, #tpu.memory_space<hbm>>) target(%arg11 : memref<128x32xf32, #tpu.memory_space<vmem>>) offsets(%dma_start3A_6 : memref<128xi32, #tpu.memory_space<vmem>>) semaphore(%arg16 : memref<!tpu.dma_semaphore, #tpu.memory_space<semaphore_mem>>)
    %scan3A = arith.constant 0 : i32
    %scan3A_10 = arith.constant 79 : i32
    %scan3A_11 = arith.addi %scan3A, %scan3A_10 : i32
    %scan3A_12 = arith.constant 1 : i32
    %scan3A_13:2 = scf.for %scan3A_65 = %scan3A to %scan3A_11 step %scan3A_12 iter_args(%scan3A_66 = %broadcast_in_dim3A_1, %scan3A_67 = %broadcast_in_dim3A_3) -> (vector<16xf32>, vector<16xf32>)  : i32 {
      %mul3A_68 = arith.constant 2 : i32
      %mul3A_69 = arith.muli %mul3A_68, %scan3A_65 : i32
      %mul3A_70 = arith.constant 2 : i32
      %mul3A_71 = arith.muli %mul3A_70, %scan3A_65 : i32
      %add3A = arith.constant 1 : i32
      %add3A_72 = arith.addi %mul3A_71, %add3A : i32
      %dma_start3A_73 = arith.constant 0 : i32
      %dma_start3A_74 = tpu.memref_slice %arg8[%add3A_72, %dma_start3A_73] : memref<158x128xi32, #tpu.memory_space<vmem>> -> memref<1x128xi32, #tpu.memory_space<vmem>>
      %dma_start3A_75 = tpu.memref_squeeze %dma_start3A_74 : memref<1x128xi32, #tpu.memory_space<vmem>> -> memref<128xi32, #tpu.memory_space<vmem>>
      %dma_start3A_76 = arith.constant 0 : i32
      %dma_start3A_77 = arith.constant 0 : i32
      %dma_start3A_78 = tpu.memref_slice %arg2[%dma_start3A_76, %dma_start3A_77] : memref<40000x32xf32, #tpu.memory_space<hbm>> -> memref<40000x32xf32, #tpu.memory_space<hbm>>
      tpu.enqueue_indirect_dma source(%dma_start3A_78 : memref<40000x32xf32, #tpu.memory_space<hbm>>) target(%arg12 : memref<128x32xf32, #tpu.memory_space<vmem>>) offsets(%dma_start3A_75 : memref<128xi32, #tpu.memory_space<vmem>>) semaphore(%arg17 : memref<!tpu.dma_semaphore, #tpu.memory_space<semaphore_mem>>)
      %dma_wait3A_79 = arith.constant 0 : i32
      %dma_wait3A_80 = tpu.memref_slice %arg8[%mul3A_69, %dma_wait3A_79] : memref<158x128xi32, #tpu.memory_space<vmem>> -> memref<1x128xi32, #tpu.memory_space<vmem>>
      %dma_wait3A_81 = tpu.memref_squeeze %dma_wait3A_80 : memref<1x128xi32, #tpu.memory_space<vmem>> -> memref<128xi32, #tpu.memory_space<vmem>>
      %dma_wait3A_82 = arith.constant 0 : i32
      %dma_wait3A_83 = arith.constant 0 : i32
      %dma_wait3A_84 = tpu.memref_slice %arg2[%dma_wait3A_82, %dma_wait3A_83] : memref<40000x32xf32, #tpu.memory_space<hbm>> -> memref<40000x32xf32, #tpu.memory_space<hbm>>
      tpu.wait_indirect_dma semaphore(%arg16 : memref<!tpu.dma_semaphore, #tpu.memory_space<semaphore_mem>>) src(%dma_wait3A_84 : memref<40000x32xf32, #tpu.memory_space<hbm>>) dst(%arg11 : memref<128x32xf32, #tpu.memory_space<vmem>>)
      %gt3A = arith.constant 0 : i32
      %gt3A_85 = arith.cmpi sgt, %scan3A_65, %gt3A : i32
      %convert_element_type3A = arith.extui %gt3A_85 : i1 to i32
      %cond3A = arith.constant 0 : i32
      %cond3A_86 = arith.cmpi ne, %convert_element_type3A, %cond3A : i32
      scf.if %cond3A_86 {
        %sub3A = arith.constant 2 : i32
        %sub3A_126 = arith.subi %mul3A_69, %sub3A : i32
        %dma_wait3A_127 = arith.constant 0 : i32
        %dma_wait3A_128 = tpu.memref_slice %arg9[%sub3A_126, %dma_wait3A_127] : memref<158x128xi32, #tpu.memory_space<vmem>> -> memref<1x128xi32, #tpu.memory_space<vmem>>
        %dma_wait3A_129 = tpu.memref_squeeze %dma_wait3A_128 : memref<1x128xi32, #tpu.memory_space<vmem>> -> memref<128xi32, #tpu.memory_space<vmem>>
        %dma_wait3A_130 = arith.constant 0 : i32
        %dma_wait3A_131 = arith.constant 0 : i32
        %dma_wait3A_132 = tpu.memref_slice %arg15[%dma_wait3A_130, %dma_wait3A_131] : memref<10112x32xf32, #tpu.memory_space<vmem_shared>> -> memref<10112x32xf32, #tpu.memory_space<vmem_shared>>
        tpu.wait_indirect_dma semaphore(%arg18 : memref<!tpu.dma_semaphore, #tpu.memory_space<semaphore_mem>>) src(%arg13 : memref<128x32xf32, #tpu.memory_space<vmem>>) dst(%dma_wait3A_132 : memref<10112x32xf32, #tpu.memory_space<vmem_shared>>)
      } else {
      }
      %scan3A_87 = arith.constant 0 : i32
      %scan3A_88 = arith.constant 128 : i32
      %scan3A_89 = arith.addi %scan3A_87, %scan3A_88 : i32
      %scan3A_90 = arith.constant 1 : i32
      %scan3A_91:2 = scf.for %scan3A_126 = %scan3A_87 to %scan3A_89 step %scan3A_90 iter_args(%scan3A_127 = %scan3A_66, %scan3A_128 = %scan3A_67) -> (vector<16xf32>, vector<16xf32>)  : i32 {
        %mul3A_129 = arith.constant 128 : i32
        %mul3A_130 = arith.muli %mul3A_69, %mul3A_129 : i32
        %add3A_131 = arith.addi %mul3A_130, %scan3A_126 : i32
        %get3A = arith.index_cast %add3A_131 : i32 to index
        %get3A_132 = tpu.vector_load %arg10[%get3A] {strides = array<i32>} : memref<20240xf32, #tpu.memory_space<vmem>>, vector<16xf32>,
        %get3A_133 = vector.shape_cast %get3A_132 : vector<16xf32> to vector<16xf32>
        %slice3A = vector.extract_strided_slice %get3A_133 {offsets = [0], sizes = [1], strides = [1]} : vector<16xf32> to vector<1xf32>
        %squeeze3A = vector.extract %slice3A[0] : f32 from vector<1xf32>
        %broadcast_in_dim3A_134 = vector.broadcast %squeeze3A : f32 to vector<16xf32>
        %get3A_135 = arith.index_cast %scan3A_126 : i32 to index
        %get3A_136 = arith.constant 0 : index
        %get3A_137 = tpu.vector_load %arg11[%get3A_135, %get3A_136] {strides = array<i32>} : memref<128x32xf32, #tpu.memory_space<vmem>>, vector<1x16xf32>,
        %get3A_138 = vector.shape_cast %get3A_137 : vector<1x16xf32> to vector<16xf32>
        %add3A_139 = arith.addf %scan3A_127, %get3A_138 : vector<16xf32>
        %swap3A = arith.index_cast %scan3A_126 : i32 to index
        %swap3A_140 = arith.constant 0 : index
        %swap3A_141 = tpu.vector_load %arg13[%swap3A, %swap3A_140] {strides = array<i32>} : memref<128x32xf32, #tpu.memory_space<vmem>>, vector<1x16xf32>,
        %swap3A_142 = vector.shape_cast %swap3A_141 : vector<1x16xf32> to vector<16xf32>
        %swap3A_143 = vector.shape_cast %add3A_139 : vector<16xf32> to vector<1x16xf32>
        tpu.vector_store %arg13[%swap3A, %swap3A_140], %swap3A_143 {strides = array<i32>} : memref<128x32xf32, #tpu.memory_space<vmem>>, vector<1x16xf32>,
        %mul3A_144 = arith.mulf %add3A_139, %broadcast_in_dim3A_134 : vector<16xf32>
        %get3A_145 = arith.index_cast %scan3A_126 : i32 to index
        %get3A_146 = arith.constant 16 : index
        %get3A_147 = tpu.vector_load %arg11[%get3A_145, %get3A_146] {strides = array<i32>} : memref<128x32xf32, #tpu.memory_space<vmem>>, vector<1x16xf32>,
        %get3A_148 = vector.shape_cast %get3A_147 : vector<1x16xf32> to vector<16xf32>
        %add3A_149 = arith.addf %scan3A_128, %get3A_148 : vector<16xf32>
        %swap3A_150 = arith.index_cast %scan3A_126 : i32 to index
        %swap3A_151 = arith.constant 16 : index
        %swap3A_152 = tpu.vector_load %arg13[%swap3A_150, %swap3A_151] {strides = array<i32>} : memref<128x32xf32, #tpu.memory_space<vmem>>, vector<1x16xf32>,
        %swap3A_153 = vector.shape_cast %swap3A_152 : vector<1x16xf32> to vector<16xf32>
        %swap3A_154 = vector.shape_cast %add3A_149 : vector<16xf32> to vector<1x16xf32>
        tpu.vector_store %arg13[%swap3A_150, %swap3A_151], %swap3A_154 {strides = array<i32>} : memref<128x32xf32, #tpu.memory_space<vmem>>, vector<1x16xf32>,
        %mul3A_155 = arith.mulf %add3A_149, %broadcast_in_dim3A_134 : vector<16xf32>
        scf.yield %mul3A_144, %mul3A_155 : vector<16xf32>, vector<16xf32>
      }
      %scan3A_92 = arith.constant 128 : i32
      %dma_start3A_93 = arith.constant 0 : i32
      %dma_start3A_94 = tpu.memref_slice %arg9[%mul3A_69, %dma_start3A_93] : memref<158x128xi32, #tpu.memory_space<vmem>> -> memref<1x128xi32, #tpu.memory_space<vmem>>
      %dma_start3A_95 = tpu.memref_squeeze %dma_start3A_94 : memref<1x128xi32, #tpu.memory_space<vmem>> -> memref<128xi32, #tpu.memory_space<vmem>>
      %dma_start3A_96 = arith.constant 0 : i32
      %dma_start3A_97 = arith.constant 0 : i32
      %dma_start3A_98 = tpu.memref_slice %arg15[%dma_start3A_96, %dma_start3A_97] : memref<10112x32xf32, #tpu.memory_space<vmem_shared>> -> memref<10112x32xf32, #tpu.memory_space<vmem_shared>>
      tpu.enqueue_indirect_dma source(%arg13 : memref<128x32xf32, #tpu.memory_space<vmem>>) target(%dma_start3A_98 : memref<10112x32xf32, #tpu.memory_space<vmem_shared>>) offsets(%dma_start3A_95 : memref<128xi32, #tpu.memory_space<vmem>>) semaphore(%arg18 : memref<!tpu.dma_semaphore, #tpu.memory_space<semaphore_mem>>) {add = true}
      %lt3A = arith.constant 78 : i32
      %lt3A_99 = arith.cmpi slt, %scan3A_65, %lt3A : i32
      %convert_element_type3A_100 = arith.extui %lt3A_99 : i1 to i32
      %cond3A_101 = arith.constant 0 : i32
      %cond3A_102 = arith.cmpi ne, %convert_element_type3A_100, %cond3A_101 : i32
      scf.if %cond3A_102 {
        %add3A_126 = arith.constant 1 : i32
        %add3A_127 = arith.addi %add3A_72, %add3A_126 : i32
        %dma_start3A_128 = arith.constant 0 : i32
        %dma_start3A_129 = tpu.memref_slice %arg8[%add3A_127, %dma_start3A_128] : memref<158x128xi32, #tpu.memory_space<vmem>> -> memref<1x128xi32, #tpu.memory_space<vmem>>
        %dma_start3A_130 = tpu.memref_squeeze %dma_start3A_129 : memref<1x128xi32, #tpu.memory_space<vmem>> -> memref<128xi32, #tpu.memory_space<vmem>>
        %dma_start3A_131 = arith.constant 0 : i32
        %dma_start3A_132 = arith.constant 0 : i32
        %dma_start3A_133 = tpu.memref_slice %arg2[%dma_start3A_131, %dma_start3A_132] : memref<40000x32xf32, #tpu.memory_space<hbm>> -> memref<40000x32xf32, #tpu.memory_space<hbm>>
        tpu.enqueue_indirect_dma source(%dma_start3A_133 : memref<40000x32xf32, #tpu.memory_space<hbm>>) target(%arg11 : memref<128x32xf32, #tpu.memory_space<vmem>>) offsets(%dma_start3A_130 : memref<128xi32, #tpu.memory_space<vmem>>) semaphore(%arg16 : memref<!tpu.dma_semaphore, #tpu.memory_space<semaphore_mem>>)
      } else {
      }
      %dma_wait3A_103 = arith.constant 0 : i32
      %dma_wait3A_104 = tpu.memref_slice %arg8[%add3A_72, %dma_wait3A_103] : memref<158x128xi32, #tpu.memory_space<vmem>> -> memref<1x128xi32, #tpu.memory_space<vmem>>
      %dma_wait3A_105 = tpu.memref_squeeze %dma_wait3A_104 : memref<1x128xi32, #tpu.memory_space<vmem>> -> memref<128xi32, #tpu.memory_space<vmem>>
      %dma_wait3A_106 = arith.constant 0 : i32
      %dma_wait3A_107 = arith.constant 0 : i32
      %dma_wait3A_108 = tpu.memref_slice %arg2[%dma_wait3A_106, %dma_wait3A_107] : memref<40000x32xf32, #tpu.memory_space<hbm>> -> memref<40000x32xf32, #tpu.memory_space<hbm>>
      tpu.wait_indirect_dma semaphore(%arg17 : memref<!tpu.dma_semaphore, #tpu.memory_space<semaphore_mem>>) src(%dma_wait3A_108 : memref<40000x32xf32, #tpu.memory_space<hbm>>) dst(%arg12 : memref<128x32xf32, #tpu.memory_space<vmem>>)
      %gt3A_109 = arith.constant 0 : i32
      %gt3A_110 = arith.cmpi sgt, %scan3A_65, %gt3A_109 : i32
      %convert_element_type3A_111 = arith.extui %gt3A_110 : i1 to i32
      %cond3A_112 = arith.constant 0 : i32
      %cond3A_113 = arith.cmpi ne, %convert_element_type3A_111, %cond3A_112 : i32
      scf.if %cond3A_113 {
        %sub3A = arith.constant 2 : i32
        %sub3A_126 = arith.subi %add3A_72, %sub3A : i32
        %dma_wait3A_127 = arith.constant 0 : i32
        %dma_wait3A_128 = tpu.memref_slice %arg9[%sub3A_126, %dma_wait3A_127] : memref<158x128xi32, #tpu.memory_space<vmem>> -> memref<1x128xi32, #tpu.memory_space<vmem>>
        %dma_wait3A_129 = tpu.memref_squeeze %dma_wait3A_128 : memref<1x128xi32, #tpu.memory_space<vmem>> -> memref<128xi32, #tpu.memory_space<vmem>>
        %dma_wait3A_130 = arith.constant 0 : i32
        %dma_wait3A_131 = arith.constant 0 : i32
        %dma_wait3A_132 = tpu.memref_slice %arg15[%dma_wait3A_130, %dma_wait3A_131] : memref<10112x32xf32, #tpu.memory_space<vmem_shared>> -> memref<10112x32xf32, #tpu.memory_space<vmem_shared>>
        tpu.wait_indirect_dma semaphore(%arg19 : memref<!tpu.dma_semaphore, #tpu.memory_space<semaphore_mem>>) src(%arg14 : memref<128x32xf32, #tpu.memory_space<vmem>>) dst(%dma_wait3A_132 : memref<10112x32xf32, #tpu.memory_space<vmem_shared>>)
      } else {
      }
      %scan3A_114 = arith.constant 0 : i32
      %scan3A_115 = arith.constant 128 : i32
      %scan3A_116 = arith.addi %scan3A_114, %scan3A_115 : i32
      %scan3A_117 = arith.constant 1 : i32
      %scan3A_118:2 = scf.for %scan3A_126 = %scan3A_114 to %scan3A_116 step %scan3A_117 iter_args(%scan3A_127 = %scan3A_91#0, %scan3A_128 = %scan3A_91#1) -> (vector<16xf32>, vector<16xf32>)  : i32 {
        %mul3A_129 = arith.constant 128 : i32
        %mul3A_130 = arith.muli %add3A_72, %mul3A_129 : i32
        %add3A_131 = arith.addi %mul3A_130, %scan3A_126 : i32
        %get3A = arith.index_cast %add3A_131 : i32 to index
        %get3A_132 = tpu.vector_load %arg10[%get3A] {strides = array<i32>} : memref<20240xf32, #tpu.memory_space<vmem>>, vector<16xf32>,
        %get3A_133 = vector.shape_cast %get3A_132 : vector<16xf32> to vector<16xf32>
        %slice3A = vector.extract_strided_slice %get3A_133 {offsets = [0], sizes = [1], strides = [1]} : vector<16xf32> to vector<1xf32>
        %squeeze3A = vector.extract %slice3A[0] : f32 from vector<1xf32>
        %broadcast_in_dim3A_134 = vector.broadcast %squeeze3A : f32 to vector<16xf32>
        %get3A_135 = arith.index_cast %scan3A_126 : i32 to index
        %get3A_136 = arith.constant 0 : index
        %get3A_137 = tpu.vector_load %arg12[%get3A_135, %get3A_136] {strides = array<i32>} : memref<128x32xf32, #tpu.memory_space<vmem>>, vector<1x16xf32>,
        %get3A_138 = vector.shape_cast %get3A_137 : vector<1x16xf32> to vector<16xf32>
        %add3A_139 = arith.addf %scan3A_127, %get3A_138 : vector<16xf32>
        %swap3A = arith.index_cast %scan3A_126 : i32 to index
        %swap3A_140 = arith.constant 0 : index
        %swap3A_141 = tpu.vector_load %arg14[%swap3A, %swap3A_140] {strides = array<i32>} : memref<128x32xf32, #tpu.memory_space<vmem>>, vector<1x16xf32>,
        %swap3A_142 = vector.shape_cast %swap3A_141 : vector<1x16xf32> to vector<16xf32>
        %swap3A_143 = vector.shape_cast %add3A_139 : vector<16xf32> to vector<1x16xf32>
        tpu.vector_store %arg14[%swap3A, %swap3A_140], %swap3A_143 {strides = array<i32>} : memref<128x32xf32, #tpu.memory_space<vmem>>, vector<1x16xf32>,
        %mul3A_144 = arith.mulf %add3A_139, %broadcast_in_dim3A_134 : vector<16xf32>
        %get3A_145 = arith.index_cast %scan3A_126 : i32 to index
        %get3A_146 = arith.constant 16 : index
        %get3A_147 = tpu.vector_load %arg12[%get3A_145, %get3A_146] {strides = array<i32>} : memref<128x32xf32, #tpu.memory_space<vmem>>, vector<1x16xf32>,
        %get3A_148 = vector.shape_cast %get3A_147 : vector<1x16xf32> to vector<16xf32>
        %add3A_149 = arith.addf %scan3A_128, %get3A_148 : vector<16xf32>
        %swap3A_150 = arith.index_cast %scan3A_126 : i32 to index
        %swap3A_151 = arith.constant 16 : index
        %swap3A_152 = tpu.vector_load %arg14[%swap3A_150, %swap3A_151] {strides = array<i32>} : memref<128x32xf32, #tpu.memory_space<vmem>>, vector<1x16xf32>,
        %swap3A_153 = vector.shape_cast %swap3A_152 : vector<1x16xf32> to vector<16xf32>
        %swap3A_154 = vector.shape_cast %add3A_149 : vector<16xf32> to vector<1x16xf32>
        tpu.vector_store %arg14[%swap3A_150, %swap3A_151], %swap3A_154 {strides = array<i32>} : memref<128x32xf32, #tpu.memory_space<vmem>>, vector<1x16xf32>,
        %mul3A_155 = arith.mulf %add3A_149, %broadcast_in_dim3A_134 : vector<16xf32>
        scf.yield %mul3A_144, %mul3A_155 : vector<16xf32>, vector<16xf32>
      }
      %scan3A_119 = arith.constant 128 : i32
      %dma_start3A_120 = arith.constant 0 : i32
      %dma_start3A_121 = tpu.memref_slice %arg9[%add3A_72, %dma_start3A_120] : memref<158x128xi32, #tpu.memory_space<vmem>> -> memref<1x128xi32, #tpu.memory_space<vmem>>
      %dma_start3A_122 = tpu.memref_squeeze %dma_start3A_121 : memref<1x128xi32, #tpu.memory_space<vmem>> -> memref<128xi32, #tpu.memory_space<vmem>>
      %dma_start3A_123 = arith.constant 0 : i32
      %dma_start3A_124 = arith.constant 0 : i32
      %dma_start3A_125 = tpu.memref_slice %arg15[%dma_start3A_123, %dma_start3A_124] : memref<10112x32xf32, #tpu.memory_space<vmem_shared>> -> memref<10112x32xf32, #tpu.memory_space<vmem_shared>>
      tpu.enqueue_indirect_dma source(%arg14 : memref<128x32xf32, #tpu.memory_space<vmem>>) target(%dma_start3A_125 : memref<10112x32xf32, #tpu.memory_space<vmem_shared>>) offsets(%dma_start3A_122 : memref<128xi32, #tpu.memory_space<vmem>>) semaphore(%arg19 : memref<!tpu.dma_semaphore, #tpu.memory_space<semaphore_mem>>) {add = true}
      scf.yield %scan3A_118#0, %scan3A_118#1 : vector<16xf32>, vector<16xf32>
    }
    %scan3A_14 = arith.constant 79 : i32
    %dma_wait3A = arith.constant 156 : i32
    %dma_wait3A_15 = arith.constant 0 : i32
    %dma_wait3A_16 = tpu.memref_slice %arg9[%dma_wait3A, %dma_wait3A_15] : memref<158x128xi32, #tpu.memory_space<vmem>> -> memref<1x128xi32, #tpu.memory_space<vmem>>
    %dma_wait3A_17 = tpu.memref_squeeze %dma_wait3A_16 : memref<1x128xi32, #tpu.memory_space<vmem>> -> memref<128xi32, #tpu.memory_space<vmem>>
    %dma_wait3A_18 = arith.constant 0 : i32
    %dma_wait3A_19 = arith.constant 0 : i32
    %dma_wait3A_20 = tpu.memref_slice %arg15[%dma_wait3A_18, %dma_wait3A_19] : memref<10112x32xf32, #tpu.memory_space<vmem_shared>> -> memref<10112x32xf32, #tpu.memory_space<vmem_shared>>
    tpu.wait_indirect_dma semaphore(%arg18 : memref<!tpu.dma_semaphore, #tpu.memory_space<semaphore_mem>>) src(%arg13 : memref<128x32xf32, #tpu.memory_space<vmem>>) dst(%dma_wait3A_20 : memref<10112x32xf32, #tpu.memory_space<vmem_shared>>)
    %dma_wait3A_21 = arith.constant 157 : i32
    %dma_wait3A_22 = arith.constant 0 : i32
    %dma_wait3A_23 = tpu.memref_slice %arg9[%dma_wait3A_21, %dma_wait3A_22] : memref<158x128xi32, #tpu.memory_space<vmem>> -> memref<1x128xi32, #tpu.memory_space<vmem>>
    %dma_wait3A_24 = tpu.memref_squeeze %dma_wait3A_23 : memref<1x128xi32, #tpu.memory_space<vmem>> -> memref<128xi32, #tpu.memory_space<vmem>>
    %dma_wait3A_25 = arith.constant 0 : i32
    %dma_wait3A_26 = arith.constant 0 : i32
    %dma_wait3A_27 = tpu.memref_slice %arg15[%dma_wait3A_25, %dma_wait3A_26] : memref<10112x32xf32, #tpu.memory_space<vmem_shared>> -> memref<10112x32xf32, #tpu.memory_space<vmem_shared>>
    tpu.wait_indirect_dma semaphore(%arg19 : memref<!tpu.dma_semaphore, #tpu.memory_space<semaphore_mem>>) src(%arg14 : memref<128x32xf32, #tpu.memory_space<vmem>>) dst(%dma_wait3A_27 : memref<10112x32xf32, #tpu.memory_space<vmem_shared>>)
    %barrier3A_28 = arith.constant 0 : index
    tpu.barrier barrier_id(%barrier3A_28)
    %run_scoped3A_29 = arith.constant 0 : i32
    "tpu.region"() ({
      %run_scoped3A_65 = tpu.sem_alloc : memref<!tpu.dma_semaphore, #tpu.memory_space<semaphore_mem>>
      %dma_start3A_66 = arith.constant 0 : i32
      %dma_start3A_67 = arith.constant 0 : i32
      %dma_start3A_68 = arith.constant 0 : i32
      %dma_start3A_69 = tpu.memref_slice %arg7[%arg0, %dma_start3A_66, %dma_start3A_67, %dma_start3A_68] : memref<2x2x10112x32xf32, #tpu.memory_space<hbm>> -> memref<1x2x10112x32xf32, #tpu.memory_space<hbm>>
      %dma_start3A_70 = tpu.memref_squeeze %dma_start3A_69 : memref<1x2x10112x32xf32, #tpu.memory_space<hbm>> -> memref<2x10112x32xf32, #tpu.memory_space<hbm>>
      %dma_start3A_71 = arith.constant 0 : i32
      %dma_start3A_72 = arith.constant 0 : i32
      %dma_start3A_73 = tpu.memref_slice %dma_start3A_70[%run_scoped3A_29, %dma_start3A_71, %dma_start3A_72] : memref<2x10112x32xf32, #tpu.memory_space<hbm>> -> memref<1x10112x32xf32, #tpu.memory_space<hbm>>
      %dma_start3A_74 = tpu.memref_squeeze %dma_start3A_73 : memref<1x10112x32xf32, #tpu.memory_space<hbm>> -> memref<10112x32xf32, #tpu.memory_space<hbm>>
      %dma_start3A_75 = arith.constant 0 : i32
      %dma_start3A_76 = tpu.memref_slice %dma_start3A_74[%mul3A_0, %dma_start3A_75] : memref<10112x32xf32, #tpu.memory_space<hbm>> -> memref<632x32xf32, #tpu.memory_space<hbm>>
      %dma_start3A_77 = arith.constant 0 : i32
      %dma_start3A_78 = tpu.memref_slice %arg15[%mul3A_0, %dma_start3A_77] : memref<10112x32xf32, #tpu.memory_space<vmem_shared>> -> memref<632x32xf32, #tpu.memory_space<vmem_shared>>
      tpu.enqueue_dma source(%dma_start3A_78 : memref<632x32xf32, #tpu.memory_space<vmem_shared>>) target(%dma_start3A_76 : memref<632x32xf32, #tpu.memory_space<hbm>>) target_semaphore(%run_scoped3A_65 : memref<!tpu.dma_semaphore, #tpu.memory_space<semaphore_mem>>)
      %dma_wait3A_79 = arith.constant 0 : i32
      %dma_wait3A_80 = arith.constant 0 : i32
      %dma_wait3A_81 = arith.constant 0 : i32
      %dma_wait3A_82 = tpu.memref_slice %arg7[%arg0, %dma_wait3A_79, %dma_wait3A_80, %dma_wait3A_81] : memref<2x2x10112x32xf32, #tpu.memory_space<hbm>> -> memref<1x2x10112x32xf32, #tpu.memory_space<hbm>>
      %dma_wait3A_83 = tpu.memref_squeeze %dma_wait3A_82 : memref<1x2x10112x32xf32, #tpu.memory_space<hbm>> -> memref<2x10112x32xf32, #tpu.memory_space<hbm>>
      %dma_wait3A_84 = arith.constant 0 : i32
      %dma_wait3A_85 = arith.constant 0 : i32
      %dma_wait3A_86 = tpu.memref_slice %dma_wait3A_83[%run_scoped3A_29, %dma_wait3A_84, %dma_wait3A_85] : memref<2x10112x32xf32, #tpu.memory_space<hbm>> -> memref<1x10112x32xf32, #tpu.memory_space<hbm>>
      %dma_wait3A_87 = tpu.memref_squeeze %dma_wait3A_86 : memref<1x10112x32xf32, #tpu.memory_space<hbm>> -> memref<10112x32xf32, #tpu.memory_space<hbm>>
      %dma_wait3A_88 = arith.constant 0 : i32
      %dma_wait3A_89 = tpu.memref_slice %dma_wait3A_87[%mul3A_0, %dma_wait3A_88] : memref<10112x32xf32, #tpu.memory_space<hbm>> -> memref<632x32xf32, #tpu.memory_space<hbm>>
      %dma_wait3A_90 = arith.constant 0 : i32
      %dma_wait3A_91 = tpu.memref_slice %arg15[%mul3A_0, %dma_wait3A_90] : memref<10112x32xf32, #tpu.memory_space<vmem_shared>> -> memref<632x32xf32, #tpu.memory_space<vmem_shared>>
      tpu.wait_dma2 semaphore(%run_scoped3A_65 : memref<!tpu.dma_semaphore, #tpu.memory_space<semaphore_mem>>) src(%dma_wait3A_91 : memref<632x32xf32, #tpu.memory_space<vmem_shared>>) dst(%dma_wait3A_89 : memref<632x32xf32, #tpu.memory_space<hbm>>)
      tpu.yield
    }) : () -> ()
    %run_scoped3A_30 = arith.constant 1 : i32
    "tpu.region"() ({
      %run_scoped3A_65 = tpu.sem_alloc : memref<!tpu.dma_semaphore, #tpu.memory_space<semaphore_mem>>
      %dma_start3A_66 = arith.constant 0 : i32
      %dma_start3A_67 = arith.constant 0 : i32
      %dma_start3A_68 = arith.constant 0 : i32
      %dma_start3A_69 = arith.constant 0 : i32
      %dma_start3A_70 = tpu.memref_slice %arg3[%arg0, %dma_start3A_66, %dma_start3A_67, %dma_start3A_68, %dma_start3A_69] : memref<2x2x16x158x128xi32, #tpu.memory_space<hbm>> -> memref<1x2x16x158x128xi32, #tpu.memory_space<hbm>>
      %dma_start3A_71 = tpu.memref_squeeze %dma_start3A_70 : memref<1x2x16x158x128xi32, #tpu.memory_space<hbm>> -> memref<2x16x158x128xi32, #tpu.memory_space<hbm>>
      %dma_start3A_72 = arith.constant 0 : i32
      %dma_start3A_73 = arith.constant 0 : i32
      %dma_start3A_74 = arith.constant 0 : i32
      %dma_start3A_75 = tpu.memref_slice %dma_start3A_71[%run_scoped3A_30, %dma_start3A_72, %dma_start3A_73, %dma_start3A_74] : memref<2x16x158x128xi32, #tpu.memory_space<hbm>> -> memref<1x16x158x128xi32, #tpu.memory_space<hbm>>
      %dma_start3A_76 = tpu.memref_squeeze %dma_start3A_75 : memref<1x16x158x128xi32, #tpu.memory_space<hbm>> -> memref<16x158x128xi32, #tpu.memory_space<hbm>>
      %dma_start3A_77 = arith.constant 0 : i32
      %dma_start3A_78 = arith.constant 0 : i32
      %dma_start3A_79 = tpu.memref_slice %dma_start3A_76[%arg1, %dma_start3A_77, %dma_start3A_78] : memref<16x158x128xi32, #tpu.memory_space<hbm>> -> memref<1x158x128xi32, #tpu.memory_space<hbm>>
      %dma_start3A_80 = tpu.memref_squeeze %dma_start3A_79 : memref<1x158x128xi32, #tpu.memory_space<hbm>> -> memref<158x128xi32, #tpu.memory_space<hbm>>
      %dma_start3A_81 = arith.constant 0 : i32
      %dma_start3A_82 = arith.constant 0 : i32
      %dma_start3A_83 = arith.constant 0 : i32
      %dma_start3A_84 = arith.constant 0 : i32
      %dma_start3A_85 = tpu.memref_slice %arg3[%arg0, %dma_start3A_81, %dma_start3A_82, %dma_start3A_83, %dma_start3A_84] : memref<2x2x16x158x128xi32, #tpu.memory_space<hbm>> -> memref<1x2x16x158x128xi32, #tpu.memory_space<hbm>>
      %dma_start3A_86 = tpu.memref_squeeze %dma_start3A_85 : memref<1x2x16x158x128xi32, #tpu.memory_space<hbm>> -> memref<2x16x158x128xi32, #tpu.memory_space<hbm>>
      %dma_start3A_87 = arith.constant 0 : i32
      %dma_start3A_88 = arith.constant 0 : i32
      %dma_start3A_89 = arith.constant 0 : i32
      %dma_start3A_90 = tpu.memref_slice %dma_start3A_86[%run_scoped3A_30, %dma_start3A_87, %dma_start3A_88, %dma_start3A_89] : memref<2x16x158x128xi32, #tpu.memory_space<hbm>> -> memref<1x16x158x128xi32, #tpu.memory_space<hbm>>
      %dma_start3A_91 = tpu.memref_squeeze %dma_start3A_90 : memref<1x16x158x128xi32, #tpu.memory_space<hbm>> -> memref<16x158x128xi32, #tpu.memory_space<hbm>>
      %dma_start3A_92 = arith.constant 0 : i32
      %dma_start3A_93 = arith.constant 0 : i32
      %dma_start3A_94 = tpu.memref_slice %dma_start3A_91[%arg1, %dma_start3A_92, %dma_start3A_93] : memref<16x158x128xi32, #tpu.memory_space<hbm>> -> memref<1x158x128xi32, #tpu.memory_space<hbm>>
      %dma_start3A_95 = tpu.memref_squeeze %dma_start3A_94 : memref<1x158x128xi32, #tpu.memory_space<hbm>> -> memref<158x128xi32, #tpu.memory_space<hbm>>
      tpu.enqueue_dma source(%dma_start3A_95 : memref<158x128xi32, #tpu.memory_space<hbm>>) target(%arg8 : memref<158x128xi32, #tpu.memory_space<vmem>>) target_semaphore(%run_scoped3A_65 : memref<!tpu.dma_semaphore, #tpu.memory_space<semaphore_mem>>)
      %dma_wait3A_96 = arith.constant 0 : i32
      %dma_wait3A_97 = arith.constant 0 : i32
      %dma_wait3A_98 = arith.constant 0 : i32
      %dma_wait3A_99 = arith.constant 0 : i32
      %dma_wait3A_100 = tpu.memref_slice %arg3[%arg0, %dma_wait3A_96, %dma_wait3A_97, %dma_wait3A_98, %dma_wait3A_99] : memref<2x2x16x158x128xi32, #tpu.memory_space<hbm>> -> memref<1x2x16x158x128xi32, #tpu.memory_space<hbm>>
      %dma_wait3A_101 = tpu.memref_squeeze %dma_wait3A_100 : memref<1x2x16x158x128xi32, #tpu.memory_space<hbm>> -> memref<2x16x158x128xi32, #tpu.memory_space<hbm>>
      %dma_wait3A_102 = arith.constant 0 : i32
      %dma_wait3A_103 = arith.constant 0 : i32
      %dma_wait3A_104 = arith.constant 0 : i32
      %dma_wait3A_105 = tpu.memref_slice %dma_wait3A_101[%run_scoped3A_30, %dma_wait3A_102, %dma_wait3A_103, %dma_wait3A_104] : memref<2x16x158x128xi32, #tpu.memory_space<hbm>> -> memref<1x16x158x128xi32, #tpu.memory_space<hbm>>
      %dma_wait3A_106 = tpu.memref_squeeze %dma_wait3A_105 : memref<1x16x158x128xi32, #tpu.memory_space<hbm>> -> memref<16x158x128xi32, #tpu.memory_space<hbm>>
      %dma_wait3A_107 = arith.constant 0 : i32
      %dma_wait3A_108 = arith.constant 0 : i32
      %dma_wait3A_109 = tpu.memref_slice %dma_wait3A_106[%arg1, %dma_wait3A_107, %dma_wait3A_108] : memref<16x158x128xi32, #tpu.memory_space<hbm>> -> memref<1x158x128xi32, #tpu.memory_space<hbm>>
      %dma_wait3A_110 = tpu.memref_squeeze %dma_wait3A_109 : memref<1x158x128xi32, #tpu.memory_space<hbm>> -> memref<158x128xi32, #tpu.memory_space<hbm>>
      %dma_wait3A_111 = arith.constant 0 : i32
      %dma_wait3A_112 = arith.constant 0 : i32
      %dma_wait3A_113 = arith.constant 0 : i32
      %dma_wait3A_114 = arith.constant 0 : i32
      %dma_wait3A_115 = tpu.memref_slice %arg3[%arg0, %dma_wait3A_111, %dma_wait3A_112, %dma_wait3A_113, %dma_wait3A_114] : memref<2x2x16x158x128xi32, #tpu.memory_space<hbm>> -> memref<1x2x16x158x128xi32, #tpu.memory_space<hbm>>
      %dma_wait3A_116 = tpu.memref_squeeze %dma_wait3A_115 : memref<1x2x16x158x128xi32, #tpu.memory_space<hbm>> -> memref<2x16x158x128xi32, #tpu.memory_space<hbm>>
      %dma_wait3A_117 = arith.constant 0 : i32
      %dma_wait3A_118 = arith.constant 0 : i32
      %dma_wait3A_119 = arith.constant 0 : i32
      %dma_wait3A_120 = tpu.memref_slice %dma_wait3A_116[%run_scoped3A_30, %dma_wait3A_117, %dma_wait3A_118, %dma_wait3A_119] : memref<2x16x158x128xi32, #tpu.memory_space<hbm>> -> memref<1x16x158x128xi32, #tpu.memory_space<hbm>>
      %dma_wait3A_121 = tpu.memref_squeeze %dma_wait3A_120 : memref<1x16x158x128xi32, #tpu.memory_space<hbm>> -> memref<16x158x128xi32, #tpu.memory_space<hbm>>
      %dma_wait3A_122 = arith.constant 0 : i32
      %dma_wait3A_123 = arith.constant 0 : i32
      %dma_wait3A_124 = tpu.memref_slice %dma_wait3A_121[%arg1, %dma_wait3A_122, %dma_wait3A_123] : memref<16x158x128xi32, #tpu.memory_space<hbm>> -> memref<1x158x128xi32, #tpu.memory_space<hbm>>
      %dma_wait3A_125 = tpu.memref_squeeze %dma_wait3A_124 : memref<1x158x128xi32, #tpu.memory_space<hbm>> -> memref<158x128xi32, #tpu.memory_space<hbm>>
      tpu.wait_dma2 semaphore(%run_scoped3A_65 : memref<!tpu.dma_semaphore, #tpu.memory_space<semaphore_mem>>) src(%dma_wait3A_125 : memref<158x128xi32, #tpu.memory_space<hbm>>) dst(%arg8 : memref<158x128xi32, #tpu.memory_space<vmem>>)
      tpu.yield
    }) : () -> ()
    "tpu.region"() ({
      %run_scoped3A_65 = tpu.sem_alloc : memref<!tpu.dma_semaphore, #tpu.memory_space<semaphore_mem>>
      %dma_start3A_66 = arith.constant 0 : i32
      %dma_start3A_67 = tpu.memref_slice %arg15[%mul3A_0, %dma_start3A_66] : memref<10112x32xf32, #tpu.memory_space<vmem_shared>> -> memref<632x32xf32, #tpu.memory_space<vmem_shared>>
      %dma_start3A_68 = arith.constant 0 : i32
      %dma_start3A_69 = tpu.memref_slice %arg6[%mul3A_0, %dma_start3A_68] : memref<10112x32xf32, #tpu.memory_space<hbm>> -> memref<632x32xf32, #tpu.memory_space<hbm>>
      tpu.enqueue_dma source(%dma_start3A_69 : memref<632x32xf32, #tpu.memory_space<hbm>>) target(%dma_start3A_67 : memref<632x32xf32, #tpu.memory_space<vmem_shared>>) target_semaphore(%run_scoped3A_65 : memref<!tpu.dma_semaphore, #tpu.memory_space<semaphore_mem>>)
      %dma_wait3A_70 = arith.constant 0 : i32
      %dma_wait3A_71 = tpu.memref_slice %arg15[%mul3A_0, %dma_wait3A_70] : memref<10112x32xf32, #tpu.memory_space<vmem_shared>> -> memref<632x32xf32, #tpu.memory_space<vmem_shared>>
      %dma_wait3A_72 = arith.constant 0 : i32
      %dma_wait3A_73 = tpu.memref_slice %arg6[%mul3A_0, %dma_wait3A_72] : memref<10112x32xf32, #tpu.memory_space<hbm>> -> memref<632x32xf32, #tpu.memory_space<hbm>>
      tpu.wait_dma2 semaphore(%run_scoped3A_65 : memref<!tpu.dma_semaphore, #tpu.memory_space<semaphore_mem>>) src(%dma_wait3A_73 : memref<632x32xf32, #tpu.memory_space<hbm>>) dst(%dma_wait3A_71 : memref<632x32xf32, #tpu.memory_space<vmem_shared>>)
      tpu.yield
    }) : () -> ()
    %barrier3A_31 = arith.constant 0 : index
    tpu.barrier barrier_id(%barrier3A_31)
    %broadcast_in_dim3A_32 = arith.constant 0.000000e+00 : f32
    %broadcast_in_dim3A_33 = vector.broadcast %broadcast_in_dim3A_32 : f32 to vector<16xf32>
    %broadcast_in_dim3A_34 = arith.constant 0.000000e+00 : f32
    %broadcast_in_dim3A_35 = vector.broadcast %broadcast_in_dim3A_34 : f32 to vector<16xf32>
    %dma_start3A_36 = arith.constant 0 : i32
    %dma_start3A_37 = arith.constant 0 : i32
    %dma_start3A_38 = tpu.memref_slice %arg8[%dma_start3A_36, %dma_start3A_37] : memref<158x128xi32, #tpu.memory_space<vmem>> -> memref<1x128xi32, #tpu.memory_space<vmem>>
    %dma_start3A_39 = tpu.memref_squeeze %dma_start3A_38 : memref<1x128xi32, #tpu.memory_space<vmem>> -> memref<128xi32, #tpu.memory_space<vmem>>
    %dma_start3A_40 = arith.constant 0 : i32
    %dma_start3A_41 = arith.constant 0 : i32
    %dma_start3A_42 = tpu.memref_slice %arg2[%dma_start3A_40, %dma_start3A_41] : memref<40000x32xf32, #tpu.memory_space<hbm>> -> memref<40000x32xf32, #tpu.memory_space<hbm>>
    tpu.enqueue_indirect_dma source(%dma_start3A_42 : memref<40000x32xf32, #tpu.memory_space<hbm>>) target(%arg11 : memref<128x32xf32, #tpu.memory_space<vmem>>) offsets(%dma_start3A_39 : memref<128xi32, #tpu.memory_space<vmem>>) semaphore(%arg16 : memref<!tpu.dma_semaphore, #tpu.memory_space<semaphore_mem>>)
    %scan3A_43 = arith.constant 0 : i32
    %scan3A_44 = arith.constant 79 : i32
    %scan3A_45 = arith.addi %scan3A_43, %scan3A_44 : i32
    %scan3A_46 = arith.constant 1 : i32
    %scan3A_47:2 = scf.for %scan3A_65 = %scan3A_43 to %scan3A_45 step %scan3A_46 iter_args(%scan3A_66 = %broadcast_in_dim3A_33, %scan3A_67 = %broadcast_in_dim3A_35) -> (vector<16xf32>, vector<16xf32>)  : i32 {
      %mul3A_68 = arith.constant 2 : i32
      %mul3A_69 = arith.muli %mul3A_68, %scan3A_65 : i32
      %mul3A_70 = arith.constant 2 : i32
      %mul3A_71 = arith.muli %mul3A_70, %scan3A_65 : i32
      %add3A = arith.constant 1 : i32
      %add3A_72 = arith.addi %mul3A_71, %add3A : i32
      %dma_start3A_73 = arith.constant 0 : i32
      %dma_start3A_74 = tpu.memref_slice %arg8[%add3A_72, %dma_start3A_73] : memref<158x128xi32, #tpu.memory_space<vmem>> -> memref<1x128xi32, #tpu.memory_space<vmem>>
      %dma_start3A_75 = tpu.memref_squeeze %dma_start3A_74 : memref<1x128xi32, #tpu.memory_space<vmem>> -> memref<128xi32, #tpu.memory_space<vmem>>
      %dma_start3A_76 = arith.constant 0 : i32
      %dma_start3A_77 = arith.constant 0 : i32
      %dma_start3A_78 = tpu.memref_slice %arg2[%dma_start3A_76, %dma_start3A_77] : memref<40000x32xf32, #tpu.memory_space<hbm>> -> memref<40000x32xf32, #tpu.memory_space<hbm>>
      tpu.enqueue_indirect_dma source(%dma_start3A_78 : memref<40000x32xf32, #tpu.memory_space<hbm>>) target(%arg12 : memref<128x32xf32, #tpu.memory_space<vmem>>) offsets(%dma_start3A_75 : memref<128xi32, #tpu.memory_space<vmem>>) semaphore(%arg17 : memref<!tpu.dma_semaphore, #tpu.memory_space<semaphore_mem>>)
      %dma_wait3A_79 = arith.constant 0 : i32
      %dma_wait3A_80 = tpu.memref_slice %arg8[%mul3A_69, %dma_wait3A_79] : memref<158x128xi32, #tpu.memory_space<vmem>> -> memref<1x128xi32, #tpu.memory_space<vmem>>
      %dma_wait3A_81 = tpu.memref_squeeze %dma_wait3A_80 : memref<1x128xi32, #tpu.memory_space<vmem>> -> memref<128xi32, #tpu.memory_space<vmem>>
      %dma_wait3A_82 = arith.constant 0 : i32
      %dma_wait3A_83 = arith.constant 0 : i32
      %dma_wait3A_84 = tpu.memref_slice %arg2[%dma_wait3A_82, %dma_wait3A_83] : memref<40000x32xf32, #tpu.memory_space<hbm>> -> memref<40000x32xf32, #tpu.memory_space<hbm>>
      tpu.wait_indirect_dma semaphore(%arg16 : memref<!tpu.dma_semaphore, #tpu.memory_space<semaphore_mem>>) src(%dma_wait3A_84 : memref<40000x32xf32, #tpu.memory_space<hbm>>) dst(%arg11 : memref<128x32xf32, #tpu.memory_space<vmem>>)
      %gt3A = arith.constant 0 : i32
      %gt3A_85 = arith.cmpi sgt, %scan3A_65, %gt3A : i32
      %convert_element_type3A = arith.extui %gt3A_85 : i1 to i32
      %cond3A = arith.constant 0 : i32
      %cond3A_86 = arith.cmpi ne, %convert_element_type3A, %cond3A : i32
      scf.if %cond3A_86 {
        %sub3A = arith.constant 2 : i32
        %sub3A_126 = arith.subi %mul3A_69, %sub3A : i32
        %dma_wait3A_127 = arith.constant 0 : i32
        %dma_wait3A_128 = tpu.memref_slice %arg9[%sub3A_126, %dma_wait3A_127] : memref<158x128xi32, #tpu.memory_space<vmem>> -> memref<1x128xi32, #tpu.memory_space<vmem>>
        %dma_wait3A_129 = tpu.memref_squeeze %dma_wait3A_128 : memref<1x128xi32, #tpu.memory_space<vmem>> -> memref<128xi32, #tpu.memory_space<vmem>>
        %dma_wait3A_130 = arith.constant 0 : i32
        %dma_wait3A_131 = arith.constant 0 : i32
        %dma_wait3A_132 = tpu.memref_slice %arg15[%dma_wait3A_130, %dma_wait3A_131] : memref<10112x32xf32, #tpu.memory_space<vmem_shared>> -> memref<10112x32xf32, #tpu.memory_space<vmem_shared>>
        tpu.wait_indirect_dma semaphore(%arg18 : memref<!tpu.dma_semaphore, #tpu.memory_space<semaphore_mem>>) src(%arg13 : memref<128x32xf32, #tpu.memory_space<vmem>>) dst(%dma_wait3A_132 : memref<10112x32xf32, #tpu.memory_space<vmem_shared>>)
      } else {
      }
      %scan3A_87 = arith.constant 0 : i32
      %scan3A_88 = arith.constant 128 : i32
      %scan3A_89 = arith.addi %scan3A_87, %scan3A_88 : i32
      %scan3A_90 = arith.constant 1 : i32
      %scan3A_91:2 = scf.for %scan3A_126 = %scan3A_87 to %scan3A_89 step %scan3A_90 iter_args(%scan3A_127 = %scan3A_66, %scan3A_128 = %scan3A_67) -> (vector<16xf32>, vector<16xf32>)  : i32 {
        %mul3A_129 = arith.constant 128 : i32
        %mul3A_130 = arith.muli %mul3A_69, %mul3A_129 : i32
        %add3A_131 = arith.addi %mul3A_130, %scan3A_126 : i32
        %get3A = arith.index_cast %add3A_131 : i32 to index
        %get3A_132 = tpu.vector_load %arg10[%get3A] {strides = array<i32>} : memref<20240xf32, #tpu.memory_space<vmem>>, vector<16xf32>,
        %get3A_133 = vector.shape_cast %get3A_132 : vector<16xf32> to vector<16xf32>
        %slice3A = vector.extract_strided_slice %get3A_133 {offsets = [0], sizes = [1], strides = [1]} : vector<16xf32> to vector<1xf32>
        %squeeze3A = vector.extract %slice3A[0] : f32 from vector<1xf32>
        %broadcast_in_dim3A_134 = vector.broadcast %squeeze3A : f32 to vector<16xf32>
        %get3A_135 = arith.index_cast %scan3A_126 : i32 to index
        %get3A_136 = arith.constant 0 : index
        %get3A_137 = tpu.vector_load %arg11[%get3A_135, %get3A_136] {strides = array<i32>} : memref<128x32xf32, #tpu.memory_space<vmem>>, vector<1x16xf32>,
        %get3A_138 = vector.shape_cast %get3A_137 : vector<1x16xf32> to vector<16xf32>
        %add3A_139 = arith.addf %scan3A_127, %get3A_138 : vector<16xf32>
        %swap3A = arith.index_cast %scan3A_126 : i32 to index
        %swap3A_140 = arith.constant 0 : index
        %swap3A_141 = tpu.vector_load %arg13[%swap3A, %swap3A_140] {strides = array<i32>} : memref<128x32xf32, #tpu.memory_space<vmem>>, vector<1x16xf32>,
        %swap3A_142 = vector.shape_cast %swap3A_141 : vector<1x16xf32> to vector<16xf32>
        %swap3A_143 = vector.shape_cast %add3A_139 : vector<16xf32> to vector<1x16xf32>
        tpu.vector_store %arg13[%swap3A, %swap3A_140], %swap3A_143 {strides = array<i32>} : memref<128x32xf32, #tpu.memory_space<vmem>>, vector<1x16xf32>,
        %mul3A_144 = arith.mulf %add3A_139, %broadcast_in_dim3A_134 : vector<16xf32>
        %get3A_145 = arith.index_cast %scan3A_126 : i32 to index
        %get3A_146 = arith.constant 16 : index
        %get3A_147 = tpu.vector_load %arg11[%get3A_145, %get3A_146] {strides = array<i32>} : memref<128x32xf32, #tpu.memory_space<vmem>>, vector<1x16xf32>,
        %get3A_148 = vector.shape_cast %get3A_147 : vector<1x16xf32> to vector<16xf32>
        %add3A_149 = arith.addf %scan3A_128, %get3A_148 : vector<16xf32>
        %swap3A_150 = arith.index_cast %scan3A_126 : i32 to index
        %swap3A_151 = arith.constant 16 : index
        %swap3A_152 = tpu.vector_load %arg13[%swap3A_150, %swap3A_151] {strides = array<i32>} : memref<128x32xf32, #tpu.memory_space<vmem>>, vector<1x16xf32>,
        %swap3A_153 = vector.shape_cast %swap3A_152 : vector<1x16xf32> to vector<16xf32>
        %swap3A_154 = vector.shape_cast %add3A_149 : vector<16xf32> to vector<1x16xf32>
        tpu.vector_store %arg13[%swap3A_150, %swap3A_151], %swap3A_154 {strides = array<i32>} : memref<128x32xf32, #tpu.memory_space<vmem>>, vector<1x16xf32>,
        %mul3A_155 = arith.mulf %add3A_149, %broadcast_in_dim3A_134 : vector<16xf32>
        scf.yield %mul3A_144, %mul3A_155 : vector<16xf32>, vector<16xf32>
      }
      %scan3A_92 = arith.constant 128 : i32
      %dma_start3A_93 = arith.constant 0 : i32
      %dma_start3A_94 = tpu.memref_slice %arg9[%mul3A_69, %dma_start3A_93] : memref<158x128xi32, #tpu.memory_space<vmem>> -> memref<1x128xi32, #tpu.memory_space<vmem>>
      %dma_start3A_95 = tpu.memref_squeeze %dma_start3A_94 : memref<1x128xi32, #tpu.memory_space<vmem>> -> memref<128xi32, #tpu.memory_space<vmem>>
      %dma_start3A_96 = arith.constant 0 : i32
      %dma_start3A_97 = arith.constant 0 : i32
      %dma_start3A_98 = tpu.memref_slice %arg15[%dma_start3A_96, %dma_start3A_97] : memref<10112x32xf32, #tpu.memory_space<vmem_shared>> -> memref<10112x32xf32, #tpu.memory_space<vmem_shared>>
      tpu.enqueue_indirect_dma source(%arg13 : memref<128x32xf32, #tpu.memory_space<vmem>>) target(%dma_start3A_98 : memref<10112x32xf32, #tpu.memory_space<vmem_shared>>) offsets(%dma_start3A_95 : memref<128xi32, #tpu.memory_space<vmem>>) semaphore(%arg18 : memref<!tpu.dma_semaphore, #tpu.memory_space<semaphore_mem>>) {add = true}
      %lt3A = arith.constant 78 : i32
      %lt3A_99 = arith.cmpi slt, %scan3A_65, %lt3A : i32
      %convert_element_type3A_100 = arith.extui %lt3A_99 : i1 to i32
      %cond3A_101 = arith.constant 0 : i32
      %cond3A_102 = arith.cmpi ne, %convert_element_type3A_100, %cond3A_101 : i32
      scf.if %cond3A_102 {
        %add3A_126 = arith.constant 1 : i32
        %add3A_127 = arith.addi %add3A_72, %add3A_126 : i32
        %dma_start3A_128 = arith.constant 0 : i32
        %dma_start3A_129 = tpu.memref_slice %arg8[%add3A_127, %dma_start3A_128] : memref<158x128xi32, #tpu.memory_space<vmem>> -> memref<1x128xi32, #tpu.memory_space<vmem>>
        %dma_start3A_130 = tpu.memref_squeeze %dma_start3A_129 : memref<1x128xi32, #tpu.memory_space<vmem>> -> memref<128xi32, #tpu.memory_space<vmem>>
        %dma_start3A_131 = arith.constant 0 : i32
        %dma_start3A_132 = arith.constant 0 : i32
        %dma_start3A_133 = tpu.memref_slice %arg2[%dma_start3A_131, %dma_start3A_132] : memref<40000x32xf32, #tpu.memory_space<hbm>> -> memref<40000x32xf32, #tpu.memory_space<hbm>>
        tpu.enqueue_indirect_dma source(%dma_start3A_133 : memref<40000x32xf32, #tpu.memory_space<hbm>>) target(%arg11 : memref<128x32xf32, #tpu.memory_space<vmem>>) offsets(%dma_start3A_130 : memref<128xi32, #tpu.memory_space<vmem>>) semaphore(%arg16 : memref<!tpu.dma_semaphore, #tpu.memory_space<semaphore_mem>>)
      } else {
      }
      %dma_wait3A_103 = arith.constant 0 : i32
      %dma_wait3A_104 = tpu.memref_slice %arg8[%add3A_72, %dma_wait3A_103] : memref<158x128xi32, #tpu.memory_space<vmem>> -> memref<1x128xi32, #tpu.memory_space<vmem>>
      %dma_wait3A_105 = tpu.memref_squeeze %dma_wait3A_104 : memref<1x128xi32, #tpu.memory_space<vmem>> -> memref<128xi32, #tpu.memory_space<vmem>>
      %dma_wait3A_106 = arith.constant 0 : i32
      %dma_wait3A_107 = arith.constant 0 : i32
      %dma_wait3A_108 = tpu.memref_slice %arg2[%dma_wait3A_106, %dma_wait3A_107] : memref<40000x32xf32, #tpu.memory_space<hbm>> -> memref<40000x32xf32, #tpu.memory_space<hbm>>
      tpu.wait_indirect_dma semaphore(%arg17 : memref<!tpu.dma_semaphore, #tpu.memory_space<semaphore_mem>>) src(%dma_wait3A_108 : memref<40000x32xf32, #tpu.memory_space<hbm>>) dst(%arg12 : memref<128x32xf32, #tpu.memory_space<vmem>>)
      %gt3A_109 = arith.constant 0 : i32
      %gt3A_110 = arith.cmpi sgt, %scan3A_65, %gt3A_109 : i32
      %convert_element_type3A_111 = arith.extui %gt3A_110 : i1 to i32
      %cond3A_112 = arith.constant 0 : i32
      %cond3A_113 = arith.cmpi ne, %convert_element_type3A_111, %cond3A_112 : i32
      scf.if %cond3A_113 {
        %sub3A = arith.constant 2 : i32
        %sub3A_126 = arith.subi %add3A_72, %sub3A : i32
        %dma_wait3A_127 = arith.constant 0 : i32
        %dma_wait3A_128 = tpu.memref_slice %arg9[%sub3A_126, %dma_wait3A_127] : memref<158x128xi32, #tpu.memory_space<vmem>> -> memref<1x128xi32, #tpu.memory_space<vmem>>
        %dma_wait3A_129 = tpu.memref_squeeze %dma_wait3A_128 : memref<1x128xi32, #tpu.memory_space<vmem>> -> memref<128xi32, #tpu.memory_space<vmem>>
        %dma_wait3A_130 = arith.constant 0 : i32
        %dma_wait3A_131 = arith.constant 0 : i32
        %dma_wait3A_132 = tpu.memref_slice %arg15[%dma_wait3A_130, %dma_wait3A_131] : memref<10112x32xf32, #tpu.memory_space<vmem_shared>> -> memref<10112x32xf32, #tpu.memory_space<vmem_shared>>
        tpu.wait_indirect_dma semaphore(%arg19 : memref<!tpu.dma_semaphore, #tpu.memory_space<semaphore_mem>>) src(%arg14 : memref<128x32xf32, #tpu.memory_space<vmem>>) dst(%dma_wait3A_132 : memref<10112x32xf32, #tpu.memory_space<vmem_shared>>)
      } else {
      }
      %scan3A_114 = arith.constant 0 : i32
      %scan3A_115 = arith.constant 128 : i32
      %scan3A_116 = arith.addi %scan3A_114, %scan3A_115 : i32
      %scan3A_117 = arith.constant 1 : i32
      %scan3A_118:2 = scf.for %scan3A_126 = %scan3A_114 to %scan3A_116 step %scan3A_117 iter_args(%scan3A_127 = %scan3A_91#0, %scan3A_128 = %scan3A_91#1) -> (vector<16xf32>, vector<16xf32>)  : i32 {
        %mul3A_129 = arith.constant 128 : i32
        %mul3A_130 = arith.muli %add3A_72, %mul3A_129 : i32
        %add3A_131 = arith.addi %mul3A_130, %scan3A_126 : i32
        %get3A = arith.index_cast %add3A_131 : i32 to index
        %get3A_132 = tpu.vector_load %arg10[%get3A] {strides = array<i32>} : memref<20240xf32, #tpu.memory_space<vmem>>, vector<16xf32>,
        %get3A_133 = vector.shape_cast %get3A_132 : vector<16xf32> to vector<16xf32>
        %slice3A = vector.extract_strided_slice %get3A_133 {offsets = [0], sizes = [1], strides = [1]} : vector<16xf32> to vector<1xf32>
        %squeeze3A = vector.extract %slice3A[0] : f32 from vector<1xf32>
        %broadcast_in_dim3A_134 = vector.broadcast %squeeze3A : f32 to vector<16xf32>
        %get3A_135 = arith.index_cast %scan3A_126 : i32 to index
        %get3A_136 = arith.constant 0 : index
        %get3A_137 = tpu.vector_load %arg12[%get3A_135, %get3A_136] {strides = array<i32>} : memref<128x32xf32, #tpu.memory_space<vmem>>, vector<1x16xf32>,
        %get3A_138 = vector.shape_cast %get3A_137 : vector<1x16xf32> to vector<16xf32>
        %add3A_139 = arith.addf %scan3A_127, %get3A_138 : vector<16xf32>
        %swap3A = arith.index_cast %scan3A_126 : i32 to index
        %swap3A_140 = arith.constant 0 : index
        %swap3A_141 = tpu.vector_load %arg14[%swap3A, %swap3A_140] {strides = array<i32>} : memref<128x32xf32, #tpu.memory_space<vmem>>, vector<1x16xf32>,
        %swap3A_142 = vector.shape_cast %swap3A_141 : vector<1x16xf32> to vector<16xf32>
        %swap3A_143 = vector.shape_cast %add3A_139 : vector<16xf32> to vector<1x16xf32>
        tpu.vector_store %arg14[%swap3A, %swap3A_140], %swap3A_143 {strides = array<i32>} : memref<128x32xf32, #tpu.memory_space<vmem>>, vector<1x16xf32>,
        %mul3A_144 = arith.mulf %add3A_139, %broadcast_in_dim3A_134 : vector<16xf32>
        %get3A_145 = arith.index_cast %scan3A_126 : i32 to index
        %get3A_146 = arith.constant 16 : index
        %get3A_147 = tpu.vector_load %arg12[%get3A_145, %get3A_146] {strides = array<i32>} : memref<128x32xf32, #tpu.memory_space<vmem>>, vector<1x16xf32>,
        %get3A_148 = vector.shape_cast %get3A_147 : vector<1x16xf32> to vector<16xf32>
        %add3A_149 = arith.addf %scan3A_128, %get3A_148 : vector<16xf32>
        %swap3A_150 = arith.index_cast %scan3A_126 : i32 to index
        %swap3A_151 = arith.constant 16 : index
        %swap3A_152 = tpu.vector_load %arg14[%swap3A_150, %swap3A_151] {strides = array<i32>} : memref<128x32xf32, #tpu.memory_space<vmem>>, vector<1x16xf32>,
        %swap3A_153 = vector.shape_cast %swap3A_152 : vector<1x16xf32> to vector<16xf32>
        %swap3A_154 = vector.shape_cast %add3A_149 : vector<16xf32> to vector<1x16xf32>
        tpu.vector_store %arg14[%swap3A_150, %swap3A_151], %swap3A_154 {strides = array<i32>} : memref<128x32xf32, #tpu.memory_space<vmem>>, vector<1x16xf32>,
        %mul3A_155 = arith.mulf %add3A_149, %broadcast_in_dim3A_134 : vector<16xf32>
        scf.yield %mul3A_144, %mul3A_155 : vector<16xf32>, vector<16xf32>
      }
      %scan3A_119 = arith.constant 128 : i32
      %dma_start3A_120 = arith.constant 0 : i32
      %dma_start3A_121 = tpu.memref_slice %arg9[%add3A_72, %dma_start3A_120] : memref<158x128xi32, #tpu.memory_space<vmem>> -> memref<1x128xi32, #tpu.memory_space<vmem>>
      %dma_start3A_122 = tpu.memref_squeeze %dma_start3A_121 : memref<1x128xi32, #tpu.memory_space<vmem>> -> memref<128xi32, #tpu.memory_space<vmem>>
      %dma_start3A_123 = arith.constant 0 : i32
      %dma_start3A_124 = arith.constant 0 : i32
      %dma_start3A_125 = tpu.memref_slice %arg15[%dma_start3A_123, %dma_start3A_124] : memref<10112x32xf32, #tpu.memory_space<vmem_shared>> -> memref<10112x32xf32, #tpu.memory_space<vmem_shared>>
      tpu.enqueue_indirect_dma source(%arg14 : memref<128x32xf32, #tpu.memory_space<vmem>>) target(%dma_start3A_125 : memref<10112x32xf32, #tpu.memory_space<vmem_shared>>) offsets(%dma_start3A_122 : memref<128xi32, #tpu.memory_space<vmem>>) semaphore(%arg19 : memref<!tpu.dma_semaphore, #tpu.memory_space<semaphore_mem>>) {add = true}
      scf.yield %scan3A_118#0, %scan3A_118#1 : vector<16xf32>, vector<16xf32>
    }
    %scan3A_48 = arith.constant 79 : i32
    %dma_wait3A_49 = arith.constant 156 : i32
    %dma_wait3A_50 = arith.constant 0 : i32
    %dma_wait3A_51 = tpu.memref_slice %arg9[%dma_wait3A_49, %dma_wait3A_50] : memref<158x128xi32, #tpu.memory_space<vmem>> -> memref<1x128xi32, #tpu.memory_space<vmem>>
    %dma_wait3A_52 = tpu.memref_squeeze %dma_wait3A_51 : memref<1x128xi32, #tpu.memory_space<vmem>> -> memref<128xi32, #tpu.memory_space<vmem>>
    %dma_wait3A_53 = arith.constant 0 : i32
    %dma_wait3A_54 = arith.constant 0 : i32
    %dma_wait3A_55 = tpu.memref_slice %arg15[%dma_wait3A_53, %dma_wait3A_54] : memref<10112x32xf32, #tpu.memory_space<vmem_shared>> -> memref<10112x32xf32, #tpu.memory_space<vmem_shared>>
    tpu.wait_indirect_dma semaphore(%arg18 : memref<!tpu.dma_semaphore, #tpu.memory_space<semaphore_mem>>) src(%arg13 : memref<128x32xf32, #tpu.memory_space<vmem>>) dst(%dma_wait3A_55 : memref<10112x32xf32, #tpu.memory_space<vmem_shared>>)
    %dma_wait3A_56 = arith.constant 157 : i32
    %dma_wait3A_57 = arith.constant 0 : i32
    %dma_wait3A_58 = tpu.memref_slice %arg9[%dma_wait3A_56, %dma_wait3A_57] : memref<158x128xi32, #tpu.memory_space<vmem>> -> memref<1x128xi32, #tpu.memory_space<vmem>>
    %dma_wait3A_59 = tpu.memref_squeeze %dma_wait3A_58 : memref<1x128xi32, #tpu.memory_space<vmem>> -> memref<128xi32, #tpu.memory_space<vmem>>
    %dma_wait3A_60 = arith.constant 0 : i32
    %dma_wait3A_61 = arith.constant 0 : i32
    %dma_wait3A_62 = tpu.memref_slice %arg15[%dma_wait3A_60, %dma_wait3A_61] : memref<10112x32xf32, #tpu.memory_space<vmem_shared>> -> memref<10112x32xf32, #tpu.memory_space<vmem_shared>>
    tpu.wait_indirect_dma semaphore(%arg19 : memref<!tpu.dma_semaphore, #tpu.memory_space<semaphore_mem>>) src(%arg14 : memref<128x32xf32, #tpu.memory_space<vmem>>) dst(%dma_wait3A_62 : memref<10112x32xf32, #tpu.memory_space<vmem_shared>>)
    %barrier3A_63 = arith.constant 0 : index
    tpu.barrier barrier_id(%barrier3A_63)
    %run_scoped3A_64 = arith.constant 1 : i32
    "tpu.region"() ({
      %run_scoped3A_65 = tpu.sem_alloc : memref<!tpu.dma_semaphore, #tpu.memory_space<semaphore_mem>>
      %dma_start3A_66 = arith.constant 0 : i32
      %dma_start3A_67 = arith.constant 0 : i32
      %dma_start3A_68 = arith.constant 0 : i32
      %dma_start3A_69 = tpu.memref_slice %arg7[%arg0, %dma_start3A_66, %dma_start3A_67, %dma_start3A_68] : memref<2x2x10112x32xf32, #tpu.memory_space<hbm>> -> memref<1x2x10112x32xf32, #tpu.memory_space<hbm>>
      %dma_start3A_70 = tpu.memref_squeeze %dma_start3A_69 : memref<1x2x10112x32xf32, #tpu.memory_space<hbm>> -> memref<2x10112x32xf32, #tpu.memory_space<hbm>>
      %dma_start3A_71 = arith.constant 0 : i32
      %dma_start3A_72 = arith.constant 0 : i32
      %dma_start3A_73 = tpu.memref_slice %dma_start3A_70[%run_scoped3A_64, %dma_start3A_71, %dma_start3A_72] : memref<2x10112x32xf32, #tpu.memory_space<hbm>> -> memref<1x10112x32xf32, #tpu.memory_space<hbm>>
      %dma_start3A_74 = tpu.memref_squeeze %dma_start3A_73 : memref<1x10112x32xf32, #tpu.memory_space<hbm>> -> memref<10112x32xf32, #tpu.memory_space<hbm>>
      %dma_start3A_75 = arith.constant 0 : i32
      %dma_start3A_76 = tpu.memref_slice %dma_start3A_74[%mul3A_0, %dma_start3A_75] : memref<10112x32xf32, #tpu.memory_space<hbm>> -> memref<632x32xf32, #tpu.memory_space<hbm>>
      %dma_start3A_77 = arith.constant 0 : i32
      %dma_start3A_78 = tpu.memref_slice %arg15[%mul3A_0, %dma_start3A_77] : memref<10112x32xf32, #tpu.memory_space<vmem_shared>> -> memref<632x32xf32, #tpu.memory_space<vmem_shared>>
      tpu.enqueue_dma source(%dma_start3A_78 : memref<632x32xf32, #tpu.memory_space<vmem_shared>>) target(%dma_start3A_76 : memref<632x32xf32, #tpu.memory_space<hbm>>) target_semaphore(%run_scoped3A_65 : memref<!tpu.dma_semaphore, #tpu.memory_space<semaphore_mem>>)
      %dma_wait3A_79 = arith.constant 0 : i32
      %dma_wait3A_80 = arith.constant 0 : i32
      %dma_wait3A_81 = arith.constant 0 : i32
      %dma_wait3A_82 = tpu.memref_slice %arg7[%arg0, %dma_wait3A_79, %dma_wait3A_80, %dma_wait3A_81] : memref<2x2x10112x32xf32, #tpu.memory_space<hbm>> -> memref<1x2x10112x32xf32, #tpu.memory_space<hbm>>
      %dma_wait3A_83 = tpu.memref_squeeze %dma_wait3A_82 : memref<1x2x10112x32xf32, #tpu.memory_space<hbm>> -> memref<2x10112x32xf32, #tpu.memory_space<hbm>>
      %dma_wait3A_84 = arith.constant 0 : i32
      %dma_wait3A_85 = arith.constant 0 : i32
      %dma_wait3A_86 = tpu.memref_slice %dma_wait3A_83[%run_scoped3A_64, %dma_wait3A_84, %dma_wait3A_85] : memref<2x10112x32xf32, #tpu.memory_space<hbm>> -> memref<1x10112x32xf32, #tpu.memory_space<hbm>>
      %dma_wait3A_87 = tpu.memref_squeeze %dma_wait3A_86 : memref<1x10112x32xf32, #tpu.memory_space<hbm>> -> memref<10112x32xf32, #tpu.memory_space<hbm>>
      %dma_wait3A_88 = arith.constant 0 : i32
      %dma_wait3A_89 = tpu.memref_slice %dma_wait3A_87[%mul3A_0, %dma_wait3A_88] : memref<10112x32xf32, #tpu.memory_space<hbm>> -> memref<632x32xf32, #tpu.memory_space<hbm>>
      %dma_wait3A_90 = arith.constant 0 : i32
      %dma_wait3A_91 = tpu.memref_slice %arg15[%mul3A_0, %dma_wait3A_90] : memref<10112x32xf32, #tpu.memory_space<vmem_shared>> -> memref<632x32xf32, #tpu.memory_space<vmem_shared>>
      tpu.wait_dma2 semaphore(%run_scoped3A_65 : memref<!tpu.dma_semaphore, #tpu.memory_space<semaphore_mem>>) src(%dma_wait3A_91 : memref<632x32xf32, #tpu.memory_space<vmem_shared>>) dst(%dma_wait3A_89 : memref<632x32xf32, #tpu.memory_space<hbm>>)
      tpu.yield
    }) : () -> ()
    return
  }
}

module attributes {stable_mosaic.version = 14 : i64} {
  func.func @body(%arg0: memref<10000x128xf32, #tpu.memory_space<vmem>>, %arg1: memref<2x2x10112x32xf32, #tpu.memory_space<vmem>>, %arg2: memref<128x64xf32, #tpu.memory_space<vmem>>, %arg3: memref<1x64xf32, #tpu.memory_space<vmem>>, %arg4: memref<64x64xf32, #tpu.memory_space<vmem>>, %arg5: memref<1x64xf32, #tpu.memory_space<vmem>>, %arg6: memref<1x64xf32, #tpu.memory_space<vmem>>, %arg7: memref<1x64xf32, #tpu.memory_space<vmem>>, %arg8: memref<1xf32, #tpu.memory_space<smem>>, %arg9: memref<10000x64xf32, #tpu.memory_space<vmem>>) attributes {dimension_semantics = [], scalar_prefetch = 0 : i64, scratch_operands = 0 : i64, tpu.core_type = #tpu.core_type<tc>} {
    %get3A = arith.constant 0 : index
    %get3A_0 = arith.constant 0 : index
    %get3A_1 = arith.constant 0 : index
    %get3A_2 = arith.constant 0 : index
    %get3A_3 = vector.load %arg1[%get3A, %get3A_0, %get3A_1, %get3A_2] : memref<2x2x10112x32xf32, #tpu.memory_space<vmem>>, vector<1x1x10000x32xf32>
    %get3A_4 = vector.shape_cast %get3A_3 : vector<1x1x10000x32xf32> to vector<10000x32xf32>
    %get3A_5 = arith.constant 0 : index
    %get3A_6 = arith.constant 1 : index
    %get3A_7 = arith.constant 0 : index
    %get3A_8 = arith.constant 0 : index
    %get3A_9 = vector.load %arg1[%get3A_5, %get3A_6, %get3A_7, %get3A_8] : memref<2x2x10112x32xf32, #tpu.memory_space<vmem>>, vector<1x1x10000x32xf32>
    %get3A_10 = vector.shape_cast %get3A_9 : vector<1x1x10000x32xf32> to vector<10000x32xf32>
    %get3A_11 = arith.constant 1 : index
    %get3A_12 = arith.constant 0 : index
    %get3A_13 = arith.constant 0 : index
    %get3A_14 = arith.constant 0 : index
    %get3A_15 = vector.load %arg1[%get3A_11, %get3A_12, %get3A_13, %get3A_14] : memref<2x2x10112x32xf32, #tpu.memory_space<vmem>>, vector<1x1x10000x32xf32>
    %get3A_16 = vector.shape_cast %get3A_15 : vector<1x1x10000x32xf32> to vector<10000x32xf32>
    %get3A_17 = arith.constant 1 : index
    %get3A_18 = arith.constant 1 : index
    %get3A_19 = arith.constant 0 : index
    %get3A_20 = arith.constant 0 : index
    %get3A_21 = vector.load %arg1[%get3A_17, %get3A_18, %get3A_19, %get3A_20] : memref<2x2x10112x32xf32, #tpu.memory_space<vmem>>, vector<1x1x10000x32xf32>
    %get3A_22 = vector.shape_cast %get3A_21 : vector<1x1x10000x32xf32> to vector<10000x32xf32>
    %concatenate3A = tpu.concatenate %get3A_4, %get3A_10, %get3A_16, %get3A_22 in 1 : vector<10000x32xf32>, vector<10000x32xf32>, vector<10000x32xf32>, vector<10000x32xf32> -> vector<10000x128xf32>
    %get3A_23 = arith.constant 0 : index
    %get3A_24 = memref.load %arg8[%get3A_23] : memref<1xf32, #tpu.memory_space<smem>>
    %add3A = arith.constant 1.000000e+00 : f32
    %add3A_25 = arith.addf %add3A, %get3A_24 : f32
    %get3A_26 = arith.constant 0 : index
    %get3A_27 = arith.constant 0 : index
    %get3A_28 = vector.load %arg0[%get3A_26, %get3A_27] : memref<10000x128xf32, #tpu.memory_space<vmem>>, vector<10000x128xf32>
    %mul3A = vector.broadcast %add3A_25 : f32 to vector<10000x128xf32>
    %mul3A_29 = arith.mulf %mul3A, %get3A_28 : vector<10000x128xf32>
    %add3A_30 = arith.addf %mul3A_29, %concatenate3A : vector<10000x128xf32>
    %get3A_31 = arith.constant 0 : index
    %get3A_32 = arith.constant 0 : index
    %get3A_33 = vector.load %arg2[%get3A_31, %get3A_32] : memref<128x64xf32, #tpu.memory_space<vmem>>, vector<128x64xf32>
    %dot_general3A = arith.constant dense<0.000000e+00> : vector<10000x64xf32>
    %dot_general3A_34 = tpu.matmul %add3A_30, %get3A_33, %dot_general3A {dimension_numbers = #tpu.dot_dimension_numbers<[1], [0], [0], [1], [0, 0, 1, 1], [], []>, transpose_lhs_hint = false} : vector<10000x128xf32>, vector<128x64xf32>, vector<10000x64xf32> -> vector<10000x64xf32>
    %get3A_35 = arith.constant 0 : index
    %get3A_36 = arith.constant 0 : index
    %get3A_37 = vector.load %arg3[%get3A_35, %get3A_36] : memref<1x64xf32, #tpu.memory_space<vmem>>, vector<1x64xf32>
    %add3A_38 = vector.broadcast %get3A_37 : vector<1x64xf32> to vector<10000x64xf32>
    %add3A_39 = arith.addf %dot_general3A_34, %add3A_38 : vector<10000x64xf32>
    %max3A = arith.constant 0.000000e+00 : f32
    %max3A_40 = vector.broadcast %max3A : f32 to vector<10000x64xf32>
    %max3A_41 = arith.maximumf %add3A_39, %max3A_40 : vector<10000x64xf32>
    %get3A_42 = arith.constant 0 : index
    %get3A_43 = arith.constant 0 : index
    %get3A_44 = vector.load %arg4[%get3A_42, %get3A_43] : memref<64x64xf32, #tpu.memory_space<vmem>>, vector<64x64xf32>
    %dot_general3A_45 = arith.constant dense<0.000000e+00> : vector<10000x64xf32>
    %dot_general3A_46 = tpu.matmul %max3A_41, %get3A_44, %dot_general3A_45 {dimension_numbers = #tpu.dot_dimension_numbers<[1], [0], [0], [1], [0, 0, 1, 1], [], []>, transpose_lhs_hint = false} : vector<10000x64xf32>, vector<64x64xf32>, vector<10000x64xf32> -> vector<10000x64xf32>
    %get3A_47 = arith.constant 0 : index
    %get3A_48 = arith.constant 0 : index
    %get3A_49 = vector.load %arg5[%get3A_47, %get3A_48] : memref<1x64xf32, #tpu.memory_space<vmem>>, vector<1x64xf32>
    %add3A_50 = vector.broadcast %get3A_49 : vector<1x64xf32> to vector<10000x64xf32>
    %add3A_51 = arith.addf %dot_general3A_46, %add3A_50 : vector<10000x64xf32>
    %max3A_52 = arith.constant 0.000000e+00 : f32
    %max3A_53 = vector.broadcast %max3A_52 : f32 to vector<10000x64xf32>
    %max3A_54 = arith.maximumf %add3A_51, %max3A_53 : vector<10000x64xf32>
    %slice3A = vector.extract_strided_slice %max3A_54 {offsets = [0, 0], sizes = [128, 64], strides = [1, 1]} : vector<10000x64xf32> to vector<128x64xf32>
    %slice3A_55 = vector.extract_strided_slice %max3A_54 {offsets = [128, 0], sizes = [128, 64], strides = [1, 1]} : vector<10000x64xf32> to vector<128x64xf32>
    %add3A_56 = arith.addf %slice3A, %slice3A_55 : vector<128x64xf32>
    %slice3A_57 = vector.extract_strided_slice %max3A_54 {offsets = [256, 0], sizes = [128, 64], strides = [1, 1]} : vector<10000x64xf32> to vector<128x64xf32>
    %add3A_58 = arith.addf %add3A_56, %slice3A_57 : vector<128x64xf32>
    %slice3A_59 = vector.extract_strided_slice %max3A_54 {offsets = [384, 0], sizes = [128, 64], strides = [1, 1]} : vector<10000x64xf32> to vector<128x64xf32>
    %add3A_60 = arith.addf %add3A_58, %slice3A_59 : vector<128x64xf32>
    %slice3A_61 = vector.extract_strided_slice %max3A_54 {offsets = [512, 0], sizes = [128, 64], strides = [1, 1]} : vector<10000x64xf32> to vector<128x64xf32>
    %add3A_62 = arith.addf %add3A_60, %slice3A_61 : vector<128x64xf32>
    %slice3A_63 = vector.extract_strided_slice %max3A_54 {offsets = [640, 0], sizes = [128, 64], strides = [1, 1]} : vector<10000x64xf32> to vector<128x64xf32>
    %add3A_64 = arith.addf %add3A_62, %slice3A_63 : vector<128x64xf32>
    %slice3A_65 = vector.extract_strided_slice %max3A_54 {offsets = [768, 0], sizes = [128, 64], strides = [1, 1]} : vector<10000x64xf32> to vector<128x64xf32>
    %add3A_66 = arith.addf %add3A_64, %slice3A_65 : vector<128x64xf32>
    %slice3A_67 = vector.extract_strided_slice %max3A_54 {offsets = [896, 0], sizes = [128, 64], strides = [1, 1]} : vector<10000x64xf32> to vector<128x64xf32>
    %add3A_68 = arith.addf %add3A_66, %slice3A_67 : vector<128x64xf32>
    %slice3A_69 = vector.extract_strided_slice %max3A_54 {offsets = [1024, 0], sizes = [128, 64], strides = [1, 1]} : vector<10000x64xf32> to vector<128x64xf32>
    %add3A_70 = arith.addf %add3A_68, %slice3A_69 : vector<128x64xf32>
    %slice3A_71 = vector.extract_strided_slice %max3A_54 {offsets = [1152, 0], sizes = [128, 64], strides = [1, 1]} : vector<10000x64xf32> to vector<128x64xf32>
    %add3A_72 = arith.addf %add3A_70, %slice3A_71 : vector<128x64xf32>
    %slice3A_73 = vector.extract_strided_slice %max3A_54 {offsets = [1280, 0], sizes = [128, 64], strides = [1, 1]} : vector<10000x64xf32> to vector<128x64xf32>
    %add3A_74 = arith.addf %add3A_72, %slice3A_73 : vector<128x64xf32>
    %slice3A_75 = vector.extract_strided_slice %max3A_54 {offsets = [1408, 0], sizes = [128, 64], strides = [1, 1]} : vector<10000x64xf32> to vector<128x64xf32>
    %add3A_76 = arith.addf %add3A_74, %slice3A_75 : vector<128x64xf32>
    %slice3A_77 = vector.extract_strided_slice %max3A_54 {offsets = [1536, 0], sizes = [128, 64], strides = [1, 1]} : vector<10000x64xf32> to vector<128x64xf32>
    %add3A_78 = arith.addf %add3A_76, %slice3A_77 : vector<128x64xf32>
    %slice3A_79 = vector.extract_strided_slice %max3A_54 {offsets = [1664, 0], sizes = [128, 64], strides = [1, 1]} : vector<10000x64xf32> to vector<128x64xf32>
    %add3A_80 = arith.addf %add3A_78, %slice3A_79 : vector<128x64xf32>
    %slice3A_81 = vector.extract_strided_slice %max3A_54 {offsets = [1792, 0], sizes = [128, 64], strides = [1, 1]} : vector<10000x64xf32> to vector<128x64xf32>
    %add3A_82 = arith.addf %add3A_80, %slice3A_81 : vector<128x64xf32>
    %slice3A_83 = vector.extract_strided_slice %max3A_54 {offsets = [1920, 0], sizes = [128, 64], strides = [1, 1]} : vector<10000x64xf32> to vector<128x64xf32>
    %add3A_84 = arith.addf %add3A_82, %slice3A_83 : vector<128x64xf32>
    %slice3A_85 = vector.extract_strided_slice %max3A_54 {offsets = [2048, 0], sizes = [128, 64], strides = [1, 1]} : vector<10000x64xf32> to vector<128x64xf32>
    %add3A_86 = arith.addf %add3A_84, %slice3A_85 : vector<128x64xf32>
    %slice3A_87 = vector.extract_strided_slice %max3A_54 {offsets = [2176, 0], sizes = [128, 64], strides = [1, 1]} : vector<10000x64xf32> to vector<128x64xf32>
    %add3A_88 = arith.addf %add3A_86, %slice3A_87 : vector<128x64xf32>
    %slice3A_89 = vector.extract_strided_slice %max3A_54 {offsets = [2304, 0], sizes = [128, 64], strides = [1, 1]} : vector<10000x64xf32> to vector<128x64xf32>
    %add3A_90 = arith.addf %add3A_88, %slice3A_89 : vector<128x64xf32>
    %slice3A_91 = vector.extract_strided_slice %max3A_54 {offsets = [2432, 0], sizes = [128, 64], strides = [1, 1]} : vector<10000x64xf32> to vector<128x64xf32>
    %add3A_92 = arith.addf %add3A_90, %slice3A_91 : vector<128x64xf32>
    %slice3A_93 = vector.extract_strided_slice %max3A_54 {offsets = [2560, 0], sizes = [128, 64], strides = [1, 1]} : vector<10000x64xf32> to vector<128x64xf32>
    %add3A_94 = arith.addf %add3A_92, %slice3A_93 : vector<128x64xf32>
    %slice3A_95 = vector.extract_strided_slice %max3A_54 {offsets = [2688, 0], sizes = [128, 64], strides = [1, 1]} : vector<10000x64xf32> to vector<128x64xf32>
    %add3A_96 = arith.addf %add3A_94, %slice3A_95 : vector<128x64xf32>
    %slice3A_97 = vector.extract_strided_slice %max3A_54 {offsets = [2816, 0], sizes = [128, 64], strides = [1, 1]} : vector<10000x64xf32> to vector<128x64xf32>
    %add3A_98 = arith.addf %add3A_96, %slice3A_97 : vector<128x64xf32>
    %slice3A_99 = vector.extract_strided_slice %max3A_54 {offsets = [2944, 0], sizes = [128, 64], strides = [1, 1]} : vector<10000x64xf32> to vector<128x64xf32>
    %add3A_100 = arith.addf %add3A_98, %slice3A_99 : vector<128x64xf32>
    %slice3A_101 = vector.extract_strided_slice %max3A_54 {offsets = [3072, 0], sizes = [128, 64], strides = [1, 1]} : vector<10000x64xf32> to vector<128x64xf32>
    %add3A_102 = arith.addf %add3A_100, %slice3A_101 : vector<128x64xf32>
    %slice3A_103 = vector.extract_strided_slice %max3A_54 {offsets = [3200, 0], sizes = [128, 64], strides = [1, 1]} : vector<10000x64xf32> to vector<128x64xf32>
    %add3A_104 = arith.addf %add3A_102, %slice3A_103 : vector<128x64xf32>
    %slice3A_105 = vector.extract_strided_slice %max3A_54 {offsets = [3328, 0], sizes = [128, 64], strides = [1, 1]} : vector<10000x64xf32> to vector<128x64xf32>
    %add3A_106 = arith.addf %add3A_104, %slice3A_105 : vector<128x64xf32>
    %slice3A_107 = vector.extract_strided_slice %max3A_54 {offsets = [3456, 0], sizes = [128, 64], strides = [1, 1]} : vector<10000x64xf32> to vector<128x64xf32>
    %add3A_108 = arith.addf %add3A_106, %slice3A_107 : vector<128x64xf32>
    %slice3A_109 = vector.extract_strided_slice %max3A_54 {offsets = [3584, 0], sizes = [128, 64], strides = [1, 1]} : vector<10000x64xf32> to vector<128x64xf32>
    %add3A_110 = arith.addf %add3A_108, %slice3A_109 : vector<128x64xf32>
    %slice3A_111 = vector.extract_strided_slice %max3A_54 {offsets = [3712, 0], sizes = [128, 64], strides = [1, 1]} : vector<10000x64xf32> to vector<128x64xf32>
    %add3A_112 = arith.addf %add3A_110, %slice3A_111 : vector<128x64xf32>
    %slice3A_113 = vector.extract_strided_slice %max3A_54 {offsets = [3840, 0], sizes = [128, 64], strides = [1, 1]} : vector<10000x64xf32> to vector<128x64xf32>
    %add3A_114 = arith.addf %add3A_112, %slice3A_113 : vector<128x64xf32>
    %slice3A_115 = vector.extract_strided_slice %max3A_54 {offsets = [3968, 0], sizes = [128, 64], strides = [1, 1]} : vector<10000x64xf32> to vector<128x64xf32>
    %add3A_116 = arith.addf %add3A_114, %slice3A_115 : vector<128x64xf32>
    %slice3A_117 = vector.extract_strided_slice %max3A_54 {offsets = [4096, 0], sizes = [128, 64], strides = [1, 1]} : vector<10000x64xf32> to vector<128x64xf32>
    %add3A_118 = arith.addf %add3A_116, %slice3A_117 : vector<128x64xf32>
    %slice3A_119 = vector.extract_strided_slice %max3A_54 {offsets = [4224, 0], sizes = [128, 64], strides = [1, 1]} : vector<10000x64xf32> to vector<128x64xf32>
    %add3A_120 = arith.addf %add3A_118, %slice3A_119 : vector<128x64xf32>
    %slice3A_121 = vector.extract_strided_slice %max3A_54 {offsets = [4352, 0], sizes = [128, 64], strides = [1, 1]} : vector<10000x64xf32> to vector<128x64xf32>
    %add3A_122 = arith.addf %add3A_120, %slice3A_121 : vector<128x64xf32>
    %slice3A_123 = vector.extract_strided_slice %max3A_54 {offsets = [4480, 0], sizes = [128, 64], strides = [1, 1]} : vector<10000x64xf32> to vector<128x64xf32>
    %add3A_124 = arith.addf %add3A_122, %slice3A_123 : vector<128x64xf32>
    %slice3A_125 = vector.extract_strided_slice %max3A_54 {offsets = [4608, 0], sizes = [128, 64], strides = [1, 1]} : vector<10000x64xf32> to vector<128x64xf32>
    %add3A_126 = arith.addf %add3A_124, %slice3A_125 : vector<128x64xf32>
    %slice3A_127 = vector.extract_strided_slice %max3A_54 {offsets = [4736, 0], sizes = [128, 64], strides = [1, 1]} : vector<10000x64xf32> to vector<128x64xf32>
    %add3A_128 = arith.addf %add3A_126, %slice3A_127 : vector<128x64xf32>
    %slice3A_129 = vector.extract_strided_slice %max3A_54 {offsets = [4864, 0], sizes = [128, 64], strides = [1, 1]} : vector<10000x64xf32> to vector<128x64xf32>
    %add3A_130 = arith.addf %add3A_128, %slice3A_129 : vector<128x64xf32>
    %slice3A_131 = vector.extract_strided_slice %max3A_54 {offsets = [4992, 0], sizes = [128, 64], strides = [1, 1]} : vector<10000x64xf32> to vector<128x64xf32>
    %add3A_132 = arith.addf %add3A_130, %slice3A_131 : vector<128x64xf32>
    %slice3A_133 = vector.extract_strided_slice %max3A_54 {offsets = [5120, 0], sizes = [128, 64], strides = [1, 1]} : vector<10000x64xf32> to vector<128x64xf32>
    %add3A_134 = arith.addf %add3A_132, %slice3A_133 : vector<128x64xf32>
    %slice3A_135 = vector.extract_strided_slice %max3A_54 {offsets = [5248, 0], sizes = [128, 64], strides = [1, 1]} : vector<10000x64xf32> to vector<128x64xf32>
    %add3A_136 = arith.addf %add3A_134, %slice3A_135 : vector<128x64xf32>
    %slice3A_137 = vector.extract_strided_slice %max3A_54 {offsets = [5376, 0], sizes = [128, 64], strides = [1, 1]} : vector<10000x64xf32> to vector<128x64xf32>
    %add3A_138 = arith.addf %add3A_136, %slice3A_137 : vector<128x64xf32>
    %slice3A_139 = vector.extract_strided_slice %max3A_54 {offsets = [5504, 0], sizes = [128, 64], strides = [1, 1]} : vector<10000x64xf32> to vector<128x64xf32>
    %add3A_140 = arith.addf %add3A_138, %slice3A_139 : vector<128x64xf32>
    %slice3A_141 = vector.extract_strided_slice %max3A_54 {offsets = [5632, 0], sizes = [128, 64], strides = [1, 1]} : vector<10000x64xf32> to vector<128x64xf32>
    %add3A_142 = arith.addf %add3A_140, %slice3A_141 : vector<128x64xf32>
    %slice3A_143 = vector.extract_strided_slice %max3A_54 {offsets = [5760, 0], sizes = [128, 64], strides = [1, 1]} : vector<10000x64xf32> to vector<128x64xf32>
    %add3A_144 = arith.addf %add3A_142, %slice3A_143 : vector<128x64xf32>
    %slice3A_145 = vector.extract_strided_slice %max3A_54 {offsets = [5888, 0], sizes = [128, 64], strides = [1, 1]} : vector<10000x64xf32> to vector<128x64xf32>
    %add3A_146 = arith.addf %add3A_144, %slice3A_145 : vector<128x64xf32>
    %slice3A_147 = vector.extract_strided_slice %max3A_54 {offsets = [6016, 0], sizes = [128, 64], strides = [1, 1]} : vector<10000x64xf32> to vector<128x64xf32>
    %add3A_148 = arith.addf %add3A_146, %slice3A_147 : vector<128x64xf32>
    %slice3A_149 = vector.extract_strided_slice %max3A_54 {offsets = [6144, 0], sizes = [128, 64], strides = [1, 1]} : vector<10000x64xf32> to vector<128x64xf32>
    %add3A_150 = arith.addf %add3A_148, %slice3A_149 : vector<128x64xf32>
    %slice3A_151 = vector.extract_strided_slice %max3A_54 {offsets = [6272, 0], sizes = [128, 64], strides = [1, 1]} : vector<10000x64xf32> to vector<128x64xf32>
    %add3A_152 = arith.addf %add3A_150, %slice3A_151 : vector<128x64xf32>
    %slice3A_153 = vector.extract_strided_slice %max3A_54 {offsets = [6400, 0], sizes = [128, 64], strides = [1, 1]} : vector<10000x64xf32> to vector<128x64xf32>
    %add3A_154 = arith.addf %add3A_152, %slice3A_153 : vector<128x64xf32>
    %slice3A_155 = vector.extract_strided_slice %max3A_54 {offsets = [6528, 0], sizes = [128, 64], strides = [1, 1]} : vector<10000x64xf32> to vector<128x64xf32>
    %add3A_156 = arith.addf %add3A_154, %slice3A_155 : vector<128x64xf32>
    %slice3A_157 = vector.extract_strided_slice %max3A_54 {offsets = [6656, 0], sizes = [128, 64], strides = [1, 1]} : vector<10000x64xf32> to vector<128x64xf32>
    %add3A_158 = arith.addf %add3A_156, %slice3A_157 : vector<128x64xf32>
    %slice3A_159 = vector.extract_strided_slice %max3A_54 {offsets = [6784, 0], sizes = [128, 64], strides = [1, 1]} : vector<10000x64xf32> to vector<128x64xf32>
    %add3A_160 = arith.addf %add3A_158, %slice3A_159 : vector<128x64xf32>
    %slice3A_161 = vector.extract_strided_slice %max3A_54 {offsets = [6912, 0], sizes = [128, 64], strides = [1, 1]} : vector<10000x64xf32> to vector<128x64xf32>
    %add3A_162 = arith.addf %add3A_160, %slice3A_161 : vector<128x64xf32>
    %slice3A_163 = vector.extract_strided_slice %max3A_54 {offsets = [7040, 0], sizes = [128, 64], strides = [1, 1]} : vector<10000x64xf32> to vector<128x64xf32>
    %add3A_164 = arith.addf %add3A_162, %slice3A_163 : vector<128x64xf32>
    %slice3A_165 = vector.extract_strided_slice %max3A_54 {offsets = [7168, 0], sizes = [128, 64], strides = [1, 1]} : vector<10000x64xf32> to vector<128x64xf32>
    %add3A_166 = arith.addf %add3A_164, %slice3A_165 : vector<128x64xf32>
    %slice3A_167 = vector.extract_strided_slice %max3A_54 {offsets = [7296, 0], sizes = [128, 64], strides = [1, 1]} : vector<10000x64xf32> to vector<128x64xf32>
    %add3A_168 = arith.addf %add3A_166, %slice3A_167 : vector<128x64xf32>
    %slice3A_169 = vector.extract_strided_slice %max3A_54 {offsets = [7424, 0], sizes = [128, 64], strides = [1, 1]} : vector<10000x64xf32> to vector<128x64xf32>
    %add3A_170 = arith.addf %add3A_168, %slice3A_169 : vector<128x64xf32>
    %slice3A_171 = vector.extract_strided_slice %max3A_54 {offsets = [7552, 0], sizes = [128, 64], strides = [1, 1]} : vector<10000x64xf32> to vector<128x64xf32>
    %add3A_172 = arith.addf %add3A_170, %slice3A_171 : vector<128x64xf32>
    %slice3A_173 = vector.extract_strided_slice %max3A_54 {offsets = [7680, 0], sizes = [128, 64], strides = [1, 1]} : vector<10000x64xf32> to vector<128x64xf32>
    %add3A_174 = arith.addf %add3A_172, %slice3A_173 : vector<128x64xf32>
    %slice3A_175 = vector.extract_strided_slice %max3A_54 {offsets = [7808, 0], sizes = [128, 64], strides = [1, 1]} : vector<10000x64xf32> to vector<128x64xf32>
    %add3A_176 = arith.addf %add3A_174, %slice3A_175 : vector<128x64xf32>
    %slice3A_177 = vector.extract_strided_slice %max3A_54 {offsets = [7936, 0], sizes = [128, 64], strides = [1, 1]} : vector<10000x64xf32> to vector<128x64xf32>
    %add3A_178 = arith.addf %add3A_176, %slice3A_177 : vector<128x64xf32>
    %slice3A_179 = vector.extract_strided_slice %max3A_54 {offsets = [8064, 0], sizes = [128, 64], strides = [1, 1]} : vector<10000x64xf32> to vector<128x64xf32>
    %add3A_180 = arith.addf %add3A_178, %slice3A_179 : vector<128x64xf32>
    %slice3A_181 = vector.extract_strided_slice %max3A_54 {offsets = [8192, 0], sizes = [128, 64], strides = [1, 1]} : vector<10000x64xf32> to vector<128x64xf32>
    %add3A_182 = arith.addf %add3A_180, %slice3A_181 : vector<128x64xf32>
    %slice3A_183 = vector.extract_strided_slice %max3A_54 {offsets = [8320, 0], sizes = [128, 64], strides = [1, 1]} : vector<10000x64xf32> to vector<128x64xf32>
    %add3A_184 = arith.addf %add3A_182, %slice3A_183 : vector<128x64xf32>
    %slice3A_185 = vector.extract_strided_slice %max3A_54 {offsets = [8448, 0], sizes = [128, 64], strides = [1, 1]} : vector<10000x64xf32> to vector<128x64xf32>
    %add3A_186 = arith.addf %add3A_184, %slice3A_185 : vector<128x64xf32>
    %slice3A_187 = vector.extract_strided_slice %max3A_54 {offsets = [8576, 0], sizes = [128, 64], strides = [1, 1]} : vector<10000x64xf32> to vector<128x64xf32>
    %add3A_188 = arith.addf %add3A_186, %slice3A_187 : vector<128x64xf32>
    %slice3A_189 = vector.extract_strided_slice %max3A_54 {offsets = [8704, 0], sizes = [128, 64], strides = [1, 1]} : vector<10000x64xf32> to vector<128x64xf32>
    %add3A_190 = arith.addf %add3A_188, %slice3A_189 : vector<128x64xf32>
    %slice3A_191 = vector.extract_strided_slice %max3A_54 {offsets = [8832, 0], sizes = [128, 64], strides = [1, 1]} : vector<10000x64xf32> to vector<128x64xf32>
    %add3A_192 = arith.addf %add3A_190, %slice3A_191 : vector<128x64xf32>
    %slice3A_193 = vector.extract_strided_slice %max3A_54 {offsets = [8960, 0], sizes = [128, 64], strides = [1, 1]} : vector<10000x64xf32> to vector<128x64xf32>
    %add3A_194 = arith.addf %add3A_192, %slice3A_193 : vector<128x64xf32>
    %slice3A_195 = vector.extract_strided_slice %max3A_54 {offsets = [9088, 0], sizes = [128, 64], strides = [1, 1]} : vector<10000x64xf32> to vector<128x64xf32>
    %add3A_196 = arith.addf %add3A_194, %slice3A_195 : vector<128x64xf32>
    %slice3A_197 = vector.extract_strided_slice %max3A_54 {offsets = [9216, 0], sizes = [128, 64], strides = [1, 1]} : vector<10000x64xf32> to vector<128x64xf32>
    %add3A_198 = arith.addf %add3A_196, %slice3A_197 : vector<128x64xf32>
    %slice3A_199 = vector.extract_strided_slice %max3A_54 {offsets = [9344, 0], sizes = [128, 64], strides = [1, 1]} : vector<10000x64xf32> to vector<128x64xf32>
    %add3A_200 = arith.addf %add3A_198, %slice3A_199 : vector<128x64xf32>
    %slice3A_201 = vector.extract_strided_slice %max3A_54 {offsets = [9472, 0], sizes = [128, 64], strides = [1, 1]} : vector<10000x64xf32> to vector<128x64xf32>
    %add3A_202 = arith.addf %add3A_200, %slice3A_201 : vector<128x64xf32>
    %slice3A_203 = vector.extract_strided_slice %max3A_54 {offsets = [9600, 0], sizes = [128, 64], strides = [1, 1]} : vector<10000x64xf32> to vector<128x64xf32>
    %add3A_204 = arith.addf %add3A_202, %slice3A_203 : vector<128x64xf32>
    %slice3A_205 = vector.extract_strided_slice %max3A_54 {offsets = [9728, 0], sizes = [128, 64], strides = [1, 1]} : vector<10000x64xf32> to vector<128x64xf32>
    %add3A_206 = arith.addf %add3A_204, %slice3A_205 : vector<128x64xf32>
    %slice3A_207 = vector.extract_strided_slice %max3A_54 {offsets = [9856, 0], sizes = [128, 64], strides = [1, 1]} : vector<10000x64xf32> to vector<128x64xf32>
    %add3A_208 = arith.addf %add3A_206, %slice3A_207 : vector<128x64xf32>
    %slice3A_209 = vector.extract_strided_slice %add3A_208 {offsets = [0, 0], sizes = [16, 64], strides = [1, 1]} : vector<128x64xf32> to vector<16x64xf32>
    %slice3A_210 = vector.extract_strided_slice %max3A_54 {offsets = [9984, 0], sizes = [16, 64], strides = [1, 1]} : vector<10000x64xf32> to vector<16x64xf32>
    %add3A_211 = arith.addf %slice3A_209, %slice3A_210 : vector<16x64xf32>
    %slice3A_212 = vector.extract_strided_slice %add3A_208 {offsets = [16, 0], sizes = [112, 64], strides = [1, 1]} : vector<128x64xf32> to vector<112x64xf32>
    %concatenate3A_213 = tpu.concatenate %add3A_211, %slice3A_212 in 0 : vector<16x64xf32>, vector<112x64xf32> -> vector<128x64xf32>
    %slice3A_214 = vector.extract_strided_slice %concatenate3A_213 {offsets = [0, 0], sizes = [8, 64], strides = [1, 1]} : vector<128x64xf32> to vector<8x64xf32>
    %slice3A_215 = vector.extract_strided_slice %concatenate3A_213 {offsets = [8, 0], sizes = [8, 64], strides = [1, 1]} : vector<128x64xf32> to vector<8x64xf32>
    %add3A_216 = arith.addf %slice3A_214, %slice3A_215 : vector<8x64xf32>
    %slice3A_217 = vector.extract_strided_slice %concatenate3A_213 {offsets = [16, 0], sizes = [8, 64], strides = [1, 1]} : vector<128x64xf32> to vector<8x64xf32>
    %add3A_218 = arith.addf %add3A_216, %slice3A_217 : vector<8x64xf32>
    %slice3A_219 = vector.extract_strided_slice %concatenate3A_213 {offsets = [24, 0], sizes = [8, 64], strides = [1, 1]} : vector<128x64xf32> to vector<8x64xf32>
    %add3A_220 = arith.addf %add3A_218, %slice3A_219 : vector<8x64xf32>
    %slice3A_221 = vector.extract_strided_slice %concatenate3A_213 {offsets = [32, 0], sizes = [8, 64], strides = [1, 1]} : vector<128x64xf32> to vector<8x64xf32>
    %add3A_222 = arith.addf %add3A_220, %slice3A_221 : vector<8x64xf32>
    %slice3A_223 = vector.extract_strided_slice %concatenate3A_213 {offsets = [40, 0], sizes = [8, 64], strides = [1, 1]} : vector<128x64xf32> to vector<8x64xf32>
    %add3A_224 = arith.addf %add3A_222, %slice3A_223 : vector<8x64xf32>
    %slice3A_225 = vector.extract_strided_slice %concatenate3A_213 {offsets = [48, 0], sizes = [8, 64], strides = [1, 1]} : vector<128x64xf32> to vector<8x64xf32>
    %add3A_226 = arith.addf %add3A_224, %slice3A_225 : vector<8x64xf32>
    %slice3A_227 = vector.extract_strided_slice %concatenate3A_213 {offsets = [56, 0], sizes = [8, 64], strides = [1, 1]} : vector<128x64xf32> to vector<8x64xf32>
    %add3A_228 = arith.addf %add3A_226, %slice3A_227 : vector<8x64xf32>
    %slice3A_229 = vector.extract_strided_slice %concatenate3A_213 {offsets = [64, 0], sizes = [8, 64], strides = [1, 1]} : vector<128x64xf32> to vector<8x64xf32>
    %add3A_230 = arith.addf %add3A_228, %slice3A_229 : vector<8x64xf32>
    %slice3A_231 = vector.extract_strided_slice %concatenate3A_213 {offsets = [72, 0], sizes = [8, 64], strides = [1, 1]} : vector<128x64xf32> to vector<8x64xf32>
    %add3A_232 = arith.addf %add3A_230, %slice3A_231 : vector<8x64xf32>
    %slice3A_233 = vector.extract_strided_slice %concatenate3A_213 {offsets = [80, 0], sizes = [8, 64], strides = [1, 1]} : vector<128x64xf32> to vector<8x64xf32>
    %add3A_234 = arith.addf %add3A_232, %slice3A_233 : vector<8x64xf32>
    %slice3A_235 = vector.extract_strided_slice %concatenate3A_213 {offsets = [88, 0], sizes = [8, 64], strides = [1, 1]} : vector<128x64xf32> to vector<8x64xf32>
    %add3A_236 = arith.addf %add3A_234, %slice3A_235 : vector<8x64xf32>
    %slice3A_237 = vector.extract_strided_slice %concatenate3A_213 {offsets = [96, 0], sizes = [8, 64], strides = [1, 1]} : vector<128x64xf32> to vector<8x64xf32>
    %add3A_238 = arith.addf %add3A_236, %slice3A_237 : vector<8x64xf32>
    %slice3A_239 = vector.extract_strided_slice %concatenate3A_213 {offsets = [104, 0], sizes = [8, 64], strides = [1, 1]} : vector<128x64xf32> to vector<8x64xf32>
    %add3A_240 = arith.addf %add3A_238, %slice3A_239 : vector<8x64xf32>
    %slice3A_241 = vector.extract_strided_slice %concatenate3A_213 {offsets = [112, 0], sizes = [8, 64], strides = [1, 1]} : vector<128x64xf32> to vector<8x64xf32>
    %add3A_242 = arith.addf %add3A_240, %slice3A_241 : vector<8x64xf32>
    %slice3A_243 = vector.extract_strided_slice %concatenate3A_213 {offsets = [120, 0], sizes = [8, 64], strides = [1, 1]} : vector<128x64xf32> to vector<8x64xf32>
    %add3A_244 = arith.addf %add3A_242, %slice3A_243 : vector<8x64xf32>
    %slice3A_245 = vector.extract_strided_slice %add3A_244 {offsets = [0, 0], sizes = [4, 64], strides = [1, 1]} : vector<8x64xf32> to vector<4x64xf32>
    %slice3A_246 = vector.extract_strided_slice %add3A_244 {offsets = [4, 0], sizes = [4, 64], strides = [1, 1]} : vector<8x64xf32> to vector<4x64xf32>
    %add3A_247 = arith.addf %slice3A_245, %slice3A_246 : vector<4x64xf32>
    %slice3A_248 = vector.extract_strided_slice %add3A_247 {offsets = [0, 0], sizes = [2, 64], strides = [1, 1]} : vector<4x64xf32> to vector<2x64xf32>
    %slice3A_249 = vector.extract_strided_slice %add3A_247 {offsets = [2, 0], sizes = [2, 64], strides = [1, 1]} : vector<4x64xf32> to vector<2x64xf32>
    %add3A_250 = arith.addf %slice3A_248, %slice3A_249 : vector<2x64xf32>
    %slice3A_251 = vector.extract_strided_slice %add3A_250 {offsets = [0, 0], sizes = [1, 64], strides = [1, 1]} : vector<2x64xf32> to vector<1x64xf32>
    %slice3A_252 = vector.extract_strided_slice %add3A_250 {offsets = [1, 0], sizes = [1, 64], strides = [1, 1]} : vector<2x64xf32> to vector<1x64xf32>
    %add3A_253 = arith.addf %slice3A_251, %slice3A_252 : vector<1x64xf32>
    %mul3A_254 = arith.constant 9.99999974E-5 : f32
    %mul3A_255 = vector.broadcast %mul3A_254 : f32 to vector<1x64xf32>
    %mul3A_256 = arith.mulf %add3A_253, %mul3A_255 : vector<1x64xf32>
    %sub3A = vector.broadcast %mul3A_256 : vector<1x64xf32> to vector<10000x64xf32>
    %sub3A_257 = arith.subf %max3A_54, %sub3A : vector<10000x64xf32>
    %mul3A_258 = arith.mulf %sub3A_257, %sub3A_257 : vector<10000x64xf32>
    %slice3A_259 = vector.extract_strided_slice %mul3A_258 {offsets = [0, 0], sizes = [128, 64], strides = [1, 1]} : vector<10000x64xf32> to vector<128x64xf32>
    %slice3A_260 = vector.extract_strided_slice %mul3A_258 {offsets = [128, 0], sizes = [128, 64], strides = [1, 1]} : vector<10000x64xf32> to vector<128x64xf32>
    %add3A_261 = arith.addf %slice3A_259, %slice3A_260 : vector<128x64xf32>
    %slice3A_262 = vector.extract_strided_slice %mul3A_258 {offsets = [256, 0], sizes = [128, 64], strides = [1, 1]} : vector<10000x64xf32> to vector<128x64xf32>
    %add3A_263 = arith.addf %add3A_261, %slice3A_262 : vector<128x64xf32>
    %slice3A_264 = vector.extract_strided_slice %mul3A_258 {offsets = [384, 0], sizes = [128, 64], strides = [1, 1]} : vector<10000x64xf32> to vector<128x64xf32>
    %add3A_265 = arith.addf %add3A_263, %slice3A_264 : vector<128x64xf32>
    %slice3A_266 = vector.extract_strided_slice %mul3A_258 {offsets = [512, 0], sizes = [128, 64], strides = [1, 1]} : vector<10000x64xf32> to vector<128x64xf32>
    %add3A_267 = arith.addf %add3A_265, %slice3A_266 : vector<128x64xf32>
    %slice3A_268 = vector.extract_strided_slice %mul3A_258 {offsets = [640, 0], sizes = [128, 64], strides = [1, 1]} : vector<10000x64xf32> to vector<128x64xf32>
    %add3A_269 = arith.addf %add3A_267, %slice3A_268 : vector<128x64xf32>
    %slice3A_270 = vector.extract_strided_slice %mul3A_258 {offsets = [768, 0], sizes = [128, 64], strides = [1, 1]} : vector<10000x64xf32> to vector<128x64xf32>
    %add3A_271 = arith.addf %add3A_269, %slice3A_270 : vector<128x64xf32>
    %slice3A_272 = vector.extract_strided_slice %mul3A_258 {offsets = [896, 0], sizes = [128, 64], strides = [1, 1]} : vector<10000x64xf32> to vector<128x64xf32>
    %add3A_273 = arith.addf %add3A_271, %slice3A_272 : vector<128x64xf32>
    %slice3A_274 = vector.extract_strided_slice %mul3A_258 {offsets = [1024, 0], sizes = [128, 64], strides = [1, 1]} : vector<10000x64xf32> to vector<128x64xf32>
    %add3A_275 = arith.addf %add3A_273, %slice3A_274 : vector<128x64xf32>
    %slice3A_276 = vector.extract_strided_slice %mul3A_258 {offsets = [1152, 0], sizes = [128, 64], strides = [1, 1]} : vector<10000x64xf32> to vector<128x64xf32>
    %add3A_277 = arith.addf %add3A_275, %slice3A_276 : vector<128x64xf32>
    %slice3A_278 = vector.extract_strided_slice %mul3A_258 {offsets = [1280, 0], sizes = [128, 64], strides = [1, 1]} : vector<10000x64xf32> to vector<128x64xf32>
    %add3A_279 = arith.addf %add3A_277, %slice3A_278 : vector<128x64xf32>
    %slice3A_280 = vector.extract_strided_slice %mul3A_258 {offsets = [1408, 0], sizes = [128, 64], strides = [1, 1]} : vector<10000x64xf32> to vector<128x64xf32>
    %add3A_281 = arith.addf %add3A_279, %slice3A_280 : vector<128x64xf32>
    %slice3A_282 = vector.extract_strided_slice %mul3A_258 {offsets = [1536, 0], sizes = [128, 64], strides = [1, 1]} : vector<10000x64xf32> to vector<128x64xf32>
    %add3A_283 = arith.addf %add3A_281, %slice3A_282 : vector<128x64xf32>
    %slice3A_284 = vector.extract_strided_slice %mul3A_258 {offsets = [1664, 0], sizes = [128, 64], strides = [1, 1]} : vector<10000x64xf32> to vector<128x64xf32>
    %add3A_285 = arith.addf %add3A_283, %slice3A_284 : vector<128x64xf32>
    %slice3A_286 = vector.extract_strided_slice %mul3A_258 {offsets = [1792, 0], sizes = [128, 64], strides = [1, 1]} : vector<10000x64xf32> to vector<128x64xf32>
    %add3A_287 = arith.addf %add3A_285, %slice3A_286 : vector<128x64xf32>
    %slice3A_288 = vector.extract_strided_slice %mul3A_258 {offsets = [1920, 0], sizes = [128, 64], strides = [1, 1]} : vector<10000x64xf32> to vector<128x64xf32>
    %add3A_289 = arith.addf %add3A_287, %slice3A_288 : vector<128x64xf32>
    %slice3A_290 = vector.extract_strided_slice %mul3A_258 {offsets = [2048, 0], sizes = [128, 64], strides = [1, 1]} : vector<10000x64xf32> to vector<128x64xf32>
    %add3A_291 = arith.addf %add3A_289, %slice3A_290 : vector<128x64xf32>
    %slice3A_292 = vector.extract_strided_slice %mul3A_258 {offsets = [2176, 0], sizes = [128, 64], strides = [1, 1]} : vector<10000x64xf32> to vector<128x64xf32>
    %add3A_293 = arith.addf %add3A_291, %slice3A_292 : vector<128x64xf32>
    %slice3A_294 = vector.extract_strided_slice %mul3A_258 {offsets = [2304, 0], sizes = [128, 64], strides = [1, 1]} : vector<10000x64xf32> to vector<128x64xf32>
    %add3A_295 = arith.addf %add3A_293, %slice3A_294 : vector<128x64xf32>
    %slice3A_296 = vector.extract_strided_slice %mul3A_258 {offsets = [2432, 0], sizes = [128, 64], strides = [1, 1]} : vector<10000x64xf32> to vector<128x64xf32>
    %add3A_297 = arith.addf %add3A_295, %slice3A_296 : vector<128x64xf32>
    %slice3A_298 = vector.extract_strided_slice %mul3A_258 {offsets = [2560, 0], sizes = [128, 64], strides = [1, 1]} : vector<10000x64xf32> to vector<128x64xf32>
    %add3A_299 = arith.addf %add3A_297, %slice3A_298 : vector<128x64xf32>
    %slice3A_300 = vector.extract_strided_slice %mul3A_258 {offsets = [2688, 0], sizes = [128, 64], strides = [1, 1]} : vector<10000x64xf32> to vector<128x64xf32>
    %add3A_301 = arith.addf %add3A_299, %slice3A_300 : vector<128x64xf32>
    %slice3A_302 = vector.extract_strided_slice %mul3A_258 {offsets = [2816, 0], sizes = [128, 64], strides = [1, 1]} : vector<10000x64xf32> to vector<128x64xf32>
    %add3A_303 = arith.addf %add3A_301, %slice3A_302 : vector<128x64xf32>
    %slice3A_304 = vector.extract_strided_slice %mul3A_258 {offsets = [2944, 0], sizes = [128, 64], strides = [1, 1]} : vector<10000x64xf32> to vector<128x64xf32>
    %add3A_305 = arith.addf %add3A_303, %slice3A_304 : vector<128x64xf32>
    %slice3A_306 = vector.extract_strided_slice %mul3A_258 {offsets = [3072, 0], sizes = [128, 64], strides = [1, 1]} : vector<10000x64xf32> to vector<128x64xf32>
    %add3A_307 = arith.addf %add3A_305, %slice3A_306 : vector<128x64xf32>
    %slice3A_308 = vector.extract_strided_slice %mul3A_258 {offsets = [3200, 0], sizes = [128, 64], strides = [1, 1]} : vector<10000x64xf32> to vector<128x64xf32>
    %add3A_309 = arith.addf %add3A_307, %slice3A_308 : vector<128x64xf32>
    %slice3A_310 = vector.extract_strided_slice %mul3A_258 {offsets = [3328, 0], sizes = [128, 64], strides = [1, 1]} : vector<10000x64xf32> to vector<128x64xf32>
    %add3A_311 = arith.addf %add3A_309, %slice3A_310 : vector<128x64xf32>
    %slice3A_312 = vector.extract_strided_slice %mul3A_258 {offsets = [3456, 0], sizes = [128, 64], strides = [1, 1]} : vector<10000x64xf32> to vector<128x64xf32>
    %add3A_313 = arith.addf %add3A_311, %slice3A_312 : vector<128x64xf32>
    %slice3A_314 = vector.extract_strided_slice %mul3A_258 {offsets = [3584, 0], sizes = [128, 64], strides = [1, 1]} : vector<10000x64xf32> to vector<128x64xf32>
    %add3A_315 = arith.addf %add3A_313, %slice3A_314 : vector<128x64xf32>
    %slice3A_316 = vector.extract_strided_slice %mul3A_258 {offsets = [3712, 0], sizes = [128, 64], strides = [1, 1]} : vector<10000x64xf32> to vector<128x64xf32>
    %add3A_317 = arith.addf %add3A_315, %slice3A_316 : vector<128x64xf32>
    %slice3A_318 = vector.extract_strided_slice %mul3A_258 {offsets = [3840, 0], sizes = [128, 64], strides = [1, 1]} : vector<10000x64xf32> to vector<128x64xf32>
    %add3A_319 = arith.addf %add3A_317, %slice3A_318 : vector<128x64xf32>
    %slice3A_320 = vector.extract_strided_slice %mul3A_258 {offsets = [3968, 0], sizes = [128, 64], strides = [1, 1]} : vector<10000x64xf32> to vector<128x64xf32>
    %add3A_321 = arith.addf %add3A_319, %slice3A_320 : vector<128x64xf32>
    %slice3A_322 = vector.extract_strided_slice %mul3A_258 {offsets = [4096, 0], sizes = [128, 64], strides = [1, 1]} : vector<10000x64xf32> to vector<128x64xf32>
    %add3A_323 = arith.addf %add3A_321, %slice3A_322 : vector<128x64xf32>
    %slice3A_324 = vector.extract_strided_slice %mul3A_258 {offsets = [4224, 0], sizes = [128, 64], strides = [1, 1]} : vector<10000x64xf32> to vector<128x64xf32>
    %add3A_325 = arith.addf %add3A_323, %slice3A_324 : vector<128x64xf32>
    %slice3A_326 = vector.extract_strided_slice %mul3A_258 {offsets = [4352, 0], sizes = [128, 64], strides = [1, 1]} : vector<10000x64xf32> to vector<128x64xf32>
    %add3A_327 = arith.addf %add3A_325, %slice3A_326 : vector<128x64xf32>
    %slice3A_328 = vector.extract_strided_slice %mul3A_258 {offsets = [4480, 0], sizes = [128, 64], strides = [1, 1]} : vector<10000x64xf32> to vector<128x64xf32>
    %add3A_329 = arith.addf %add3A_327, %slice3A_328 : vector<128x64xf32>
    %slice3A_330 = vector.extract_strided_slice %mul3A_258 {offsets = [4608, 0], sizes = [128, 64], strides = [1, 1]} : vector<10000x64xf32> to vector<128x64xf32>
    %add3A_331 = arith.addf %add3A_329, %slice3A_330 : vector<128x64xf32>
    %slice3A_332 = vector.extract_strided_slice %mul3A_258 {offsets = [4736, 0], sizes = [128, 64], strides = [1, 1]} : vector<10000x64xf32> to vector<128x64xf32>
    %add3A_333 = arith.addf %add3A_331, %slice3A_332 : vector<128x64xf32>
    %slice3A_334 = vector.extract_strided_slice %mul3A_258 {offsets = [4864, 0], sizes = [128, 64], strides = [1, 1]} : vector<10000x64xf32> to vector<128x64xf32>
    %add3A_335 = arith.addf %add3A_333, %slice3A_334 : vector<128x64xf32>
    %slice3A_336 = vector.extract_strided_slice %mul3A_258 {offsets = [4992, 0], sizes = [128, 64], strides = [1, 1]} : vector<10000x64xf32> to vector<128x64xf32>
    %add3A_337 = arith.addf %add3A_335, %slice3A_336 : vector<128x64xf32>
    %slice3A_338 = vector.extract_strided_slice %mul3A_258 {offsets = [5120, 0], sizes = [128, 64], strides = [1, 1]} : vector<10000x64xf32> to vector<128x64xf32>
    %add3A_339 = arith.addf %add3A_337, %slice3A_338 : vector<128x64xf32>
    %slice3A_340 = vector.extract_strided_slice %mul3A_258 {offsets = [5248, 0], sizes = [128, 64], strides = [1, 1]} : vector<10000x64xf32> to vector<128x64xf32>
    %add3A_341 = arith.addf %add3A_339, %slice3A_340 : vector<128x64xf32>
    %slice3A_342 = vector.extract_strided_slice %mul3A_258 {offsets = [5376, 0], sizes = [128, 64], strides = [1, 1]} : vector<10000x64xf32> to vector<128x64xf32>
    %add3A_343 = arith.addf %add3A_341, %slice3A_342 : vector<128x64xf32>
    %slice3A_344 = vector.extract_strided_slice %mul3A_258 {offsets = [5504, 0], sizes = [128, 64], strides = [1, 1]} : vector<10000x64xf32> to vector<128x64xf32>
    %add3A_345 = arith.addf %add3A_343, %slice3A_344 : vector<128x64xf32>
    %slice3A_346 = vector.extract_strided_slice %mul3A_258 {offsets = [5632, 0], sizes = [128, 64], strides = [1, 1]} : vector<10000x64xf32> to vector<128x64xf32>
    %add3A_347 = arith.addf %add3A_345, %slice3A_346 : vector<128x64xf32>
    %slice3A_348 = vector.extract_strided_slice %mul3A_258 {offsets = [5760, 0], sizes = [128, 64], strides = [1, 1]} : vector<10000x64xf32> to vector<128x64xf32>
    %add3A_349 = arith.addf %add3A_347, %slice3A_348 : vector<128x64xf32>
    %slice3A_350 = vector.extract_strided_slice %mul3A_258 {offsets = [5888, 0], sizes = [128, 64], strides = [1, 1]} : vector<10000x64xf32> to vector<128x64xf32>
    %add3A_351 = arith.addf %add3A_349, %slice3A_350 : vector<128x64xf32>
    %slice3A_352 = vector.extract_strided_slice %mul3A_258 {offsets = [6016, 0], sizes = [128, 64], strides = [1, 1]} : vector<10000x64xf32> to vector<128x64xf32>
    %add3A_353 = arith.addf %add3A_351, %slice3A_352 : vector<128x64xf32>
    %slice3A_354 = vector.extract_strided_slice %mul3A_258 {offsets = [6144, 0], sizes = [128, 64], strides = [1, 1]} : vector<10000x64xf32> to vector<128x64xf32>
    %add3A_355 = arith.addf %add3A_353, %slice3A_354 : vector<128x64xf32>
    %slice3A_356 = vector.extract_strided_slice %mul3A_258 {offsets = [6272, 0], sizes = [128, 64], strides = [1, 1]} : vector<10000x64xf32> to vector<128x64xf32>
    %add3A_357 = arith.addf %add3A_355, %slice3A_356 : vector<128x64xf32>
    %slice3A_358 = vector.extract_strided_slice %mul3A_258 {offsets = [6400, 0], sizes = [128, 64], strides = [1, 1]} : vector<10000x64xf32> to vector<128x64xf32>
    %add3A_359 = arith.addf %add3A_357, %slice3A_358 : vector<128x64xf32>
    %slice3A_360 = vector.extract_strided_slice %mul3A_258 {offsets = [6528, 0], sizes = [128, 64], strides = [1, 1]} : vector<10000x64xf32> to vector<128x64xf32>
    %add3A_361 = arith.addf %add3A_359, %slice3A_360 : vector<128x64xf32>
    %slice3A_362 = vector.extract_strided_slice %mul3A_258 {offsets = [6656, 0], sizes = [128, 64], strides = [1, 1]} : vector<10000x64xf32> to vector<128x64xf32>
    %add3A_363 = arith.addf %add3A_361, %slice3A_362 : vector<128x64xf32>
    %slice3A_364 = vector.extract_strided_slice %mul3A_258 {offsets = [6784, 0], sizes = [128, 64], strides = [1, 1]} : vector<10000x64xf32> to vector<128x64xf32>
    %add3A_365 = arith.addf %add3A_363, %slice3A_364 : vector<128x64xf32>
    %slice3A_366 = vector.extract_strided_slice %mul3A_258 {offsets = [6912, 0], sizes = [128, 64], strides = [1, 1]} : vector<10000x64xf32> to vector<128x64xf32>
    %add3A_367 = arith.addf %add3A_365, %slice3A_366 : vector<128x64xf32>
    %slice3A_368 = vector.extract_strided_slice %mul3A_258 {offsets = [7040, 0], sizes = [128, 64], strides = [1, 1]} : vector<10000x64xf32> to vector<128x64xf32>
    %add3A_369 = arith.addf %add3A_367, %slice3A_368 : vector<128x64xf32>
    %slice3A_370 = vector.extract_strided_slice %mul3A_258 {offsets = [7168, 0], sizes = [128, 64], strides = [1, 1]} : vector<10000x64xf32> to vector<128x64xf32>
    %add3A_371 = arith.addf %add3A_369, %slice3A_370 : vector<128x64xf32>
    %slice3A_372 = vector.extract_strided_slice %mul3A_258 {offsets = [7296, 0], sizes = [128, 64], strides = [1, 1]} : vector<10000x64xf32> to vector<128x64xf32>
    %add3A_373 = arith.addf %add3A_371, %slice3A_372 : vector<128x64xf32>
    %slice3A_374 = vector.extract_strided_slice %mul3A_258 {offsets = [7424, 0], sizes = [128, 64], strides = [1, 1]} : vector<10000x64xf32> to vector<128x64xf32>
    %add3A_375 = arith.addf %add3A_373, %slice3A_374 : vector<128x64xf32>
    %slice3A_376 = vector.extract_strided_slice %mul3A_258 {offsets = [7552, 0], sizes = [128, 64], strides = [1, 1]} : vector<10000x64xf32> to vector<128x64xf32>
    %add3A_377 = arith.addf %add3A_375, %slice3A_376 : vector<128x64xf32>
    %slice3A_378 = vector.extract_strided_slice %mul3A_258 {offsets = [7680, 0], sizes = [128, 64], strides = [1, 1]} : vector<10000x64xf32> to vector<128x64xf32>
    %add3A_379 = arith.addf %add3A_377, %slice3A_378 : vector<128x64xf32>
    %slice3A_380 = vector.extract_strided_slice %mul3A_258 {offsets = [7808, 0], sizes = [128, 64], strides = [1, 1]} : vector<10000x64xf32> to vector<128x64xf32>
    %add3A_381 = arith.addf %add3A_379, %slice3A_380 : vector<128x64xf32>
    %slice3A_382 = vector.extract_strided_slice %mul3A_258 {offsets = [7936, 0], sizes = [128, 64], strides = [1, 1]} : vector<10000x64xf32> to vector<128x64xf32>
    %add3A_383 = arith.addf %add3A_381, %slice3A_382 : vector<128x64xf32>
    %slice3A_384 = vector.extract_strided_slice %mul3A_258 {offsets = [8064, 0], sizes = [128, 64], strides = [1, 1]} : vector<10000x64xf32> to vector<128x64xf32>
    %add3A_385 = arith.addf %add3A_383, %slice3A_384 : vector<128x64xf32>
    %slice3A_386 = vector.extract_strided_slice %mul3A_258 {offsets = [8192, 0], sizes = [128, 64], strides = [1, 1]} : vector<10000x64xf32> to vector<128x64xf32>
    %add3A_387 = arith.addf %add3A_385, %slice3A_386 : vector<128x64xf32>
    %slice3A_388 = vector.extract_strided_slice %mul3A_258 {offsets = [8320, 0], sizes = [128, 64], strides = [1, 1]} : vector<10000x64xf32> to vector<128x64xf32>
    %add3A_389 = arith.addf %add3A_387, %slice3A_388 : vector<128x64xf32>
    %slice3A_390 = vector.extract_strided_slice %mul3A_258 {offsets = [8448, 0], sizes = [128, 64], strides = [1, 1]} : vector<10000x64xf32> to vector<128x64xf32>
    %add3A_391 = arith.addf %add3A_389, %slice3A_390 : vector<128x64xf32>
    %slice3A_392 = vector.extract_strided_slice %mul3A_258 {offsets = [8576, 0], sizes = [128, 64], strides = [1, 1]} : vector<10000x64xf32> to vector<128x64xf32>
    %add3A_393 = arith.addf %add3A_391, %slice3A_392 : vector<128x64xf32>
    %slice3A_394 = vector.extract_strided_slice %mul3A_258 {offsets = [8704, 0], sizes = [128, 64], strides = [1, 1]} : vector<10000x64xf32> to vector<128x64xf32>
    %add3A_395 = arith.addf %add3A_393, %slice3A_394 : vector<128x64xf32>
    %slice3A_396 = vector.extract_strided_slice %mul3A_258 {offsets = [8832, 0], sizes = [128, 64], strides = [1, 1]} : vector<10000x64xf32> to vector<128x64xf32>
    %add3A_397 = arith.addf %add3A_395, %slice3A_396 : vector<128x64xf32>
    %slice3A_398 = vector.extract_strided_slice %mul3A_258 {offsets = [8960, 0], sizes = [128, 64], strides = [1, 1]} : vector<10000x64xf32> to vector<128x64xf32>
    %add3A_399 = arith.addf %add3A_397, %slice3A_398 : vector<128x64xf32>
    %slice3A_400 = vector.extract_strided_slice %mul3A_258 {offsets = [9088, 0], sizes = [128, 64], strides = [1, 1]} : vector<10000x64xf32> to vector<128x64xf32>
    %add3A_401 = arith.addf %add3A_399, %slice3A_400 : vector<128x64xf32>
    %slice3A_402 = vector.extract_strided_slice %mul3A_258 {offsets = [9216, 0], sizes = [128, 64], strides = [1, 1]} : vector<10000x64xf32> to vector<128x64xf32>
    %add3A_403 = arith.addf %add3A_401, %slice3A_402 : vector<128x64xf32>
    %slice3A_404 = vector.extract_strided_slice %mul3A_258 {offsets = [9344, 0], sizes = [128, 64], strides = [1, 1]} : vector<10000x64xf32> to vector<128x64xf32>
    %add3A_405 = arith.addf %add3A_403, %slice3A_404 : vector<128x64xf32>
    %slice3A_406 = vector.extract_strided_slice %mul3A_258 {offsets = [9472, 0], sizes = [128, 64], strides = [1, 1]} : vector<10000x64xf32> to vector<128x64xf32>
    %add3A_407 = arith.addf %add3A_405, %slice3A_406 : vector<128x64xf32>
    %slice3A_408 = vector.extract_strided_slice %mul3A_258 {offsets = [9600, 0], sizes = [128, 64], strides = [1, 1]} : vector<10000x64xf32> to vector<128x64xf32>
    %add3A_409 = arith.addf %add3A_407, %slice3A_408 : vector<128x64xf32>
    %slice3A_410 = vector.extract_strided_slice %mul3A_258 {offsets = [9728, 0], sizes = [128, 64], strides = [1, 1]} : vector<10000x64xf32> to vector<128x64xf32>
    %add3A_411 = arith.addf %add3A_409, %slice3A_410 : vector<128x64xf32>
    %slice3A_412 = vector.extract_strided_slice %mul3A_258 {offsets = [9856, 0], sizes = [128, 64], strides = [1, 1]} : vector<10000x64xf32> to vector<128x64xf32>
    %add3A_413 = arith.addf %add3A_411, %slice3A_412 : vector<128x64xf32>
    %slice3A_414 = vector.extract_strided_slice %add3A_413 {offsets = [0, 0], sizes = [16, 64], strides = [1, 1]} : vector<128x64xf32> to vector<16x64xf32>
    %slice3A_415 = vector.extract_strided_slice %mul3A_258 {offsets = [9984, 0], sizes = [16, 64], strides = [1, 1]} : vector<10000x64xf32> to vector<16x64xf32>
    %add3A_416 = arith.addf %slice3A_414, %slice3A_415 : vector<16x64xf32>
    %slice3A_417 = vector.extract_strided_slice %add3A_413 {offsets = [16, 0], sizes = [112, 64], strides = [1, 1]} : vector<128x64xf32> to vector<112x64xf32>
    %concatenate3A_418 = tpu.concatenate %add3A_416, %slice3A_417 in 0 : vector<16x64xf32>, vector<112x64xf32> -> vector<128x64xf32>
    %slice3A_419 = vector.extract_strided_slice %concatenate3A_418 {offsets = [0, 0], sizes = [8, 64], strides = [1, 1]} : vector<128x64xf32> to vector<8x64xf32>
    %slice3A_420 = vector.extract_strided_slice %concatenate3A_418 {offsets = [8, 0], sizes = [8, 64], strides = [1, 1]} : vector<128x64xf32> to vector<8x64xf32>
    %add3A_421 = arith.addf %slice3A_419, %slice3A_420 : vector<8x64xf32>
    %slice3A_422 = vector.extract_strided_slice %concatenate3A_418 {offsets = [16, 0], sizes = [8, 64], strides = [1, 1]} : vector<128x64xf32> to vector<8x64xf32>
    %add3A_423 = arith.addf %add3A_421, %slice3A_422 : vector<8x64xf32>
    %slice3A_424 = vector.extract_strided_slice %concatenate3A_418 {offsets = [24, 0], sizes = [8, 64], strides = [1, 1]} : vector<128x64xf32> to vector<8x64xf32>
    %add3A_425 = arith.addf %add3A_423, %slice3A_424 : vector<8x64xf32>
    %slice3A_426 = vector.extract_strided_slice %concatenate3A_418 {offsets = [32, 0], sizes = [8, 64], strides = [1, 1]} : vector<128x64xf32> to vector<8x64xf32>
    %add3A_427 = arith.addf %add3A_425, %slice3A_426 : vector<8x64xf32>
    %slice3A_428 = vector.extract_strided_slice %concatenate3A_418 {offsets = [40, 0], sizes = [8, 64], strides = [1, 1]} : vector<128x64xf32> to vector<8x64xf32>
    %add3A_429 = arith.addf %add3A_427, %slice3A_428 : vector<8x64xf32>
    %slice3A_430 = vector.extract_strided_slice %concatenate3A_418 {offsets = [48, 0], sizes = [8, 64], strides = [1, 1]} : vector<128x64xf32> to vector<8x64xf32>
    %add3A_431 = arith.addf %add3A_429, %slice3A_430 : vector<8x64xf32>
    %slice3A_432 = vector.extract_strided_slice %concatenate3A_418 {offsets = [56, 0], sizes = [8, 64], strides = [1, 1]} : vector<128x64xf32> to vector<8x64xf32>
    %add3A_433 = arith.addf %add3A_431, %slice3A_432 : vector<8x64xf32>
    %slice3A_434 = vector.extract_strided_slice %concatenate3A_418 {offsets = [64, 0], sizes = [8, 64], strides = [1, 1]} : vector<128x64xf32> to vector<8x64xf32>
    %add3A_435 = arith.addf %add3A_433, %slice3A_434 : vector<8x64xf32>
    %slice3A_436 = vector.extract_strided_slice %concatenate3A_418 {offsets = [72, 0], sizes = [8, 64], strides = [1, 1]} : vector<128x64xf32> to vector<8x64xf32>
    %add3A_437 = arith.addf %add3A_435, %slice3A_436 : vector<8x64xf32>
    %slice3A_438 = vector.extract_strided_slice %concatenate3A_418 {offsets = [80, 0], sizes = [8, 64], strides = [1, 1]} : vector<128x64xf32> to vector<8x64xf32>
    %add3A_439 = arith.addf %add3A_437, %slice3A_438 : vector<8x64xf32>
    %slice3A_440 = vector.extract_strided_slice %concatenate3A_418 {offsets = [88, 0], sizes = [8, 64], strides = [1, 1]} : vector<128x64xf32> to vector<8x64xf32>
    %add3A_441 = arith.addf %add3A_439, %slice3A_440 : vector<8x64xf32>
    %slice3A_442 = vector.extract_strided_slice %concatenate3A_418 {offsets = [96, 0], sizes = [8, 64], strides = [1, 1]} : vector<128x64xf32> to vector<8x64xf32>
    %add3A_443 = arith.addf %add3A_441, %slice3A_442 : vector<8x64xf32>
    %slice3A_444 = vector.extract_strided_slice %concatenate3A_418 {offsets = [104, 0], sizes = [8, 64], strides = [1, 1]} : vector<128x64xf32> to vector<8x64xf32>
    %add3A_445 = arith.addf %add3A_443, %slice3A_444 : vector<8x64xf32>
    %slice3A_446 = vector.extract_strided_slice %concatenate3A_418 {offsets = [112, 0], sizes = [8, 64], strides = [1, 1]} : vector<128x64xf32> to vector<8x64xf32>
    %add3A_447 = arith.addf %add3A_445, %slice3A_446 : vector<8x64xf32>
    %slice3A_448 = vector.extract_strided_slice %concatenate3A_418 {offsets = [120, 0], sizes = [8, 64], strides = [1, 1]} : vector<128x64xf32> to vector<8x64xf32>
    %add3A_449 = arith.addf %add3A_447, %slice3A_448 : vector<8x64xf32>
    %slice3A_450 = vector.extract_strided_slice %add3A_449 {offsets = [0, 0], sizes = [4, 64], strides = [1, 1]} : vector<8x64xf32> to vector<4x64xf32>
    %slice3A_451 = vector.extract_strided_slice %add3A_449 {offsets = [4, 0], sizes = [4, 64], strides = [1, 1]} : vector<8x64xf32> to vector<4x64xf32>
    %add3A_452 = arith.addf %slice3A_450, %slice3A_451 : vector<4x64xf32>
    %slice3A_453 = vector.extract_strided_slice %add3A_452 {offsets = [0, 0], sizes = [2, 64], strides = [1, 1]} : vector<4x64xf32> to vector<2x64xf32>
    %slice3A_454 = vector.extract_strided_slice %add3A_452 {offsets = [2, 0], sizes = [2, 64], strides = [1, 1]} : vector<4x64xf32> to vector<2x64xf32>
    %add3A_455 = arith.addf %slice3A_453, %slice3A_454 : vector<2x64xf32>
    %slice3A_456 = vector.extract_strided_slice %add3A_455 {offsets = [0, 0], sizes = [1, 64], strides = [1, 1]} : vector<2x64xf32> to vector<1x64xf32>
    %slice3A_457 = vector.extract_strided_slice %add3A_455 {offsets = [1, 0], sizes = [1, 64], strides = [1, 1]} : vector<2x64xf32> to vector<1x64xf32>
    %add3A_458 = arith.addf %slice3A_456, %slice3A_457 : vector<1x64xf32>
    %mul3A_459 = arith.constant 9.99999974E-5 : f32
    %mul3A_460 = vector.broadcast %mul3A_459 : f32 to vector<1x64xf32>
    %mul3A_461 = arith.mulf %add3A_458, %mul3A_460 : vector<1x64xf32>
    %add3A_462 = arith.constant 9.99999974E-6 : f32
    %add3A_463 = vector.broadcast %add3A_462 : f32 to vector<1x64xf32>
    %add3A_464 = arith.addf %mul3A_461, %add3A_463 : vector<1x64xf32>
    %sqrt3A = math.sqrt %add3A_464 : vector<1x64xf32>
    %div3A = vector.broadcast %sqrt3A : vector<1x64xf32> to vector<10000x64xf32>
    %div3A_465 = arith.divf %sub3A_257, %div3A : vector<10000x64xf32>
    %get3A_466 = arith.constant 0 : index
    %get3A_467 = arith.constant 0 : index
    %get3A_468 = vector.load %arg6[%get3A_466, %get3A_467] : memref<1x64xf32, #tpu.memory_space<vmem>>, vector<1x64xf32>
    %mul3A_469 = vector.broadcast %get3A_468 : vector<1x64xf32> to vector<10000x64xf32>
    %mul3A_470 = arith.mulf %div3A_465, %mul3A_469 : vector<10000x64xf32>
    %get3A_471 = arith.constant 0 : index
    %get3A_472 = arith.constant 0 : index
    %get3A_473 = vector.load %arg7[%get3A_471, %get3A_472] : memref<1x64xf32, #tpu.memory_space<vmem>>, vector<1x64xf32>
    %add3A_474 = vector.broadcast %get3A_473 : vector<1x64xf32> to vector<10000x64xf32>
    %add3A_475 = arith.addf %mul3A_470, %add3A_474 : vector<10000x64xf32>
    %max3A_476 = arith.constant 0.000000e+00 : f32
    %max3A_477 = vector.broadcast %max3A_476 : f32 to vector<10000x64xf32>
    %max3A_478 = arith.maximumf %add3A_475, %max3A_477 : vector<10000x64xf32>
    %swap3A = arith.constant 0 : index
    %swap3A_479 = arith.constant 0 : index
    %swap3A_480 = vector.load %arg9[%swap3A, %swap3A_479] : memref<10000x64xf32, #tpu.memory_space<vmem>>, vector<10000x64xf32>
    tpu.vector_store %arg9[%swap3A, %swap3A_479], %max3A_478 {strides = array<i32>} : memref<10000x64xf32, #tpu.memory_space<vmem>>, vector<10000x64xf32>,
    return
  }
}

module attributes {stable_mosaic.version = 14 : i64} {
  func.func @body(%arg0: memref<10000x64xf32, #tpu.memory_space<vmem>>, %arg1: memref<2x1x10112x32xf32, #tpu.memory_space<vmem>>, %arg2: memref<64x64xf32, #tpu.memory_space<vmem>>, %arg3: memref<1x64xf32, #tpu.memory_space<vmem>>, %arg4: memref<64x64xf32, #tpu.memory_space<vmem>>, %arg5: memref<1x64xf32, #tpu.memory_space<vmem>>, %arg6: memref<1x64xf32, #tpu.memory_space<vmem>>, %arg7: memref<1x64xf32, #tpu.memory_space<vmem>>, %arg8: memref<1xf32, #tpu.memory_space<smem>>, %arg9: memref<10000x64xf32, #tpu.memory_space<vmem>>) attributes {dimension_semantics = [], scalar_prefetch = 0 : i64, scratch_operands = 0 : i64, tpu.core_type = #tpu.core_type<tc>} {
    %get3A = arith.constant 0 : index
    %get3A_0 = arith.constant 0 : index
    %get3A_1 = arith.constant 0 : index
    %get3A_2 = arith.constant 0 : index
    %get3A_3 = vector.load %arg1[%get3A, %get3A_0, %get3A_1, %get3A_2] : memref<2x1x10112x32xf32, #tpu.memory_space<vmem>>, vector<1x1x10000x32xf32>
    %get3A_4 = vector.shape_cast %get3A_3 : vector<1x1x10000x32xf32> to vector<10000x32xf32>
    %get3A_5 = arith.constant 1 : index
    %get3A_6 = arith.constant 0 : index
    %get3A_7 = arith.constant 0 : index
    %get3A_8 = arith.constant 0 : index
    %get3A_9 = vector.load %arg1[%get3A_5, %get3A_6, %get3A_7, %get3A_8] : memref<2x1x10112x32xf32, #tpu.memory_space<vmem>>, vector<1x1x10000x32xf32>
    %get3A_10 = vector.shape_cast %get3A_9 : vector<1x1x10000x32xf32> to vector<10000x32xf32>
    %concatenate3A = tpu.concatenate %get3A_4, %get3A_10 in 1 : vector<10000x32xf32>, vector<10000x32xf32> -> vector<10000x64xf32>
    %get3A_11 = arith.constant 0 : index
    %get3A_12 = memref.load %arg8[%get3A_11] : memref<1xf32, #tpu.memory_space<smem>>
    %add3A = arith.constant 1.000000e+00 : f32
    %add3A_13 = arith.addf %add3A, %get3A_12 : f32
    %get3A_14 = arith.constant 0 : index
    %get3A_15 = arith.constant 0 : index
    %get3A_16 = vector.load %arg0[%get3A_14, %get3A_15] : memref<10000x64xf32, #tpu.memory_space<vmem>>, vector<10000x64xf32>
    %mul3A = vector.broadcast %add3A_13 : f32 to vector<10000x64xf32>
    %mul3A_17 = arith.mulf %mul3A, %get3A_16 : vector<10000x64xf32>
    %add3A_18 = arith.addf %mul3A_17, %concatenate3A : vector<10000x64xf32>
    %get3A_19 = arith.constant 0 : index
    %get3A_20 = arith.constant 0 : index
    %get3A_21 = vector.load %arg2[%get3A_19, %get3A_20] : memref<64x64xf32, #tpu.memory_space<vmem>>, vector<64x64xf32>
    %dot_general3A = arith.constant dense<0.000000e+00> : vector<10000x64xf32>
    %dot_general3A_22 = tpu.matmul %add3A_18, %get3A_21, %dot_general3A {dimension_numbers = #tpu.dot_dimension_numbers<[1], [0], [0], [1], [0, 0, 1, 1], [], []>, transpose_lhs_hint = false} : vector<10000x64xf32>, vector<64x64xf32>, vector<10000x64xf32> -> vector<10000x64xf32>
    %get3A_23 = arith.constant 0 : index
    %get3A_24 = arith.constant 0 : index
    %get3A_25 = vector.load %arg3[%get3A_23, %get3A_24] : memref<1x64xf32, #tpu.memory_space<vmem>>, vector<1x64xf32>
    %add3A_26 = vector.broadcast %get3A_25 : vector<1x64xf32> to vector<10000x64xf32>
    %add3A_27 = arith.addf %dot_general3A_22, %add3A_26 : vector<10000x64xf32>
    %max3A = arith.constant 0.000000e+00 : f32
    %max3A_28 = vector.broadcast %max3A : f32 to vector<10000x64xf32>
    %max3A_29 = arith.maximumf %add3A_27, %max3A_28 : vector<10000x64xf32>
    %get3A_30 = arith.constant 0 : index
    %get3A_31 = arith.constant 0 : index
    %get3A_32 = vector.load %arg4[%get3A_30, %get3A_31] : memref<64x64xf32, #tpu.memory_space<vmem>>, vector<64x64xf32>
    %dot_general3A_33 = arith.constant dense<0.000000e+00> : vector<10000x64xf32>
    %dot_general3A_34 = tpu.matmul %max3A_29, %get3A_32, %dot_general3A_33 {dimension_numbers = #tpu.dot_dimension_numbers<[1], [0], [0], [1], [0, 0, 1, 1], [], []>, transpose_lhs_hint = false} : vector<10000x64xf32>, vector<64x64xf32>, vector<10000x64xf32> -> vector<10000x64xf32>
    %get3A_35 = arith.constant 0 : index
    %get3A_36 = arith.constant 0 : index
    %get3A_37 = vector.load %arg5[%get3A_35, %get3A_36] : memref<1x64xf32, #tpu.memory_space<vmem>>, vector<1x64xf32>
    %add3A_38 = vector.broadcast %get3A_37 : vector<1x64xf32> to vector<10000x64xf32>
    %add3A_39 = arith.addf %dot_general3A_34, %add3A_38 : vector<10000x64xf32>
    %max3A_40 = arith.constant 0.000000e+00 : f32
    %max3A_41 = vector.broadcast %max3A_40 : f32 to vector<10000x64xf32>
    %max3A_42 = arith.maximumf %add3A_39, %max3A_41 : vector<10000x64xf32>
    %slice3A = vector.extract_strided_slice %max3A_42 {offsets = [0, 0], sizes = [128, 64], strides = [1, 1]} : vector<10000x64xf32> to vector<128x64xf32>
    %slice3A_43 = vector.extract_strided_slice %max3A_42 {offsets = [128, 0], sizes = [128, 64], strides = [1, 1]} : vector<10000x64xf32> to vector<128x64xf32>
    %add3A_44 = arith.addf %slice3A, %slice3A_43 : vector<128x64xf32>
    %slice3A_45 = vector.extract_strided_slice %max3A_42 {offsets = [256, 0], sizes = [128, 64], strides = [1, 1]} : vector<10000x64xf32> to vector<128x64xf32>
    %add3A_46 = arith.addf %add3A_44, %slice3A_45 : vector<128x64xf32>
    %slice3A_47 = vector.extract_strided_slice %max3A_42 {offsets = [384, 0], sizes = [128, 64], strides = [1, 1]} : vector<10000x64xf32> to vector<128x64xf32>
    %add3A_48 = arith.addf %add3A_46, %slice3A_47 : vector<128x64xf32>
    %slice3A_49 = vector.extract_strided_slice %max3A_42 {offsets = [512, 0], sizes = [128, 64], strides = [1, 1]} : vector<10000x64xf32> to vector<128x64xf32>
    %add3A_50 = arith.addf %add3A_48, %slice3A_49 : vector<128x64xf32>
    %slice3A_51 = vector.extract_strided_slice %max3A_42 {offsets = [640, 0], sizes = [128, 64], strides = [1, 1]} : vector<10000x64xf32> to vector<128x64xf32>
    %add3A_52 = arith.addf %add3A_50, %slice3A_51 : vector<128x64xf32>
    %slice3A_53 = vector.extract_strided_slice %max3A_42 {offsets = [768, 0], sizes = [128, 64], strides = [1, 1]} : vector<10000x64xf32> to vector<128x64xf32>
    %add3A_54 = arith.addf %add3A_52, %slice3A_53 : vector<128x64xf32>
    %slice3A_55 = vector.extract_strided_slice %max3A_42 {offsets = [896, 0], sizes = [128, 64], strides = [1, 1]} : vector<10000x64xf32> to vector<128x64xf32>
    %add3A_56 = arith.addf %add3A_54, %slice3A_55 : vector<128x64xf32>
    %slice3A_57 = vector.extract_strided_slice %max3A_42 {offsets = [1024, 0], sizes = [128, 64], strides = [1, 1]} : vector<10000x64xf32> to vector<128x64xf32>
    %add3A_58 = arith.addf %add3A_56, %slice3A_57 : vector<128x64xf32>
    %slice3A_59 = vector.extract_strided_slice %max3A_42 {offsets = [1152, 0], sizes = [128, 64], strides = [1, 1]} : vector<10000x64xf32> to vector<128x64xf32>
    %add3A_60 = arith.addf %add3A_58, %slice3A_59 : vector<128x64xf32>
    %slice3A_61 = vector.extract_strided_slice %max3A_42 {offsets = [1280, 0], sizes = [128, 64], strides = [1, 1]} : vector<10000x64xf32> to vector<128x64xf32>
    %add3A_62 = arith.addf %add3A_60, %slice3A_61 : vector<128x64xf32>
    %slice3A_63 = vector.extract_strided_slice %max3A_42 {offsets = [1408, 0], sizes = [128, 64], strides = [1, 1]} : vector<10000x64xf32> to vector<128x64xf32>
    %add3A_64 = arith.addf %add3A_62, %slice3A_63 : vector<128x64xf32>
    %slice3A_65 = vector.extract_strided_slice %max3A_42 {offsets = [1536, 0], sizes = [128, 64], strides = [1, 1]} : vector<10000x64xf32> to vector<128x64xf32>
    %add3A_66 = arith.addf %add3A_64, %slice3A_65 : vector<128x64xf32>
    %slice3A_67 = vector.extract_strided_slice %max3A_42 {offsets = [1664, 0], sizes = [128, 64], strides = [1, 1]} : vector<10000x64xf32> to vector<128x64xf32>
    %add3A_68 = arith.addf %add3A_66, %slice3A_67 : vector<128x64xf32>
    %slice3A_69 = vector.extract_strided_slice %max3A_42 {offsets = [1792, 0], sizes = [128, 64], strides = [1, 1]} : vector<10000x64xf32> to vector<128x64xf32>
    %add3A_70 = arith.addf %add3A_68, %slice3A_69 : vector<128x64xf32>
    %slice3A_71 = vector.extract_strided_slice %max3A_42 {offsets = [1920, 0], sizes = [128, 64], strides = [1, 1]} : vector<10000x64xf32> to vector<128x64xf32>
    %add3A_72 = arith.addf %add3A_70, %slice3A_71 : vector<128x64xf32>
    %slice3A_73 = vector.extract_strided_slice %max3A_42 {offsets = [2048, 0], sizes = [128, 64], strides = [1, 1]} : vector<10000x64xf32> to vector<128x64xf32>
    %add3A_74 = arith.addf %add3A_72, %slice3A_73 : vector<128x64xf32>
    %slice3A_75 = vector.extract_strided_slice %max3A_42 {offsets = [2176, 0], sizes = [128, 64], strides = [1, 1]} : vector<10000x64xf32> to vector<128x64xf32>
    %add3A_76 = arith.addf %add3A_74, %slice3A_75 : vector<128x64xf32>
    %slice3A_77 = vector.extract_strided_slice %max3A_42 {offsets = [2304, 0], sizes = [128, 64], strides = [1, 1]} : vector<10000x64xf32> to vector<128x64xf32>
    %add3A_78 = arith.addf %add3A_76, %slice3A_77 : vector<128x64xf32>
    %slice3A_79 = vector.extract_strided_slice %max3A_42 {offsets = [2432, 0], sizes = [128, 64], strides = [1, 1]} : vector<10000x64xf32> to vector<128x64xf32>
    %add3A_80 = arith.addf %add3A_78, %slice3A_79 : vector<128x64xf32>
    %slice3A_81 = vector.extract_strided_slice %max3A_42 {offsets = [2560, 0], sizes = [128, 64], strides = [1, 1]} : vector<10000x64xf32> to vector<128x64xf32>
    %add3A_82 = arith.addf %add3A_80, %slice3A_81 : vector<128x64xf32>
    %slice3A_83 = vector.extract_strided_slice %max3A_42 {offsets = [2688, 0], sizes = [128, 64], strides = [1, 1]} : vector<10000x64xf32> to vector<128x64xf32>
    %add3A_84 = arith.addf %add3A_82, %slice3A_83 : vector<128x64xf32>
    %slice3A_85 = vector.extract_strided_slice %max3A_42 {offsets = [2816, 0], sizes = [128, 64], strides = [1, 1]} : vector<10000x64xf32> to vector<128x64xf32>
    %add3A_86 = arith.addf %add3A_84, %slice3A_85 : vector<128x64xf32>
    %slice3A_87 = vector.extract_strided_slice %max3A_42 {offsets = [2944, 0], sizes = [128, 64], strides = [1, 1]} : vector<10000x64xf32> to vector<128x64xf32>
    %add3A_88 = arith.addf %add3A_86, %slice3A_87 : vector<128x64xf32>
    %slice3A_89 = vector.extract_strided_slice %max3A_42 {offsets = [3072, 0], sizes = [128, 64], strides = [1, 1]} : vector<10000x64xf32> to vector<128x64xf32>
    %add3A_90 = arith.addf %add3A_88, %slice3A_89 : vector<128x64xf32>
    %slice3A_91 = vector.extract_strided_slice %max3A_42 {offsets = [3200, 0], sizes = [128, 64], strides = [1, 1]} : vector<10000x64xf32> to vector<128x64xf32>
    %add3A_92 = arith.addf %add3A_90, %slice3A_91 : vector<128x64xf32>
    %slice3A_93 = vector.extract_strided_slice %max3A_42 {offsets = [3328, 0], sizes = [128, 64], strides = [1, 1]} : vector<10000x64xf32> to vector<128x64xf32>
    %add3A_94 = arith.addf %add3A_92, %slice3A_93 : vector<128x64xf32>
    %slice3A_95 = vector.extract_strided_slice %max3A_42 {offsets = [3456, 0], sizes = [128, 64], strides = [1, 1]} : vector<10000x64xf32> to vector<128x64xf32>
    %add3A_96 = arith.addf %add3A_94, %slice3A_95 : vector<128x64xf32>
    %slice3A_97 = vector.extract_strided_slice %max3A_42 {offsets = [3584, 0], sizes = [128, 64], strides = [1, 1]} : vector<10000x64xf32> to vector<128x64xf32>
    %add3A_98 = arith.addf %add3A_96, %slice3A_97 : vector<128x64xf32>
    %slice3A_99 = vector.extract_strided_slice %max3A_42 {offsets = [3712, 0], sizes = [128, 64], strides = [1, 1]} : vector<10000x64xf32> to vector<128x64xf32>
    %add3A_100 = arith.addf %add3A_98, %slice3A_99 : vector<128x64xf32>
    %slice3A_101 = vector.extract_strided_slice %max3A_42 {offsets = [3840, 0], sizes = [128, 64], strides = [1, 1]} : vector<10000x64xf32> to vector<128x64xf32>
    %add3A_102 = arith.addf %add3A_100, %slice3A_101 : vector<128x64xf32>
    %slice3A_103 = vector.extract_strided_slice %max3A_42 {offsets = [3968, 0], sizes = [128, 64], strides = [1, 1]} : vector<10000x64xf32> to vector<128x64xf32>
    %add3A_104 = arith.addf %add3A_102, %slice3A_103 : vector<128x64xf32>
    %slice3A_105 = vector.extract_strided_slice %max3A_42 {offsets = [4096, 0], sizes = [128, 64], strides = [1, 1]} : vector<10000x64xf32> to vector<128x64xf32>
    %add3A_106 = arith.addf %add3A_104, %slice3A_105 : vector<128x64xf32>
    %slice3A_107 = vector.extract_strided_slice %max3A_42 {offsets = [4224, 0], sizes = [128, 64], strides = [1, 1]} : vector<10000x64xf32> to vector<128x64xf32>
    %add3A_108 = arith.addf %add3A_106, %slice3A_107 : vector<128x64xf32>
    %slice3A_109 = vector.extract_strided_slice %max3A_42 {offsets = [4352, 0], sizes = [128, 64], strides = [1, 1]} : vector<10000x64xf32> to vector<128x64xf32>
    %add3A_110 = arith.addf %add3A_108, %slice3A_109 : vector<128x64xf32>
    %slice3A_111 = vector.extract_strided_slice %max3A_42 {offsets = [4480, 0], sizes = [128, 64], strides = [1, 1]} : vector<10000x64xf32> to vector<128x64xf32>
    %add3A_112 = arith.addf %add3A_110, %slice3A_111 : vector<128x64xf32>
    %slice3A_113 = vector.extract_strided_slice %max3A_42 {offsets = [4608, 0], sizes = [128, 64], strides = [1, 1]} : vector<10000x64xf32> to vector<128x64xf32>
    %add3A_114 = arith.addf %add3A_112, %slice3A_113 : vector<128x64xf32>
    %slice3A_115 = vector.extract_strided_slice %max3A_42 {offsets = [4736, 0], sizes = [128, 64], strides = [1, 1]} : vector<10000x64xf32> to vector<128x64xf32>
    %add3A_116 = arith.addf %add3A_114, %slice3A_115 : vector<128x64xf32>
    %slice3A_117 = vector.extract_strided_slice %max3A_42 {offsets = [4864, 0], sizes = [128, 64], strides = [1, 1]} : vector<10000x64xf32> to vector<128x64xf32>
    %add3A_118 = arith.addf %add3A_116, %slice3A_117 : vector<128x64xf32>
    %slice3A_119 = vector.extract_strided_slice %max3A_42 {offsets = [4992, 0], sizes = [128, 64], strides = [1, 1]} : vector<10000x64xf32> to vector<128x64xf32>
    %add3A_120 = arith.addf %add3A_118, %slice3A_119 : vector<128x64xf32>
    %slice3A_121 = vector.extract_strided_slice %max3A_42 {offsets = [5120, 0], sizes = [128, 64], strides = [1, 1]} : vector<10000x64xf32> to vector<128x64xf32>
    %add3A_122 = arith.addf %add3A_120, %slice3A_121 : vector<128x64xf32>
    %slice3A_123 = vector.extract_strided_slice %max3A_42 {offsets = [5248, 0], sizes = [128, 64], strides = [1, 1]} : vector<10000x64xf32> to vector<128x64xf32>
    %add3A_124 = arith.addf %add3A_122, %slice3A_123 : vector<128x64xf32>
    %slice3A_125 = vector.extract_strided_slice %max3A_42 {offsets = [5376, 0], sizes = [128, 64], strides = [1, 1]} : vector<10000x64xf32> to vector<128x64xf32>
    %add3A_126 = arith.addf %add3A_124, %slice3A_125 : vector<128x64xf32>
    %slice3A_127 = vector.extract_strided_slice %max3A_42 {offsets = [5504, 0], sizes = [128, 64], strides = [1, 1]} : vector<10000x64xf32> to vector<128x64xf32>
    %add3A_128 = arith.addf %add3A_126, %slice3A_127 : vector<128x64xf32>
    %slice3A_129 = vector.extract_strided_slice %max3A_42 {offsets = [5632, 0], sizes = [128, 64], strides = [1, 1]} : vector<10000x64xf32> to vector<128x64xf32>
    %add3A_130 = arith.addf %add3A_128, %slice3A_129 : vector<128x64xf32>
    %slice3A_131 = vector.extract_strided_slice %max3A_42 {offsets = [5760, 0], sizes = [128, 64], strides = [1, 1]} : vector<10000x64xf32> to vector<128x64xf32>
    %add3A_132 = arith.addf %add3A_130, %slice3A_131 : vector<128x64xf32>
    %slice3A_133 = vector.extract_strided_slice %max3A_42 {offsets = [5888, 0], sizes = [128, 64], strides = [1, 1]} : vector<10000x64xf32> to vector<128x64xf32>
    %add3A_134 = arith.addf %add3A_132, %slice3A_133 : vector<128x64xf32>
    %slice3A_135 = vector.extract_strided_slice %max3A_42 {offsets = [6016, 0], sizes = [128, 64], strides = [1, 1]} : vector<10000x64xf32> to vector<128x64xf32>
    %add3A_136 = arith.addf %add3A_134, %slice3A_135 : vector<128x64xf32>
    %slice3A_137 = vector.extract_strided_slice %max3A_42 {offsets = [6144, 0], sizes = [128, 64], strides = [1, 1]} : vector<10000x64xf32> to vector<128x64xf32>
    %add3A_138 = arith.addf %add3A_136, %slice3A_137 : vector<128x64xf32>
    %slice3A_139 = vector.extract_strided_slice %max3A_42 {offsets = [6272, 0], sizes = [128, 64], strides = [1, 1]} : vector<10000x64xf32> to vector<128x64xf32>
    %add3A_140 = arith.addf %add3A_138, %slice3A_139 : vector<128x64xf32>
    %slice3A_141 = vector.extract_strided_slice %max3A_42 {offsets = [6400, 0], sizes = [128, 64], strides = [1, 1]} : vector<10000x64xf32> to vector<128x64xf32>
    %add3A_142 = arith.addf %add3A_140, %slice3A_141 : vector<128x64xf32>
    %slice3A_143 = vector.extract_strided_slice %max3A_42 {offsets = [6528, 0], sizes = [128, 64], strides = [1, 1]} : vector<10000x64xf32> to vector<128x64xf32>
    %add3A_144 = arith.addf %add3A_142, %slice3A_143 : vector<128x64xf32>
    %slice3A_145 = vector.extract_strided_slice %max3A_42 {offsets = [6656, 0], sizes = [128, 64], strides = [1, 1]} : vector<10000x64xf32> to vector<128x64xf32>
    %add3A_146 = arith.addf %add3A_144, %slice3A_145 : vector<128x64xf32>
    %slice3A_147 = vector.extract_strided_slice %max3A_42 {offsets = [6784, 0], sizes = [128, 64], strides = [1, 1]} : vector<10000x64xf32> to vector<128x64xf32>
    %add3A_148 = arith.addf %add3A_146, %slice3A_147 : vector<128x64xf32>
    %slice3A_149 = vector.extract_strided_slice %max3A_42 {offsets = [6912, 0], sizes = [128, 64], strides = [1, 1]} : vector<10000x64xf32> to vector<128x64xf32>
    %add3A_150 = arith.addf %add3A_148, %slice3A_149 : vector<128x64xf32>
    %slice3A_151 = vector.extract_strided_slice %max3A_42 {offsets = [7040, 0], sizes = [128, 64], strides = [1, 1]} : vector<10000x64xf32> to vector<128x64xf32>
    %add3A_152 = arith.addf %add3A_150, %slice3A_151 : vector<128x64xf32>
    %slice3A_153 = vector.extract_strided_slice %max3A_42 {offsets = [7168, 0], sizes = [128, 64], strides = [1, 1]} : vector<10000x64xf32> to vector<128x64xf32>
    %add3A_154 = arith.addf %add3A_152, %slice3A_153 : vector<128x64xf32>
    %slice3A_155 = vector.extract_strided_slice %max3A_42 {offsets = [7296, 0], sizes = [128, 64], strides = [1, 1]} : vector<10000x64xf32> to vector<128x64xf32>
    %add3A_156 = arith.addf %add3A_154, %slice3A_155 : vector<128x64xf32>
    %slice3A_157 = vector.extract_strided_slice %max3A_42 {offsets = [7424, 0], sizes = [128, 64], strides = [1, 1]} : vector<10000x64xf32> to vector<128x64xf32>
    %add3A_158 = arith.addf %add3A_156, %slice3A_157 : vector<128x64xf32>
    %slice3A_159 = vector.extract_strided_slice %max3A_42 {offsets = [7552, 0], sizes = [128, 64], strides = [1, 1]} : vector<10000x64xf32> to vector<128x64xf32>
    %add3A_160 = arith.addf %add3A_158, %slice3A_159 : vector<128x64xf32>
    %slice3A_161 = vector.extract_strided_slice %max3A_42 {offsets = [7680, 0], sizes = [128, 64], strides = [1, 1]} : vector<10000x64xf32> to vector<128x64xf32>
    %add3A_162 = arith.addf %add3A_160, %slice3A_161 : vector<128x64xf32>
    %slice3A_163 = vector.extract_strided_slice %max3A_42 {offsets = [7808, 0], sizes = [128, 64], strides = [1, 1]} : vector<10000x64xf32> to vector<128x64xf32>
    %add3A_164 = arith.addf %add3A_162, %slice3A_163 : vector<128x64xf32>
    %slice3A_165 = vector.extract_strided_slice %max3A_42 {offsets = [7936, 0], sizes = [128, 64], strides = [1, 1]} : vector<10000x64xf32> to vector<128x64xf32>
    %add3A_166 = arith.addf %add3A_164, %slice3A_165 : vector<128x64xf32>
    %slice3A_167 = vector.extract_strided_slice %max3A_42 {offsets = [8064, 0], sizes = [128, 64], strides = [1, 1]} : vector<10000x64xf32> to vector<128x64xf32>
    %add3A_168 = arith.addf %add3A_166, %slice3A_167 : vector<128x64xf32>
    %slice3A_169 = vector.extract_strided_slice %max3A_42 {offsets = [8192, 0], sizes = [128, 64], strides = [1, 1]} : vector<10000x64xf32> to vector<128x64xf32>
    %add3A_170 = arith.addf %add3A_168, %slice3A_169 : vector<128x64xf32>
    %slice3A_171 = vector.extract_strided_slice %max3A_42 {offsets = [8320, 0], sizes = [128, 64], strides = [1, 1]} : vector<10000x64xf32> to vector<128x64xf32>
    %add3A_172 = arith.addf %add3A_170, %slice3A_171 : vector<128x64xf32>
    %slice3A_173 = vector.extract_strided_slice %max3A_42 {offsets = [8448, 0], sizes = [128, 64], strides = [1, 1]} : vector<10000x64xf32> to vector<128x64xf32>
    %add3A_174 = arith.addf %add3A_172, %slice3A_173 : vector<128x64xf32>
    %slice3A_175 = vector.extract_strided_slice %max3A_42 {offsets = [8576, 0], sizes = [128, 64], strides = [1, 1]} : vector<10000x64xf32> to vector<128x64xf32>
    %add3A_176 = arith.addf %add3A_174, %slice3A_175 : vector<128x64xf32>
    %slice3A_177 = vector.extract_strided_slice %max3A_42 {offsets = [8704, 0], sizes = [128, 64], strides = [1, 1]} : vector<10000x64xf32> to vector<128x64xf32>
    %add3A_178 = arith.addf %add3A_176, %slice3A_177 : vector<128x64xf32>
    %slice3A_179 = vector.extract_strided_slice %max3A_42 {offsets = [8832, 0], sizes = [128, 64], strides = [1, 1]} : vector<10000x64xf32> to vector<128x64xf32>
    %add3A_180 = arith.addf %add3A_178, %slice3A_179 : vector<128x64xf32>
    %slice3A_181 = vector.extract_strided_slice %max3A_42 {offsets = [8960, 0], sizes = [128, 64], strides = [1, 1]} : vector<10000x64xf32> to vector<128x64xf32>
    %add3A_182 = arith.addf %add3A_180, %slice3A_181 : vector<128x64xf32>
    %slice3A_183 = vector.extract_strided_slice %max3A_42 {offsets = [9088, 0], sizes = [128, 64], strides = [1, 1]} : vector<10000x64xf32> to vector<128x64xf32>
    %add3A_184 = arith.addf %add3A_182, %slice3A_183 : vector<128x64xf32>
    %slice3A_185 = vector.extract_strided_slice %max3A_42 {offsets = [9216, 0], sizes = [128, 64], strides = [1, 1]} : vector<10000x64xf32> to vector<128x64xf32>
    %add3A_186 = arith.addf %add3A_184, %slice3A_185 : vector<128x64xf32>
    %slice3A_187 = vector.extract_strided_slice %max3A_42 {offsets = [9344, 0], sizes = [128, 64], strides = [1, 1]} : vector<10000x64xf32> to vector<128x64xf32>
    %add3A_188 = arith.addf %add3A_186, %slice3A_187 : vector<128x64xf32>
    %slice3A_189 = vector.extract_strided_slice %max3A_42 {offsets = [9472, 0], sizes = [128, 64], strides = [1, 1]} : vector<10000x64xf32> to vector<128x64xf32>
    %add3A_190 = arith.addf %add3A_188, %slice3A_189 : vector<128x64xf32>
    %slice3A_191 = vector.extract_strided_slice %max3A_42 {offsets = [9600, 0], sizes = [128, 64], strides = [1, 1]} : vector<10000x64xf32> to vector<128x64xf32>
    %add3A_192 = arith.addf %add3A_190, %slice3A_191 : vector<128x64xf32>
    %slice3A_193 = vector.extract_strided_slice %max3A_42 {offsets = [9728, 0], sizes = [128, 64], strides = [1, 1]} : vector<10000x64xf32> to vector<128x64xf32>
    %add3A_194 = arith.addf %add3A_192, %slice3A_193 : vector<128x64xf32>
    %slice3A_195 = vector.extract_strided_slice %max3A_42 {offsets = [9856, 0], sizes = [128, 64], strides = [1, 1]} : vector<10000x64xf32> to vector<128x64xf32>
    %add3A_196 = arith.addf %add3A_194, %slice3A_195 : vector<128x64xf32>
    %slice3A_197 = vector.extract_strided_slice %add3A_196 {offsets = [0, 0], sizes = [16, 64], strides = [1, 1]} : vector<128x64xf32> to vector<16x64xf32>
    %slice3A_198 = vector.extract_strided_slice %max3A_42 {offsets = [9984, 0], sizes = [16, 64], strides = [1, 1]} : vector<10000x64xf32> to vector<16x64xf32>
    %add3A_199 = arith.addf %slice3A_197, %slice3A_198 : vector<16x64xf32>
    %slice3A_200 = vector.extract_strided_slice %add3A_196 {offsets = [16, 0], sizes = [112, 64], strides = [1, 1]} : vector<128x64xf32> to vector<112x64xf32>
    %concatenate3A_201 = tpu.concatenate %add3A_199, %slice3A_200 in 0 : vector<16x64xf32>, vector<112x64xf32> -> vector<128x64xf32>
    %slice3A_202 = vector.extract_strided_slice %concatenate3A_201 {offsets = [0, 0], sizes = [8, 64], strides = [1, 1]} : vector<128x64xf32> to vector<8x64xf32>
    %slice3A_203 = vector.extract_strided_slice %concatenate3A_201 {offsets = [8, 0], sizes = [8, 64], strides = [1, 1]} : vector<128x64xf32> to vector<8x64xf32>
    %add3A_204 = arith.addf %slice3A_202, %slice3A_203 : vector<8x64xf32>
    %slice3A_205 = vector.extract_strided_slice %concatenate3A_201 {offsets = [16, 0], sizes = [8, 64], strides = [1, 1]} : vector<128x64xf32> to vector<8x64xf32>
    %add3A_206 = arith.addf %add3A_204, %slice3A_205 : vector<8x64xf32>
    %slice3A_207 = vector.extract_strided_slice %concatenate3A_201 {offsets = [24, 0], sizes = [8, 64], strides = [1, 1]} : vector<128x64xf32> to vector<8x64xf32>
    %add3A_208 = arith.addf %add3A_206, %slice3A_207 : vector<8x64xf32>
    %slice3A_209 = vector.extract_strided_slice %concatenate3A_201 {offsets = [32, 0], sizes = [8, 64], strides = [1, 1]} : vector<128x64xf32> to vector<8x64xf32>
    %add3A_210 = arith.addf %add3A_208, %slice3A_209 : vector<8x64xf32>
    %slice3A_211 = vector.extract_strided_slice %concatenate3A_201 {offsets = [40, 0], sizes = [8, 64], strides = [1, 1]} : vector<128x64xf32> to vector<8x64xf32>
    %add3A_212 = arith.addf %add3A_210, %slice3A_211 : vector<8x64xf32>
    %slice3A_213 = vector.extract_strided_slice %concatenate3A_201 {offsets = [48, 0], sizes = [8, 64], strides = [1, 1]} : vector<128x64xf32> to vector<8x64xf32>
    %add3A_214 = arith.addf %add3A_212, %slice3A_213 : vector<8x64xf32>
    %slice3A_215 = vector.extract_strided_slice %concatenate3A_201 {offsets = [56, 0], sizes = [8, 64], strides = [1, 1]} : vector<128x64xf32> to vector<8x64xf32>
    %add3A_216 = arith.addf %add3A_214, %slice3A_215 : vector<8x64xf32>
    %slice3A_217 = vector.extract_strided_slice %concatenate3A_201 {offsets = [64, 0], sizes = [8, 64], strides = [1, 1]} : vector<128x64xf32> to vector<8x64xf32>
    %add3A_218 = arith.addf %add3A_216, %slice3A_217 : vector<8x64xf32>
    %slice3A_219 = vector.extract_strided_slice %concatenate3A_201 {offsets = [72, 0], sizes = [8, 64], strides = [1, 1]} : vector<128x64xf32> to vector<8x64xf32>
    %add3A_220 = arith.addf %add3A_218, %slice3A_219 : vector<8x64xf32>
    %slice3A_221 = vector.extract_strided_slice %concatenate3A_201 {offsets = [80, 0], sizes = [8, 64], strides = [1, 1]} : vector<128x64xf32> to vector<8x64xf32>
    %add3A_222 = arith.addf %add3A_220, %slice3A_221 : vector<8x64xf32>
    %slice3A_223 = vector.extract_strided_slice %concatenate3A_201 {offsets = [88, 0], sizes = [8, 64], strides = [1, 1]} : vector<128x64xf32> to vector<8x64xf32>
    %add3A_224 = arith.addf %add3A_222, %slice3A_223 : vector<8x64xf32>
    %slice3A_225 = vector.extract_strided_slice %concatenate3A_201 {offsets = [96, 0], sizes = [8, 64], strides = [1, 1]} : vector<128x64xf32> to vector<8x64xf32>
    %add3A_226 = arith.addf %add3A_224, %slice3A_225 : vector<8x64xf32>
    %slice3A_227 = vector.extract_strided_slice %concatenate3A_201 {offsets = [104, 0], sizes = [8, 64], strides = [1, 1]} : vector<128x64xf32> to vector<8x64xf32>
    %add3A_228 = arith.addf %add3A_226, %slice3A_227 : vector<8x64xf32>
    %slice3A_229 = vector.extract_strided_slice %concatenate3A_201 {offsets = [112, 0], sizes = [8, 64], strides = [1, 1]} : vector<128x64xf32> to vector<8x64xf32>
    %add3A_230 = arith.addf %add3A_228, %slice3A_229 : vector<8x64xf32>
    %slice3A_231 = vector.extract_strided_slice %concatenate3A_201 {offsets = [120, 0], sizes = [8, 64], strides = [1, 1]} : vector<128x64xf32> to vector<8x64xf32>
    %add3A_232 = arith.addf %add3A_230, %slice3A_231 : vector<8x64xf32>
    %slice3A_233 = vector.extract_strided_slice %add3A_232 {offsets = [0, 0], sizes = [4, 64], strides = [1, 1]} : vector<8x64xf32> to vector<4x64xf32>
    %slice3A_234 = vector.extract_strided_slice %add3A_232 {offsets = [4, 0], sizes = [4, 64], strides = [1, 1]} : vector<8x64xf32> to vector<4x64xf32>
    %add3A_235 = arith.addf %slice3A_233, %slice3A_234 : vector<4x64xf32>
    %slice3A_236 = vector.extract_strided_slice %add3A_235 {offsets = [0, 0], sizes = [2, 64], strides = [1, 1]} : vector<4x64xf32> to vector<2x64xf32>
    %slice3A_237 = vector.extract_strided_slice %add3A_235 {offsets = [2, 0], sizes = [2, 64], strides = [1, 1]} : vector<4x64xf32> to vector<2x64xf32>
    %add3A_238 = arith.addf %slice3A_236, %slice3A_237 : vector<2x64xf32>
    %slice3A_239 = vector.extract_strided_slice %add3A_238 {offsets = [0, 0], sizes = [1, 64], strides = [1, 1]} : vector<2x64xf32> to vector<1x64xf32>
    %slice3A_240 = vector.extract_strided_slice %add3A_238 {offsets = [1, 0], sizes = [1, 64], strides = [1, 1]} : vector<2x64xf32> to vector<1x64xf32>
    %add3A_241 = arith.addf %slice3A_239, %slice3A_240 : vector<1x64xf32>
    %mul3A_242 = arith.constant 9.99999974E-5 : f32
    %mul3A_243 = vector.broadcast %mul3A_242 : f32 to vector<1x64xf32>
    %mul3A_244 = arith.mulf %add3A_241, %mul3A_243 : vector<1x64xf32>
    %sub3A = vector.broadcast %mul3A_244 : vector<1x64xf32> to vector<10000x64xf32>
    %sub3A_245 = arith.subf %max3A_42, %sub3A : vector<10000x64xf32>
    %mul3A_246 = arith.mulf %sub3A_245, %sub3A_245 : vector<10000x64xf32>
    %slice3A_247 = vector.extract_strided_slice %mul3A_246 {offsets = [0, 0], sizes = [128, 64], strides = [1, 1]} : vector<10000x64xf32> to vector<128x64xf32>
    %slice3A_248 = vector.extract_strided_slice %mul3A_246 {offsets = [128, 0], sizes = [128, 64], strides = [1, 1]} : vector<10000x64xf32> to vector<128x64xf32>
    %add3A_249 = arith.addf %slice3A_247, %slice3A_248 : vector<128x64xf32>
    %slice3A_250 = vector.extract_strided_slice %mul3A_246 {offsets = [256, 0], sizes = [128, 64], strides = [1, 1]} : vector<10000x64xf32> to vector<128x64xf32>
    %add3A_251 = arith.addf %add3A_249, %slice3A_250 : vector<128x64xf32>
    %slice3A_252 = vector.extract_strided_slice %mul3A_246 {offsets = [384, 0], sizes = [128, 64], strides = [1, 1]} : vector<10000x64xf32> to vector<128x64xf32>
    %add3A_253 = arith.addf %add3A_251, %slice3A_252 : vector<128x64xf32>
    %slice3A_254 = vector.extract_strided_slice %mul3A_246 {offsets = [512, 0], sizes = [128, 64], strides = [1, 1]} : vector<10000x64xf32> to vector<128x64xf32>
    %add3A_255 = arith.addf %add3A_253, %slice3A_254 : vector<128x64xf32>
    %slice3A_256 = vector.extract_strided_slice %mul3A_246 {offsets = [640, 0], sizes = [128, 64], strides = [1, 1]} : vector<10000x64xf32> to vector<128x64xf32>
    %add3A_257 = arith.addf %add3A_255, %slice3A_256 : vector<128x64xf32>
    %slice3A_258 = vector.extract_strided_slice %mul3A_246 {offsets = [768, 0], sizes = [128, 64], strides = [1, 1]} : vector<10000x64xf32> to vector<128x64xf32>
    %add3A_259 = arith.addf %add3A_257, %slice3A_258 : vector<128x64xf32>
    %slice3A_260 = vector.extract_strided_slice %mul3A_246 {offsets = [896, 0], sizes = [128, 64], strides = [1, 1]} : vector<10000x64xf32> to vector<128x64xf32>
    %add3A_261 = arith.addf %add3A_259, %slice3A_260 : vector<128x64xf32>
    %slice3A_262 = vector.extract_strided_slice %mul3A_246 {offsets = [1024, 0], sizes = [128, 64], strides = [1, 1]} : vector<10000x64xf32> to vector<128x64xf32>
    %add3A_263 = arith.addf %add3A_261, %slice3A_262 : vector<128x64xf32>
    %slice3A_264 = vector.extract_strided_slice %mul3A_246 {offsets = [1152, 0], sizes = [128, 64], strides = [1, 1]} : vector<10000x64xf32> to vector<128x64xf32>
    %add3A_265 = arith.addf %add3A_263, %slice3A_264 : vector<128x64xf32>
    %slice3A_266 = vector.extract_strided_slice %mul3A_246 {offsets = [1280, 0], sizes = [128, 64], strides = [1, 1]} : vector<10000x64xf32> to vector<128x64xf32>
    %add3A_267 = arith.addf %add3A_265, %slice3A_266 : vector<128x64xf32>
    %slice3A_268 = vector.extract_strided_slice %mul3A_246 {offsets = [1408, 0], sizes = [128, 64], strides = [1, 1]} : vector<10000x64xf32> to vector<128x64xf32>
    %add3A_269 = arith.addf %add3A_267, %slice3A_268 : vector<128x64xf32>
    %slice3A_270 = vector.extract_strided_slice %mul3A_246 {offsets = [1536, 0], sizes = [128, 64], strides = [1, 1]} : vector<10000x64xf32> to vector<128x64xf32>
    %add3A_271 = arith.addf %add3A_269, %slice3A_270 : vector<128x64xf32>
    %slice3A_272 = vector.extract_strided_slice %mul3A_246 {offsets = [1664, 0], sizes = [128, 64], strides = [1, 1]} : vector<10000x64xf32> to vector<128x64xf32>
    %add3A_273 = arith.addf %add3A_271, %slice3A_272 : vector<128x64xf32>
    %slice3A_274 = vector.extract_strided_slice %mul3A_246 {offsets = [1792, 0], sizes = [128, 64], strides = [1, 1]} : vector<10000x64xf32> to vector<128x64xf32>
    %add3A_275 = arith.addf %add3A_273, %slice3A_274 : vector<128x64xf32>
    %slice3A_276 = vector.extract_strided_slice %mul3A_246 {offsets = [1920, 0], sizes = [128, 64], strides = [1, 1]} : vector<10000x64xf32> to vector<128x64xf32>
    %add3A_277 = arith.addf %add3A_275, %slice3A_276 : vector<128x64xf32>
    %slice3A_278 = vector.extract_strided_slice %mul3A_246 {offsets = [2048, 0], sizes = [128, 64], strides = [1, 1]} : vector<10000x64xf32> to vector<128x64xf32>
    %add3A_279 = arith.addf %add3A_277, %slice3A_278 : vector<128x64xf32>
    %slice3A_280 = vector.extract_strided_slice %mul3A_246 {offsets = [2176, 0], sizes = [128, 64], strides = [1, 1]} : vector<10000x64xf32> to vector<128x64xf32>
    %add3A_281 = arith.addf %add3A_279, %slice3A_280 : vector<128x64xf32>
    %slice3A_282 = vector.extract_strided_slice %mul3A_246 {offsets = [2304, 0], sizes = [128, 64], strides = [1, 1]} : vector<10000x64xf32> to vector<128x64xf32>
    %add3A_283 = arith.addf %add3A_281, %slice3A_282 : vector<128x64xf32>
    %slice3A_284 = vector.extract_strided_slice %mul3A_246 {offsets = [2432, 0], sizes = [128, 64], strides = [1, 1]} : vector<10000x64xf32> to vector<128x64xf32>
    %add3A_285 = arith.addf %add3A_283, %slice3A_284 : vector<128x64xf32>
    %slice3A_286 = vector.extract_strided_slice %mul3A_246 {offsets = [2560, 0], sizes = [128, 64], strides = [1, 1]} : vector<10000x64xf32> to vector<128x64xf32>
    %add3A_287 = arith.addf %add3A_285, %slice3A_286 : vector<128x64xf32>
    %slice3A_288 = vector.extract_strided_slice %mul3A_246 {offsets = [2688, 0], sizes = [128, 64], strides = [1, 1]} : vector<10000x64xf32> to vector<128x64xf32>
    %add3A_289 = arith.addf %add3A_287, %slice3A_288 : vector<128x64xf32>
    %slice3A_290 = vector.extract_strided_slice %mul3A_246 {offsets = [2816, 0], sizes = [128, 64], strides = [1, 1]} : vector<10000x64xf32> to vector<128x64xf32>
    %add3A_291 = arith.addf %add3A_289, %slice3A_290 : vector<128x64xf32>
    %slice3A_292 = vector.extract_strided_slice %mul3A_246 {offsets = [2944, 0], sizes = [128, 64], strides = [1, 1]} : vector<10000x64xf32> to vector<128x64xf32>
    %add3A_293 = arith.addf %add3A_291, %slice3A_292 : vector<128x64xf32>
    %slice3A_294 = vector.extract_strided_slice %mul3A_246 {offsets = [3072, 0], sizes = [128, 64], strides = [1, 1]} : vector<10000x64xf32> to vector<128x64xf32>
    %add3A_295 = arith.addf %add3A_293, %slice3A_294 : vector<128x64xf32>
    %slice3A_296 = vector.extract_strided_slice %mul3A_246 {offsets = [3200, 0], sizes = [128, 64], strides = [1, 1]} : vector<10000x64xf32> to vector<128x64xf32>
    %add3A_297 = arith.addf %add3A_295, %slice3A_296 : vector<128x64xf32>
    %slice3A_298 = vector.extract_strided_slice %mul3A_246 {offsets = [3328, 0], sizes = [128, 64], strides = [1, 1]} : vector<10000x64xf32> to vector<128x64xf32>
    %add3A_299 = arith.addf %add3A_297, %slice3A_298 : vector<128x64xf32>
    %slice3A_300 = vector.extract_strided_slice %mul3A_246 {offsets = [3456, 0], sizes = [128, 64], strides = [1, 1]} : vector<10000x64xf32> to vector<128x64xf32>
    %add3A_301 = arith.addf %add3A_299, %slice3A_300 : vector<128x64xf32>
    %slice3A_302 = vector.extract_strided_slice %mul3A_246 {offsets = [3584, 0], sizes = [128, 64], strides = [1, 1]} : vector<10000x64xf32> to vector<128x64xf32>
    %add3A_303 = arith.addf %add3A_301, %slice3A_302 : vector<128x64xf32>
    %slice3A_304 = vector.extract_strided_slice %mul3A_246 {offsets = [3712, 0], sizes = [128, 64], strides = [1, 1]} : vector<10000x64xf32> to vector<128x64xf32>
    %add3A_305 = arith.addf %add3A_303, %slice3A_304 : vector<128x64xf32>
    %slice3A_306 = vector.extract_strided_slice %mul3A_246 {offsets = [3840, 0], sizes = [128, 64], strides = [1, 1]} : vector<10000x64xf32> to vector<128x64xf32>
    %add3A_307 = arith.addf %add3A_305, %slice3A_306 : vector<128x64xf32>
    %slice3A_308 = vector.extract_strided_slice %mul3A_246 {offsets = [3968, 0], sizes = [128, 64], strides = [1, 1]} : vector<10000x64xf32> to vector<128x64xf32>
    %add3A_309 = arith.addf %add3A_307, %slice3A_308 : vector<128x64xf32>
    %slice3A_310 = vector.extract_strided_slice %mul3A_246 {offsets = [4096, 0], sizes = [128, 64], strides = [1, 1]} : vector<10000x64xf32> to vector<128x64xf32>
    %add3A_311 = arith.addf %add3A_309, %slice3A_310 : vector<128x64xf32>
    %slice3A_312 = vector.extract_strided_slice %mul3A_246 {offsets = [4224, 0], sizes = [128, 64], strides = [1, 1]} : vector<10000x64xf32> to vector<128x64xf32>
    %add3A_313 = arith.addf %add3A_311, %slice3A_312 : vector<128x64xf32>
    %slice3A_314 = vector.extract_strided_slice %mul3A_246 {offsets = [4352, 0], sizes = [128, 64], strides = [1, 1]} : vector<10000x64xf32> to vector<128x64xf32>
    %add3A_315 = arith.addf %add3A_313, %slice3A_314 : vector<128x64xf32>
    %slice3A_316 = vector.extract_strided_slice %mul3A_246 {offsets = [4480, 0], sizes = [128, 64], strides = [1, 1]} : vector<10000x64xf32> to vector<128x64xf32>
    %add3A_317 = arith.addf %add3A_315, %slice3A_316 : vector<128x64xf32>
    %slice3A_318 = vector.extract_strided_slice %mul3A_246 {offsets = [4608, 0], sizes = [128, 64], strides = [1, 1]} : vector<10000x64xf32> to vector<128x64xf32>
    %add3A_319 = arith.addf %add3A_317, %slice3A_318 : vector<128x64xf32>
    %slice3A_320 = vector.extract_strided_slice %mul3A_246 {offsets = [4736, 0], sizes = [128, 64], strides = [1, 1]} : vector<10000x64xf32> to vector<128x64xf32>
    %add3A_321 = arith.addf %add3A_319, %slice3A_320 : vector<128x64xf32>
    %slice3A_322 = vector.extract_strided_slice %mul3A_246 {offsets = [4864, 0], sizes = [128, 64], strides = [1, 1]} : vector<10000x64xf32> to vector<128x64xf32>
    %add3A_323 = arith.addf %add3A_321, %slice3A_322 : vector<128x64xf32>
    %slice3A_324 = vector.extract_strided_slice %mul3A_246 {offsets = [4992, 0], sizes = [128, 64], strides = [1, 1]} : vector<10000x64xf32> to vector<128x64xf32>
    %add3A_325 = arith.addf %add3A_323, %slice3A_324 : vector<128x64xf32>
    %slice3A_326 = vector.extract_strided_slice %mul3A_246 {offsets = [5120, 0], sizes = [128, 64], strides = [1, 1]} : vector<10000x64xf32> to vector<128x64xf32>
    %add3A_327 = arith.addf %add3A_325, %slice3A_326 : vector<128x64xf32>
    %slice3A_328 = vector.extract_strided_slice %mul3A_246 {offsets = [5248, 0], sizes = [128, 64], strides = [1, 1]} : vector<10000x64xf32> to vector<128x64xf32>
    %add3A_329 = arith.addf %add3A_327, %slice3A_328 : vector<128x64xf32>
    %slice3A_330 = vector.extract_strided_slice %mul3A_246 {offsets = [5376, 0], sizes = [128, 64], strides = [1, 1]} : vector<10000x64xf32> to vector<128x64xf32>
    %add3A_331 = arith.addf %add3A_329, %slice3A_330 : vector<128x64xf32>
    %slice3A_332 = vector.extract_strided_slice %mul3A_246 {offsets = [5504, 0], sizes = [128, 64], strides = [1, 1]} : vector<10000x64xf32> to vector<128x64xf32>
    %add3A_333 = arith.addf %add3A_331, %slice3A_332 : vector<128x64xf32>
    %slice3A_334 = vector.extract_strided_slice %mul3A_246 {offsets = [5632, 0], sizes = [128, 64], strides = [1, 1]} : vector<10000x64xf32> to vector<128x64xf32>
    %add3A_335 = arith.addf %add3A_333, %slice3A_334 : vector<128x64xf32>
    %slice3A_336 = vector.extract_strided_slice %mul3A_246 {offsets = [5760, 0], sizes = [128, 64], strides = [1, 1]} : vector<10000x64xf32> to vector<128x64xf32>
    %add3A_337 = arith.addf %add3A_335, %slice3A_336 : vector<128x64xf32>
    %slice3A_338 = vector.extract_strided_slice %mul3A_246 {offsets = [5888, 0], sizes = [128, 64], strides = [1, 1]} : vector<10000x64xf32> to vector<128x64xf32>
    %add3A_339 = arith.addf %add3A_337, %slice3A_338 : vector<128x64xf32>
    %slice3A_340 = vector.extract_strided_slice %mul3A_246 {offsets = [6016, 0], sizes = [128, 64], strides = [1, 1]} : vector<10000x64xf32> to vector<128x64xf32>
    %add3A_341 = arith.addf %add3A_339, %slice3A_340 : vector<128x64xf32>
    %slice3A_342 = vector.extract_strided_slice %mul3A_246 {offsets = [6144, 0], sizes = [128, 64], strides = [1, 1]} : vector<10000x64xf32> to vector<128x64xf32>
    %add3A_343 = arith.addf %add3A_341, %slice3A_342 : vector<128x64xf32>
    %slice3A_344 = vector.extract_strided_slice %mul3A_246 {offsets = [6272, 0], sizes = [128, 64], strides = [1, 1]} : vector<10000x64xf32> to vector<128x64xf32>
    %add3A_345 = arith.addf %add3A_343, %slice3A_344 : vector<128x64xf32>
    %slice3A_346 = vector.extract_strided_slice %mul3A_246 {offsets = [6400, 0], sizes = [128, 64], strides = [1, 1]} : vector<10000x64xf32> to vector<128x64xf32>
    %add3A_347 = arith.addf %add3A_345, %slice3A_346 : vector<128x64xf32>
    %slice3A_348 = vector.extract_strided_slice %mul3A_246 {offsets = [6528, 0], sizes = [128, 64], strides = [1, 1]} : vector<10000x64xf32> to vector<128x64xf32>
    %add3A_349 = arith.addf %add3A_347, %slice3A_348 : vector<128x64xf32>
    %slice3A_350 = vector.extract_strided_slice %mul3A_246 {offsets = [6656, 0], sizes = [128, 64], strides = [1, 1]} : vector<10000x64xf32> to vector<128x64xf32>
    %add3A_351 = arith.addf %add3A_349, %slice3A_350 : vector<128x64xf32>
    %slice3A_352 = vector.extract_strided_slice %mul3A_246 {offsets = [6784, 0], sizes = [128, 64], strides = [1, 1]} : vector<10000x64xf32> to vector<128x64xf32>
    %add3A_353 = arith.addf %add3A_351, %slice3A_352 : vector<128x64xf32>
    %slice3A_354 = vector.extract_strided_slice %mul3A_246 {offsets = [6912, 0], sizes = [128, 64], strides = [1, 1]} : vector<10000x64xf32> to vector<128x64xf32>
    %add3A_355 = arith.addf %add3A_353, %slice3A_354 : vector<128x64xf32>
    %slice3A_356 = vector.extract_strided_slice %mul3A_246 {offsets = [7040, 0], sizes = [128, 64], strides = [1, 1]} : vector<10000x64xf32> to vector<128x64xf32>
    %add3A_357 = arith.addf %add3A_355, %slice3A_356 : vector<128x64xf32>
    %slice3A_358 = vector.extract_strided_slice %mul3A_246 {offsets = [7168, 0], sizes = [128, 64], strides = [1, 1]} : vector<10000x64xf32> to vector<128x64xf32>
    %add3A_359 = arith.addf %add3A_357, %slice3A_358 : vector<128x64xf32>
    %slice3A_360 = vector.extract_strided_slice %mul3A_246 {offsets = [7296, 0], sizes = [128, 64], strides = [1, 1]} : vector<10000x64xf32> to vector<128x64xf32>
    %add3A_361 = arith.addf %add3A_359, %slice3A_360 : vector<128x64xf32>
    %slice3A_362 = vector.extract_strided_slice %mul3A_246 {offsets = [7424, 0], sizes = [128, 64], strides = [1, 1]} : vector<10000x64xf32> to vector<128x64xf32>
    %add3A_363 = arith.addf %add3A_361, %slice3A_362 : vector<128x64xf32>
    %slice3A_364 = vector.extract_strided_slice %mul3A_246 {offsets = [7552, 0], sizes = [128, 64], strides = [1, 1]} : vector<10000x64xf32> to vector<128x64xf32>
    %add3A_365 = arith.addf %add3A_363, %slice3A_364 : vector<128x64xf32>
    %slice3A_366 = vector.extract_strided_slice %mul3A_246 {offsets = [7680, 0], sizes = [128, 64], strides = [1, 1]} : vector<10000x64xf32> to vector<128x64xf32>
    %add3A_367 = arith.addf %add3A_365, %slice3A_366 : vector<128x64xf32>
    %slice3A_368 = vector.extract_strided_slice %mul3A_246 {offsets = [7808, 0], sizes = [128, 64], strides = [1, 1]} : vector<10000x64xf32> to vector<128x64xf32>
    %add3A_369 = arith.addf %add3A_367, %slice3A_368 : vector<128x64xf32>
    %slice3A_370 = vector.extract_strided_slice %mul3A_246 {offsets = [7936, 0], sizes = [128, 64], strides = [1, 1]} : vector<10000x64xf32> to vector<128x64xf32>
    %add3A_371 = arith.addf %add3A_369, %slice3A_370 : vector<128x64xf32>
    %slice3A_372 = vector.extract_strided_slice %mul3A_246 {offsets = [8064, 0], sizes = [128, 64], strides = [1, 1]} : vector<10000x64xf32> to vector<128x64xf32>
    %add3A_373 = arith.addf %add3A_371, %slice3A_372 : vector<128x64xf32>
    %slice3A_374 = vector.extract_strided_slice %mul3A_246 {offsets = [8192, 0], sizes = [128, 64], strides = [1, 1]} : vector<10000x64xf32> to vector<128x64xf32>
    %add3A_375 = arith.addf %add3A_373, %slice3A_374 : vector<128x64xf32>
    %slice3A_376 = vector.extract_strided_slice %mul3A_246 {offsets = [8320, 0], sizes = [128, 64], strides = [1, 1]} : vector<10000x64xf32> to vector<128x64xf32>
    %add3A_377 = arith.addf %add3A_375, %slice3A_376 : vector<128x64xf32>
    %slice3A_378 = vector.extract_strided_slice %mul3A_246 {offsets = [8448, 0], sizes = [128, 64], strides = [1, 1]} : vector<10000x64xf32> to vector<128x64xf32>
    %add3A_379 = arith.addf %add3A_377, %slice3A_378 : vector<128x64xf32>
    %slice3A_380 = vector.extract_strided_slice %mul3A_246 {offsets = [8576, 0], sizes = [128, 64], strides = [1, 1]} : vector<10000x64xf32> to vector<128x64xf32>
    %add3A_381 = arith.addf %add3A_379, %slice3A_380 : vector<128x64xf32>
    %slice3A_382 = vector.extract_strided_slice %mul3A_246 {offsets = [8704, 0], sizes = [128, 64], strides = [1, 1]} : vector<10000x64xf32> to vector<128x64xf32>
    %add3A_383 = arith.addf %add3A_381, %slice3A_382 : vector<128x64xf32>
    %slice3A_384 = vector.extract_strided_slice %mul3A_246 {offsets = [8832, 0], sizes = [128, 64], strides = [1, 1]} : vector<10000x64xf32> to vector<128x64xf32>
    %add3A_385 = arith.addf %add3A_383, %slice3A_384 : vector<128x64xf32>
    %slice3A_386 = vector.extract_strided_slice %mul3A_246 {offsets = [8960, 0], sizes = [128, 64], strides = [1, 1]} : vector<10000x64xf32> to vector<128x64xf32>
    %add3A_387 = arith.addf %add3A_385, %slice3A_386 : vector<128x64xf32>
    %slice3A_388 = vector.extract_strided_slice %mul3A_246 {offsets = [9088, 0], sizes = [128, 64], strides = [1, 1]} : vector<10000x64xf32> to vector<128x64xf32>
    %add3A_389 = arith.addf %add3A_387, %slice3A_388 : vector<128x64xf32>
    %slice3A_390 = vector.extract_strided_slice %mul3A_246 {offsets = [9216, 0], sizes = [128, 64], strides = [1, 1]} : vector<10000x64xf32> to vector<128x64xf32>
    %add3A_391 = arith.addf %add3A_389, %slice3A_390 : vector<128x64xf32>
    %slice3A_392 = vector.extract_strided_slice %mul3A_246 {offsets = [9344, 0], sizes = [128, 64], strides = [1, 1]} : vector<10000x64xf32> to vector<128x64xf32>
    %add3A_393 = arith.addf %add3A_391, %slice3A_392 : vector<128x64xf32>
    %slice3A_394 = vector.extract_strided_slice %mul3A_246 {offsets = [9472, 0], sizes = [128, 64], strides = [1, 1]} : vector<10000x64xf32> to vector<128x64xf32>
    %add3A_395 = arith.addf %add3A_393, %slice3A_394 : vector<128x64xf32>
    %slice3A_396 = vector.extract_strided_slice %mul3A_246 {offsets = [9600, 0], sizes = [128, 64], strides = [1, 1]} : vector<10000x64xf32> to vector<128x64xf32>
    %add3A_397 = arith.addf %add3A_395, %slice3A_396 : vector<128x64xf32>
    %slice3A_398 = vector.extract_strided_slice %mul3A_246 {offsets = [9728, 0], sizes = [128, 64], strides = [1, 1]} : vector<10000x64xf32> to vector<128x64xf32>
    %add3A_399 = arith.addf %add3A_397, %slice3A_398 : vector<128x64xf32>
    %slice3A_400 = vector.extract_strided_slice %mul3A_246 {offsets = [9856, 0], sizes = [128, 64], strides = [1, 1]} : vector<10000x64xf32> to vector<128x64xf32>
    %add3A_401 = arith.addf %add3A_399, %slice3A_400 : vector<128x64xf32>
    %slice3A_402 = vector.extract_strided_slice %add3A_401 {offsets = [0, 0], sizes = [16, 64], strides = [1, 1]} : vector<128x64xf32> to vector<16x64xf32>
    %slice3A_403 = vector.extract_strided_slice %mul3A_246 {offsets = [9984, 0], sizes = [16, 64], strides = [1, 1]} : vector<10000x64xf32> to vector<16x64xf32>
    %add3A_404 = arith.addf %slice3A_402, %slice3A_403 : vector<16x64xf32>
    %slice3A_405 = vector.extract_strided_slice %add3A_401 {offsets = [16, 0], sizes = [112, 64], strides = [1, 1]} : vector<128x64xf32> to vector<112x64xf32>
    %concatenate3A_406 = tpu.concatenate %add3A_404, %slice3A_405 in 0 : vector<16x64xf32>, vector<112x64xf32> -> vector<128x64xf32>
    %slice3A_407 = vector.extract_strided_slice %concatenate3A_406 {offsets = [0, 0], sizes = [8, 64], strides = [1, 1]} : vector<128x64xf32> to vector<8x64xf32>
    %slice3A_408 = vector.extract_strided_slice %concatenate3A_406 {offsets = [8, 0], sizes = [8, 64], strides = [1, 1]} : vector<128x64xf32> to vector<8x64xf32>
    %add3A_409 = arith.addf %slice3A_407, %slice3A_408 : vector<8x64xf32>
    %slice3A_410 = vector.extract_strided_slice %concatenate3A_406 {offsets = [16, 0], sizes = [8, 64], strides = [1, 1]} : vector<128x64xf32> to vector<8x64xf32>
    %add3A_411 = arith.addf %add3A_409, %slice3A_410 : vector<8x64xf32>
    %slice3A_412 = vector.extract_strided_slice %concatenate3A_406 {offsets = [24, 0], sizes = [8, 64], strides = [1, 1]} : vector<128x64xf32> to vector<8x64xf32>
    %add3A_413 = arith.addf %add3A_411, %slice3A_412 : vector<8x64xf32>
    %slice3A_414 = vector.extract_strided_slice %concatenate3A_406 {offsets = [32, 0], sizes = [8, 64], strides = [1, 1]} : vector<128x64xf32> to vector<8x64xf32>
    %add3A_415 = arith.addf %add3A_413, %slice3A_414 : vector<8x64xf32>
    %slice3A_416 = vector.extract_strided_slice %concatenate3A_406 {offsets = [40, 0], sizes = [8, 64], strides = [1, 1]} : vector<128x64xf32> to vector<8x64xf32>
    %add3A_417 = arith.addf %add3A_415, %slice3A_416 : vector<8x64xf32>
    %slice3A_418 = vector.extract_strided_slice %concatenate3A_406 {offsets = [48, 0], sizes = [8, 64], strides = [1, 1]} : vector<128x64xf32> to vector<8x64xf32>
    %add3A_419 = arith.addf %add3A_417, %slice3A_418 : vector<8x64xf32>
    %slice3A_420 = vector.extract_strided_slice %concatenate3A_406 {offsets = [56, 0], sizes = [8, 64], strides = [1, 1]} : vector<128x64xf32> to vector<8x64xf32>
    %add3A_421 = arith.addf %add3A_419, %slice3A_420 : vector<8x64xf32>
    %slice3A_422 = vector.extract_strided_slice %concatenate3A_406 {offsets = [64, 0], sizes = [8, 64], strides = [1, 1]} : vector<128x64xf32> to vector<8x64xf32>
    %add3A_423 = arith.addf %add3A_421, %slice3A_422 : vector<8x64xf32>
    %slice3A_424 = vector.extract_strided_slice %concatenate3A_406 {offsets = [72, 0], sizes = [8, 64], strides = [1, 1]} : vector<128x64xf32> to vector<8x64xf32>
    %add3A_425 = arith.addf %add3A_423, %slice3A_424 : vector<8x64xf32>
    %slice3A_426 = vector.extract_strided_slice %concatenate3A_406 {offsets = [80, 0], sizes = [8, 64], strides = [1, 1]} : vector<128x64xf32> to vector<8x64xf32>
    %add3A_427 = arith.addf %add3A_425, %slice3A_426 : vector<8x64xf32>
    %slice3A_428 = vector.extract_strided_slice %concatenate3A_406 {offsets = [88, 0], sizes = [8, 64], strides = [1, 1]} : vector<128x64xf32> to vector<8x64xf32>
    %add3A_429 = arith.addf %add3A_427, %slice3A_428 : vector<8x64xf32>
    %slice3A_430 = vector.extract_strided_slice %concatenate3A_406 {offsets = [96, 0], sizes = [8, 64], strides = [1, 1]} : vector<128x64xf32> to vector<8x64xf32>
    %add3A_431 = arith.addf %add3A_429, %slice3A_430 : vector<8x64xf32>
    %slice3A_432 = vector.extract_strided_slice %concatenate3A_406 {offsets = [104, 0], sizes = [8, 64], strides = [1, 1]} : vector<128x64xf32> to vector<8x64xf32>
    %add3A_433 = arith.addf %add3A_431, %slice3A_432 : vector<8x64xf32>
    %slice3A_434 = vector.extract_strided_slice %concatenate3A_406 {offsets = [112, 0], sizes = [8, 64], strides = [1, 1]} : vector<128x64xf32> to vector<8x64xf32>
    %add3A_435 = arith.addf %add3A_433, %slice3A_434 : vector<8x64xf32>
    %slice3A_436 = vector.extract_strided_slice %concatenate3A_406 {offsets = [120, 0], sizes = [8, 64], strides = [1, 1]} : vector<128x64xf32> to vector<8x64xf32>
    %add3A_437 = arith.addf %add3A_435, %slice3A_436 : vector<8x64xf32>
    %slice3A_438 = vector.extract_strided_slice %add3A_437 {offsets = [0, 0], sizes = [4, 64], strides = [1, 1]} : vector<8x64xf32> to vector<4x64xf32>
    %slice3A_439 = vector.extract_strided_slice %add3A_437 {offsets = [4, 0], sizes = [4, 64], strides = [1, 1]} : vector<8x64xf32> to vector<4x64xf32>
    %add3A_440 = arith.addf %slice3A_438, %slice3A_439 : vector<4x64xf32>
    %slice3A_441 = vector.extract_strided_slice %add3A_440 {offsets = [0, 0], sizes = [2, 64], strides = [1, 1]} : vector<4x64xf32> to vector<2x64xf32>
    %slice3A_442 = vector.extract_strided_slice %add3A_440 {offsets = [2, 0], sizes = [2, 64], strides = [1, 1]} : vector<4x64xf32> to vector<2x64xf32>
    %add3A_443 = arith.addf %slice3A_441, %slice3A_442 : vector<2x64xf32>
    %slice3A_444 = vector.extract_strided_slice %add3A_443 {offsets = [0, 0], sizes = [1, 64], strides = [1, 1]} : vector<2x64xf32> to vector<1x64xf32>
    %slice3A_445 = vector.extract_strided_slice %add3A_443 {offsets = [1, 0], sizes = [1, 64], strides = [1, 1]} : vector<2x64xf32> to vector<1x64xf32>
    %add3A_446 = arith.addf %slice3A_444, %slice3A_445 : vector<1x64xf32>
    %mul3A_447 = arith.constant 9.99999974E-5 : f32
    %mul3A_448 = vector.broadcast %mul3A_447 : f32 to vector<1x64xf32>
    %mul3A_449 = arith.mulf %add3A_446, %mul3A_448 : vector<1x64xf32>
    %add3A_450 = arith.constant 9.99999974E-6 : f32
    %add3A_451 = vector.broadcast %add3A_450 : f32 to vector<1x64xf32>
    %add3A_452 = arith.addf %mul3A_449, %add3A_451 : vector<1x64xf32>
    %sqrt3A = math.sqrt %add3A_452 : vector<1x64xf32>
    %div3A = vector.broadcast %sqrt3A : vector<1x64xf32> to vector<10000x64xf32>
    %div3A_453 = arith.divf %sub3A_245, %div3A : vector<10000x64xf32>
    %get3A_454 = arith.constant 0 : index
    %get3A_455 = arith.constant 0 : index
    %get3A_456 = vector.load %arg6[%get3A_454, %get3A_455] : memref<1x64xf32, #tpu.memory_space<vmem>>, vector<1x64xf32>
    %mul3A_457 = vector.broadcast %get3A_456 : vector<1x64xf32> to vector<10000x64xf32>
    %mul3A_458 = arith.mulf %div3A_453, %mul3A_457 : vector<10000x64xf32>
    %get3A_459 = arith.constant 0 : index
    %get3A_460 = arith.constant 0 : index
    %get3A_461 = vector.load %arg7[%get3A_459, %get3A_460] : memref<1x64xf32, #tpu.memory_space<vmem>>, vector<1x64xf32>
    %add3A_462 = vector.broadcast %get3A_461 : vector<1x64xf32> to vector<10000x64xf32>
    %add3A_463 = arith.addf %mul3A_458, %add3A_462 : vector<10000x64xf32>
    %max3A_464 = arith.constant 0.000000e+00 : f32
    %max3A_465 = vector.broadcast %max3A_464 : f32 to vector<10000x64xf32>
    %max3A_466 = arith.maximumf %add3A_463, %max3A_465 : vector<10000x64xf32>
    %swap3A = arith.constant 0 : index
    %swap3A_467 = arith.constant 0 : index
    %swap3A_468 = vector.load %arg9[%swap3A, %swap3A_467] : memref<10000x64xf32, #tpu.memory_space<vmem>>, vector<10000x64xf32>
    tpu.vector_store %arg9[%swap3A, %swap3A_467], %max3A_466 {strides = array<i32>} : memref<10000x64xf32, #tpu.memory_space<vmem>>, vector<10000x64xf32>,
    return
  }
}

module attributes {stable_mosaic.version = 14 : i64} {
  func.func @body(%arg0: memref<10000x64xf32, #tpu.memory_space<vmem>>, %arg1: memref<2x1x10112x32xf32, #tpu.memory_space<vmem>>, %arg2: memref<64x64xf32, #tpu.memory_space<vmem>>, %arg3: memref<1x64xf32, #tpu.memory_space<vmem>>, %arg4: memref<64x64xf32, #tpu.memory_space<vmem>>, %arg5: memref<1x64xf32, #tpu.memory_space<vmem>>, %arg6: memref<1x64xf32, #tpu.memory_space<vmem>>, %arg7: memref<1x64xf32, #tpu.memory_space<vmem>>, %arg8: memref<1xf32, #tpu.memory_space<smem>>, %arg9: memref<64x16xf32, #tpu.memory_space<vmem>>, %arg10: memref<1x16xf32, #tpu.memory_space<vmem>>, %arg11: memref<10000x16xf32, #tpu.memory_space<vmem>>) attributes {dimension_semantics = [], scalar_prefetch = 0 : i64, scratch_operands = 0 : i64, tpu.core_type = #tpu.core_type<tc>} {
    %get3A = arith.constant 0 : index
    %get3A_0 = arith.constant 0 : index
    %get3A_1 = arith.constant 0 : index
    %get3A_2 = arith.constant 0 : index
    %get3A_3 = vector.load %arg1[%get3A, %get3A_0, %get3A_1, %get3A_2] : memref<2x1x10112x32xf32, #tpu.memory_space<vmem>>, vector<1x1x10000x32xf32>
    %get3A_4 = vector.shape_cast %get3A_3 : vector<1x1x10000x32xf32> to vector<10000x32xf32>
    %get3A_5 = arith.constant 1 : index
    %get3A_6 = arith.constant 0 : index
    %get3A_7 = arith.constant 0 : index
    %get3A_8 = arith.constant 0 : index
    %get3A_9 = vector.load %arg1[%get3A_5, %get3A_6, %get3A_7, %get3A_8] : memref<2x1x10112x32xf32, #tpu.memory_space<vmem>>, vector<1x1x10000x32xf32>
    %get3A_10 = vector.shape_cast %get3A_9 : vector<1x1x10000x32xf32> to vector<10000x32xf32>
    %concatenate3A = tpu.concatenate %get3A_4, %get3A_10 in 1 : vector<10000x32xf32>, vector<10000x32xf32> -> vector<10000x64xf32>
    %get3A_11 = arith.constant 0 : index
    %get3A_12 = memref.load %arg8[%get3A_11] : memref<1xf32, #tpu.memory_space<smem>>
    %add3A = arith.constant 1.000000e+00 : f32
    %add3A_13 = arith.addf %add3A, %get3A_12 : f32
    %get3A_14 = arith.constant 0 : index
    %get3A_15 = arith.constant 0 : index
    %get3A_16 = vector.load %arg0[%get3A_14, %get3A_15] : memref<10000x64xf32, #tpu.memory_space<vmem>>, vector<10000x64xf32>
    %mul3A = vector.broadcast %add3A_13 : f32 to vector<10000x64xf32>
    %mul3A_17 = arith.mulf %mul3A, %get3A_16 : vector<10000x64xf32>
    %add3A_18 = arith.addf %mul3A_17, %concatenate3A : vector<10000x64xf32>
    %get3A_19 = arith.constant 0 : index
    %get3A_20 = arith.constant 0 : index
    %get3A_21 = vector.load %arg2[%get3A_19, %get3A_20] : memref<64x64xf32, #tpu.memory_space<vmem>>, vector<64x64xf32>
    %dot_general3A = arith.constant dense<0.000000e+00> : vector<10000x64xf32>
    %dot_general3A_22 = tpu.matmul %add3A_18, %get3A_21, %dot_general3A {dimension_numbers = #tpu.dot_dimension_numbers<[1], [0], [0], [1], [0, 0, 1, 1], [], []>, transpose_lhs_hint = false} : vector<10000x64xf32>, vector<64x64xf32>, vector<10000x64xf32> -> vector<10000x64xf32>
    %get3A_23 = arith.constant 0 : index
    %get3A_24 = arith.constant 0 : index
    %get3A_25 = vector.load %arg3[%get3A_23, %get3A_24] : memref<1x64xf32, #tpu.memory_space<vmem>>, vector<1x64xf32>
    %add3A_26 = vector.broadcast %get3A_25 : vector<1x64xf32> to vector<10000x64xf32>
    %add3A_27 = arith.addf %dot_general3A_22, %add3A_26 : vector<10000x64xf32>
    %max3A = arith.constant 0.000000e+00 : f32
    %max3A_28 = vector.broadcast %max3A : f32 to vector<10000x64xf32>
    %max3A_29 = arith.maximumf %add3A_27, %max3A_28 : vector<10000x64xf32>
    %get3A_30 = arith.constant 0 : index
    %get3A_31 = arith.constant 0 : index
    %get3A_32 = vector.load %arg4[%get3A_30, %get3A_31] : memref<64x64xf32, #tpu.memory_space<vmem>>, vector<64x64xf32>
    %dot_general3A_33 = arith.constant dense<0.000000e+00> : vector<10000x64xf32>
    %dot_general3A_34 = tpu.matmul %max3A_29, %get3A_32, %dot_general3A_33 {dimension_numbers = #tpu.dot_dimension_numbers<[1], [0], [0], [1], [0, 0, 1, 1], [], []>, transpose_lhs_hint = false} : vector<10000x64xf32>, vector<64x64xf32>, vector<10000x64xf32> -> vector<10000x64xf32>
    %get3A_35 = arith.constant 0 : index
    %get3A_36 = arith.constant 0 : index
    %get3A_37 = vector.load %arg5[%get3A_35, %get3A_36] : memref<1x64xf32, #tpu.memory_space<vmem>>, vector<1x64xf32>
    %add3A_38 = vector.broadcast %get3A_37 : vector<1x64xf32> to vector<10000x64xf32>
    %add3A_39 = arith.addf %dot_general3A_34, %add3A_38 : vector<10000x64xf32>
    %max3A_40 = arith.constant 0.000000e+00 : f32
    %max3A_41 = vector.broadcast %max3A_40 : f32 to vector<10000x64xf32>
    %max3A_42 = arith.maximumf %add3A_39, %max3A_41 : vector<10000x64xf32>
    %slice3A = vector.extract_strided_slice %max3A_42 {offsets = [0, 0], sizes = [128, 64], strides = [1, 1]} : vector<10000x64xf32> to vector<128x64xf32>
    %slice3A_43 = vector.extract_strided_slice %max3A_42 {offsets = [128, 0], sizes = [128, 64], strides = [1, 1]} : vector<10000x64xf32> to vector<128x64xf32>
    %add3A_44 = arith.addf %slice3A, %slice3A_43 : vector<128x64xf32>
    %slice3A_45 = vector.extract_strided_slice %max3A_42 {offsets = [256, 0], sizes = [128, 64], strides = [1, 1]} : vector<10000x64xf32> to vector<128x64xf32>
    %add3A_46 = arith.addf %add3A_44, %slice3A_45 : vector<128x64xf32>
    %slice3A_47 = vector.extract_strided_slice %max3A_42 {offsets = [384, 0], sizes = [128, 64], strides = [1, 1]} : vector<10000x64xf32> to vector<128x64xf32>
    %add3A_48 = arith.addf %add3A_46, %slice3A_47 : vector<128x64xf32>
    %slice3A_49 = vector.extract_strided_slice %max3A_42 {offsets = [512, 0], sizes = [128, 64], strides = [1, 1]} : vector<10000x64xf32> to vector<128x64xf32>
    %add3A_50 = arith.addf %add3A_48, %slice3A_49 : vector<128x64xf32>
    %slice3A_51 = vector.extract_strided_slice %max3A_42 {offsets = [640, 0], sizes = [128, 64], strides = [1, 1]} : vector<10000x64xf32> to vector<128x64xf32>
    %add3A_52 = arith.addf %add3A_50, %slice3A_51 : vector<128x64xf32>
    %slice3A_53 = vector.extract_strided_slice %max3A_42 {offsets = [768, 0], sizes = [128, 64], strides = [1, 1]} : vector<10000x64xf32> to vector<128x64xf32>
    %add3A_54 = arith.addf %add3A_52, %slice3A_53 : vector<128x64xf32>
    %slice3A_55 = vector.extract_strided_slice %max3A_42 {offsets = [896, 0], sizes = [128, 64], strides = [1, 1]} : vector<10000x64xf32> to vector<128x64xf32>
    %add3A_56 = arith.addf %add3A_54, %slice3A_55 : vector<128x64xf32>
    %slice3A_57 = vector.extract_strided_slice %max3A_42 {offsets = [1024, 0], sizes = [128, 64], strides = [1, 1]} : vector<10000x64xf32> to vector<128x64xf32>
    %add3A_58 = arith.addf %add3A_56, %slice3A_57 : vector<128x64xf32>
    %slice3A_59 = vector.extract_strided_slice %max3A_42 {offsets = [1152, 0], sizes = [128, 64], strides = [1, 1]} : vector<10000x64xf32> to vector<128x64xf32>
    %add3A_60 = arith.addf %add3A_58, %slice3A_59 : vector<128x64xf32>
    %slice3A_61 = vector.extract_strided_slice %max3A_42 {offsets = [1280, 0], sizes = [128, 64], strides = [1, 1]} : vector<10000x64xf32> to vector<128x64xf32>
    %add3A_62 = arith.addf %add3A_60, %slice3A_61 : vector<128x64xf32>
    %slice3A_63 = vector.extract_strided_slice %max3A_42 {offsets = [1408, 0], sizes = [128, 64], strides = [1, 1]} : vector<10000x64xf32> to vector<128x64xf32>
    %add3A_64 = arith.addf %add3A_62, %slice3A_63 : vector<128x64xf32>
    %slice3A_65 = vector.extract_strided_slice %max3A_42 {offsets = [1536, 0], sizes = [128, 64], strides = [1, 1]} : vector<10000x64xf32> to vector<128x64xf32>
    %add3A_66 = arith.addf %add3A_64, %slice3A_65 : vector<128x64xf32>
    %slice3A_67 = vector.extract_strided_slice %max3A_42 {offsets = [1664, 0], sizes = [128, 64], strides = [1, 1]} : vector<10000x64xf32> to vector<128x64xf32>
    %add3A_68 = arith.addf %add3A_66, %slice3A_67 : vector<128x64xf32>
    %slice3A_69 = vector.extract_strided_slice %max3A_42 {offsets = [1792, 0], sizes = [128, 64], strides = [1, 1]} : vector<10000x64xf32> to vector<128x64xf32>
    %add3A_70 = arith.addf %add3A_68, %slice3A_69 : vector<128x64xf32>
    %slice3A_71 = vector.extract_strided_slice %max3A_42 {offsets = [1920, 0], sizes = [128, 64], strides = [1, 1]} : vector<10000x64xf32> to vector<128x64xf32>
    %add3A_72 = arith.addf %add3A_70, %slice3A_71 : vector<128x64xf32>
    %slice3A_73 = vector.extract_strided_slice %max3A_42 {offsets = [2048, 0], sizes = [128, 64], strides = [1, 1]} : vector<10000x64xf32> to vector<128x64xf32>
    %add3A_74 = arith.addf %add3A_72, %slice3A_73 : vector<128x64xf32>
    %slice3A_75 = vector.extract_strided_slice %max3A_42 {offsets = [2176, 0], sizes = [128, 64], strides = [1, 1]} : vector<10000x64xf32> to vector<128x64xf32>
    %add3A_76 = arith.addf %add3A_74, %slice3A_75 : vector<128x64xf32>
    %slice3A_77 = vector.extract_strided_slice %max3A_42 {offsets = [2304, 0], sizes = [128, 64], strides = [1, 1]} : vector<10000x64xf32> to vector<128x64xf32>
    %add3A_78 = arith.addf %add3A_76, %slice3A_77 : vector<128x64xf32>
    %slice3A_79 = vector.extract_strided_slice %max3A_42 {offsets = [2432, 0], sizes = [128, 64], strides = [1, 1]} : vector<10000x64xf32> to vector<128x64xf32>
    %add3A_80 = arith.addf %add3A_78, %slice3A_79 : vector<128x64xf32>
    %slice3A_81 = vector.extract_strided_slice %max3A_42 {offsets = [2560, 0], sizes = [128, 64], strides = [1, 1]} : vector<10000x64xf32> to vector<128x64xf32>
    %add3A_82 = arith.addf %add3A_80, %slice3A_81 : vector<128x64xf32>
    %slice3A_83 = vector.extract_strided_slice %max3A_42 {offsets = [2688, 0], sizes = [128, 64], strides = [1, 1]} : vector<10000x64xf32> to vector<128x64xf32>
    %add3A_84 = arith.addf %add3A_82, %slice3A_83 : vector<128x64xf32>
    %slice3A_85 = vector.extract_strided_slice %max3A_42 {offsets = [2816, 0], sizes = [128, 64], strides = [1, 1]} : vector<10000x64xf32> to vector<128x64xf32>
    %add3A_86 = arith.addf %add3A_84, %slice3A_85 : vector<128x64xf32>
    %slice3A_87 = vector.extract_strided_slice %max3A_42 {offsets = [2944, 0], sizes = [128, 64], strides = [1, 1]} : vector<10000x64xf32> to vector<128x64xf32>
    %add3A_88 = arith.addf %add3A_86, %slice3A_87 : vector<128x64xf32>
    %slice3A_89 = vector.extract_strided_slice %max3A_42 {offsets = [3072, 0], sizes = [128, 64], strides = [1, 1]} : vector<10000x64xf32> to vector<128x64xf32>
    %add3A_90 = arith.addf %add3A_88, %slice3A_89 : vector<128x64xf32>
    %slice3A_91 = vector.extract_strided_slice %max3A_42 {offsets = [3200, 0], sizes = [128, 64], strides = [1, 1]} : vector<10000x64xf32> to vector<128x64xf32>
    %add3A_92 = arith.addf %add3A_90, %slice3A_91 : vector<128x64xf32>
    %slice3A_93 = vector.extract_strided_slice %max3A_42 {offsets = [3328, 0], sizes = [128, 64], strides = [1, 1]} : vector<10000x64xf32> to vector<128x64xf32>
    %add3A_94 = arith.addf %add3A_92, %slice3A_93 : vector<128x64xf32>
    %slice3A_95 = vector.extract_strided_slice %max3A_42 {offsets = [3456, 0], sizes = [128, 64], strides = [1, 1]} : vector<10000x64xf32> to vector<128x64xf32>
    %add3A_96 = arith.addf %add3A_94, %slice3A_95 : vector<128x64xf32>
    %slice3A_97 = vector.extract_strided_slice %max3A_42 {offsets = [3584, 0], sizes = [128, 64], strides = [1, 1]} : vector<10000x64xf32> to vector<128x64xf32>
    %add3A_98 = arith.addf %add3A_96, %slice3A_97 : vector<128x64xf32>
    %slice3A_99 = vector.extract_strided_slice %max3A_42 {offsets = [3712, 0], sizes = [128, 64], strides = [1, 1]} : vector<10000x64xf32> to vector<128x64xf32>
    %add3A_100 = arith.addf %add3A_98, %slice3A_99 : vector<128x64xf32>
    %slice3A_101 = vector.extract_strided_slice %max3A_42 {offsets = [3840, 0], sizes = [128, 64], strides = [1, 1]} : vector<10000x64xf32> to vector<128x64xf32>
    %add3A_102 = arith.addf %add3A_100, %slice3A_101 : vector<128x64xf32>
    %slice3A_103 = vector.extract_strided_slice %max3A_42 {offsets = [3968, 0], sizes = [128, 64], strides = [1, 1]} : vector<10000x64xf32> to vector<128x64xf32>
    %add3A_104 = arith.addf %add3A_102, %slice3A_103 : vector<128x64xf32>
    %slice3A_105 = vector.extract_strided_slice %max3A_42 {offsets = [4096, 0], sizes = [128, 64], strides = [1, 1]} : vector<10000x64xf32> to vector<128x64xf32>
    %add3A_106 = arith.addf %add3A_104, %slice3A_105 : vector<128x64xf32>
    %slice3A_107 = vector.extract_strided_slice %max3A_42 {offsets = [4224, 0], sizes = [128, 64], strides = [1, 1]} : vector<10000x64xf32> to vector<128x64xf32>
    %add3A_108 = arith.addf %add3A_106, %slice3A_107 : vector<128x64xf32>
    %slice3A_109 = vector.extract_strided_slice %max3A_42 {offsets = [4352, 0], sizes = [128, 64], strides = [1, 1]} : vector<10000x64xf32> to vector<128x64xf32>
    %add3A_110 = arith.addf %add3A_108, %slice3A_109 : vector<128x64xf32>
    %slice3A_111 = vector.extract_strided_slice %max3A_42 {offsets = [4480, 0], sizes = [128, 64], strides = [1, 1]} : vector<10000x64xf32> to vector<128x64xf32>
    %add3A_112 = arith.addf %add3A_110, %slice3A_111 : vector<128x64xf32>
    %slice3A_113 = vector.extract_strided_slice %max3A_42 {offsets = [4608, 0], sizes = [128, 64], strides = [1, 1]} : vector<10000x64xf32> to vector<128x64xf32>
    %add3A_114 = arith.addf %add3A_112, %slice3A_113 : vector<128x64xf32>
    %slice3A_115 = vector.extract_strided_slice %max3A_42 {offsets = [4736, 0], sizes = [128, 64], strides = [1, 1]} : vector<10000x64xf32> to vector<128x64xf32>
    %add3A_116 = arith.addf %add3A_114, %slice3A_115 : vector<128x64xf32>
    %slice3A_117 = vector.extract_strided_slice %max3A_42 {offsets = [4864, 0], sizes = [128, 64], strides = [1, 1]} : vector<10000x64xf32> to vector<128x64xf32>
    %add3A_118 = arith.addf %add3A_116, %slice3A_117 : vector<128x64xf32>
    %slice3A_119 = vector.extract_strided_slice %max3A_42 {offsets = [4992, 0], sizes = [128, 64], strides = [1, 1]} : vector<10000x64xf32> to vector<128x64xf32>
    %add3A_120 = arith.addf %add3A_118, %slice3A_119 : vector<128x64xf32>
    %slice3A_121 = vector.extract_strided_slice %max3A_42 {offsets = [5120, 0], sizes = [128, 64], strides = [1, 1]} : vector<10000x64xf32> to vector<128x64xf32>
    %add3A_122 = arith.addf %add3A_120, %slice3A_121 : vector<128x64xf32>
    %slice3A_123 = vector.extract_strided_slice %max3A_42 {offsets = [5248, 0], sizes = [128, 64], strides = [1, 1]} : vector<10000x64xf32> to vector<128x64xf32>
    %add3A_124 = arith.addf %add3A_122, %slice3A_123 : vector<128x64xf32>
    %slice3A_125 = vector.extract_strided_slice %max3A_42 {offsets = [5376, 0], sizes = [128, 64], strides = [1, 1]} : vector<10000x64xf32> to vector<128x64xf32>
    %add3A_126 = arith.addf %add3A_124, %slice3A_125 : vector<128x64xf32>
    %slice3A_127 = vector.extract_strided_slice %max3A_42 {offsets = [5504, 0], sizes = [128, 64], strides = [1, 1]} : vector<10000x64xf32> to vector<128x64xf32>
    %add3A_128 = arith.addf %add3A_126, %slice3A_127 : vector<128x64xf32>
    %slice3A_129 = vector.extract_strided_slice %max3A_42 {offsets = [5632, 0], sizes = [128, 64], strides = [1, 1]} : vector<10000x64xf32> to vector<128x64xf32>
    %add3A_130 = arith.addf %add3A_128, %slice3A_129 : vector<128x64xf32>
    %slice3A_131 = vector.extract_strided_slice %max3A_42 {offsets = [5760, 0], sizes = [128, 64], strides = [1, 1]} : vector<10000x64xf32> to vector<128x64xf32>
    %add3A_132 = arith.addf %add3A_130, %slice3A_131 : vector<128x64xf32>
    %slice3A_133 = vector.extract_strided_slice %max3A_42 {offsets = [5888, 0], sizes = [128, 64], strides = [1, 1]} : vector<10000x64xf32> to vector<128x64xf32>
    %add3A_134 = arith.addf %add3A_132, %slice3A_133 : vector<128x64xf32>
    %slice3A_135 = vector.extract_strided_slice %max3A_42 {offsets = [6016, 0], sizes = [128, 64], strides = [1, 1]} : vector<10000x64xf32> to vector<128x64xf32>
    %add3A_136 = arith.addf %add3A_134, %slice3A_135 : vector<128x64xf32>
    %slice3A_137 = vector.extract_strided_slice %max3A_42 {offsets = [6144, 0], sizes = [128, 64], strides = [1, 1]} : vector<10000x64xf32> to vector<128x64xf32>
    %add3A_138 = arith.addf %add3A_136, %slice3A_137 : vector<128x64xf32>
    %slice3A_139 = vector.extract_strided_slice %max3A_42 {offsets = [6272, 0], sizes = [128, 64], strides = [1, 1]} : vector<10000x64xf32> to vector<128x64xf32>
    %add3A_140 = arith.addf %add3A_138, %slice3A_139 : vector<128x64xf32>
    %slice3A_141 = vector.extract_strided_slice %max3A_42 {offsets = [6400, 0], sizes = [128, 64], strides = [1, 1]} : vector<10000x64xf32> to vector<128x64xf32>
    %add3A_142 = arith.addf %add3A_140, %slice3A_141 : vector<128x64xf32>
    %slice3A_143 = vector.extract_strided_slice %max3A_42 {offsets = [6528, 0], sizes = [128, 64], strides = [1, 1]} : vector<10000x64xf32> to vector<128x64xf32>
    %add3A_144 = arith.addf %add3A_142, %slice3A_143 : vector<128x64xf32>
    %slice3A_145 = vector.extract_strided_slice %max3A_42 {offsets = [6656, 0], sizes = [128, 64], strides = [1, 1]} : vector<10000x64xf32> to vector<128x64xf32>
    %add3A_146 = arith.addf %add3A_144, %slice3A_145 : vector<128x64xf32>
    %slice3A_147 = vector.extract_strided_slice %max3A_42 {offsets = [6784, 0], sizes = [128, 64], strides = [1, 1]} : vector<10000x64xf32> to vector<128x64xf32>
    %add3A_148 = arith.addf %add3A_146, %slice3A_147 : vector<128x64xf32>
    %slice3A_149 = vector.extract_strided_slice %max3A_42 {offsets = [6912, 0], sizes = [128, 64], strides = [1, 1]} : vector<10000x64xf32> to vector<128x64xf32>
    %add3A_150 = arith.addf %add3A_148, %slice3A_149 : vector<128x64xf32>
    %slice3A_151 = vector.extract_strided_slice %max3A_42 {offsets = [7040, 0], sizes = [128, 64], strides = [1, 1]} : vector<10000x64xf32> to vector<128x64xf32>
    %add3A_152 = arith.addf %add3A_150, %slice3A_151 : vector<128x64xf32>
    %slice3A_153 = vector.extract_strided_slice %max3A_42 {offsets = [7168, 0], sizes = [128, 64], strides = [1, 1]} : vector<10000x64xf32> to vector<128x64xf32>
    %add3A_154 = arith.addf %add3A_152, %slice3A_153 : vector<128x64xf32>
    %slice3A_155 = vector.extract_strided_slice %max3A_42 {offsets = [7296, 0], sizes = [128, 64], strides = [1, 1]} : vector<10000x64xf32> to vector<128x64xf32>
    %add3A_156 = arith.addf %add3A_154, %slice3A_155 : vector<128x64xf32>
    %slice3A_157 = vector.extract_strided_slice %max3A_42 {offsets = [7424, 0], sizes = [128, 64], strides = [1, 1]} : vector<10000x64xf32> to vector<128x64xf32>
    %add3A_158 = arith.addf %add3A_156, %slice3A_157 : vector<128x64xf32>
    %slice3A_159 = vector.extract_strided_slice %max3A_42 {offsets = [7552, 0], sizes = [128, 64], strides = [1, 1]} : vector<10000x64xf32> to vector<128x64xf32>
    %add3A_160 = arith.addf %add3A_158, %slice3A_159 : vector<128x64xf32>
    %slice3A_161 = vector.extract_strided_slice %max3A_42 {offsets = [7680, 0], sizes = [128, 64], strides = [1, 1]} : vector<10000x64xf32> to vector<128x64xf32>
    %add3A_162 = arith.addf %add3A_160, %slice3A_161 : vector<128x64xf32>
    %slice3A_163 = vector.extract_strided_slice %max3A_42 {offsets = [7808, 0], sizes = [128, 64], strides = [1, 1]} : vector<10000x64xf32> to vector<128x64xf32>
    %add3A_164 = arith.addf %add3A_162, %slice3A_163 : vector<128x64xf32>
    %slice3A_165 = vector.extract_strided_slice %max3A_42 {offsets = [7936, 0], sizes = [128, 64], strides = [1, 1]} : vector<10000x64xf32> to vector<128x64xf32>
    %add3A_166 = arith.addf %add3A_164, %slice3A_165 : vector<128x64xf32>
    %slice3A_167 = vector.extract_strided_slice %max3A_42 {offsets = [8064, 0], sizes = [128, 64], strides = [1, 1]} : vector<10000x64xf32> to vector<128x64xf32>
    %add3A_168 = arith.addf %add3A_166, %slice3A_167 : vector<128x64xf32>
    %slice3A_169 = vector.extract_strided_slice %max3A_42 {offsets = [8192, 0], sizes = [128, 64], strides = [1, 1]} : vector<10000x64xf32> to vector<128x64xf32>
    %add3A_170 = arith.addf %add3A_168, %slice3A_169 : vector<128x64xf32>
    %slice3A_171 = vector.extract_strided_slice %max3A_42 {offsets = [8320, 0], sizes = [128, 64], strides = [1, 1]} : vector<10000x64xf32> to vector<128x64xf32>
    %add3A_172 = arith.addf %add3A_170, %slice3A_171 : vector<128x64xf32>
    %slice3A_173 = vector.extract_strided_slice %max3A_42 {offsets = [8448, 0], sizes = [128, 64], strides = [1, 1]} : vector<10000x64xf32> to vector<128x64xf32>
    %add3A_174 = arith.addf %add3A_172, %slice3A_173 : vector<128x64xf32>
    %slice3A_175 = vector.extract_strided_slice %max3A_42 {offsets = [8576, 0], sizes = [128, 64], strides = [1, 1]} : vector<10000x64xf32> to vector<128x64xf32>
    %add3A_176 = arith.addf %add3A_174, %slice3A_175 : vector<128x64xf32>
    %slice3A_177 = vector.extract_strided_slice %max3A_42 {offsets = [8704, 0], sizes = [128, 64], strides = [1, 1]} : vector<10000x64xf32> to vector<128x64xf32>
    %add3A_178 = arith.addf %add3A_176, %slice3A_177 : vector<128x64xf32>
    %slice3A_179 = vector.extract_strided_slice %max3A_42 {offsets = [8832, 0], sizes = [128, 64], strides = [1, 1]} : vector<10000x64xf32> to vector<128x64xf32>
    %add3A_180 = arith.addf %add3A_178, %slice3A_179 : vector<128x64xf32>
    %slice3A_181 = vector.extract_strided_slice %max3A_42 {offsets = [8960, 0], sizes = [128, 64], strides = [1, 1]} : vector<10000x64xf32> to vector<128x64xf32>
    %add3A_182 = arith.addf %add3A_180, %slice3A_181 : vector<128x64xf32>
    %slice3A_183 = vector.extract_strided_slice %max3A_42 {offsets = [9088, 0], sizes = [128, 64], strides = [1, 1]} : vector<10000x64xf32> to vector<128x64xf32>
    %add3A_184 = arith.addf %add3A_182, %slice3A_183 : vector<128x64xf32>
    %slice3A_185 = vector.extract_strided_slice %max3A_42 {offsets = [9216, 0], sizes = [128, 64], strides = [1, 1]} : vector<10000x64xf32> to vector<128x64xf32>
    %add3A_186 = arith.addf %add3A_184, %slice3A_185 : vector<128x64xf32>
    %slice3A_187 = vector.extract_strided_slice %max3A_42 {offsets = [9344, 0], sizes = [128, 64], strides = [1, 1]} : vector<10000x64xf32> to vector<128x64xf32>
    %add3A_188 = arith.addf %add3A_186, %slice3A_187 : vector<128x64xf32>
    %slice3A_189 = vector.extract_strided_slice %max3A_42 {offsets = [9472, 0], sizes = [128, 64], strides = [1, 1]} : vector<10000x64xf32> to vector<128x64xf32>
    %add3A_190 = arith.addf %add3A_188, %slice3A_189 : vector<128x64xf32>
    %slice3A_191 = vector.extract_strided_slice %max3A_42 {offsets = [9600, 0], sizes = [128, 64], strides = [1, 1]} : vector<10000x64xf32> to vector<128x64xf32>
    %add3A_192 = arith.addf %add3A_190, %slice3A_191 : vector<128x64xf32>
    %slice3A_193 = vector.extract_strided_slice %max3A_42 {offsets = [9728, 0], sizes = [128, 64], strides = [1, 1]} : vector<10000x64xf32> to vector<128x64xf32>
    %add3A_194 = arith.addf %add3A_192, %slice3A_193 : vector<128x64xf32>
    %slice3A_195 = vector.extract_strided_slice %max3A_42 {offsets = [9856, 0], sizes = [128, 64], strides = [1, 1]} : vector<10000x64xf32> to vector<128x64xf32>
    %add3A_196 = arith.addf %add3A_194, %slice3A_195 : vector<128x64xf32>
    %slice3A_197 = vector.extract_strided_slice %add3A_196 {offsets = [0, 0], sizes = [16, 64], strides = [1, 1]} : vector<128x64xf32> to vector<16x64xf32>
    %slice3A_198 = vector.extract_strided_slice %max3A_42 {offsets = [9984, 0], sizes = [16, 64], strides = [1, 1]} : vector<10000x64xf32> to vector<16x64xf32>
    %add3A_199 = arith.addf %slice3A_197, %slice3A_198 : vector<16x64xf32>
    %slice3A_200 = vector.extract_strided_slice %add3A_196 {offsets = [16, 0], sizes = [112, 64], strides = [1, 1]} : vector<128x64xf32> to vector<112x64xf32>
    %concatenate3A_201 = tpu.concatenate %add3A_199, %slice3A_200 in 0 : vector<16x64xf32>, vector<112x64xf32> -> vector<128x64xf32>
    %slice3A_202 = vector.extract_strided_slice %concatenate3A_201 {offsets = [0, 0], sizes = [8, 64], strides = [1, 1]} : vector<128x64xf32> to vector<8x64xf32>
    %slice3A_203 = vector.extract_strided_slice %concatenate3A_201 {offsets = [8, 0], sizes = [8, 64], strides = [1, 1]} : vector<128x64xf32> to vector<8x64xf32>
    %add3A_204 = arith.addf %slice3A_202, %slice3A_203 : vector<8x64xf32>
    %slice3A_205 = vector.extract_strided_slice %concatenate3A_201 {offsets = [16, 0], sizes = [8, 64], strides = [1, 1]} : vector<128x64xf32> to vector<8x64xf32>
    %add3A_206 = arith.addf %add3A_204, %slice3A_205 : vector<8x64xf32>
    %slice3A_207 = vector.extract_strided_slice %concatenate3A_201 {offsets = [24, 0], sizes = [8, 64], strides = [1, 1]} : vector<128x64xf32> to vector<8x64xf32>
    %add3A_208 = arith.addf %add3A_206, %slice3A_207 : vector<8x64xf32>
    %slice3A_209 = vector.extract_strided_slice %concatenate3A_201 {offsets = [32, 0], sizes = [8, 64], strides = [1, 1]} : vector<128x64xf32> to vector<8x64xf32>
    %add3A_210 = arith.addf %add3A_208, %slice3A_209 : vector<8x64xf32>
    %slice3A_211 = vector.extract_strided_slice %concatenate3A_201 {offsets = [40, 0], sizes = [8, 64], strides = [1, 1]} : vector<128x64xf32> to vector<8x64xf32>
    %add3A_212 = arith.addf %add3A_210, %slice3A_211 : vector<8x64xf32>
    %slice3A_213 = vector.extract_strided_slice %concatenate3A_201 {offsets = [48, 0], sizes = [8, 64], strides = [1, 1]} : vector<128x64xf32> to vector<8x64xf32>
    %add3A_214 = arith.addf %add3A_212, %slice3A_213 : vector<8x64xf32>
    %slice3A_215 = vector.extract_strided_slice %concatenate3A_201 {offsets = [56, 0], sizes = [8, 64], strides = [1, 1]} : vector<128x64xf32> to vector<8x64xf32>
    %add3A_216 = arith.addf %add3A_214, %slice3A_215 : vector<8x64xf32>
    %slice3A_217 = vector.extract_strided_slice %concatenate3A_201 {offsets = [64, 0], sizes = [8, 64], strides = [1, 1]} : vector<128x64xf32> to vector<8x64xf32>
    %add3A_218 = arith.addf %add3A_216, %slice3A_217 : vector<8x64xf32>
    %slice3A_219 = vector.extract_strided_slice %concatenate3A_201 {offsets = [72, 0], sizes = [8, 64], strides = [1, 1]} : vector<128x64xf32> to vector<8x64xf32>
    %add3A_220 = arith.addf %add3A_218, %slice3A_219 : vector<8x64xf32>
    %slice3A_221 = vector.extract_strided_slice %concatenate3A_201 {offsets = [80, 0], sizes = [8, 64], strides = [1, 1]} : vector<128x64xf32> to vector<8x64xf32>
    %add3A_222 = arith.addf %add3A_220, %slice3A_221 : vector<8x64xf32>
    %slice3A_223 = vector.extract_strided_slice %concatenate3A_201 {offsets = [88, 0], sizes = [8, 64], strides = [1, 1]} : vector<128x64xf32> to vector<8x64xf32>
    %add3A_224 = arith.addf %add3A_222, %slice3A_223 : vector<8x64xf32>
    %slice3A_225 = vector.extract_strided_slice %concatenate3A_201 {offsets = [96, 0], sizes = [8, 64], strides = [1, 1]} : vector<128x64xf32> to vector<8x64xf32>
    %add3A_226 = arith.addf %add3A_224, %slice3A_225 : vector<8x64xf32>
    %slice3A_227 = vector.extract_strided_slice %concatenate3A_201 {offsets = [104, 0], sizes = [8, 64], strides = [1, 1]} : vector<128x64xf32> to vector<8x64xf32>
    %add3A_228 = arith.addf %add3A_226, %slice3A_227 : vector<8x64xf32>
    %slice3A_229 = vector.extract_strided_slice %concatenate3A_201 {offsets = [112, 0], sizes = [8, 64], strides = [1, 1]} : vector<128x64xf32> to vector<8x64xf32>
    %add3A_230 = arith.addf %add3A_228, %slice3A_229 : vector<8x64xf32>
    %slice3A_231 = vector.extract_strided_slice %concatenate3A_201 {offsets = [120, 0], sizes = [8, 64], strides = [1, 1]} : vector<128x64xf32> to vector<8x64xf32>
    %add3A_232 = arith.addf %add3A_230, %slice3A_231 : vector<8x64xf32>
    %slice3A_233 = vector.extract_strided_slice %add3A_232 {offsets = [0, 0], sizes = [4, 64], strides = [1, 1]} : vector<8x64xf32> to vector<4x64xf32>
    %slice3A_234 = vector.extract_strided_slice %add3A_232 {offsets = [4, 0], sizes = [4, 64], strides = [1, 1]} : vector<8x64xf32> to vector<4x64xf32>
    %add3A_235 = arith.addf %slice3A_233, %slice3A_234 : vector<4x64xf32>
    %slice3A_236 = vector.extract_strided_slice %add3A_235 {offsets = [0, 0], sizes = [2, 64], strides = [1, 1]} : vector<4x64xf32> to vector<2x64xf32>
    %slice3A_237 = vector.extract_strided_slice %add3A_235 {offsets = [2, 0], sizes = [2, 64], strides = [1, 1]} : vector<4x64xf32> to vector<2x64xf32>
    %add3A_238 = arith.addf %slice3A_236, %slice3A_237 : vector<2x64xf32>
    %slice3A_239 = vector.extract_strided_slice %add3A_238 {offsets = [0, 0], sizes = [1, 64], strides = [1, 1]} : vector<2x64xf32> to vector<1x64xf32>
    %slice3A_240 = vector.extract_strided_slice %add3A_238 {offsets = [1, 0], sizes = [1, 64], strides = [1, 1]} : vector<2x64xf32> to vector<1x64xf32>
    %add3A_241 = arith.addf %slice3A_239, %slice3A_240 : vector<1x64xf32>
    %mul3A_242 = arith.constant 9.99999974E-5 : f32
    %mul3A_243 = vector.broadcast %mul3A_242 : f32 to vector<1x64xf32>
    %mul3A_244 = arith.mulf %add3A_241, %mul3A_243 : vector<1x64xf32>
    %sub3A = vector.broadcast %mul3A_244 : vector<1x64xf32> to vector<10000x64xf32>
    %sub3A_245 = arith.subf %max3A_42, %sub3A : vector<10000x64xf32>
    %mul3A_246 = arith.mulf %sub3A_245, %sub3A_245 : vector<10000x64xf32>
    %slice3A_247 = vector.extract_strided_slice %mul3A_246 {offsets = [0, 0], sizes = [128, 64], strides = [1, 1]} : vector<10000x64xf32> to vector<128x64xf32>
    %slice3A_248 = vector.extract_strided_slice %mul3A_246 {offsets = [128, 0], sizes = [128, 64], strides = [1, 1]} : vector<10000x64xf32> to vector<128x64xf32>
    %add3A_249 = arith.addf %slice3A_247, %slice3A_248 : vector<128x64xf32>
    %slice3A_250 = vector.extract_strided_slice %mul3A_246 {offsets = [256, 0], sizes = [128, 64], strides = [1, 1]} : vector<10000x64xf32> to vector<128x64xf32>
    %add3A_251 = arith.addf %add3A_249, %slice3A_250 : vector<128x64xf32>
    %slice3A_252 = vector.extract_strided_slice %mul3A_246 {offsets = [384, 0], sizes = [128, 64], strides = [1, 1]} : vector<10000x64xf32> to vector<128x64xf32>
    %add3A_253 = arith.addf %add3A_251, %slice3A_252 : vector<128x64xf32>
    %slice3A_254 = vector.extract_strided_slice %mul3A_246 {offsets = [512, 0], sizes = [128, 64], strides = [1, 1]} : vector<10000x64xf32> to vector<128x64xf32>
    %add3A_255 = arith.addf %add3A_253, %slice3A_254 : vector<128x64xf32>
    %slice3A_256 = vector.extract_strided_slice %mul3A_246 {offsets = [640, 0], sizes = [128, 64], strides = [1, 1]} : vector<10000x64xf32> to vector<128x64xf32>
    %add3A_257 = arith.addf %add3A_255, %slice3A_256 : vector<128x64xf32>
    %slice3A_258 = vector.extract_strided_slice %mul3A_246 {offsets = [768, 0], sizes = [128, 64], strides = [1, 1]} : vector<10000x64xf32> to vector<128x64xf32>
    %add3A_259 = arith.addf %add3A_257, %slice3A_258 : vector<128x64xf32>
    %slice3A_260 = vector.extract_strided_slice %mul3A_246 {offsets = [896, 0], sizes = [128, 64], strides = [1, 1]} : vector<10000x64xf32> to vector<128x64xf32>
    %add3A_261 = arith.addf %add3A_259, %slice3A_260 : vector<128x64xf32>
    %slice3A_262 = vector.extract_strided_slice %mul3A_246 {offsets = [1024, 0], sizes = [128, 64], strides = [1, 1]} : vector<10000x64xf32> to vector<128x64xf32>
    %add3A_263 = arith.addf %add3A_261, %slice3A_262 : vector<128x64xf32>
    %slice3A_264 = vector.extract_strided_slice %mul3A_246 {offsets = [1152, 0], sizes = [128, 64], strides = [1, 1]} : vector<10000x64xf32> to vector<128x64xf32>
    %add3A_265 = arith.addf %add3A_263, %slice3A_264 : vector<128x64xf32>
    %slice3A_266 = vector.extract_strided_slice %mul3A_246 {offsets = [1280, 0], sizes = [128, 64], strides = [1, 1]} : vector<10000x64xf32> to vector<128x64xf32>
    %add3A_267 = arith.addf %add3A_265, %slice3A_266 : vector<128x64xf32>
    %slice3A_268 = vector.extract_strided_slice %mul3A_246 {offsets = [1408, 0], sizes = [128, 64], strides = [1, 1]} : vector<10000x64xf32> to vector<128x64xf32>
    %add3A_269 = arith.addf %add3A_267, %slice3A_268 : vector<128x64xf32>
    %slice3A_270 = vector.extract_strided_slice %mul3A_246 {offsets = [1536, 0], sizes = [128, 64], strides = [1, 1]} : vector<10000x64xf32> to vector<128x64xf32>
    %add3A_271 = arith.addf %add3A_269, %slice3A_270 : vector<128x64xf32>
    %slice3A_272 = vector.extract_strided_slice %mul3A_246 {offsets = [1664, 0], sizes = [128, 64], strides = [1, 1]} : vector<10000x64xf32> to vector<128x64xf32>
    %add3A_273 = arith.addf %add3A_271, %slice3A_272 : vector<128x64xf32>
    %slice3A_274 = vector.extract_strided_slice %mul3A_246 {offsets = [1792, 0], sizes = [128, 64], strides = [1, 1]} : vector<10000x64xf32> to vector<128x64xf32>
    %add3A_275 = arith.addf %add3A_273, %slice3A_274 : vector<128x64xf32>
    %slice3A_276 = vector.extract_strided_slice %mul3A_246 {offsets = [1920, 0], sizes = [128, 64], strides = [1, 1]} : vector<10000x64xf32> to vector<128x64xf32>
    %add3A_277 = arith.addf %add3A_275, %slice3A_276 : vector<128x64xf32>
    %slice3A_278 = vector.extract_strided_slice %mul3A_246 {offsets = [2048, 0], sizes = [128, 64], strides = [1, 1]} : vector<10000x64xf32> to vector<128x64xf32>
    %add3A_279 = arith.addf %add3A_277, %slice3A_278 : vector<128x64xf32>
    %slice3A_280 = vector.extract_strided_slice %mul3A_246 {offsets = [2176, 0], sizes = [128, 64], strides = [1, 1]} : vector<10000x64xf32> to vector<128x64xf32>
    %add3A_281 = arith.addf %add3A_279, %slice3A_280 : vector<128x64xf32>
    %slice3A_282 = vector.extract_strided_slice %mul3A_246 {offsets = [2304, 0], sizes = [128, 64], strides = [1, 1]} : vector<10000x64xf32> to vector<128x64xf32>
    %add3A_283 = arith.addf %add3A_281, %slice3A_282 : vector<128x64xf32>
    %slice3A_284 = vector.extract_strided_slice %mul3A_246 {offsets = [2432, 0], sizes = [128, 64], strides = [1, 1]} : vector<10000x64xf32> to vector<128x64xf32>
    %add3A_285 = arith.addf %add3A_283, %slice3A_284 : vector<128x64xf32>
    %slice3A_286 = vector.extract_strided_slice %mul3A_246 {offsets = [2560, 0], sizes = [128, 64], strides = [1, 1]} : vector<10000x64xf32> to vector<128x64xf32>
    %add3A_287 = arith.addf %add3A_285, %slice3A_286 : vector<128x64xf32>
    %slice3A_288 = vector.extract_strided_slice %mul3A_246 {offsets = [2688, 0], sizes = [128, 64], strides = [1, 1]} : vector<10000x64xf32> to vector<128x64xf32>
    %add3A_289 = arith.addf %add3A_287, %slice3A_288 : vector<128x64xf32>
    %slice3A_290 = vector.extract_strided_slice %mul3A_246 {offsets = [2816, 0], sizes = [128, 64], strides = [1, 1]} : vector<10000x64xf32> to vector<128x64xf32>
    %add3A_291 = arith.addf %add3A_289, %slice3A_290 : vector<128x64xf32>
    %slice3A_292 = vector.extract_strided_slice %mul3A_246 {offsets = [2944, 0], sizes = [128, 64], strides = [1, 1]} : vector<10000x64xf32> to vector<128x64xf32>
    %add3A_293 = arith.addf %add3A_291, %slice3A_292 : vector<128x64xf32>
    %slice3A_294 = vector.extract_strided_slice %mul3A_246 {offsets = [3072, 0], sizes = [128, 64], strides = [1, 1]} : vector<10000x64xf32> to vector<128x64xf32>
    %add3A_295 = arith.addf %add3A_293, %slice3A_294 : vector<128x64xf32>
    %slice3A_296 = vector.extract_strided_slice %mul3A_246 {offsets = [3200, 0], sizes = [128, 64], strides = [1, 1]} : vector<10000x64xf32> to vector<128x64xf32>
    %add3A_297 = arith.addf %add3A_295, %slice3A_296 : vector<128x64xf32>
    %slice3A_298 = vector.extract_strided_slice %mul3A_246 {offsets = [3328, 0], sizes = [128, 64], strides = [1, 1]} : vector<10000x64xf32> to vector<128x64xf32>
    %add3A_299 = arith.addf %add3A_297, %slice3A_298 : vector<128x64xf32>
    %slice3A_300 = vector.extract_strided_slice %mul3A_246 {offsets = [3456, 0], sizes = [128, 64], strides = [1, 1]} : vector<10000x64xf32> to vector<128x64xf32>
    %add3A_301 = arith.addf %add3A_299, %slice3A_300 : vector<128x64xf32>
    %slice3A_302 = vector.extract_strided_slice %mul3A_246 {offsets = [3584, 0], sizes = [128, 64], strides = [1, 1]} : vector<10000x64xf32> to vector<128x64xf32>
    %add3A_303 = arith.addf %add3A_301, %slice3A_302 : vector<128x64xf32>
    %slice3A_304 = vector.extract_strided_slice %mul3A_246 {offsets = [3712, 0], sizes = [128, 64], strides = [1, 1]} : vector<10000x64xf32> to vector<128x64xf32>
    %add3A_305 = arith.addf %add3A_303, %slice3A_304 : vector<128x64xf32>
    %slice3A_306 = vector.extract_strided_slice %mul3A_246 {offsets = [3840, 0], sizes = [128, 64], strides = [1, 1]} : vector<10000x64xf32> to vector<128x64xf32>
    %add3A_307 = arith.addf %add3A_305, %slice3A_306 : vector<128x64xf32>
    %slice3A_308 = vector.extract_strided_slice %mul3A_246 {offsets = [3968, 0], sizes = [128, 64], strides = [1, 1]} : vector<10000x64xf32> to vector<128x64xf32>
    %add3A_309 = arith.addf %add3A_307, %slice3A_308 : vector<128x64xf32>
    %slice3A_310 = vector.extract_strided_slice %mul3A_246 {offsets = [4096, 0], sizes = [128, 64], strides = [1, 1]} : vector<10000x64xf32> to vector<128x64xf32>
    %add3A_311 = arith.addf %add3A_309, %slice3A_310 : vector<128x64xf32>
    %slice3A_312 = vector.extract_strided_slice %mul3A_246 {offsets = [4224, 0], sizes = [128, 64], strides = [1, 1]} : vector<10000x64xf32> to vector<128x64xf32>
    %add3A_313 = arith.addf %add3A_311, %slice3A_312 : vector<128x64xf32>
    %slice3A_314 = vector.extract_strided_slice %mul3A_246 {offsets = [4352, 0], sizes = [128, 64], strides = [1, 1]} : vector<10000x64xf32> to vector<128x64xf32>
    %add3A_315 = arith.addf %add3A_313, %slice3A_314 : vector<128x64xf32>
    %slice3A_316 = vector.extract_strided_slice %mul3A_246 {offsets = [4480, 0], sizes = [128, 64], strides = [1, 1]} : vector<10000x64xf32> to vector<128x64xf32>
    %add3A_317 = arith.addf %add3A_315, %slice3A_316 : vector<128x64xf32>
    %slice3A_318 = vector.extract_strided_slice %mul3A_246 {offsets = [4608, 0], sizes = [128, 64], strides = [1, 1]} : vector<10000x64xf32> to vector<128x64xf32>
    %add3A_319 = arith.addf %add3A_317, %slice3A_318 : vector<128x64xf32>
    %slice3A_320 = vector.extract_strided_slice %mul3A_246 {offsets = [4736, 0], sizes = [128, 64], strides = [1, 1]} : vector<10000x64xf32> to vector<128x64xf32>
    %add3A_321 = arith.addf %add3A_319, %slice3A_320 : vector<128x64xf32>
    %slice3A_322 = vector.extract_strided_slice %mul3A_246 {offsets = [4864, 0], sizes = [128, 64], strides = [1, 1]} : vector<10000x64xf32> to vector<128x64xf32>
    %add3A_323 = arith.addf %add3A_321, %slice3A_322 : vector<128x64xf32>
    %slice3A_324 = vector.extract_strided_slice %mul3A_246 {offsets = [4992, 0], sizes = [128, 64], strides = [1, 1]} : vector<10000x64xf32> to vector<128x64xf32>
    %add3A_325 = arith.addf %add3A_323, %slice3A_324 : vector<128x64xf32>
    %slice3A_326 = vector.extract_strided_slice %mul3A_246 {offsets = [5120, 0], sizes = [128, 64], strides = [1, 1]} : vector<10000x64xf32> to vector<128x64xf32>
    %add3A_327 = arith.addf %add3A_325, %slice3A_326 : vector<128x64xf32>
    %slice3A_328 = vector.extract_strided_slice %mul3A_246 {offsets = [5248, 0], sizes = [128, 64], strides = [1, 1]} : vector<10000x64xf32> to vector<128x64xf32>
    %add3A_329 = arith.addf %add3A_327, %slice3A_328 : vector<128x64xf32>
    %slice3A_330 = vector.extract_strided_slice %mul3A_246 {offsets = [5376, 0], sizes = [128, 64], strides = [1, 1]} : vector<10000x64xf32> to vector<128x64xf32>
    %add3A_331 = arith.addf %add3A_329, %slice3A_330 : vector<128x64xf32>
    %slice3A_332 = vector.extract_strided_slice %mul3A_246 {offsets = [5504, 0], sizes = [128, 64], strides = [1, 1]} : vector<10000x64xf32> to vector<128x64xf32>
    %add3A_333 = arith.addf %add3A_331, %slice3A_332 : vector<128x64xf32>
    %slice3A_334 = vector.extract_strided_slice %mul3A_246 {offsets = [5632, 0], sizes = [128, 64], strides = [1, 1]} : vector<10000x64xf32> to vector<128x64xf32>
    %add3A_335 = arith.addf %add3A_333, %slice3A_334 : vector<128x64xf32>
    %slice3A_336 = vector.extract_strided_slice %mul3A_246 {offsets = [5760, 0], sizes = [128, 64], strides = [1, 1]} : vector<10000x64xf32> to vector<128x64xf32>
    %add3A_337 = arith.addf %add3A_335, %slice3A_336 : vector<128x64xf32>
    %slice3A_338 = vector.extract_strided_slice %mul3A_246 {offsets = [5888, 0], sizes = [128, 64], strides = [1, 1]} : vector<10000x64xf32> to vector<128x64xf32>
    %add3A_339 = arith.addf %add3A_337, %slice3A_338 : vector<128x64xf32>
    %slice3A_340 = vector.extract_strided_slice %mul3A_246 {offsets = [6016, 0], sizes = [128, 64], strides = [1, 1]} : vector<10000x64xf32> to vector<128x64xf32>
    %add3A_341 = arith.addf %add3A_339, %slice3A_340 : vector<128x64xf32>
    %slice3A_342 = vector.extract_strided_slice %mul3A_246 {offsets = [6144, 0], sizes = [128, 64], strides = [1, 1]} : vector<10000x64xf32> to vector<128x64xf32>
    %add3A_343 = arith.addf %add3A_341, %slice3A_342 : vector<128x64xf32>
    %slice3A_344 = vector.extract_strided_slice %mul3A_246 {offsets = [6272, 0], sizes = [128, 64], strides = [1, 1]} : vector<10000x64xf32> to vector<128x64xf32>
    %add3A_345 = arith.addf %add3A_343, %slice3A_344 : vector<128x64xf32>
    %slice3A_346 = vector.extract_strided_slice %mul3A_246 {offsets = [6400, 0], sizes = [128, 64], strides = [1, 1]} : vector<10000x64xf32> to vector<128x64xf32>
    %add3A_347 = arith.addf %add3A_345, %slice3A_346 : vector<128x64xf32>
    %slice3A_348 = vector.extract_strided_slice %mul3A_246 {offsets = [6528, 0], sizes = [128, 64], strides = [1, 1]} : vector<10000x64xf32> to vector<128x64xf32>
    %add3A_349 = arith.addf %add3A_347, %slice3A_348 : vector<128x64xf32>
    %slice3A_350 = vector.extract_strided_slice %mul3A_246 {offsets = [6656, 0], sizes = [128, 64], strides = [1, 1]} : vector<10000x64xf32> to vector<128x64xf32>
    %add3A_351 = arith.addf %add3A_349, %slice3A_350 : vector<128x64xf32>
    %slice3A_352 = vector.extract_strided_slice %mul3A_246 {offsets = [6784, 0], sizes = [128, 64], strides = [1, 1]} : vector<10000x64xf32> to vector<128x64xf32>
    %add3A_353 = arith.addf %add3A_351, %slice3A_352 : vector<128x64xf32>
    %slice3A_354 = vector.extract_strided_slice %mul3A_246 {offsets = [6912, 0], sizes = [128, 64], strides = [1, 1]} : vector<10000x64xf32> to vector<128x64xf32>
    %add3A_355 = arith.addf %add3A_353, %slice3A_354 : vector<128x64xf32>
    %slice3A_356 = vector.extract_strided_slice %mul3A_246 {offsets = [7040, 0], sizes = [128, 64], strides = [1, 1]} : vector<10000x64xf32> to vector<128x64xf32>
    %add3A_357 = arith.addf %add3A_355, %slice3A_356 : vector<128x64xf32>
    %slice3A_358 = vector.extract_strided_slice %mul3A_246 {offsets = [7168, 0], sizes = [128, 64], strides = [1, 1]} : vector<10000x64xf32> to vector<128x64xf32>
    %add3A_359 = arith.addf %add3A_357, %slice3A_358 : vector<128x64xf32>
    %slice3A_360 = vector.extract_strided_slice %mul3A_246 {offsets = [7296, 0], sizes = [128, 64], strides = [1, 1]} : vector<10000x64xf32> to vector<128x64xf32>
    %add3A_361 = arith.addf %add3A_359, %slice3A_360 : vector<128x64xf32>
    %slice3A_362 = vector.extract_strided_slice %mul3A_246 {offsets = [7424, 0], sizes = [128, 64], strides = [1, 1]} : vector<10000x64xf32> to vector<128x64xf32>
    %add3A_363 = arith.addf %add3A_361, %slice3A_362 : vector<128x64xf32>
    %slice3A_364 = vector.extract_strided_slice %mul3A_246 {offsets = [7552, 0], sizes = [128, 64], strides = [1, 1]} : vector<10000x64xf32> to vector<128x64xf32>
    %add3A_365 = arith.addf %add3A_363, %slice3A_364 : vector<128x64xf32>
    %slice3A_366 = vector.extract_strided_slice %mul3A_246 {offsets = [7680, 0], sizes = [128, 64], strides = [1, 1]} : vector<10000x64xf32> to vector<128x64xf32>
    %add3A_367 = arith.addf %add3A_365, %slice3A_366 : vector<128x64xf32>
    %slice3A_368 = vector.extract_strided_slice %mul3A_246 {offsets = [7808, 0], sizes = [128, 64], strides = [1, 1]} : vector<10000x64xf32> to vector<128x64xf32>
    %add3A_369 = arith.addf %add3A_367, %slice3A_368 : vector<128x64xf32>
    %slice3A_370 = vector.extract_strided_slice %mul3A_246 {offsets = [7936, 0], sizes = [128, 64], strides = [1, 1]} : vector<10000x64xf32> to vector<128x64xf32>
    %add3A_371 = arith.addf %add3A_369, %slice3A_370 : vector<128x64xf32>
    %slice3A_372 = vector.extract_strided_slice %mul3A_246 {offsets = [8064, 0], sizes = [128, 64], strides = [1, 1]} : vector<10000x64xf32> to vector<128x64xf32>
    %add3A_373 = arith.addf %add3A_371, %slice3A_372 : vector<128x64xf32>
    %slice3A_374 = vector.extract_strided_slice %mul3A_246 {offsets = [8192, 0], sizes = [128, 64], strides = [1, 1]} : vector<10000x64xf32> to vector<128x64xf32>
    %add3A_375 = arith.addf %add3A_373, %slice3A_374 : vector<128x64xf32>
    %slice3A_376 = vector.extract_strided_slice %mul3A_246 {offsets = [8320, 0], sizes = [128, 64], strides = [1, 1]} : vector<10000x64xf32> to vector<128x64xf32>
    %add3A_377 = arith.addf %add3A_375, %slice3A_376 : vector<128x64xf32>
    %slice3A_378 = vector.extract_strided_slice %mul3A_246 {offsets = [8448, 0], sizes = [128, 64], strides = [1, 1]} : vector<10000x64xf32> to vector<128x64xf32>
    %add3A_379 = arith.addf %add3A_377, %slice3A_378 : vector<128x64xf32>
    %slice3A_380 = vector.extract_strided_slice %mul3A_246 {offsets = [8576, 0], sizes = [128, 64], strides = [1, 1]} : vector<10000x64xf32> to vector<128x64xf32>
    %add3A_381 = arith.addf %add3A_379, %slice3A_380 : vector<128x64xf32>
    %slice3A_382 = vector.extract_strided_slice %mul3A_246 {offsets = [8704, 0], sizes = [128, 64], strides = [1, 1]} : vector<10000x64xf32> to vector<128x64xf32>
    %add3A_383 = arith.addf %add3A_381, %slice3A_382 : vector<128x64xf32>
    %slice3A_384 = vector.extract_strided_slice %mul3A_246 {offsets = [8832, 0], sizes = [128, 64], strides = [1, 1]} : vector<10000x64xf32> to vector<128x64xf32>
    %add3A_385 = arith.addf %add3A_383, %slice3A_384 : vector<128x64xf32>
    %slice3A_386 = vector.extract_strided_slice %mul3A_246 {offsets = [8960, 0], sizes = [128, 64], strides = [1, 1]} : vector<10000x64xf32> to vector<128x64xf32>
    %add3A_387 = arith.addf %add3A_385, %slice3A_386 : vector<128x64xf32>
    %slice3A_388 = vector.extract_strided_slice %mul3A_246 {offsets = [9088, 0], sizes = [128, 64], strides = [1, 1]} : vector<10000x64xf32> to vector<128x64xf32>
    %add3A_389 = arith.addf %add3A_387, %slice3A_388 : vector<128x64xf32>
    %slice3A_390 = vector.extract_strided_slice %mul3A_246 {offsets = [9216, 0], sizes = [128, 64], strides = [1, 1]} : vector<10000x64xf32> to vector<128x64xf32>
    %add3A_391 = arith.addf %add3A_389, %slice3A_390 : vector<128x64xf32>
    %slice3A_392 = vector.extract_strided_slice %mul3A_246 {offsets = [9344, 0], sizes = [128, 64], strides = [1, 1]} : vector<10000x64xf32> to vector<128x64xf32>
    %add3A_393 = arith.addf %add3A_391, %slice3A_392 : vector<128x64xf32>
    %slice3A_394 = vector.extract_strided_slice %mul3A_246 {offsets = [9472, 0], sizes = [128, 64], strides = [1, 1]} : vector<10000x64xf32> to vector<128x64xf32>
    %add3A_395 = arith.addf %add3A_393, %slice3A_394 : vector<128x64xf32>
    %slice3A_396 = vector.extract_strided_slice %mul3A_246 {offsets = [9600, 0], sizes = [128, 64], strides = [1, 1]} : vector<10000x64xf32> to vector<128x64xf32>
    %add3A_397 = arith.addf %add3A_395, %slice3A_396 : vector<128x64xf32>
    %slice3A_398 = vector.extract_strided_slice %mul3A_246 {offsets = [9728, 0], sizes = [128, 64], strides = [1, 1]} : vector<10000x64xf32> to vector<128x64xf32>
    %add3A_399 = arith.addf %add3A_397, %slice3A_398 : vector<128x64xf32>
    %slice3A_400 = vector.extract_strided_slice %mul3A_246 {offsets = [9856, 0], sizes = [128, 64], strides = [1, 1]} : vector<10000x64xf32> to vector<128x64xf32>
    %add3A_401 = arith.addf %add3A_399, %slice3A_400 : vector<128x64xf32>
    %slice3A_402 = vector.extract_strided_slice %add3A_401 {offsets = [0, 0], sizes = [16, 64], strides = [1, 1]} : vector<128x64xf32> to vector<16x64xf32>
    %slice3A_403 = vector.extract_strided_slice %mul3A_246 {offsets = [9984, 0], sizes = [16, 64], strides = [1, 1]} : vector<10000x64xf32> to vector<16x64xf32>
    %add3A_404 = arith.addf %slice3A_402, %slice3A_403 : vector<16x64xf32>
    %slice3A_405 = vector.extract_strided_slice %add3A_401 {offsets = [16, 0], sizes = [112, 64], strides = [1, 1]} : vector<128x64xf32> to vector<112x64xf32>
    %concatenate3A_406 = tpu.concatenate %add3A_404, %slice3A_405 in 0 : vector<16x64xf32>, vector<112x64xf32> -> vector<128x64xf32>
    %slice3A_407 = vector.extract_strided_slice %concatenate3A_406 {offsets = [0, 0], sizes = [8, 64], strides = [1, 1]} : vector<128x64xf32> to vector<8x64xf32>
    %slice3A_408 = vector.extract_strided_slice %concatenate3A_406 {offsets = [8, 0], sizes = [8, 64], strides = [1, 1]} : vector<128x64xf32> to vector<8x64xf32>
    %add3A_409 = arith.addf %slice3A_407, %slice3A_408 : vector<8x64xf32>
    %slice3A_410 = vector.extract_strided_slice %concatenate3A_406 {offsets = [16, 0], sizes = [8, 64], strides = [1, 1]} : vector<128x64xf32> to vector<8x64xf32>
    %add3A_411 = arith.addf %add3A_409, %slice3A_410 : vector<8x64xf32>
    %slice3A_412 = vector.extract_strided_slice %concatenate3A_406 {offsets = [24, 0], sizes = [8, 64], strides = [1, 1]} : vector<128x64xf32> to vector<8x64xf32>
    %add3A_413 = arith.addf %add3A_411, %slice3A_412 : vector<8x64xf32>
    %slice3A_414 = vector.extract_strided_slice %concatenate3A_406 {offsets = [32, 0], sizes = [8, 64], strides = [1, 1]} : vector<128x64xf32> to vector<8x64xf32>
    %add3A_415 = arith.addf %add3A_413, %slice3A_414 : vector<8x64xf32>
    %slice3A_416 = vector.extract_strided_slice %concatenate3A_406 {offsets = [40, 0], sizes = [8, 64], strides = [1, 1]} : vector<128x64xf32> to vector<8x64xf32>
    %add3A_417 = arith.addf %add3A_415, %slice3A_416 : vector<8x64xf32>
    %slice3A_418 = vector.extract_strided_slice %concatenate3A_406 {offsets = [48, 0], sizes = [8, 64], strides = [1, 1]} : vector<128x64xf32> to vector<8x64xf32>
    %add3A_419 = arith.addf %add3A_417, %slice3A_418 : vector<8x64xf32>
    %slice3A_420 = vector.extract_strided_slice %concatenate3A_406 {offsets = [56, 0], sizes = [8, 64], strides = [1, 1]} : vector<128x64xf32> to vector<8x64xf32>
    %add3A_421 = arith.addf %add3A_419, %slice3A_420 : vector<8x64xf32>
    %slice3A_422 = vector.extract_strided_slice %concatenate3A_406 {offsets = [64, 0], sizes = [8, 64], strides = [1, 1]} : vector<128x64xf32> to vector<8x64xf32>
    %add3A_423 = arith.addf %add3A_421, %slice3A_422 : vector<8x64xf32>
    %slice3A_424 = vector.extract_strided_slice %concatenate3A_406 {offsets = [72, 0], sizes = [8, 64], strides = [1, 1]} : vector<128x64xf32> to vector<8x64xf32>
    %add3A_425 = arith.addf %add3A_423, %slice3A_424 : vector<8x64xf32>
    %slice3A_426 = vector.extract_strided_slice %concatenate3A_406 {offsets = [80, 0], sizes = [8, 64], strides = [1, 1]} : vector<128x64xf32> to vector<8x64xf32>
    %add3A_427 = arith.addf %add3A_425, %slice3A_426 : vector<8x64xf32>
    %slice3A_428 = vector.extract_strided_slice %concatenate3A_406 {offsets = [88, 0], sizes = [8, 64], strides = [1, 1]} : vector<128x64xf32> to vector<8x64xf32>
    %add3A_429 = arith.addf %add3A_427, %slice3A_428 : vector<8x64xf32>
    %slice3A_430 = vector.extract_strided_slice %concatenate3A_406 {offsets = [96, 0], sizes = [8, 64], strides = [1, 1]} : vector<128x64xf32> to vector<8x64xf32>
    %add3A_431 = arith.addf %add3A_429, %slice3A_430 : vector<8x64xf32>
    %slice3A_432 = vector.extract_strided_slice %concatenate3A_406 {offsets = [104, 0], sizes = [8, 64], strides = [1, 1]} : vector<128x64xf32> to vector<8x64xf32>
    %add3A_433 = arith.addf %add3A_431, %slice3A_432 : vector<8x64xf32>
    %slice3A_434 = vector.extract_strided_slice %concatenate3A_406 {offsets = [112, 0], sizes = [8, 64], strides = [1, 1]} : vector<128x64xf32> to vector<8x64xf32>
    %add3A_435 = arith.addf %add3A_433, %slice3A_434 : vector<8x64xf32>
    %slice3A_436 = vector.extract_strided_slice %concatenate3A_406 {offsets = [120, 0], sizes = [8, 64], strides = [1, 1]} : vector<128x64xf32> to vector<8x64xf32>
    %add3A_437 = arith.addf %add3A_435, %slice3A_436 : vector<8x64xf32>
    %slice3A_438 = vector.extract_strided_slice %add3A_437 {offsets = [0, 0], sizes = [4, 64], strides = [1, 1]} : vector<8x64xf32> to vector<4x64xf32>
    %slice3A_439 = vector.extract_strided_slice %add3A_437 {offsets = [4, 0], sizes = [4, 64], strides = [1, 1]} : vector<8x64xf32> to vector<4x64xf32>
    %add3A_440 = arith.addf %slice3A_438, %slice3A_439 : vector<4x64xf32>
    %slice3A_441 = vector.extract_strided_slice %add3A_440 {offsets = [0, 0], sizes = [2, 64], strides = [1, 1]} : vector<4x64xf32> to vector<2x64xf32>
    %slice3A_442 = vector.extract_strided_slice %add3A_440 {offsets = [2, 0], sizes = [2, 64], strides = [1, 1]} : vector<4x64xf32> to vector<2x64xf32>
    %add3A_443 = arith.addf %slice3A_441, %slice3A_442 : vector<2x64xf32>
    %slice3A_444 = vector.extract_strided_slice %add3A_443 {offsets = [0, 0], sizes = [1, 64], strides = [1, 1]} : vector<2x64xf32> to vector<1x64xf32>
    %slice3A_445 = vector.extract_strided_slice %add3A_443 {offsets = [1, 0], sizes = [1, 64], strides = [1, 1]} : vector<2x64xf32> to vector<1x64xf32>
    %add3A_446 = arith.addf %slice3A_444, %slice3A_445 : vector<1x64xf32>
    %mul3A_447 = arith.constant 9.99999974E-5 : f32
    %mul3A_448 = vector.broadcast %mul3A_447 : f32 to vector<1x64xf32>
    %mul3A_449 = arith.mulf %add3A_446, %mul3A_448 : vector<1x64xf32>
    %add3A_450 = arith.constant 9.99999974E-6 : f32
    %add3A_451 = vector.broadcast %add3A_450 : f32 to vector<1x64xf32>
    %add3A_452 = arith.addf %mul3A_449, %add3A_451 : vector<1x64xf32>
    %sqrt3A = math.sqrt %add3A_452 : vector<1x64xf32>
    %div3A = vector.broadcast %sqrt3A : vector<1x64xf32> to vector<10000x64xf32>
    %div3A_453 = arith.divf %sub3A_245, %div3A : vector<10000x64xf32>
    %get3A_454 = arith.constant 0 : index
    %get3A_455 = arith.constant 0 : index
    %get3A_456 = vector.load %arg6[%get3A_454, %get3A_455] : memref<1x64xf32, #tpu.memory_space<vmem>>, vector<1x64xf32>
    %mul3A_457 = vector.broadcast %get3A_456 : vector<1x64xf32> to vector<10000x64xf32>
    %mul3A_458 = arith.mulf %div3A_453, %mul3A_457 : vector<10000x64xf32>
    %get3A_459 = arith.constant 0 : index
    %get3A_460 = arith.constant 0 : index
    %get3A_461 = vector.load %arg7[%get3A_459, %get3A_460] : memref<1x64xf32, #tpu.memory_space<vmem>>, vector<1x64xf32>
    %add3A_462 = vector.broadcast %get3A_461 : vector<1x64xf32> to vector<10000x64xf32>
    %add3A_463 = arith.addf %mul3A_458, %add3A_462 : vector<10000x64xf32>
    %max3A_464 = arith.constant 0.000000e+00 : f32
    %max3A_465 = vector.broadcast %max3A_464 : f32 to vector<10000x64xf32>
    %max3A_466 = arith.maximumf %add3A_463, %max3A_465 : vector<10000x64xf32>
    %get3A_467 = arith.constant 0 : index
    %get3A_468 = arith.constant 0 : index
    %get3A_469 = vector.load %arg9[%get3A_467, %get3A_468] : memref<64x16xf32, #tpu.memory_space<vmem>>, vector<64x16xf32>
    %dot_general3A_470 = arith.constant dense<0.000000e+00> : vector<10000x16xf32>
    %dot_general3A_471 = tpu.matmul %max3A_466, %get3A_469, %dot_general3A_470 {dimension_numbers = #tpu.dot_dimension_numbers<[1], [0], [0], [1], [0, 0, 1, 1], [], []>, transpose_lhs_hint = false} : vector<10000x64xf32>, vector<64x16xf32>, vector<10000x16xf32> -> vector<10000x16xf32>
    %get3A_472 = arith.constant 0 : index
    %get3A_473 = arith.constant 0 : index
    %get3A_474 = vector.load %arg10[%get3A_472, %get3A_473] : memref<1x16xf32, #tpu.memory_space<vmem>>, vector<1x16xf32>
    %add3A_475 = vector.broadcast %get3A_474 : vector<1x16xf32> to vector<10000x16xf32>
    %add3A_476 = arith.addf %dot_general3A_471, %add3A_475 : vector<10000x16xf32>
    %swap3A = arith.constant 0 : index
    %swap3A_477 = arith.constant 0 : index
    %swap3A_478 = vector.load %arg11[%swap3A, %swap3A_477] : memref<10000x16xf32, #tpu.memory_space<vmem>>, vector<10000x16xf32>
    tpu.vector_store %arg11[%swap3A, %swap3A_477], %add3A_476 {strides = array<i32>} : memref<10000x16xf32, #tpu.memory_space<vmem>>, vector<10000x16xf32>,
    return
  }
}

</mosaic_0001>

<sc_bundles>
// kernel: gather_offload_async_start.1
scs
__scs_entry_jumppad:
0x0: {  	(pc) =	sbr.rel $0x88, $3  }
0x1: {  	(tag) =	ssettag $0x0;
	lr =	simm.s32 $0x1  }
0x2: {  	[smem:$0x3F88] =	sst lr;
	_ =	strace $0xD0000000  }
0x3: {  	_ = 	snop  }
0x4: {  	_ = 	snop  }
0x5: {  	_ = 	snop  }
0x6: {  	_ = 	snop  }
0x7: {  	_ = 	snop  }
__scs_overlays_trampoline_lowered:
0x8: {  	[smem:$0x3F97] =	sst s0  }
0x9: {  	[smem:$0x3F98] =	sst s1  }
0xa: {  	[smem:$0x3F99] =	sst s2  }
0xb: {  	[smem:$0x3F9A] =	sst s3  }
0xc: {  	[smem:$0x3F9B] =	sst s4  }
0xd: {  	[smem:$0x3F9C] =	sst s5  }
0xe: {  	[smem:$0x3F9D] =	sst s6  }
0xf: {  	[smem:$0x3F9E] =	sst s7  }
0x10: {  	[smem:$0x3F9F] =	sst s8  }
0x11: {  	[smem:$0x3FA0] =	sst s9;
	s0 =	simm.s32 @!p0 $0x0  }
0x12: {  	s1 =	sld [smem:$0x3F86];
	s0 =	simm.s32 @p0 $0x1  }
0x13: {  	[smem:$0x3FA1] =	sst s0;
	s0 =	simm.s32 @!p1 $0x0  }
0x14: {  	s2 =	sld [smem:$0x3F85];
	s0 =	simm.s32 @p1 $0x1  }
0x15: {  	[smem:$0x3FA2] =	sst s0;
	s0 =	simm.s32 @!p2 $0x0  }
0x16: {  	s3 =	sld [smem:$0x3FDB];
	s0 =	simm.s32 @p2 $0x1  }
0x17: {  	s4 =	simm.s32 $0x1BF5;
	[smem:$0x3FA4] =	sst s0  }
0x18: {  	s0 =	sld [smem:$0x3F87];
	_ =	swait.ge [sflag:s4], $0x0  }
0x19: {  	s7 =	sld [smem:$0x3F88]  }
0x1a: {  	s8 =	sadd.s32 $0xFFFFE003, lr  }
0x1b: {  	s9 =	sadd.s32 $0xFFFFFEF7, lr;
	s5 =	simm.s32 $0xFFFFFFFF;
	p2 =	slt.u32 s8, $0xFFFFF086  }
0x1c: {  	p1 =	slt.u32 s9, $0xF7A;
	s5 =	simm.s32 @!p2 $0x0  }
0x1d: {  	s5 =	simm.s32 @p1 $0x1;
	p0 =	seq.s32 s7, s2  }
0x1e: {  	s7 =	smul.u32 @!p0 $0xF7A, s2;
	p2 =	seq.s32 @!p0 s5, $0x0  }
0x1f: {  	s9 =	smul.u32 $0xF7A, s1;
	s8 =	simm.s32 @!p0 $0x1BF5;
	p2 =	por !p2, p0  }
0x20: {  	[sflag:s8] =	ssyncset.s32 @!p0 $0xFFFFF086;
	s6 =	sadd.s32 @!p0 s3, s7;
	s7 =	simm.s32 @!p0 $0x108  }
0x21: {  	s3 =	sadd.s32 s3, s9;
	s6 =	sadd.s32 @!p0 $0x88, s6;
	s7 =	simm.s32 @p2 $0x1082  }
0x22: {  	[simem:s7], [sflag:s8] =	dma.local @!p0 [hbm:s6], $0xF7A  }
0x23: {  	s9 =	sor.u32 $0xD0000000, s2;
	s6 =	simm.s32 $0x108;
	_ =	swait.ge @!p0 [sflag:s8], $0x0  }
0x24: {  	s3 =	sadd.s32 $0x88, s3;
	s6 =	simm.s32 @!p1 $0x1082;
	[sflag:s4] =	ssyncset.s32 $0xFFFFF086  }
0x25: {  	[simem:s6], [sflag:s4] =	dma.local [hbm:s3], $0xF7A  }
0x26: {  	[smem:$0x3F88] =	sst s1;
	(tag) =	ssettag s2;
	_ =	strace s9  }
0x27: {  	s1 =	sld [smem:$0x3F98]  }
0x28: {  	s2 =	sld [smem:$0x3F99]  }
0x29: {  	s4 =	sld [smem:$0x3F9B]  }
0x2a: {  	p0 =	seq.s32 s5, $0x0;
	s5 =	sld [smem:$0x3F9C]  }
0x2b: {  	s6 =	sld [smem:$0x3F9D]  }
0x2c: {  	s7 =	sld [smem:$0x3F9E]  }
0x2d: {  	s3 =	simm.s32 $0x108;
	s8 =	sld [smem:$0x3F9F]  }
0x2e: {  	s3 =	simm.s32 @!p0 $0x1082;
	s9 =	sld [smem:$0x3FA0]  }
0x2f: {  	lr =	sadd.s32 s0, s3;
	s0 =	sld [smem:$0x3F97]  }
0x30: {  	s3 =	sld [smem:$0x3F9A]  }
0x31: {  	[smem:$0x3FA3] =	sst s10  }
0x32: {  	s10 =	sld [smem:$0x3FA1];
	_ =	sdelay $0x3  }
0x33: {  	p0 =	seq.s32 s10, $0x1;
	s10 =	sld [smem:$0x3FA3];
	_ =	sdelay $0x3  }
0x34: {  	[smem:$0x3FA3] =	sst s10  }
0x35: {  	s10 =	sld [smem:$0x3FA2];
	_ =	sdelay $0x3  }
0x36: {  	p1 =	seq.s32 s10, $0x1;
	s10 =	sld [smem:$0x3FA3];
	_ =	sdelay $0x3  }
0x37: {  	[smem:$0x3FA3] =	sst s10  }
0x38: {  	s10 =	sld [smem:$0x3FA4]  }
0x39: {  	_ = 	snop;
	(pc) =	sbr.ind lr, $3  }
0x3a: {  	_ = 	snop  }
0x3b: {  	_ = 	snop  }
0x3c: {  	p2 =	seq.s32 s10, $0x1;
	s10 =	sld [smem:$0x3FA3]  }
0x3d: {  	_ =	shalt  }
0x3e: {  	_ =	shalt  }
0x3f: {  	_ =	shalt  }
0x40: {  	_ =	shalt  }
0x41: {  	_ =	shalt  }
0x42: {  	_ =	shalt  }
0x43: {  	_ =	shalt  }
0x44: {  	_ =	shalt  }
0x45: {  	_ =	shalt  }
0x46: {  	_ =	shalt  }
0x47: {  	_ =	shalt  }
0x48: {  	_ =	shalt  }
0x49: {  	_ =	shalt  }
0x4a: {  	_ =	shalt  }
0x4b: {  	_ =	shalt  }
0x4c: {  	_ =	shalt  }
0x4d: {  	_ =	shalt  }
0x4e: {  	_ =	shalt  }
0x4f: {  	_ =	shalt  }
0x50: {  	_ =	shalt  }
0x51: {  	_ =	shalt  }
0x52: {  	_ =	shalt  }
0x53: {  	_ =	shalt  }
0x54: {  	_ =	shalt  }
0x55: {  	_ =	shalt  }
0x56: {  	_ =	shalt  }
0x57: {  	_ =	shalt  }
0x58: {  	_ =	shalt  }
0x59: {  	_ =	shalt  }
0x5a: {  	_ =	shalt  }
0x5b: {  	_ =	shalt  }
0x5c: {  	_ =	shalt  }
0x5d: {  	_ =	shalt  }
0x5e: {  	_ =	shalt  }
0x5f: {  	_ =	shalt  }
0x60: {  	_ =	shalt  }
0x61: {  	_ =	shalt  }
0x62: {  	_ =	shalt  }
0x63: {  	_ =	shalt  }
0x64: {  	_ =	shalt  }
0x65: {  	_ =	shalt  }
0x66: {  	_ =	shalt  }
0x67: {  	_ =	shalt  }
0x68: {  	_ =	shalt  }
0x69: {  	_ =	shalt  }
0x6a: {  	_ =	shalt  }
0x6b: {  	_ =	shalt  }
0x6c: {  	_ =	shalt  }
0x6d: {  	_ =	shalt  }
0x6e: {  	_ =	shalt  }
0x6f: {  	_ =	shalt  }
0x70: {  	_ =	shalt  }
0x71: {  	_ =	shalt  }
0x72: {  	_ =	shalt  }
0x73: {  	_ =	shalt  }
0x74: {  	_ =	shalt  }
0x75: {  	_ =	shalt  }
0x76: {  	_ =	shalt  }
0x77: {  	_ =	shalt  }
0x78: {  	_ =	shalt  }
0x79: {  	_ =	shalt  }
0x7a: {  	_ =	shalt  }
0x7b: {  	_ =	shalt  }
0x7c: {  	_ =	shalt  }
0x7d: {  	_ =	shalt  }
0x7e: {  	_ =	shalt  }
0x7f: {  	_ =	shalt  }
0x80: {  	_ =	shalt  }
0x81: {  	_ =	shalt  }
0x82: {  	_ =	shalt  }
0x83: {  	_ =	shalt  }
0x84: {  	_ =	shalt  }
0x85: {  	_ =	shalt  }
0x86: {  	_ =	shalt  }
0x87: {  	_ =	shalt  }
.Lfunc_end0:
.L_simem_size_0:
called_computation.1_lowered:
.L_overlay_start_0:
0x88: {  	s2 =	sld [smem:$0x3FD9]  }
0x89: {  	s3 =	sld [smem:$0x3FFE];
	_ =	sdelay $0x1  }
0x8a: {  	s1 =	srdreg.scid  }
0x8b: {  	s0 =	sand.u32 $0x1, s1  }
0x8c: {  	s16 =	sshll.u32 s0, $0xA;
	s2 =	sadd.s32 s3, s2  }
0x8d: {  	s2 =	sadd.s32 s2, s16  }
0x8e: {  	[smem:$0x3FAF] =	sst s2  }
0x8f: {  	_ = 	snop  }
0x90: {  	(tm) =	ssettm $0x1  }
0x91: {  	s17 =	sld [smem:$0x3FFB];
	_ =	sdelay $0x3  }
0x92: {  	_ =	strace s17  }
0x93: {  	s2 =	sld [smem:$0x3FFC];
	_ =	sdelay $0x3  }
0x94: {  	_ =	strace s2  }
0x95: {  	s2 =	sld [smem:$0x3FFD];
	_ =	sdelay $0x3  }
0x96: {  	_ =	strace s2  }
0x97: {  	_ =	strace $0x8FFFFFFF  }
0x98: {  	s18 =	sld [smem:$0x3FDB];
	_ =	sdelay $0x1  }
0x99: {  	s19 =	simm.s32 $_scs_section_size  }
0x9a: {  	s4 =	simm.s32 $_size__tile_overlayer_lowered;
	s5 =	simm.s32 $_tile_overlayer_lowered  }
0x9b: {  	s22 =	simm.s32 $0x1BFF;
	s21 =	sshll.u32 s5, $0x1;
	s2 =	sadd.s32 s19, s18  }
0x9c: {  	s6 =	simm.s32 $0x0;
	s20 =	sshll.u32 s4, $0x1;
	s4 =	sadd.s32 s21, s2  }
0x9d: {  	[timem:s6], [sflag:s22] =	dma.local [hbm:s4], s20  }
0x9e: {  	_ =	swait.ge [sflag:s22], s20  }
0x9f: {  	s3 =	ssub.s32 $0x0, s20;
	[sflag:s22] =	ssyncset.done $0x0  }
0xa0: {  	[sflag:s22] =	ssyncadd.s32 s3;
	_ =	sdelay $0x1  }
0xa1: {  	s23 =	simm.s32 $0x1B8B  }
0xa2: {  	_ =	swait.ge [sflag:s23], $0x1  }
0xa3: {  	[sflag:s23] =	ssyncset.done $0x0  }
0xa4: {  	s25 =	simm.s32 $0x1B8E;
	s24 =	sld [smem:$0x3FFE];
	[sflag:s23] =	ssyncadd.s32 $0xFFFFFFFF  }
0xa5: {  	s26 =	simm.s32 $execute0_lowered;
	[smem:$0x3FD2] =	sst s25  }
0xa6: {  	s4 =	sshll.u32 s26, $0x1;
	_ =	strace $0x80000046;
	[dreg:$0x1] =	wrdreg $0xFFFFFFFF  }
0xa7: {  	s28 =	simm.s32 $_size_execute0_lowered;
	s2 =	sadd.s32 s2, s4;
	[dreg:$0x0] =	wrdreg $0x0  }
0xa8: {  	s4 =	sshll.u32 s28, $0x1;
	[dreg:$0x2] =	wrdreg s2  }
0xa9: {  	[dreg:$0x3] =	wrdreg s4  }
0xaa: {  	[dreg:$0x4] =	wrdreg $0xC0  }
0xab: {  	_ =	task [dreg:s6], $0x5FFFF  }
0xac: {  	[dreg:$0x1] =	wrdreg $0xFFFFFFFF  }
0xad: {  	[dreg:$0x0] =	wrdreg $0x60  }
0xae: {  	[dreg:$0x2] =	wrdreg s24  }
0xaf: {  	[dreg:$0x3] =	wrdreg $0x9  }
0xb0: {  	_ =	task.clear_ibuf [dreg:s6], $0x4FFFF;
	_ =	strace $0x90000046  }
0xb1: {  	s29 =	simm.s32 $0x9;
	_ =	strace $0x80000048  }
0xb2: {  	_ =	swait.ge [sflag:s29], $0x1  }
0xb3: {  	[sflag:s29] =	ssyncadd.s32 $0xFFFFFFFF  }
0xb4: {  	_ =	strace $0x90000048  }
0xb5: {  	_ =	sfence  }
0xb6: {  	s30 =	sld [smem:$0x0];
	_ =	sdelay $0x2  }
0xb7: {  	s31 =	sshll.u32 s1, $0xD;
	s1 =	sshrl.u32 s1, $0x2  }
0xb8: {  	s3 =	sand.u32 $0x4000, s31;
	s1 =	sadd.s32 s1, s30  }
0xb9: {  	s0 =	sor.u32 s3, s0;
	s1 =	sshll.u32 s1, $0x11  }
0xba: {  	s0 =	sor.u32 s1, s0  }
0xbb: {  	s0 =	sadd.s32 $0x8F2B, s0  }
0xbc: {  	[sflag:s0] =	ssyncadd.remote.s32 $0x1  }
0xbd: {  	_ =	sfence.sel $0xFFFF  }
0xbe: {  	[dreg:$0x0] =	wrdreg $0xFFFFFFFF;
	(pc) =	sbr.abs _section_cstart, $3  }
0xbf: {  	[dreg:$0x1] =	wrdreg $0xFFFFFFFF  }
0xc0: {  	_ =	task.clear_ibuf [dreg:s6], $0x2FFFF;
	_ =	strace $0x9FFFFFFF  }
0xc1: {  	(tm) =	ssettm $0x7FFFFFFF  }
tec
execute0_lowered:
.L_overlay_start_1:
0x0: {  	(tag) =	ssettag $0x1  }
0x1: {  	s8 =	rddreg [dreg:$0x0]  }
0x2: {  	s0 =	rddreg [dreg:$0x1];
	_ =	strace $0x80000047;
	s1 =	stileid.u32  }
0x3: {  	s3 =	srdreg.scid;
	s4 =	simm.s32 $0x1;
	s7 =	simm.s32 $0x1  }
0x4: {  	s9 =	simm.s32 $0x1;
	s10 =	simm.s32 $0x3;
	s13 =	simm.s32 $0x0  }
0x5: {  	s12 =	simm.s32 $0x0;
	s5 =	sand.u32 $0x1, s3;
	s6 =	sshll.u32 s1, $0x1  }
0x6: {  	s2 =	sadd.s32 $0x10A00, s8;
	s3 =	sadd.s32 $0x24600, s8;
	s5 =	sor.u32 s6, s5  }
.Ltmp0:
0x7: {  	[sflag:s4] =	ssyncpa.u1 $0x0;
	p0 =	slt.u32 s5, $0x9;
	(pc) =	sbr.rel .LBB2_1-.Ltmp0, $4  }
0x8: {  	s6 =	simm.s32 $0x2;
	s7 =	simm.s32 @!p0 $0x0;
	p0 =	sne.s32 s5, $0x8  }
0x9: {  	[sflag:s6] =	ssyncpa.u1 $0x0;
	s5 =	smul.u32 $0x1F40, s5;
	s9 =	simm.s32 @!p0 $0x0  }
0xa: {  	s8 =	sadd.s32 $0x2E400, s8;
	[sflag:s10] =	ssyncpa.u1 $0x0;
	s7 =	sadd.s32 s9, s7  }
0xb: {  	vm0 =	vmmov $0xffff;
	s10 =	simm.s32 $0x0;
	s11 =	smov.u32 s5;
	s9 =	sadd.s32 $0x1, s7  }
.LBB2_4:
0xc: {  	v2 =	vnsel vm1, $0x0, v2  }
0xd: {  	vm1 =	vgt.s32 v0, $0x0;
	v2 =	vmin.u32 v2, $0x4E1FF  }
0xe: {  	v0 =	vnsel vm1, $0x0, v0  }
0xf: {  	v0 =	vmin.u32 v0, $0x4E1FF  }
0x10: {  	[tilespmem:s18], [sflag:$0x1] =	stream.indirect_vreg.gather [hbm4b:s2+s10], $0x1, v1, vm0, $0x4038;
	[tilespmem:$0x7D00] =	vst v63  }
0x11: {  	(ifvalue) =	ssetifvalue $0x7FFFFFFF  }
0x12: {  	[tilespmem:s15], [sflag:$0x1] =	stream.indirect_vreg.gather [hbm4b:s2+s10], $0x1, v2, vm0, $0x4038;
	[tilespmem:$0x7D00] =	vst v63  }
0x13: {  	s29 =	sadd.s32 $0x10, s15;
	(ifvalue) =	ssetifvalue $0x7FFFFFFF  }
0x14: {  	[tilespmem:s29], [sflag:$0x1] =	stream.indirect_vreg.gather [hbm4b:s2+s10], $0x1, v0, vm0, $0x4038;
	[tilespmem:$0x7D00] =	vst v63  }
0x15: {  	_ =	swait.ge [sflag:s4], $0x1F40  }
0x16: {  	s30 =	sshrl.u32 s13, $0x3;
	[sflag:s4] =	ssyncset.done $0x0  }
0x17: {  	s31 =	sand.u32 $0x7, s13;
	s15 =	sadd.s32 s8, s30;
	[sflag:s4] =	ssyncadd.s32 $0xFFFFE0C0  }
0x18: {  	[hbm4b:s15+s31] =	stream.linear.scatter [tilespmem:s14], [sflag:$0x3], $0x1F40, $0x38;
	[tilespmem:$0x7D00] =	vst v63  }
.LBB2_5:
0x19: {  	s15 =	sadd.s32 $0x3E800, s11  }
0x1a: {  	p1 =	sgt.s32 s15, $0x4E1FF  }
0x1b: {  	s15 =	smov.u32 @p1 s5;
	p1 =	sne.s32 s12, s9  }
.Ltmp1:
0x1c: {  	p0 =	slt.u32 s12, $0x2;
	(pc) =	sbr.rel @!p1 .LBB2_6-.Ltmp1, $4  }
0x1d: {  	s14 =	simm.s32 @!p0 $0x3  }
0x1e: {  	_ =	swait.ge @!p0 [sflag:s14], $0x1F40  }
0x1f: {  	s16 =	sadd.s32 $0x1, s12;
	s13 =	smov.u32 s11;
	[sflag:s14] =	ssyncset.done @!p0 $0x0  }
0x20: {  	s12 =	smov.u32 s16;
	s11 =	smov.u32 s15;
	[sflag:s14] =	ssyncadd.s32 @!p0 $0xFFFFE0C0  }
.LBB2_1:
0x21: {  	p0 =	sge.u32 s12, s7  }
0x22: {  	s14 =	sxor.u32 @!p0 $0x1, s12  }
0x23: {  	s14 =	smul.u32 @!p0 $0x7D00, s14  }
0x24: {  	s31 =	sadd.s32 $0xFFFFFFFF, s12;
	s15 =	sshrl.u32 @!p0 s11, $0x3  }
0x25: {  	s16 =	sand.u32 @!p0 $0x7, s11;
	s15 =	sadd.s32 @!p0 s3, s15;
	s14 =	sshra.s32 @!p0 s14, $0x2  }
0x26: {  	[tilespmem:s14], [sflag:$0x2] =	stream.linear.gather @!p0 [hbm4b:s15+s16], $0x1F40, $0x38;
	[tilespmem:$0x7D00] =	vst v63  }
0x27: {  	p0 =	sge.u32 s31, s7  }
.Ltmp2:
0x28: {  	_ = 	snop;
	(pc) =	sbr.rel @p0 .LBB2_5-.Ltmp2, $1  }
0x29: {  	_ =	sdelay $0x3  }
0x2a: {  	s14 =	sand.u32 $0x1, s12  }
0x2b: {  	_ =	swait.ge [sflag:s6], $0x1F40;
	p0 =	seq.s32 s14, $0x1;
	s14 =	simm.s32 $0x1F40  }
0x2c: {  	[sflag:s6] =	ssyncset.done $0x0;
	s14 =	simm.s32 @!p0 $0x0  }
0x2d: {  	[sflag:s6] =	ssyncadd.s32 $0xFFFFE0C0;
	(ifvalue) =	ssetifvalue $0x7FFFFFFF;
	v0 =	vld.msk [tilespmem:s14+$0x0 ss:$0x1], $0xffff;
	_ =	sdelay $0x4  }
0x2e: {  	s15 =	sadd.s32 $0x10, s14;
	vm1 =	vgt.s32 v0, $0x0  }
0x2f: {  	v2 =	vld.msk [tilespmem:s15+$0x0 ss:$0x1], $0xffff;
	v1 =	vnsel vm1, $0x0, v0  }
0x30: {  	v1 =	vmin.u32 v1, $0x4E1FF;
	_ =	sdelay $0x2  }
0x31: {  	s17 =	simm.s32 $0x20;
	s14 =	sadd.s32 $0x3E80, s14;
	s16 =	sadd.s32 $0x10, s15  }
0x32: {  	s15 =	sadd.s32 $0x10, s14;
	s18 =	smov.u32 s14;
	v0 =	vld.msk [tilespmem:s16+$0x0 ss:$0x1], $0xffff;
	vm1 =	vgt.s32 v2, $0x0;
	(ifvalue) =	ssetifvalue $0x7FFFFFFF  }
.LBB2_3:
0x33: {  	[tilespmem:s18], [sflag:$0x1] =	stream.indirect_vreg.gather [hbm4b:s2+s10], $0x1, v1, vm0, $0x4038;
	[tilespmem:$0x7D00] =	vst v63  }
0x34: {  	s17 =	sadd.s32 $0x10, s17  }
0x35: {  	v2 =	vnsel vm1, $0x0, v2;
	p0 =	slt.u32 s17, $0x1F30  }
.Ltmp3:
0x36: {  	s18 =	smov.u32 s15;
	v1 =	vmin.u32 v2, $0x4E1FF;
	(pc) =	sbr.rel @p0 .LBB2_3-.Ltmp3, $3  }
0x37: {  	_ =	sdelay $0x1  }
0x38: {  	s16 =	sadd.s32 $0x10, s16  }
0x39: {  	vm1 =	vgt.s32 v0, $0x0;
	s15 =	sadd.s32 $0x10, s15;
	v2 =	vmov v0;
	(ifvalue) =	ssetifvalue $0x7FFFFFFF;
	v0 =	vld.msk [tilespmem:s16+$0x0 ss:$0x1], $0xffff  }
.Ltmp4:
0x3a: {  	_ = 	snop;
	(pc) =	sbr.rel .LBB2_4-.Ltmp4, $1  }
0x3b: {  	_ =	sdelay $0x3  }
.LBB2_6:
0x3c: {  	_ =	sfence.sel $0x180000  }
0x3d: {  	s2 =	simm.s32 $0x2;
	[bflag:$0x0] =	sbarrier.arrive $0xFFFF  }
0x3e: {  	s30 =	simm.s32 $0x3;
	[sflag:s2] =	ssyncpa.u1 $0x1  }
0x3f: {  	s31 =	simm.s32 $0x1;
	[sflag:s30] =	ssyncpa.u1 $0x1  }
0x40: {  	[sflag:s31] =	ssyncpa.u1 $0x1  }
0x41: {  	p0 =	sne.s32 s1, $0x0;
	_ =	strace $0x90000047  }
0x42: {  	s0 =	sadd.s32 @!p0 $0x100000, s0;
	[bflag:$0x2] =	sbarrier.arrive $0xFFFF  }
0x43: {  	[sflag:s0] =	ssyncadd.tile.s32 @!p0 $0x1;
	_ =	shalt  }
.Lfunc_end2:
_tile_overlayer_lowered:
.L_overlay_start_2:
0x44: {  	(tag) =	ssettag $0x2  }
0x45: {  	s0 =	rddreg [dreg:$0x0];
	s2 =	stileid.u32  }
0x46: {  	s1 =	rddreg [dreg:$0x1];
	p0 =	sne.s32 s2, $0x0  }
0x47: {  	s3 =	rddreg [dreg:$0x2];
	[bflag:$0x3] =	sbarrier.arrive $0xFFFF;
	s2 =	simm.s32 @!p0 $0x1C01  }
0x48: {  	[timem:s3], [sflag:s2] =	dma.local @!p0 [hbm:s0], s1  }
0x49: {  	s0 =	simm.s32 @!p0 $0x1  }
0x4a: {  	_ =	swait.ge @!p0 [sflag:s0], s1  }
0x4b: {  	s1 =	ssub.s32 @!p0 $0x0, s1;
	[sflag:s0] =	ssyncset.done @!p0 $0x0  }
0x4c: {  	[sflag:s0] =	ssyncadd.s32 @!p0 s1  }
0x4d: {  	[bflag:$0x3] =	sbarrier.arrive $0xFFFF  }
0x4e: {  	_ =	shalt  }

// kernel: gather_offload_async_start
scs
__scs_entry_jumppad:
0x0: {  	(pc) =	sbr.rel $0x88, $3  }
0x1: {  	(tag) =	ssettag $0x0;
	lr =	simm.s32 $0x1  }
0x2: {  	[smem:$0x3F88] =	sst lr;
	_ =	strace $0xD0000000  }
0x3: {  	_ = 	snop  }
0x4: {  	_ = 	snop  }
0x5: {  	_ = 	snop  }
0x6: {  	_ = 	snop  }
0x7: {  	_ = 	snop  }
__scs_overlays_trampoline_lowered:
0x8: {  	[smem:$0x3F97] =	sst s0  }
0x9: {  	[smem:$0x3F98] =	sst s1  }
0xa: {  	[smem:$0x3F99] =	sst s2  }
0xb: {  	[smem:$0x3F9A] =	sst s3  }
0xc: {  	[smem:$0x3F9B] =	sst s4  }
0xd: {  	[smem:$0x3F9C] =	sst s5  }
0xe: {  	[smem:$0x3F9D] =	sst s6  }
0xf: {  	[smem:$0x3F9E] =	sst s7  }
0x10: {  	[smem:$0x3F9F] =	sst s8  }
0x11: {  	[smem:$0x3FA0] =	sst s9;
	s0 =	simm.s32 @!p0 $0x0  }
0x12: {  	s1 =	sld [smem:$0x3F86];
	s0 =	simm.s32 @p0 $0x1  }
0x13: {  	[smem:$0x3FA1] =	sst s0;
	s0 =	simm.s32 @!p1 $0x0  }
0x14: {  	s2 =	sld [smem:$0x3F85];
	s0 =	simm.s32 @p1 $0x1  }
0x15: {  	[smem:$0x3FA2] =	sst s0;
	s0 =	simm.s32 @!p2 $0x0  }
0x16: {  	s3 =	sld [smem:$0x3FDB];
	s0 =	simm.s32 @p2 $0x1  }
0x17: {  	s4 =	simm.s32 $0x1BF5;
	[smem:$0x3FA4] =	sst s0  }
0x18: {  	s0 =	sld [smem:$0x3F87];
	_ =	swait.ge [sflag:s4], $0x0  }
0x19: {  	s7 =	sld [smem:$0x3F88]  }
0x1a: {  	s8 =	sadd.s32 $0xFFFFE003, lr  }
0x1b: {  	s9 =	sadd.s32 $0xFFFFFEF7, lr;
	s5 =	simm.s32 $0xFFFFFFFF;
	p2 =	slt.u32 s8, $0xFFFFF086  }
0x1c: {  	p1 =	slt.u32 s9, $0xF7A;
	s5 =	simm.s32 @!p2 $0x0  }
0x1d: {  	s5 =	simm.s32 @p1 $0x1;
	p0 =	seq.s32 s7, s2  }
0x1e: {  	s7 =	smul.u32 @!p0 $0xF7A, s2;
	p2 =	seq.s32 @!p0 s5, $0x0  }
0x1f: {  	s9 =	smul.u32 $0xF7A, s1;
	s8 =	simm.s32 @!p0 $0x1BF5;
	p2 =	por !p2, p0  }
0x20: {  	[sflag:s8] =	ssyncset.s32 @!p0 $0xFFFFF086;
	s6 =	sadd.s32 @!p0 s3, s7;
	s7 =	simm.s32 @!p0 $0x108  }
0x21: {  	s3 =	sadd.s32 s3, s9;
	s6 =	sadd.s32 @!p0 $0x88, s6;
	s7 =	simm.s32 @p2 $0x1082  }
0x22: {  	[simem:s7], [sflag:s8] =	dma.local @!p0 [hbm:s6], $0xF7A  }
0x23: {  	s9 =	sor.u32 $0xD0000000, s2;
	s6 =	simm.s32 $0x108;
	_ =	swait.ge @!p0 [sflag:s8], $0x0  }
0x24: {  	s3 =	sadd.s32 $0x88, s3;
	s6 =	simm.s32 @!p1 $0x1082;
	[sflag:s4] =	ssyncset.s32 $0xFFFFF086  }
0x25: {  	[simem:s6], [sflag:s4] =	dma.local [hbm:s3], $0xF7A  }
0x26: {  	[smem:$0x3F88] =	sst s1;
	(tag) =	ssettag s2;
	_ =	strace s9  }
0x27: {  	s1 =	sld [smem:$0x3F98]  }
0x28: {  	s2 =	sld [smem:$0x3F99]  }
0x29: {  	s4 =	sld [smem:$0x3F9B]  }
0x2a: {  	p0 =	seq.s32 s5, $0x0;
	s5 =	sld [smem:$0x3F9C]  }
0x2b: {  	s6 =	sld [smem:$0x3F9D]  }
0x2c: {  	s7 =	sld [smem:$0x3F9E]  }
0x2d: {  	s3 =	simm.s32 $0x108;
	s8 =	sld [smem:$0x3F9F]  }
0x2e: {  	s3 =	simm.s32 @!p0 $0x1082;
	s9 =	sld [smem:$0x3FA0]  }
0x2f: {  	lr =	sadd.s32 s0, s3;
	s0 =	sld [smem:$0x3F97]  }
0x30: {  	s3 =	sld [smem:$0x3F9A]  }
0x31: {  	[smem:$0x3FA3] =	sst s10  }
0x32: {  	s10 =	sld [smem:$0x3FA1];
	_ =	sdelay $0x3  }
0x33: {  	p0 =	seq.s32 s10, $0x1;
	s10 =	sld [smem:$0x3FA3];
	_ =	sdelay $0x3  }
0x34: {  	[smem:$0x3FA3] =	sst s10  }
0x35: {  	s10 =	sld [smem:$0x3FA2];
	_ =	sdelay $0x3  }
0x36: {  	p1 =	seq.s32 s10, $0x1;
	s10 =	sld [smem:$0x3FA3];
	_ =	sdelay $0x3  }
0x37: {  	[smem:$0x3FA3] =	sst s10  }
0x38: {  	s10 =	sld [smem:$0x3FA4]  }
0x39: {  	_ = 	snop;
	(pc) =	sbr.ind lr, $3  }
0x3a: {  	_ = 	snop  }
0x3b: {  	_ = 	snop  }
0x3c: {  	p2 =	seq.s32 s10, $0x1;
	s10 =	sld [smem:$0x3FA3]  }
0x3d: {  	_ =	shalt  }
0x3e: {  	_ =	shalt  }
0x3f: {  	_ =	shalt  }
0x40: {  	_ =	shalt  }
0x41: {  	_ =	shalt  }
0x42: {  	_ =	shalt  }
0x43: {  	_ =	shalt  }
0x44: {  	_ =	shalt  }
0x45: {  	_ =	shalt  }
0x46: {  	_ =	shalt  }
0x47: {  	_ =	shalt  }
0x48: {  	_ =	shalt  }
0x49: {  	_ =	shalt  }
0x4a: {  	_ =	shalt  }
0x4b: {  	_ =	shalt  }
0x4c: {  	_ =	shalt  }
0x4d: {  	_ =	shalt  }
0x4e: {  	_ =	shalt  }
0x4f: {  	_ =	shalt  }
0x50: {  	_ =	shalt  }
0x51: {  	_ =	shalt  }
0x52: {  	_ =	shalt  }
0x53: {  	_ =	shalt  }
0x54: {  	_ =	shalt  }
0x55: {  	_ =	shalt  }
0x56: {  	_ =	shalt  }
0x57: {  	_ =	shalt  }
0x58: {  	_ =	shalt  }
0x59: {  	_ =	shalt  }
0x5a: {  	_ =	shalt  }
0x5b: {  	_ =	shalt  }
0x5c: {  	_ =	shalt  }
0x5d: {  	_ =	shalt  }
0x5e: {  	_ =	shalt  }
0x5f: {  	_ =	shalt  }
0x60: {  	_ =	shalt  }
0x61: {  	_ =	shalt  }
0x62: {  	_ =	shalt  }
0x63: {  	_ =	shalt  }
0x64: {  	_ =	shalt  }
0x65: {  	_ =	shalt  }
0x66: {  	_ =	shalt  }
0x67: {  	_ =	shalt  }
0x68: {  	_ =	shalt  }
0x69: {  	_ =	shalt  }
0x6a: {  	_ =	shalt  }
0x6b: {  	_ =	shalt  }
0x6c: {  	_ =	shalt  }
0x6d: {  	_ =	shalt  }
0x6e: {  	_ =	shalt  }
0x6f: {  	_ =	shalt  }
0x70: {  	_ =	shalt  }
0x71: {  	_ =	shalt  }
0x72: {  	_ =	shalt  }
0x73: {  	_ =	shalt  }
0x74: {  	_ =	shalt  }
0x75: {  	_ =	shalt  }
0x76: {  	_ =	shalt  }
0x77: {  	_ =	shalt  }
0x78: {  	_ =	shalt  }
0x79: {  	_ =	shalt  }
0x7a: {  	_ =	shalt  }
0x7b: {  	_ =	shalt  }
0x7c: {  	_ =	shalt  }
0x7d: {  	_ =	shalt  }
0x7e: {  	_ =	shalt  }
0x7f: {  	_ =	shalt  }
0x80: {  	_ =	shalt  }
0x81: {  	_ =	shalt  }
0x82: {  	_ =	shalt  }
0x83: {  	_ =	shalt  }
0x84: {  	_ =	shalt  }
0x85: {  	_ =	shalt  }
0x86: {  	_ =	shalt  }
0x87: {  	_ =	shalt  }
.Lfunc_end0:
.L_simem_size_0:
called_computation_lowered:
.L_overlay_start_0:
0x88: {  	s2 =	sld [smem:$0x3FD9]  }
0x89: {  	s3 =	sld [smem:$0x3FFE];
	_ =	sdelay $0x1  }
0x8a: {  	s1 =	srdreg.scid  }
0x8b: {  	s0 =	sand.u32 $0x1, s1  }
0x8c: {  	s16 =	sshll.u32 s0, $0xA;
	s2 =	sadd.s32 s3, s2  }
0x8d: {  	s2 =	sadd.s32 s2, s16  }
0x8e: {  	[smem:$0x3FAF] =	sst s2  }
0x8f: {  	_ = 	snop  }
0x90: {  	(tm) =	ssettm $0x1  }
0x91: {  	s17 =	sld [smem:$0x3FFB];
	_ =	sdelay $0x3  }
0x92: {  	_ =	strace s17  }
0x93: {  	s2 =	sld [smem:$0x3FFC];
	_ =	sdelay $0x3  }
0x94: {  	_ =	strace s2  }
0x95: {  	s2 =	sld [smem:$0x3FFD];
	_ =	sdelay $0x3  }
0x96: {  	_ =	strace s2  }
0x97: {  	_ =	strace $0x8FFFFFFF  }
0x98: {  	s18 =	sld [smem:$0x3FDB];
	_ =	sdelay $0x1  }
0x99: {  	s19 =	simm.s32 $_scs_section_size  }
0x9a: {  	s4 =	simm.s32 $_size__tile_overlayer_lowered;
	s5 =	simm.s32 $_tile_overlayer_lowered  }
0x9b: {  	s22 =	simm.s32 $0x1BFF;
	s21 =	sshll.u32 s5, $0x1;
	s2 =	sadd.s32 s19, s18  }
0x9c: {  	s6 =	simm.s32 $0x0;
	s20 =	sshll.u32 s4, $0x1;
	s4 =	sadd.s32 s21, s2  }
0x9d: {  	[timem:s6], [sflag:s22] =	dma.local [hbm:s4], s20  }
0x9e: {  	_ =	swait.ge [sflag:s22], s20  }
0x9f: {  	s3 =	ssub.s32 $0x0, s20;
	[sflag:s22] =	ssyncset.done $0x0  }
0xa0: {  	[sflag:s22] =	ssyncadd.s32 s3;
	_ =	sdelay $0x1  }
0xa1: {  	s23 =	simm.s32 $0x1B8B  }
0xa2: {  	_ =	swait.ge [sflag:s23], $0x1  }
0xa3: {  	[sflag:s23] =	ssyncset.done $0x0  }
0xa4: {  	s25 =	simm.s32 $0x1B8E;
	s24 =	sld [smem:$0x3FFE];
	[sflag:s23] =	ssyncadd.s32 $0xFFFFFFFF  }
0xa5: {  	s26 =	simm.s32 $execute0_lowered;
	[smem:$0x3FD2] =	sst s25  }
0xa6: {  	s4 =	sshll.u32 s26, $0x1;
	_ =	strace $0x80000049;
	[dreg:$0x1] =	wrdreg $0xFFFFFFFF  }
0xa7: {  	s28 =	simm.s32 $_size_execute0_lowered;
	s2 =	sadd.s32 s2, s4;
	[dreg:$0x0] =	wrdreg $0x0  }
0xa8: {  	s4 =	sshll.u32 s28, $0x1;
	[dreg:$0x2] =	wrdreg s2  }
0xa9: {  	[dreg:$0x3] =	wrdreg s4  }
0xaa: {  	[dreg:$0x4] =	wrdreg $0xC0  }
0xab: {  	_ =	task [dreg:s6], $0x5FFFF  }
0xac: {  	[dreg:$0x1] =	wrdreg $0xFFFFFFFF  }
0xad: {  	[dreg:$0x0] =	wrdreg $0x60  }
0xae: {  	[dreg:$0x2] =	wrdreg s24  }
0xaf: {  	[dreg:$0x3] =	wrdreg $0x9  }
0xb0: {  	_ =	task.clear_ibuf [dreg:s6], $0x4FFFF;
	_ =	strace $0x90000049  }
0xb1: {  	s29 =	simm.s32 $0x9;
	_ =	strace $0x8000004B  }
0xb2: {  	_ =	swait.ge [sflag:s29], $0x1  }
0xb3: {  	[sflag:s29] =	ssyncadd.s32 $0xFFFFFFFF  }
0xb4: {  	_ =	strace $0x9000004B  }
0xb5: {  	_ =	sfence  }
0xb6: {  	s30 =	sld [smem:$0x0];
	_ =	sdelay $0x2  }
0xb7: {  	s31 =	sshll.u32 s1, $0xD;
	s1 =	sshrl.u32 s1, $0x2  }
0xb8: {  	s3 =	sand.u32 $0x4000, s31;
	s1 =	sadd.s32 s1, s30  }
0xb9: {  	s0 =	sor.u32 s3, s0;
	s1 =	sshll.u32 s1, $0x11  }
0xba: {  	s0 =	sor.u32 s1, s0  }
0xbb: {  	s0 =	sadd.s32 $0x8F2B, s0  }
0xbc: {  	[sflag:s0] =	ssyncadd.remote.s32 $0x1  }
0xbd: {  	_ =	sfence.sel $0xFFFF  }
0xbe: {  	[dreg:$0x0] =	wrdreg $0xFFFFFFFF;
	(pc) =	sbr.abs _section_cstart, $3  }
0xbf: {  	[dreg:$0x1] =	wrdreg $0xFFFFFFFF  }
0xc0: {  	_ =	task.clear_ibuf [dreg:s6], $0x2FFFF;
	_ =	strace $0x9FFFFFFF  }
0xc1: {  	(tm) =	ssettm $0x7FFFFFFF  }
tec
execute0_lowered:
.L_overlay_start_1:
0x0: {  	(tag) =	ssettag $0x1  }
0x1: {  	s8 =	rddreg [dreg:$0x0]  }
0x2: {  	s0 =	rddreg [dreg:$0x1];
	_ =	strace $0x8000004A;
	s1 =	stileid.u32  }
0x3: {  	s3 =	srdreg.scid;
	s4 =	simm.s32 $0x1;
	s7 =	simm.s32 $0x1  }
0x4: {  	s9 =	simm.s32 $0x1;
	s10 =	simm.s32 $0x3;
	s13 =	simm.s32 $0x0  }
0x5: {  	s12 =	simm.s32 $0x0;
	s5 =	sand.u32 $0x1, s3;
	s6 =	sshll.u32 s1, $0x1  }
0x6: {  	s2 =	sadd.s32 $0x6C00, s8;
	s3 =	sadd.s32 $0x24600, s8;
	s5 =	sor.u32 s6, s5  }
.Ltmp0:
0x7: {  	[sflag:s4] =	ssyncpa.u1 $0x0;
	p0 =	slt.u32 s5, $0x9;
	(pc) =	sbr.rel .LBB2_1-.Ltmp0, $4  }
0x8: {  	s6 =	simm.s32 $0x2;
	s7 =	simm.s32 @!p0 $0x0;
	p0 =	sne.s32 s5, $0x8  }
0x9: {  	[sflag:s6] =	ssyncpa.u1 $0x0;
	s5 =	smul.u32 $0x1F40, s5;
	s9 =	simm.s32 @!p0 $0x0  }
0xa: {  	s8 =	sadd.s32 $0x2E400, s8;
	[sflag:s10] =	ssyncpa.u1 $0x0;
	s7 =	sadd.s32 s9, s7  }
0xb: {  	vm0 =	vmmov $0xffff;
	s10 =	simm.s32 $0x0;
	s11 =	smov.u32 s5;
	s9 =	sadd.s32 $0x1, s7  }
.LBB2_4:
0xc: {  	v2 =	vnsel vm1, $0x0, v2  }
0xd: {  	vm1 =	vgt.s32 v0, $0x0;
	v2 =	vmin.u32 v2, $0x4E1FF  }
0xe: {  	v0 =	vnsel vm1, $0x0, v0  }
0xf: {  	v0 =	vmin.u32 v0, $0x4E1FF  }
0x10: {  	[tilespmem:s18], [sflag:$0x1] =	stream.indirect_vreg.gather [hbm4b:s2+s10], $0x1, v1, vm0, $0x4038;
	[tilespmem:$0x7D00] =	vst v63  }
0x11: {  	(ifvalue) =	ssetifvalue $0x7FFFFFFF  }
0x12: {  	[tilespmem:s15], [sflag:$0x1] =	stream.indirect_vreg.gather [hbm4b:s2+s10], $0x1, v2, vm0, $0x4038;
	[tilespmem:$0x7D00] =	vst v63  }
0x13: {  	s29 =	sadd.s32 $0x10, s15;
	(ifvalue) =	ssetifvalue $0x7FFFFFFF  }
0x14: {  	[tilespmem:s29], [sflag:$0x1] =	stream.indirect_vreg.gather [hbm4b:s2+s10], $0x1, v0, vm0, $0x4038;
	[tilespmem:$0x7D00] =	vst v63  }
0x15: {  	_ =	swait.ge [sflag:s4], $0x1F40  }
0x16: {  	s30 =	sshrl.u32 s13, $0x3;
	[sflag:s4] =	ssyncset.done $0x0  }
0x17: {  	s31 =	sand.u32 $0x7, s13;
	s15 =	sadd.s32 s8, s30;
	[sflag:s4] =	ssyncadd.s32 $0xFFFFE0C0  }
0x18: {  	[hbm4b:s15+s31] =	stream.linear.scatter [tilespmem:s14], [sflag:$0x3], $0x1F40, $0x38;
	[tilespmem:$0x7D00] =	vst v63  }
.LBB2_5:
0x19: {  	s15 =	sadd.s32 $0x3E800, s11  }
0x1a: {  	p1 =	sgt.s32 s15, $0x4E1FF  }
0x1b: {  	s15 =	smov.u32 @p1 s5;
	p1 =	sne.s32 s12, s9  }
.Ltmp1:
0x1c: {  	p0 =	slt.u32 s12, $0x2;
	(pc) =	sbr.rel @!p1 .LBB2_6-.Ltmp1, $4  }
0x1d: {  	s14 =	simm.s32 @!p0 $0x3  }
0x1e: {  	_ =	swait.ge @!p0 [sflag:s14], $0x1F40  }
0x1f: {  	s16 =	sadd.s32 $0x1, s12;
	s13 =	smov.u32 s11;
	[sflag:s14] =	ssyncset.done @!p0 $0x0  }
0x20: {  	s12 =	smov.u32 s16;
	s11 =	smov.u32 s15;
	[sflag:s14] =	ssyncadd.s32 @!p0 $0xFFFFE0C0  }
.LBB2_1:
0x21: {  	p0 =	sge.u32 s12, s7  }
0x22: {  	s14 =	sxor.u32 @!p0 $0x1, s12  }
0x23: {  	s14 =	smul.u32 @!p0 $0x7D00, s14  }
0x24: {  	s31 =	sadd.s32 $0xFFFFFFFF, s12;
	s15 =	sshrl.u32 @!p0 s11, $0x3  }
0x25: {  	s16 =	sand.u32 @!p0 $0x7, s11;
	s15 =	sadd.s32 @!p0 s3, s15;
	s14 =	sshra.s32 @!p0 s14, $0x2  }
0x26: {  	[tilespmem:s14], [sflag:$0x2] =	stream.linear.gather @!p0 [hbm4b:s15+s16], $0x1F40, $0x38;
	[tilespmem:$0x7D00] =	vst v63  }
0x27: {  	p0 =	sge.u32 s31, s7  }
.Ltmp2:
0x28: {  	_ = 	snop;
	(pc) =	sbr.rel @p0 .LBB2_5-.Ltmp2, $1  }
0x29: {  	_ =	sdelay $0x3  }
0x2a: {  	s14 =	sand.u32 $0x1, s12  }
0x2b: {  	_ =	swait.ge [sflag:s6], $0x1F40;
	p0 =	seq.s32 s14, $0x1;
	s14 =	simm.s32 $0x1F40  }
0x2c: {  	[sflag:s6] =	ssyncset.done $0x0;
	s14 =	simm.s32 @!p0 $0x0  }
0x2d: {  	[sflag:s6] =	ssyncadd.s32 $0xFFFFE0C0;
	(ifvalue) =	ssetifvalue $0x7FFFFFFF;
	v0 =	vld.msk [tilespmem:s14+$0x0 ss:$0x1], $0xffff;
	_ =	sdelay $0x4  }
0x2e: {  	s15 =	sadd.s32 $0x10, s14;
	vm1 =	vgt.s32 v0, $0x0  }
0x2f: {  	v2 =	vld.msk [tilespmem:s15+$0x0 ss:$0x1], $0xffff;
	v1 =	vnsel vm1, $0x0, v0  }
0x30: {  	v1 =	vmin.u32 v1, $0x4E1FF;
	_ =	sdelay $0x2  }
0x31: {  	s17 =	simm.s32 $0x20;
	s14 =	sadd.s32 $0x3E80, s14;
	s16 =	sadd.s32 $0x10, s15  }
0x32: {  	s15 =	sadd.s32 $0x10, s14;
	s18 =	smov.u32 s14;
	v0 =	vld.msk [tilespmem:s16+$0x0 ss:$0x1], $0xffff;
	vm1 =	vgt.s32 v2, $0x0;
	(ifvalue) =	ssetifvalue $0x7FFFFFFF  }
.LBB2_3:
0x33: {  	[tilespmem:s18], [sflag:$0x1] =	stream.indirect_vreg.gather [hbm4b:s2+s10], $0x1, v1, vm0, $0x4038;
	[tilespmem:$0x7D00] =	vst v63  }
0x34: {  	s17 =	sadd.s32 $0x10, s17  }
0x35: {  	v2 =	vnsel vm1, $0x0, v2;
	p0 =	slt.u32 s17, $0x1F30  }
.Ltmp3:
0x36: {  	s18 =	smov.u32 s15;
	v1 =	vmin.u32 v2, $0x4E1FF;
	(pc) =	sbr.rel @p0 .LBB2_3-.Ltmp3, $3  }
0x37: {  	_ =	sdelay $0x1  }
0x38: {  	s16 =	sadd.s32 $0x10, s16  }
0x39: {  	vm1 =	vgt.s32 v0, $0x0;
	s15 =	sadd.s32 $0x10, s15;
	v2 =	vmov v0;
	(ifvalue) =	ssetifvalue $0x7FFFFFFF;
	v0 =	vld.msk [tilespmem:s16+$0x0 ss:$0x1], $0xffff  }
.Ltmp4:
0x3a: {  	_ = 	snop;
	(pc) =	sbr.rel .LBB2_4-.Ltmp4, $1  }
0x3b: {  	_ =	sdelay $0x3  }
.LBB2_6:
0x3c: {  	_ =	sfence.sel $0x180000  }
0x3d: {  	s2 =	simm.s32 $0x2;
	[bflag:$0x0] =	sbarrier.arrive $0xFFFF  }
0x3e: {  	s30 =	simm.s32 $0x3;
	[sflag:s2] =	ssyncpa.u1 $0x1  }
0x3f: {  	s31 =	simm.s32 $0x1;
	[sflag:s30] =	ssyncpa.u1 $0x1  }
0x40: {  	[sflag:s31] =	ssyncpa.u1 $0x1  }
0x41: {  	p0 =	sne.s32 s1, $0x0;
	_ =	strace $0x9000004A  }
0x42: {  	s0 =	sadd.s32 @!p0 $0x100000, s0;
	[bflag:$0x2] =	sbarrier.arrive $0xFFFF  }
0x43: {  	[sflag:s0] =	ssyncadd.tile.s32 @!p0 $0x1;
	_ =	shalt  }
.Lfunc_end2:
_tile_overlayer_lowered:
.L_overlay_start_2:
0x44: {  	(tag) =	ssettag $0x2  }
0x45: {  	s0 =	rddreg [dreg:$0x0];
	s2 =	stileid.u32  }
0x46: {  	s1 =	rddreg [dreg:$0x1];
	p0 =	sne.s32 s2, $0x0  }
0x47: {  	s3 =	rddreg [dreg:$0x2];
	[bflag:$0x3] =	sbarrier.arrive $0xFFFF;
	s2 =	simm.s32 @!p0 $0x1C01  }
0x48: {  	[timem:s3], [sflag:s2] =	dma.local @!p0 [hbm:s0], s1  }
0x49: {  	s0 =	simm.s32 @!p0 $0x1  }
0x4a: {  	_ =	swait.ge @!p0 [sflag:s0], s1  }
0x4b: {  	s1 =	ssub.s32 @!p0 $0x0, s1;
	[sflag:s0] =	ssyncset.done @!p0 $0x0  }
0x4c: {  	[sflag:s0] =	ssyncadd.s32 @!p0 s1  }
0x4d: {  	[bflag:$0x3] =	sbarrier.arrive $0xFFFF  }
0x4e: {  	_ =	shalt  }

// kernel: kernel.11.cloned.1.call-start
scs
__scs_entry_jumppad:
0x0: {  	(pc) =	sbr.rel $0x88, $3  }
0x1: {  	(tag) =	ssettag $0x0;
	lr =	simm.s32 $0x1  }
0x2: {  	[smem:$0x3F88] =	sst lr;
	_ =	strace $0xD0000000  }
0x3: {  	_ = 	snop  }
0x4: {  	_ = 	snop  }
0x5: {  	_ = 	snop  }
0x6: {  	_ = 	snop  }
0x7: {  	_ = 	snop  }
__scs_overlays_trampoline_lowered:
0x8: {  	[smem:$0x3F97] =	sst s0  }
0x9: {  	[smem:$0x3F98] =	sst s1  }
0xa: {  	[smem:$0x3F99] =	sst s2  }
0xb: {  	[smem:$0x3F9A] =	sst s3  }
0xc: {  	[smem:$0x3F9B] =	sst s4  }
0xd: {  	[smem:$0x3F9C] =	sst s5  }
0xe: {  	[smem:$0x3F9D] =	sst s6  }
0xf: {  	[smem:$0x3F9E] =	sst s7  }
0x10: {  	[smem:$0x3F9F] =	sst s8  }
0x11: {  	[smem:$0x3FA0] =	sst s9;
	s0 =	simm.s32 @!p0 $0x0  }
0x12: {  	s1 =	sld [smem:$0x3F86];
	s0 =	simm.s32 @p0 $0x1  }
0x13: {  	[smem:$0x3FA1] =	sst s0;
	s0 =	simm.s32 @!p1 $0x0  }
0x14: {  	s2 =	sld [smem:$0x3F85];
	s0 =	simm.s32 @p1 $0x1  }
0x15: {  	[smem:$0x3FA2] =	sst s0;
	s0 =	simm.s32 @!p2 $0x0  }
0x16: {  	s3 =	sld [smem:$0x3FDB];
	s0 =	simm.s32 @p2 $0x1  }
0x17: {  	s4 =	simm.s32 $0x1BF5;
	[smem:$0x3FA4] =	sst s0  }
0x18: {  	s0 =	sld [smem:$0x3F87];
	_ =	swait.ge [sflag:s4], $0x0  }
0x19: {  	s7 =	sld [smem:$0x3F88]  }
0x1a: {  	s8 =	sadd.s32 $0xFFFFE003, lr  }
0x1b: {  	s9 =	sadd.s32 $0xFFFFFEF7, lr;
	s5 =	simm.s32 $0xFFFFFFFF;
	p2 =	slt.u32 s8, $0xFFFFF086  }
0x1c: {  	p1 =	slt.u32 s9, $0xF7A;
	s5 =	simm.s32 @!p2 $0x0  }
0x1d: {  	s5 =	simm.s32 @p1 $0x1;
	p0 =	seq.s32 s7, s2  }
0x1e: {  	s7 =	smul.u32 @!p0 $0xF7A, s2;
	p2 =	seq.s32 @!p0 s5, $0x0  }
0x1f: {  	s9 =	smul.u32 $0xF7A, s1;
	s8 =	simm.s32 @!p0 $0x1BF5;
	p2 =	por !p2, p0  }
0x20: {  	[sflag:s8] =	ssyncset.s32 @!p0 $0xFFFFF086;
	s6 =	sadd.s32 @!p0 s3, s7;
	s7 =	simm.s32 @!p0 $0x108  }
0x21: {  	s3 =	sadd.s32 s3, s9;
	s6 =	sadd.s32 @!p0 $0x88, s6;
	s7 =	simm.s32 @p2 $0x1082  }
0x22: {  	[simem:s7], [sflag:s8] =	dma.local @!p0 [hbm:s6], $0xF7A  }
0x23: {  	s9 =	sor.u32 $0xD0000000, s2;
	s6 =	simm.s32 $0x108;
	_ =	swait.ge @!p0 [sflag:s8], $0x0  }
0x24: {  	s3 =	sadd.s32 $0x88, s3;
	s6 =	simm.s32 @!p1 $0x1082;
	[sflag:s4] =	ssyncset.s32 $0xFFFFF086  }
0x25: {  	[simem:s6], [sflag:s4] =	dma.local [hbm:s3], $0xF7A  }
0x26: {  	[smem:$0x3F88] =	sst s1;
	(tag) =	ssettag s2;
	_ =	strace s9  }
0x27: {  	s1 =	sld [smem:$0x3F98]  }
0x28: {  	s2 =	sld [smem:$0x3F99]  }
0x29: {  	s4 =	sld [smem:$0x3F9B]  }
0x2a: {  	p0 =	seq.s32 s5, $0x0;
	s5 =	sld [smem:$0x3F9C]  }
0x2b: {  	s6 =	sld [smem:$0x3F9D]  }
0x2c: {  	s7 =	sld [smem:$0x3F9E]  }
0x2d: {  	s3 =	simm.s32 $0x108;
	s8 =	sld [smem:$0x3F9F]  }
0x2e: {  	s3 =	simm.s32 @!p0 $0x1082;
	s9 =	sld [smem:$0x3FA0]  }
0x2f: {  	lr =	sadd.s32 s0, s3;
	s0 =	sld [smem:$0x3F97]  }
0x30: {  	s3 =	sld [smem:$0x3F9A]  }
0x31: {  	[smem:$0x3FA3] =	sst s10  }
0x32: {  	s10 =	sld [smem:$0x3FA1];
	_ =	sdelay $0x3  }
0x33: {  	p0 =	seq.s32 s10, $0x1;
	s10 =	sld [smem:$0x3FA3];
	_ =	sdelay $0x3  }
0x34: {  	[smem:$0x3FA3] =	sst s10  }
0x35: {  	s10 =	sld [smem:$0x3FA2];
	_ =	sdelay $0x3  }
0x36: {  	p1 =	seq.s32 s10, $0x1;
	s10 =	sld [smem:$0x3FA3];
	_ =	sdelay $0x3  }
0x37: {  	[smem:$0x3FA3] =	sst s10  }
0x38: {  	s10 =	sld [smem:$0x3FA4]  }
0x39: {  	_ = 	snop;
	(pc) =	sbr.ind lr, $3  }
0x3a: {  	_ = 	snop  }
0x3b: {  	_ = 	snop  }
0x3c: {  	p2 =	seq.s32 s10, $0x1;
	s10 =	sld [smem:$0x3FA3]  }
0x3d: {  	_ =	shalt  }
0x3e: {  	_ =	shalt  }
0x3f: {  	_ =	shalt  }
0x40: {  	_ =	shalt  }
0x41: {  	_ =	shalt  }
0x42: {  	_ =	shalt  }
0x43: {  	_ =	shalt  }
0x44: {  	_ =	shalt  }
0x45: {  	_ =	shalt  }
0x46: {  	_ =	shalt  }
0x47: {  	_ =	shalt  }
0x48: {  	_ =	shalt  }
0x49: {  	_ =	shalt  }
0x4a: {  	_ =	shalt  }
0x4b: {  	_ =	shalt  }
0x4c: {  	_ =	shalt  }
0x4d: {  	_ =	shalt  }
0x4e: {  	_ =	shalt  }
0x4f: {  	_ =	shalt  }
0x50: {  	_ =	shalt  }
0x51: {  	_ =	shalt  }
0x52: {  	_ =	shalt  }
0x53: {  	_ =	shalt  }
0x54: {  	_ =	shalt  }
0x55: {  	_ =	shalt  }
0x56: {  	_ =	shalt  }
0x57: {  	_ =	shalt  }
0x58: {  	_ =	shalt  }
0x59: {  	_ =	shalt  }
0x5a: {  	_ =	shalt  }
0x5b: {  	_ =	shalt  }
0x5c: {  	_ =	shalt  }
0x5d: {  	_ =	shalt  }
0x5e: {  	_ =	shalt  }
0x5f: {  	_ =	shalt  }
0x60: {  	_ =	shalt  }
0x61: {  	_ =	shalt  }
0x62: {  	_ =	shalt  }
0x63: {  	_ =	shalt  }
0x64: {  	_ =	shalt  }
0x65: {  	_ =	shalt  }
0x66: {  	_ =	shalt  }
0x67: {  	_ =	shalt  }
0x68: {  	_ =	shalt  }
0x69: {  	_ =	shalt  }
0x6a: {  	_ =	shalt  }
0x6b: {  	_ =	shalt  }
0x6c: {  	_ =	shalt  }
0x6d: {  	_ =	shalt  }
0x6e: {  	_ =	shalt  }
0x6f: {  	_ =	shalt  }
0x70: {  	_ =	shalt  }
0x71: {  	_ =	shalt  }
0x72: {  	_ =	shalt  }
0x73: {  	_ =	shalt  }
0x74: {  	_ =	shalt  }
0x75: {  	_ =	shalt  }
0x76: {  	_ =	shalt  }
0x77: {  	_ =	shalt  }
0x78: {  	_ =	shalt  }
0x79: {  	_ =	shalt  }
0x7a: {  	_ =	shalt  }
0x7b: {  	_ =	shalt  }
0x7c: {  	_ =	shalt  }
0x7d: {  	_ =	shalt  }
0x7e: {  	_ =	shalt  }
0x7f: {  	_ =	shalt  }
0x80: {  	_ =	shalt  }
0x81: {  	_ =	shalt  }
0x82: {  	_ =	shalt  }
0x83: {  	_ =	shalt  }
0x84: {  	_ =	shalt  }
0x85: {  	_ =	shalt  }
0x86: {  	_ =	shalt  }
0x87: {  	_ =	shalt  }
.Lfunc_end0:
.L_simem_size_0:
called_computation.3_lowered:
.L_overlay_start_0:
0x88: {  	s2 =	sld [smem:$0x3FD9]  }
0x89: {  	s3 =	sld [smem:$0x3FFE];
	_ =	sdelay $0x1  }
0x8a: {  	s1 =	srdreg.scid  }
0x8b: {  	s0 =	sand.u32 $0x1, s1  }
0x8c: {  	s16 =	sshll.u32 s0, $0xA;
	s2 =	sadd.s32 s3, s2  }
0x8d: {  	s2 =	sadd.s32 s2, s16  }
0x8e: {  	[smem:$0x3FAF] =	sst s2  }
0x8f: {  	_ = 	snop  }
0x90: {  	(tm) =	ssettm $0x1  }
0x91: {  	s17 =	sld [smem:$0x3FFB];
	_ =	sdelay $0x3  }
0x92: {  	_ =	strace s17  }
0x93: {  	s2 =	sld [smem:$0x3FFC];
	_ =	sdelay $0x3  }
0x94: {  	_ =	strace s2  }
0x95: {  	s2 =	sld [smem:$0x3FFD];
	_ =	sdelay $0x3  }
0x96: {  	_ =	strace s2  }
0x97: {  	_ =	strace $0x8FFFFFFF  }
0x98: {  	s18 =	sld [smem:$0x3FDB];
	_ =	sdelay $0x1  }
0x99: {  	s19 =	simm.s32 $_scs_section_size  }
0x9a: {  	s4 =	simm.s32 $_size__tile_overlayer_lowered;
	s5 =	simm.s32 $_tile_overlayer_lowered  }
0x9b: {  	s22 =	simm.s32 $0x1BFF;
	s21 =	sshll.u32 s5, $0x1;
	s2 =	sadd.s32 s19, s18  }
0x9c: {  	s6 =	simm.s32 $0x0;
	s20 =	sshll.u32 s4, $0x1;
	s4 =	sadd.s32 s21, s2  }
0x9d: {  	[timem:s6], [sflag:s22] =	dma.local [hbm:s4], s20  }
0x9e: {  	_ =	swait.ge [sflag:s22], s20  }
0x9f: {  	s3 =	ssub.s32 $0x0, s20;
	[sflag:s22] =	ssyncset.done $0x0  }
0xa0: {  	[sflag:s22] =	ssyncadd.s32 s3;
	_ =	sdelay $0x1  }
0xa1: {  	s23 =	simm.s32 $0x1B8B  }
0xa2: {  	_ =	swait.ge [sflag:s23], $0x1  }
0xa3: {  	[sflag:s23] =	ssyncset.done $0x0  }
0xa4: {  	s25 =	simm.s32 $0x1B8E;
	s24 =	sld [smem:$0x3FFE];
	[sflag:s23] =	ssyncadd.s32 $0xFFFFFFFF  }
0xa5: {  	s26 =	simm.s32 $execute0_lowered;
	[smem:$0x3FD2] =	sst s25  }
0xa6: {  	s4 =	sshll.u32 s26, $0x1;
	_ =	strace $0x8000004F;
	[dreg:$0x1] =	wrdreg $0xFFFFFFFF  }
0xa7: {  	s28 =	simm.s32 $_size_execute0_lowered;
	s2 =	sadd.s32 s2, s4;
	[dreg:$0x0] =	wrdreg $0x0  }
0xa8: {  	s4 =	sshll.u32 s28, $0x1;
	[dreg:$0x2] =	wrdreg s2  }
0xa9: {  	[dreg:$0x3] =	wrdreg s4  }
0xaa: {  	[dreg:$0x4] =	wrdreg $0xC0  }
0xab: {  	_ =	task [dreg:s6], $0x5FFFF  }
0xac: {  	[dreg:$0x1] =	wrdreg $0xFFFFFFFF  }
0xad: {  	[dreg:$0x0] =	wrdreg $0x60  }
0xae: {  	[dreg:$0x2] =	wrdreg s24  }
0xaf: {  	[dreg:$0x3] =	wrdreg $0x130100  }
0xb0: {  	[dreg:$0x4] =	wrdreg $0x9  }
0xb1: {  	_ =	task.clear_ibuf [dreg:s6], $0x5FFFF;
	_ =	strace $0x9000004F  }
0xb2: {  	s29 =	simm.s32 $0x9;
	_ =	strace $0x80000051  }
0xb3: {  	_ =	swait.ge [sflag:s29], $0x1  }
0xb4: {  	[sflag:s29] =	ssyncadd.s32 $0xFFFFFFFF  }
0xb5: {  	_ =	strace $0x90000051  }
0xb6: {  	_ =	sfence  }
0xb7: {  	s30 =	sld [smem:$0x0];
	_ =	sdelay $0x2  }
0xb8: {  	s31 =	sshll.u32 s1, $0xD;
	s1 =	sshrl.u32 s1, $0x2  }
0xb9: {  	s3 =	sand.u32 $0x4000, s31;
	s1 =	sadd.s32 s1, s30  }
0xba: {  	s0 =	sor.u32 s3, s0;
	s1 =	sshll.u32 s1, $0x11  }
0xbb: {  	s0 =	sor.u32 s1, s0  }
0xbc: {  	s0 =	sadd.s32 $0x8F2B, s0  }
0xbd: {  	[sflag:s0] =	ssyncadd.remote.s32 $0x1  }
0xbe: {  	_ =	sfence.sel $0xFFFF  }
0xbf: {  	[dreg:$0x0] =	wrdreg $0xFFFFFFFF;
	(pc) =	sbr.abs _section_cstart, $3  }
0xc0: {  	[dreg:$0x1] =	wrdreg $0xFFFFFFFF  }
0xc1: {  	_ =	task.clear_ibuf [dreg:s6], $0x2FFFF;
	_ =	strace $0x9FFFFFFF  }
0xc2: {  	(tm) =	ssettm $0x7FFFFFFF  }
0xc3: {  	_ =	shalt  }
tec
execute0_lowered:
.L_overlay_start_1:
0x0: {  	(tag) =	ssettag $0x1  }
0x1: {  	s0 =	rddreg [dreg:$0x0]  }
0x2: {  	s1 =	rddreg [dreg:$0x1];
	s2 =	srdreg.scid  }
0x3: {  	s3 =	simm.s32 $0x0;
	s14 =	stileid.u32;
	s15 =	simm.s32 $0xF010  }
0x4: {  	s16 =	simm.s32 $0x10010;
	s17 =	simm.s32 $0x1;
	s18 =	simm.s32 $0x11010  }
0x5: {  	s19 =	simm.s32 $0x2;
	s20 =	simm.s32 $0x4;
	s21 =	simm.s32 $0x12010  }
0x6: {  	s22 =	simm.s32 $0x3;
	s24 =	simm.s32 $0x0;
	s9 =	smul.u32 $0xA00, s14  }
0x7: {  	s2 =	sand.u32 $0x1, s2;
	[smem:$0x7FF] =	sst s3;
	s7 =	smul.u32 $0x4F00, s14  }
0x8: {  	s4 =	sadd.s32 $0x4BE00, s0;
	s31 =	sshll.u32 s14, $0x6;
	s5 =	smul.u32 $0xA000, s2  }
0x9: {  	s14 =	simm.s32 $0x80;
	_ =	strace $0x80000050;
	s29 =	smul.u32 $0x9E00, s2  }
0xa: {  	s2 =	ssub.s32 $0x2, s2;
	s6 =	sadd.s32 s9, s0;
	s23 =	sshrl.u32 s7, $0x3  }
0xb: {  	s10 =	sshrl.u32 s2, $0x1;
	s13 =	sadd.s32 s7, s1;
	s8 =	sadd.s32 s5, s0  }
0xc: {  	s11 =	sadd.s32 s23, s0;
	s0 =	sadd.s32 s29, s0;
	s2 =	ssub.s32 s2, s10  }
0xd: {  	s30 =	sadd.s32 $0x7D600, s6;
	s6 =	sadd.s32 $0x73600, s6;
	s10 =	simm.s32 $0x5  }
0xe: {  	s13 =	sshrl.u32 s13, $0x3;
	[dreg:$0x3] =	wrdreg s30;
	s12 =	sadd.s32 $0x87600, s8  }
0xf: {  	s7 =	sadd.s32 $0x42000, s11;
	s0 =	sadd.s32 $0x5F800, s0;
	s8 =	smax.u32 s2, $0x1  }
0x10: {  	s11 =	sadd.s32 s9, s12;
	s12 =	sor.u32 $0x1C05, s31;
	s23 =	sadd.s32 s23, s0  }
.LBB2_1:
0x11: {  	s0 =	rddreg [dreg:$0x3];
	s2 =	simm.s32 $0x5000  }
0x12: {  	[tilespmem:s2], [sflag:$0x5] =	stream.linear.gather [hbm4b:s0+s3], $0x5000, $0x38;
	[tilespmem:$0x17F10] =	vst v63  }
0x13: {  	_ =	swait.ge [sflag:s10], $0x5000  }
0x14: {  	[sflag:s10] =	ssyncset.done $0x0  }
0x15: {  	s25 =	simm.s32 $0xA000;
	[sflag:s10] =	ssyncadd.s32 $0xFFFFB000  }
0x16: {  	[tilespmem:s25], [sflag:$0x5] =	stream.linear.gather [hbm4b:s6+s3], $0x5000, $0x38;
	[tilespmem:$0x17F10] =	vst v63  }
0x17: {  	_ =	swait.ge [sflag:s10], $0x5000  }
0x18: {  	[sflag:s10] =	ssyncset.done $0x0  }
0x19: {  	[sflag:s10] =	ssyncadd.s32 $0xFFFFB000  }
0x1a: {  	[tilespmem:s3], [sflag:$0x5] =	stream.linear.gather [hbm4b:s11+s3], $0x5000, $0x38;
	[tilespmem:$0x17F10] =	vst v63  }
0x1b: {  	_ =	swait.ge [sflag:s10], $0x5000  }
0x1c: {  	[sflag:s10] =	ssyncset.done $0x0  }
0x1d: {  	[sflag:s10] =	ssyncadd.s32 $0xFFFFB000  }
0x1e: {  	[spmem:s13], [sflag:s12] =	dma.local [hbm:s7], $0x9E0  }
0x1f: {  	_ =	swait.ge [sflag:s10], $0x9E0  }
0x20: {  	[sflag:s10] =	ssyncset.done $0x0  }
0x21: {  	[sflag:s10] =	ssyncadd.s32 $0xFFFFF620  }
0x22: {  	s26 =	simm.s32 $0xA080;
	s28 =	simm.s32 $0x0;
	[bflag:$0x0] =	sbarrier.arrive $0xFFFF  }
0x23: {  	v3 =	vimm.f32 $0.0e+00;
	v1 =	vimm.f32 $0.0e+00;
	[tilespmem:s15], [sflag:$0x1] =	stream.indirect.gather [hbm4b:s4+s14], $0x20, s3, s14, $0xb8;
	[tilespmem:$0x17F10] =	vst v63  }
.LBB2_2:
0x24: {  	s0 =	sshll.u32 s28, $0x8  }
0x25: {  	s29 =	sor.u32 $0x80, s0  }
0x26: {  	[tilespmem:s16], [sflag:$0x2] =	stream.indirect.gather [hbm4b:s4+s14], $0x20, s29, s14, $0xb8;
	[tilespmem:$0x17F10] =	vst v63  }
0x27: {  	_ =	swait.ge [sflag:s17], $0x1000  }
0x28: {  	p0 =	seq.s32 s28, $0x0;
	[sflag:s17] =	ssyncset.done $0x0  }
0x29: {  	s0 =	simm.s32 @!p0 $0x3;
	[sflag:s17] =	ssyncadd.s32 $0xFFFFF000  }
0x2a: {  	_ =	swait.ge @!p0 [sflag:s0], $0x1000  }
0x2b: {  	[sflag:s0] =	ssyncset.done @!p0 $0x0  }
0x2c: {  	[sflag:s0] =	ssyncadd.s32 @!p0 $0xFFFFF000;
	s0 =	simm.s32 $0x0  }
0x2d: {  	v2 =	vld [tilespmem:s0+$0xF010]  }
0x2e: {  	v5 =	vld [tilespmem:s0+$0xF020];
	_ =	sdelay $0x2  }
0x2f: {  	v0 =	vld.msk [tilespmem:s25+$0x0 ss:$0x0], $0xffff  }
0x30: {  	s30 =	simm.s32 $0x20;
	v4 =	vadd.f32 v2, v1  }
0x31: {  	v2 =	vld [tilespmem:s30+$0xF010];
	v3 =	vadd.f32 v5, v3  }
0x32: {  	s31 =	sshll.u32 s28, $0xA;
	s9 =	simm.s32 $0x100;
	s2 =	sadd.s32 $0x1, s25;
	v1 =	vld [tilespmem:s30+$0xF020];
	[tilespmem:s0+$0x11010] =	vst v4  }
.LBB2_3:
0x33: {  	p1 =	sne.s32 s9, $0x3F80;
	[tilespmem:s0+$0x11020] =	vst v3;
	s5 =	smov.u32 s9;
	s9 =	sadd.s32 $0x80, s9  }
.Ltmp0:
0x34: {  	v4 =	vmul.f32 v4, v0;
	v3 =	vmul.f32 v3, v0;
	s0 =	smov.u32 s30;
	v0 =	vld.msk [tilespmem:s2+$0x0 ss:$0x0], $0xffff;
	(pc) =	sbr.rel @p1 .LBB2_3-.Ltmp0, $4  }
0x35: {  	_ = 	snop  }
0x36: {  	s30 =	sshra.s32 s5, $0x2;
	v4 =	vadd.f32 v2, v4  }
0x37: {  	v2 =	vld [tilespmem:s30+$0xF010];
	v3 =	vadd.f32 v1, v3  }
0x38: {  	s2 =	sadd.s32 $0x1, s2;
	v1 =	vld [tilespmem:s30+$0xF020];
	[tilespmem:s0+$0x11010] =	vst v4  }
0x39: {  	_ = 	snop  }
0x3a: {  	v4 =	vmul.f32 v4, v0;
	[tilespmem:s0+$0x11020] =	vst v3  }
0x3b: {  	v0 =	vmul.f32 v3, v0;
	p1 =	sne.s32 s28, $0x4F;
	v3 =	vld.msk [tilespmem:s2+$0x0 ss:$0x0], $0xffff  }
.Ltmp1:
0x3c: {  	v2 =	vadd.f32 v2, v4;
	(pc) =	sbr.rel @p1 .LBB2_6-.Ltmp1, $4  }
0x3d: {  	v0 =	vadd.f32 v1, v0  }
0x3e: {  	s0 =	sshrl.u32 s31, $0x2;
	[tilespmem:s30+$0x11010] =	vst v2  }
0x3f: {  	s31 =	sadd.s32 $0x5000, s0;
	[tilespmem:s30+$0x11020] =	vst v0  }
0x40: {  	v1 =	vmul.f32 v2, v3;
	v3 =	vmul.f32 v0, v3;
	[spmem:s1] =	stream.indirect.scatter.add.f32 [tilespmem:s18], [sflag:$0x3], $0x20, s31, s14, $0xb8;
	[tilespmem:$0x17F10] =	vst v63  }
.Ltmp2:
0x41: {  	(pc) =	sbr.rel .LBB2_7-.Ltmp2, $4  }
0x42: {  	_ = 	snop  }
0x43: {  	_ =	swait.ge [sflag:s19], $0x1000  }
0x44: {  	[sflag:s19] =	ssyncset.done $0x0  }
0x45: {  	[sflag:s19] =	ssyncadd.s32 $0xFFFFF000  }
.LBB2_6:
.Ltmp3:
0x46: {  	s0 =	sadd.s32 $0x100, s0;
	(pc) =	sbr.rel @p0 .LBB2_8-.Ltmp3, $4  }
0x47: {  	[tilespmem:s15], [sflag:$0x1] =	stream.indirect.gather [hbm4b:s4+s14], $0x20, s0, s14, $0xb8;
	[tilespmem:$0x17F10] =	vst v63  }
0x48: {  	_ =	swait.ge [sflag:s19], $0x1000  }
0x49: {  	[sflag:s19] =	ssyncset.done $0x0  }
0x4a: {  	[sflag:s19] =	ssyncadd.s32 $0xFFFFF000  }
.LBB2_7:
0x4b: {  	_ =	swait.ge [sflag:s20], $0x1000  }
0x4c: {  	[sflag:s20] =	ssyncset.done $0x0  }
0x4d: {  	[sflag:s20] =	ssyncadd.s32 $0xFFFFF000  }
.LBB2_8:
0x4e: {  	s0 =	simm.s32 $0x0  }
0x4f: {  	v2 =	vld [tilespmem:s0+$0x10010]  }
0x50: {  	v5 =	vld [tilespmem:s0+$0x10020];
	_ =	sdelay $0x2  }
0x51: {  	v0 =	vld.msk [tilespmem:s26+$0x0 ss:$0x0], $0xffff  }
0x52: {  	s30 =	simm.s32 $0x20;
	v4 =	vadd.f32 v2, v1  }
0x53: {  	v2 =	vld [tilespmem:s30+$0x10010];
	v3 =	vadd.f32 v5, v3  }
0x54: {  	s31 =	simm.s32 $0x100;
	s2 =	sadd.s32 $0x1, s26;
	v1 =	vld [tilespmem:s30+$0x10020];
	[tilespmem:s0+$0x12010] =	vst v4  }
.LBB2_9:
0x55: {  	p0 =	sne.s32 s31, $0x3F80;
	[tilespmem:s0+$0x12020] =	vst v3;
	s5 =	smov.u32 s31;
	s31 =	sadd.s32 $0x80, s31  }
.Ltmp4:
0x56: {  	v4 =	vmul.f32 v4, v0;
	v3 =	vmul.f32 v3, v0;
	s0 =	smov.u32 s30;
	v0 =	vld.msk [tilespmem:s2+$0x0 ss:$0x0], $0xffff;
	(pc) =	sbr.rel @p0 .LBB2_9-.Ltmp4, $4  }
0x57: {  	_ = 	snop  }
0x58: {  	s30 =	sshra.s32 s5, $0x2;
	v4 =	vadd.f32 v2, v4  }
0x59: {  	v2 =	vld [tilespmem:s30+$0x10010];
	v3 =	vadd.f32 v1, v3  }
0x5a: {  	s2 =	sadd.s32 $0x1, s2;
	v1 =	vld [tilespmem:s30+$0x10020];
	[tilespmem:s0+$0x12010] =	vst v4  }
0x5b: {  	_ = 	snop  }
0x5c: {  	v4 =	vmul.f32 v4, v0;
	[tilespmem:s0+$0x12020] =	vst v3;
	s28 =	sadd.s32 $0x1, s28  }
0x5d: {  	v0 =	vmul.f32 v3, v0;
	v3 =	vld.msk [tilespmem:s2+$0x0 ss:$0x0], $0xffff;
	p0 =	sne.s32 s28, $0x50  }
.Ltmp5:
0x5e: {  	v2 =	vadd.f32 v2, v4;
	(pc) =	sbr.rel @p0 .LBB2_2-.Ltmp5, $4  }
0x5f: {  	v0 =	vadd.f32 v1, v0  }
0x60: {  	[tilespmem:s30+$0x12010] =	vst v2  }
0x61: {  	s31 =	sadd.s32 $0x5000, s29;
	s25 =	sadd.s32 $0x100, s25;
	s26 =	sadd.s32 $0x100, s26;
	[tilespmem:s30+$0x12020] =	vst v0  }
0x62: {  	v1 =	vmul.f32 v2, v3;
	v3 =	vmul.f32 v0, v3;
	[spmem:s1] =	stream.indirect.scatter.add.f32 [tilespmem:s21], [sflag:$0x4], $0x20, s31, s14, $0xb8;
	[tilespmem:$0x17F10] =	vst v63  }
0x63: {  	_ =	swait.ge [sflag:s22], $0x1000  }
0x64: {  	[sflag:s22] =	ssyncset.done $0x0  }
0x65: {  	[sflag:s22] =	ssyncadd.s32 $0xFFFFF000  }
0x66: {  	_ =	swait.ge [sflag:s20], $0x1000  }
0x67: {  	s24 =	sadd.s32 $0x1, s24;
	[sflag:s20] =	ssyncset.done $0x0  }
0x68: {  	p0 =	sne.s32 s24, s8;
	[sflag:s20] =	ssyncadd.s32 $0xFFFFF000  }
.Ltmp6:
0x69: {  	[bflag:$0x0] =	sbarrier.arrive $0xFFFF;
	(pc) =	sbr.rel @p0 .LBB2_1-.Ltmp6, $4  }
0x6a: {  	[hbm:s23], [sflag:s12] =	dma.local [spmem:s13], $0x9E0  }
0x6b: {  	_ =	swait.ge [sflag:s10], $0x9E0  }
0x6c: {  	[sflag:s10] =	ssyncset.done $0x0  }
0x6d: {  	[sflag:s10] =	ssyncadd.s32 $0xFFFFF620  }
0x6e: {  	_ =	sfence.sel $0x180000  }
0x6f: {  	[bflag:$0x0] =	sbarrier.arrive $0xFFFF  }
0x70: {  	_ =	strace $0x90000050  }
0x71: {  	s0 =	stileid.u32;
	[bflag:$0x2] =	sbarrier.arrive $0xFFFF  }
0x72: {  	p0 =	sne.s32 s0, $0x0;
	s0 =	rddreg [dreg:$0x2]  }
0x73: {  	s0 =	sadd.s32 @!p0 $0x100000, s0  }
0x74: {  	[sflag:s0] =	ssyncadd.tile.s32 @!p0 $0x1;
	_ =	shalt  }
.Lfunc_end2:
_tile_overlayer_lowered:
.L_overlay_start_2:
0x75: {  	(tag) =	ssettag $0x2  }
0x76: {  	s0 =	rddreg [dreg:$0x0];
	s2 =	stileid.u32  }
0x77: {  	s1 =	rddreg [dreg:$0x1];
	p0 =	sne.s32 s2, $0x0  }
0x78: {  	s3 =	rddreg [dreg:$0x2];
	[bflag:$0x3] =	sbarrier.arrive $0xFFFF;
	s2 =	simm.s32 @!p0 $0x1C05  }
0x79: {  	[timem:s3], [sflag:s2] =	dma.local @!p0 [hbm:s0], s1  }
0x7a: {  	s0 =	simm.s32 @!p0 $0x5  }
0x7b: {  	_ =	swait.ge @!p0 [sflag:s0], s1  }
0x7c: {  	s1 =	ssub.s32 @!p0 $0x0, s1;
	[sflag:s0] =	ssyncset.done @!p0 $0x0  }
0x7d: {  	[sflag:s0] =	ssyncadd.s32 @!p0 s1  }
0x7e: {  	[bflag:$0x3] =	sbarrier.arrive $0xFFFF  }
0x7f: {  	_ =	shalt  }

// kernel: kernel.14.cloned.1.call-start
scs
__scs_entry_jumppad:
0x0: {  	(pc) =	sbr.rel $0x88, $3  }
0x1: {  	(tag) =	ssettag $0x0;
	lr =	simm.s32 $0x1  }
0x2: {  	[smem:$0x3F88] =	sst lr;
	_ =	strace $0xD0000000  }
0x3: {  	_ = 	snop  }
0x4: {  	_ = 	snop  }
0x5: {  	_ = 	snop  }
0x6: {  	_ = 	snop  }
0x7: {  	_ = 	snop  }
__scs_overlays_trampoline_lowered:
0x8: {  	[smem:$0x3F97] =	sst s0  }
0x9: {  	[smem:$0x3F98] =	sst s1  }
0xa: {  	[smem:$0x3F99] =	sst s2  }
0xb: {  	[smem:$0x3F9A] =	sst s3  }
0xc: {  	[smem:$0x3F9B] =	sst s4  }
0xd: {  	[smem:$0x3F9C] =	sst s5  }
0xe: {  	[smem:$0x3F9D] =	sst s6  }
0xf: {  	[smem:$0x3F9E] =	sst s7  }
0x10: {  	[smem:$0x3F9F] =	sst s8  }
0x11: {  	[smem:$0x3FA0] =	sst s9;
	s0 =	simm.s32 @!p0 $0x0  }
0x12: {  	s1 =	sld [smem:$0x3F86];
	s0 =	simm.s32 @p0 $0x1  }
0x13: {  	[smem:$0x3FA1] =	sst s0;
	s0 =	simm.s32 @!p1 $0x0  }
0x14: {  	s2 =	sld [smem:$0x3F85];
	s0 =	simm.s32 @p1 $0x1  }
0x15: {  	[smem:$0x3FA2] =	sst s0;
	s0 =	simm.s32 @!p2 $0x0  }
0x16: {  	s3 =	sld [smem:$0x3FDB];
	s0 =	simm.s32 @p2 $0x1  }
0x17: {  	s4 =	simm.s32 $0x1BF5;
	[smem:$0x3FA4] =	sst s0  }
0x18: {  	s0 =	sld [smem:$0x3F87];
	_ =	swait.ge [sflag:s4], $0x0  }
0x19: {  	s7 =	sld [smem:$0x3F88]  }
0x1a: {  	s8 =	sadd.s32 $0xFFFFE003, lr  }
0x1b: {  	s9 =	sadd.s32 $0xFFFFFEF7, lr;
	s5 =	simm.s32 $0xFFFFFFFF;
	p2 =	slt.u32 s8, $0xFFFFF086  }
0x1c: {  	p1 =	slt.u32 s9, $0xF7A;
	s5 =	simm.s32 @!p2 $0x0  }
0x1d: {  	s5 =	simm.s32 @p1 $0x1;
	p0 =	seq.s32 s7, s2  }
0x1e: {  	s7 =	smul.u32 @!p0 $0xF7A, s2;
	p2 =	seq.s32 @!p0 s5, $0x0  }
0x1f: {  	s9 =	smul.u32 $0xF7A, s1;
	s8 =	simm.s32 @!p0 $0x1BF5;
	p2 =	por !p2, p0  }
0x20: {  	[sflag:s8] =	ssyncset.s32 @!p0 $0xFFFFF086;
	s6 =	sadd.s32 @!p0 s3, s7;
	s7 =	simm.s32 @!p0 $0x108  }
0x21: {  	s3 =	sadd.s32 s3, s9;
	s6 =	sadd.s32 @!p0 $0x88, s6;
	s7 =	simm.s32 @p2 $0x1082  }
0x22: {  	[simem:s7], [sflag:s8] =	dma.local @!p0 [hbm:s6], $0xF7A  }
0x23: {  	s9 =	sor.u32 $0xD0000000, s2;
	s6 =	simm.s32 $0x108;
	_ =	swait.ge @!p0 [sflag:s8], $0x0  }
0x24: {  	s3 =	sadd.s32 $0x88, s3;
	s6 =	simm.s32 @!p1 $0x1082;
	[sflag:s4] =	ssyncset.s32 $0xFFFFF086  }
0x25: {  	[simem:s6], [sflag:s4] =	dma.local [hbm:s3], $0xF7A  }
0x26: {  	[smem:$0x3F88] =	sst s1;
	(tag) =	ssettag s2;
	_ =	strace s9  }
0x27: {  	s1 =	sld [smem:$0x3F98]  }
0x28: {  	s2 =	sld [smem:$0x3F99]  }
0x29: {  	s4 =	sld [smem:$0x3F9B]  }
0x2a: {  	p0 =	seq.s32 s5, $0x0;
	s5 =	sld [smem:$0x3F9C]  }
0x2b: {  	s6 =	sld [smem:$0x3F9D]  }
0x2c: {  	s7 =	sld [smem:$0x3F9E]  }
0x2d: {  	s3 =	simm.s32 $0x108;
	s8 =	sld [smem:$0x3F9F]  }
0x2e: {  	s3 =	simm.s32 @!p0 $0x1082;
	s9 =	sld [smem:$0x3FA0]  }
0x2f: {  	lr =	sadd.s32 s0, s3;
	s0 =	sld [smem:$0x3F97]  }
0x30: {  	s3 =	sld [smem:$0x3F9A]  }
0x31: {  	[smem:$0x3FA3] =	sst s10  }
0x32: {  	s10 =	sld [smem:$0x3FA1];
	_ =	sdelay $0x3  }
0x33: {  	p0 =	seq.s32 s10, $0x1;
	s10 =	sld [smem:$0x3FA3];
	_ =	sdelay $0x3  }
0x34: {  	[smem:$0x3FA3] =	sst s10  }
0x35: {  	s10 =	sld [smem:$0x3FA2];
	_ =	sdelay $0x3  }
0x36: {  	p1 =	seq.s32 s10, $0x1;
	s10 =	sld [smem:$0x3FA3];
	_ =	sdelay $0x3  }
0x37: {  	[smem:$0x3FA3] =	sst s10  }
0x38: {  	s10 =	sld [smem:$0x3FA4]  }
0x39: {  	_ = 	snop;
	(pc) =	sbr.ind lr, $3  }
0x3a: {  	_ = 	snop  }
0x3b: {  	_ = 	snop  }
0x3c: {  	p2 =	seq.s32 s10, $0x1;
	s10 =	sld [smem:$0x3FA3]  }
0x3d: {  	_ =	shalt  }
0x3e: {  	_ =	shalt  }
0x3f: {  	_ =	shalt  }
0x40: {  	_ =	shalt  }
0x41: {  	_ =	shalt  }
0x42: {  	_ =	shalt  }
0x43: {  	_ =	shalt  }
0x44: {  	_ =	shalt  }
0x45: {  	_ =	shalt  }
0x46: {  	_ =	shalt  }
0x47: {  	_ =	shalt  }
0x48: {  	_ =	shalt  }
0x49: {  	_ =	shalt  }
0x4a: {  	_ =	shalt  }
0x4b: {  	_ =	shalt  }
0x4c: {  	_ =	shalt  }
0x4d: {  	_ =	shalt  }
0x4e: {  	_ =	shalt  }
0x4f: {  	_ =	shalt  }
0x50: {  	_ =	shalt  }
0x51: {  	_ =	shalt  }
0x52: {  	_ =	shalt  }
0x53: {  	_ =	shalt  }
0x54: {  	_ =	shalt  }
0x55: {  	_ =	shalt  }
0x56: {  	_ =	shalt  }
0x57: {  	_ =	shalt  }
0x58: {  	_ =	shalt  }
0x59: {  	_ =	shalt  }
0x5a: {  	_ =	shalt  }
0x5b: {  	_ =	shalt  }
0x5c: {  	_ =	shalt  }
0x5d: {  	_ =	shalt  }
0x5e: {  	_ =	shalt  }
0x5f: {  	_ =	shalt  }
0x60: {  	_ =	shalt  }
0x61: {  	_ =	shalt  }
0x62: {  	_ =	shalt  }
0x63: {  	_ =	shalt  }
0x64: {  	_ =	shalt  }
0x65: {  	_ =	shalt  }
0x66: {  	_ =	shalt  }
0x67: {  	_ =	shalt  }
0x68: {  	_ =	shalt  }
0x69: {  	_ =	shalt  }
0x6a: {  	_ =	shalt  }
0x6b: {  	_ =	shalt  }
0x6c: {  	_ =	shalt  }
0x6d: {  	_ =	shalt  }
0x6e: {  	_ =	shalt  }
0x6f: {  	_ =	shalt  }
0x70: {  	_ =	shalt  }
0x71: {  	_ =	shalt  }
0x72: {  	_ =	shalt  }
0x73: {  	_ =	shalt  }
0x74: {  	_ =	shalt  }
0x75: {  	_ =	shalt  }
0x76: {  	_ =	shalt  }
0x77: {  	_ =	shalt  }
0x78: {  	_ =	shalt  }
0x79: {  	_ =	shalt  }
0x7a: {  	_ =	shalt  }
0x7b: {  	_ =	shalt  }
0x7c: {  	_ =	shalt  }
0x7d: {  	_ =	shalt  }
0x7e: {  	_ =	shalt  }
0x7f: {  	_ =	shalt  }
0x80: {  	_ =	shalt  }
0x81: {  	_ =	shalt  }
0x82: {  	_ =	shalt  }
0x83: {  	_ =	shalt  }
0x84: {  	_ =	shalt  }
0x85: {  	_ =	shalt  }
0x86: {  	_ =	shalt  }
0x87: {  	_ =	shalt  }
.Lfunc_end0:
.L_simem_size_0:
called_computation.4_lowered:
.L_overlay_start_0:
0x88: {  	s2 =	sld [smem:$0x3FD9]  }
0x89: {  	s3 =	sld [smem:$0x3FFE];
	_ =	sdelay $0x1  }
0x8a: {  	s1 =	srdreg.scid  }
0x8b: {  	s0 =	sand.u32 $0x1, s1  }
0x8c: {  	s16 =	sshll.u32 s0, $0xA;
	s2 =	sadd.s32 s3, s2  }
0x8d: {  	s2 =	sadd.s32 s2, s16  }
0x8e: {  	[smem:$0x3FAF] =	sst s2  }
0x8f: {  	_ = 	snop  }
0x90: {  	(tm) =	ssettm $0x1  }
0x91: {  	s17 =	sld [smem:$0x3FFB];
	_ =	sdelay $0x3  }
0x92: {  	_ =	strace s17  }
0x93: {  	s2 =	sld [smem:$0x3FFC];
	_ =	sdelay $0x3  }
0x94: {  	_ =	strace s2  }
0x95: {  	s2 =	sld [smem:$0x3FFD];
	_ =	sdelay $0x3  }
0x96: {  	_ =	strace s2  }
0x97: {  	_ =	strace $0x8FFFFFFF  }
0x98: {  	s18 =	sld [smem:$0x3FDB];
	_ =	sdelay $0x1  }
0x99: {  	s19 =	simm.s32 $_scs_section_size  }
0x9a: {  	s4 =	simm.s32 $_size__tile_overlayer_lowered;
	s5 =	simm.s32 $_tile_overlayer_lowered  }
0x9b: {  	s22 =	simm.s32 $0x1BFF;
	s21 =	sshll.u32 s5, $0x1;
	s2 =	sadd.s32 s19, s18  }
0x9c: {  	s6 =	simm.s32 $0x0;
	s20 =	sshll.u32 s4, $0x1;
	s4 =	sadd.s32 s21, s2  }
0x9d: {  	[timem:s6], [sflag:s22] =	dma.local [hbm:s4], s20  }
0x9e: {  	_ =	swait.ge [sflag:s22], s20  }
0x9f: {  	s3 =	ssub.s32 $0x0, s20;
	[sflag:s22] =	ssyncset.done $0x0  }
0xa0: {  	[sflag:s22] =	ssyncadd.s32 s3;
	_ =	sdelay $0x1  }
0xa1: {  	s23 =	simm.s32 $0x1B8B  }
0xa2: {  	_ =	swait.ge [sflag:s23], $0x1  }
0xa3: {  	[sflag:s23] =	ssyncset.done $0x0  }
0xa4: {  	s25 =	simm.s32 $0x1B8E;
	s24 =	sld [smem:$0x3FFE];
	[sflag:s23] =	ssyncadd.s32 $0xFFFFFFFF  }
0xa5: {  	s26 =	simm.s32 $execute0_lowered;
	[smem:$0x3FD2] =	sst s25  }
0xa6: {  	s4 =	sshll.u32 s26, $0x1;
	_ =	strace $0x80000052;
	[dreg:$0x1] =	wrdreg $0xFFFFFFFF  }
0xa7: {  	s28 =	simm.s32 $_size_execute0_lowered;
	s2 =	sadd.s32 s2, s4;
	[dreg:$0x0] =	wrdreg $0x0  }
0xa8: {  	s4 =	sshll.u32 s28, $0x1;
	[dreg:$0x2] =	wrdreg s2  }
0xa9: {  	[dreg:$0x3] =	wrdreg s4  }
0xaa: {  	[dreg:$0x4] =	wrdreg $0xC0  }
0xab: {  	_ =	task [dreg:s6], $0x5FFFF  }
0xac: {  	[dreg:$0x1] =	wrdreg $0xFFFFFFFF  }
0xad: {  	[dreg:$0x0] =	wrdreg $0x60  }
0xae: {  	[dreg:$0x2] =	wrdreg s24  }
0xaf: {  	[dreg:$0x3] =	wrdreg $0x130100  }
0xb0: {  	[dreg:$0x4] =	wrdreg $0x9  }
0xb1: {  	_ =	task.clear_ibuf [dreg:s6], $0x5FFFF;
	_ =	strace $0x90000052  }
0xb2: {  	s29 =	simm.s32 $0x9;
	_ =	strace $0x80000054  }
0xb3: {  	_ =	swait.ge [sflag:s29], $0x1  }
0xb4: {  	[sflag:s29] =	ssyncadd.s32 $0xFFFFFFFF  }
0xb5: {  	_ =	strace $0x90000054  }
0xb6: {  	_ =	sfence  }
0xb7: {  	s30 =	sld [smem:$0x0];
	_ =	sdelay $0x2  }
0xb8: {  	s31 =	sshll.u32 s1, $0xD;
	s1 =	sshrl.u32 s1, $0x2  }
0xb9: {  	s3 =	sand.u32 $0x4000, s31;
	s1 =	sadd.s32 s1, s30  }
0xba: {  	s0 =	sor.u32 s3, s0;
	s1 =	sshll.u32 s1, $0x11  }
0xbb: {  	s0 =	sor.u32 s1, s0  }
0xbc: {  	s0 =	sadd.s32 $0x8F2B, s0  }
0xbd: {  	[sflag:s0] =	ssyncadd.remote.s32 $0x1  }
0xbe: {  	_ =	sfence.sel $0xFFFF  }
0xbf: {  	[dreg:$0x0] =	wrdreg $0xFFFFFFFF;
	(pc) =	sbr.abs _section_cstart, $3  }
0xc0: {  	[dreg:$0x1] =	wrdreg $0xFFFFFFFF  }
0xc1: {  	_ =	task.clear_ibuf [dreg:s6], $0x2FFFF;
	_ =	strace $0x9FFFFFFF  }
0xc2: {  	(tm) =	ssettm $0x7FFFFFFF  }
0xc3: {  	_ =	shalt  }
tec
execute0_lowered:
.L_overlay_start_1:
0x0: {  	(tag) =	ssettag $0x1  }
0x1: {  	s0 =	rddreg [dreg:$0x0]  }
0x2: {  	s1 =	rddreg [dreg:$0x1];
	s2 =	srdreg.scid  }
0x3: {  	s3 =	simm.s32 $0x0;
	s14 =	stileid.u32;
	s15 =	simm.s32 $0xF010  }
0x4: {  	s16 =	simm.s32 $0x10010;
	s17 =	simm.s32 $0x1;
	s18 =	simm.s32 $0x11010  }
0x5: {  	s19 =	simm.s32 $0x2;
	s20 =	simm.s32 $0x4;
	s21 =	simm.s32 $0x12010  }
0x6: {  	s22 =	simm.s32 $0x3;
	s24 =	simm.s32 $0x0;
	s9 =	smul.u32 $0xA00, s14  }
0x7: {  	s2 =	sand.u32 $0x1, s2;
	[smem:$0x7FF] =	sst s3;
	s7 =	smul.u32 $0x4F00, s14  }
0x8: {  	s4 =	sadd.s32 $0x4BE00, s0;
	s31 =	sshll.u32 s14, $0x6;
	s5 =	smul.u32 $0xA000, s2  }
0x9: {  	s14 =	simm.s32 $0x80;
	_ =	strace $0x80000053;
	s29 =	smul.u32 $0x9E00, s2  }
0xa: {  	s2 =	ssub.s32 $0x2, s2;
	s6 =	sadd.s32 s9, s0;
	s23 =	sshrl.u32 s7, $0x3  }
0xb: {  	s10 =	sshrl.u32 s2, $0x1;
	s13 =	sadd.s32 s7, s1;
	s8 =	sadd.s32 s5, s0  }
0xc: {  	s11 =	sadd.s32 s23, s0;
	s0 =	sadd.s32 s29, s0;
	s2 =	ssub.s32 s2, s10  }
0xd: {  	s30 =	sadd.s32 $0x7D600, s6;
	s6 =	sadd.s32 $0x73600, s6;
	s10 =	simm.s32 $0x5  }
0xe: {  	s13 =	sshrl.u32 s13, $0x3;
	[dreg:$0x3] =	wrdreg s30;
	s12 =	sadd.s32 $0x87600, s8  }
0xf: {  	s7 =	sadd.s32 $0x42000, s11;
	s0 =	sadd.s32 $0x5F800, s0;
	s8 =	smax.u32 s2, $0x1  }
0x10: {  	s11 =	sadd.s32 s9, s12;
	s12 =	sor.u32 $0x1C05, s31;
	s23 =	sadd.s32 s23, s0  }
.LBB2_1:
0x11: {  	s0 =	rddreg [dreg:$0x3];
	s2 =	simm.s32 $0x5000  }
0x12: {  	[tilespmem:s2], [sflag:$0x5] =	stream.linear.gather [hbm4b:s0+s3], $0x5000, $0x38;
	[tilespmem:$0x17F10] =	vst v63  }
0x13: {  	_ =	swait.ge [sflag:s10], $0x5000  }
0x14: {  	[sflag:s10] =	ssyncset.done $0x0  }
0x15: {  	s25 =	simm.s32 $0xA000;
	[sflag:s10] =	ssyncadd.s32 $0xFFFFB000  }
0x16: {  	[tilespmem:s25], [sflag:$0x5] =	stream.linear.gather [hbm4b:s6+s3], $0x5000, $0x38;
	[tilespmem:$0x17F10] =	vst v63  }
0x17: {  	_ =	swait.ge [sflag:s10], $0x5000  }
0x18: {  	[sflag:s10] =	ssyncset.done $0x0  }
0x19: {  	[sflag:s10] =	ssyncadd.s32 $0xFFFFB000  }
0x1a: {  	[tilespmem:s3], [sflag:$0x5] =	stream.linear.gather [hbm4b:s11+s3], $0x5000, $0x38;
	[tilespmem:$0x17F10] =	vst v63  }
0x1b: {  	_ =	swait.ge [sflag:s10], $0x5000  }
0x1c: {  	[sflag:s10] =	ssyncset.done $0x0  }
0x1d: {  	[sflag:s10] =	ssyncadd.s32 $0xFFFFB000  }
0x1e: {  	[spmem:s13], [sflag:s12] =	dma.local [hbm:s7], $0x9E0  }
0x1f: {  	_ =	swait.ge [sflag:s10], $0x9E0  }
0x20: {  	[sflag:s10] =	ssyncset.done $0x0  }
0x21: {  	[sflag:s10] =	ssyncadd.s32 $0xFFFFF620  }
0x22: {  	s26 =	simm.s32 $0xA080;
	s28 =	simm.s32 $0x0;
	[bflag:$0x0] =	sbarrier.arrive $0xFFFF  }
0x23: {  	v3 =	vimm.f32 $0.0e+00;
	v1 =	vimm.f32 $0.0e+00;
	[tilespmem:s15], [sflag:$0x1] =	stream.indirect.gather [hbm4b:s4+s14], $0x20, s3, s14, $0xb8;
	[tilespmem:$0x17F10] =	vst v63  }
.LBB2_2:
0x24: {  	s0 =	sshll.u32 s28, $0x8  }
0x25: {  	s29 =	sor.u32 $0x80, s0  }
0x26: {  	[tilespmem:s16], [sflag:$0x2] =	stream.indirect.gather [hbm4b:s4+s14], $0x20, s29, s14, $0xb8;
	[tilespmem:$0x17F10] =	vst v63  }
0x27: {  	_ =	swait.ge [sflag:s17], $0x1000  }
0x28: {  	p0 =	seq.s32 s28, $0x0;
	[sflag:s17] =	ssyncset.done $0x0  }
0x29: {  	s0 =	simm.s32 @!p0 $0x3;
	[sflag:s17] =	ssyncadd.s32 $0xFFFFF000  }
0x2a: {  	_ =	swait.ge @!p0 [sflag:s0], $0x1000  }
0x2b: {  	[sflag:s0] =	ssyncset.done @!p0 $0x0  }
0x2c: {  	[sflag:s0] =	ssyncadd.s32 @!p0 $0xFFFFF000;
	s0 =	simm.s32 $0x0  }
0x2d: {  	v2 =	vld [tilespmem:s0+$0xF010]  }
0x2e: {  	v5 =	vld [tilespmem:s0+$0xF020];
	_ =	sdelay $0x2  }
0x2f: {  	v0 =	vld.msk [tilespmem:s25+$0x0 ss:$0x0], $0xffff  }
0x30: {  	s30 =	simm.s32 $0x20;
	v4 =	vadd.f32 v2, v1  }
0x31: {  	v2 =	vld [tilespmem:s30+$0xF010];
	v3 =	vadd.f32 v5, v3  }
0x32: {  	s31 =	sshll.u32 s28, $0xA;
	s9 =	simm.s32 $0x100;
	s2 =	sadd.s32 $0x1, s25;
	v1 =	vld [tilespmem:s30+$0xF020];
	[tilespmem:s0+$0x11010] =	vst v4  }
.LBB2_3:
0x33: {  	p1 =	sne.s32 s9, $0x3F80;
	[tilespmem:s0+$0x11020] =	vst v3;
	s5 =	smov.u32 s9;
	s9 =	sadd.s32 $0x80, s9  }
.Ltmp0:
0x34: {  	v4 =	vmul.f32 v4, v0;
	v3 =	vmul.f32 v3, v0;
	s0 =	smov.u32 s30;
	v0 =	vld.msk [tilespmem:s2+$0x0 ss:$0x0], $0xffff;
	(pc) =	sbr.rel @p1 .LBB2_3-.Ltmp0, $4  }
0x35: {  	_ = 	snop  }
0x36: {  	s30 =	sshra.s32 s5, $0x2;
	v4 =	vadd.f32 v2, v4  }
0x37: {  	v2 =	vld [tilespmem:s30+$0xF010];
	v3 =	vadd.f32 v1, v3  }
0x38: {  	s2 =	sadd.s32 $0x1, s2;
	v1 =	vld [tilespmem:s30+$0xF020];
	[tilespmem:s0+$0x11010] =	vst v4  }
0x39: {  	_ = 	snop  }
0x3a: {  	v4 =	vmul.f32 v4, v0;
	[tilespmem:s0+$0x11020] =	vst v3  }
0x3b: {  	v0 =	vmul.f32 v3, v0;
	p1 =	sne.s32 s28, $0x4F;
	v3 =	vld.msk [tilespmem:s2+$0x0 ss:$0x0], $0xffff  }
.Ltmp1:
0x3c: {  	v2 =	vadd.f32 v2, v4;
	(pc) =	sbr.rel @p1 .LBB2_6-.Ltmp1, $4  }
0x3d: {  	v0 =	vadd.f32 v1, v0  }
0x3e: {  	s0 =	sshrl.u32 s31, $0x2;
	[tilespmem:s30+$0x11010] =	vst v2  }
0x3f: {  	s31 =	sadd.s32 $0x5000, s0;
	[tilespmem:s30+$0x11020] =	vst v0  }
0x40: {  	v1 =	vmul.f32 v2, v3;
	v3 =	vmul.f32 v0, v3;
	[spmem:s1] =	stream.indirect.scatter.add.f32 [tilespmem:s18], [sflag:$0x3], $0x20, s31, s14, $0xb8;
	[tilespmem:$0x17F10] =	vst v63  }
.Ltmp2:
0x41: {  	(pc) =	sbr.rel .LBB2_7-.Ltmp2, $4  }
0x42: {  	_ = 	snop  }
0x43: {  	_ =	swait.ge [sflag:s19], $0x1000  }
0x44: {  	[sflag:s19] =	ssyncset.done $0x0  }
0x45: {  	[sflag:s19] =	ssyncadd.s32 $0xFFFFF000  }
.LBB2_6:
.Ltmp3:
0x46: {  	s0 =	sadd.s32 $0x100, s0;
	(pc) =	sbr.rel @p0 .LBB2_8-.Ltmp3, $4  }
0x47: {  	[tilespmem:s15], [sflag:$0x1] =	stream.indirect.gather [hbm4b:s4+s14], $0x20, s0, s14, $0xb8;
	[tilespmem:$0x17F10] =	vst v63  }
0x48: {  	_ =	swait.ge [sflag:s19], $0x1000  }
0x49: {  	[sflag:s19] =	ssyncset.done $0x0  }
0x4a: {  	[sflag:s19] =	ssyncadd.s32 $0xFFFFF000  }
.LBB2_7:
0x4b: {  	_ =	swait.ge [sflag:s20], $0x1000  }
0x4c: {  	[sflag:s20] =	ssyncset.done $0x0  }
0x4d: {  	[sflag:s20] =	ssyncadd.s32 $0xFFFFF000  }
.LBB2_8:
0x4e: {  	s0 =	simm.s32 $0x0  }
0x4f: {  	v2 =	vld [tilespmem:s0+$0x10010]  }
0x50: {  	v5 =	vld [tilespmem:s0+$0x10020];
	_ =	sdelay $0x2  }
0x51: {  	v0 =	vld.msk [tilespmem:s26+$0x0 ss:$0x0], $0xffff  }
0x52: {  	s30 =	simm.s32 $0x20;
	v4 =	vadd.f32 v2, v1  }
0x53: {  	v2 =	vld [tilespmem:s30+$0x10010];
	v3 =	vadd.f32 v5, v3  }
0x54: {  	s31 =	simm.s32 $0x100;
	s2 =	sadd.s32 $0x1, s26;
	v1 =	vld [tilespmem:s30+$0x10020];
	[tilespmem:s0+$0x12010] =	vst v4  }
.LBB2_9:
0x55: {  	p0 =	sne.s32 s31, $0x3F80;
	[tilespmem:s0+$0x12020] =	vst v3;
	s5 =	smov.u32 s31;
	s31 =	sadd.s32 $0x80, s31  }
.Ltmp4:
0x56: {  	v4 =	vmul.f32 v4, v0;
	v3 =	vmul.f32 v3, v0;
	s0 =	smov.u32 s30;
	v0 =	vld.msk [tilespmem:s2+$0x0 ss:$0x0], $0xffff;
	(pc) =	sbr.rel @p0 .LBB2_9-.Ltmp4, $4  }
0x57: {  	_ = 	snop  }
0x58: {  	s30 =	sshra.s32 s5, $0x2;
	v4 =	vadd.f32 v2, v4  }
0x59: {  	v2 =	vld [tilespmem:s30+$0x10010];
	v3 =	vadd.f32 v1, v3  }
0x5a: {  	s2 =	sadd.s32 $0x1, s2;
	v1 =	vld [tilespmem:s30+$0x10020];
	[tilespmem:s0+$0x12010] =	vst v4  }
0x5b: {  	_ = 	snop  }
0x5c: {  	v4 =	vmul.f32 v4, v0;
	[tilespmem:s0+$0x12020] =	vst v3;
	s28 =	sadd.s32 $0x1, s28  }
0x5d: {  	v0 =	vmul.f32 v3, v0;
	v3 =	vld.msk [tilespmem:s2+$0x0 ss:$0x0], $0xffff;
	p0 =	sne.s32 s28, $0x50  }
.Ltmp5:
0x5e: {  	v2 =	vadd.f32 v2, v4;
	(pc) =	sbr.rel @p0 .LBB2_2-.Ltmp5, $4  }
0x5f: {  	v0 =	vadd.f32 v1, v0  }
0x60: {  	[tilespmem:s30+$0x12010] =	vst v2  }
0x61: {  	s31 =	sadd.s32 $0x5000, s29;
	s25 =	sadd.s32 $0x100, s25;
	s26 =	sadd.s32 $0x100, s26;
	[tilespmem:s30+$0x12020] =	vst v0  }
0x62: {  	v1 =	vmul.f32 v2, v3;
	v3 =	vmul.f32 v0, v3;
	[spmem:s1] =	stream.indirect.scatter.add.f32 [tilespmem:s21], [sflag:$0x4], $0x20, s31, s14, $0xb8;
	[tilespmem:$0x17F10] =	vst v63  }
0x63: {  	_ =	swait.ge [sflag:s22], $0x1000  }
0x64: {  	[sflag:s22] =	ssyncset.done $0x0  }
0x65: {  	[sflag:s22] =	ssyncadd.s32 $0xFFFFF000  }
0x66: {  	_ =	swait.ge [sflag:s20], $0x1000  }
0x67: {  	s24 =	sadd.s32 $0x1, s24;
	[sflag:s20] =	ssyncset.done $0x0  }
0x68: {  	p0 =	sne.s32 s24, s8;
	[sflag:s20] =	ssyncadd.s32 $0xFFFFF000  }
.Ltmp6:
0x69: {  	[bflag:$0x0] =	sbarrier.arrive $0xFFFF;
	(pc) =	sbr.rel @p0 .LBB2_1-.Ltmp6, $4  }
0x6a: {  	[hbm:s23], [sflag:s12] =	dma.local [spmem:s13], $0x9E0  }
0x6b: {  	_ =	swait.ge [sflag:s10], $0x9E0  }
0x6c: {  	[sflag:s10] =	ssyncset.done $0x0  }
0x6d: {  	[sflag:s10] =	ssyncadd.s32 $0xFFFFF620  }
0x6e: {  	_ =	sfence.sel $0x180000  }
0x6f: {  	[bflag:$0x0] =	sbarrier.arrive $0xFFFF  }
0x70: {  	_ =	strace $0x90000053  }
0x71: {  	s0 =	stileid.u32;
	[bflag:$0x2] =	sbarrier.arrive $0xFFFF  }
0x72: {  	p0 =	sne.s32 s0, $0x0;
	s0 =	rddreg [dreg:$0x2]  }
0x73: {  	s0 =	sadd.s32 @!p0 $0x100000, s0  }
0x74: {  	[sflag:s0] =	ssyncadd.tile.s32 @!p0 $0x1;
	_ =	shalt  }
.Lfunc_end2:
_tile_overlayer_lowered:
.L_overlay_start_2:
0x75: {  	(tag) =	ssettag $0x2  }
0x76: {  	s0 =	rddreg [dreg:$0x0];
	s2 =	stileid.u32  }
0x77: {  	s1 =	rddreg [dreg:$0x1];
	p0 =	sne.s32 s2, $0x0  }
0x78: {  	s3 =	rddreg [dreg:$0x2];
	[bflag:$0x3] =	sbarrier.arrive $0xFFFF;
	s2 =	simm.s32 @!p0 $0x1C05  }
0x79: {  	[timem:s3], [sflag:s2] =	dma.local @!p0 [hbm:s0], s1  }
0x7a: {  	s0 =	simm.s32 @!p0 $0x5  }
0x7b: {  	_ =	swait.ge @!p0 [sflag:s0], s1  }
0x7c: {  	s1 =	ssub.s32 @!p0 $0x0, s1;
	[sflag:s0] =	ssyncset.done @!p0 $0x0  }
0x7d: {  	[sflag:s0] =	ssyncadd.s32 @!p0 s1  }
0x7e: {  	[bflag:$0x3] =	sbarrier.arrive $0xFFFF  }
0x7f: {  	_ =	shalt  }

// kernel: kernel.8.cloned.1.call-start
scs
__scs_entry_jumppad:
0x0: {  	(pc) =	sbr.rel $0x88, $3  }
0x1: {  	(tag) =	ssettag $0x0;
	lr =	simm.s32 $0x1  }
0x2: {  	[smem:$0x3F88] =	sst lr;
	_ =	strace $0xD0000000  }
0x3: {  	_ = 	snop  }
0x4: {  	_ = 	snop  }
0x5: {  	_ = 	snop  }
0x6: {  	_ = 	snop  }
0x7: {  	_ = 	snop  }
__scs_overlays_trampoline_lowered:
0x8: {  	[smem:$0x3F97] =	sst s0  }
0x9: {  	[smem:$0x3F98] =	sst s1  }
0xa: {  	[smem:$0x3F99] =	sst s2  }
0xb: {  	[smem:$0x3F9A] =	sst s3  }
0xc: {  	[smem:$0x3F9B] =	sst s4  }
0xd: {  	[smem:$0x3F9C] =	sst s5  }
0xe: {  	[smem:$0x3F9D] =	sst s6  }
0xf: {  	[smem:$0x3F9E] =	sst s7  }
0x10: {  	[smem:$0x3F9F] =	sst s8  }
0x11: {  	[smem:$0x3FA0] =	sst s9;
	s0 =	simm.s32 @!p0 $0x0  }
0x12: {  	s1 =	sld [smem:$0x3F86];
	s0 =	simm.s32 @p0 $0x1  }
0x13: {  	[smem:$0x3FA1] =	sst s0;
	s0 =	simm.s32 @!p1 $0x0  }
0x14: {  	s2 =	sld [smem:$0x3F85];
	s0 =	simm.s32 @p1 $0x1  }
0x15: {  	[smem:$0x3FA2] =	sst s0;
	s0 =	simm.s32 @!p2 $0x0  }
0x16: {  	s3 =	sld [smem:$0x3FDB];
	s0 =	simm.s32 @p2 $0x1  }
0x17: {  	s4 =	simm.s32 $0x1BF5;
	[smem:$0x3FA4] =	sst s0  }
0x18: {  	s0 =	sld [smem:$0x3F87];
	_ =	swait.ge [sflag:s4], $0x0  }
0x19: {  	s7 =	sld [smem:$0x3F88]  }
0x1a: {  	s8 =	sadd.s32 $0xFFFFE003, lr  }
0x1b: {  	s9 =	sadd.s32 $0xFFFFFEF7, lr;
	s5 =	simm.s32 $0xFFFFFFFF;
	p2 =	slt.u32 s8, $0xFFFFF086  }
0x1c: {  	p1 =	slt.u32 s9, $0xF7A;
	s5 =	simm.s32 @!p2 $0x0  }
0x1d: {  	s5 =	simm.s32 @p1 $0x1;
	p0 =	seq.s32 s7, s2  }
0x1e: {  	s7 =	smul.u32 @!p0 $0xF7A, s2;
	p2 =	seq.s32 @!p0 s5, $0x0  }
0x1f: {  	s9 =	smul.u32 $0xF7A, s1;
	s8 =	simm.s32 @!p0 $0x1BF5;
	p2 =	por !p2, p0  }
0x20: {  	[sflag:s8] =	ssyncset.s32 @!p0 $0xFFFFF086;
	s6 =	sadd.s32 @!p0 s3, s7;
	s7 =	simm.s32 @!p0 $0x108  }
0x21: {  	s3 =	sadd.s32 s3, s9;
	s6 =	sadd.s32 @!p0 $0x88, s6;
	s7 =	simm.s32 @p2 $0x1082  }
0x22: {  	[simem:s7], [sflag:s8] =	dma.local @!p0 [hbm:s6], $0xF7A  }
0x23: {  	s9 =	sor.u32 $0xD0000000, s2;
	s6 =	simm.s32 $0x108;
	_ =	swait.ge @!p0 [sflag:s8], $0x0  }
0x24: {  	s3 =	sadd.s32 $0x88, s3;
	s6 =	simm.s32 @!p1 $0x1082;
	[sflag:s4] =	ssyncset.s32 $0xFFFFF086  }
0x25: {  	[simem:s6], [sflag:s4] =	dma.local [hbm:s3], $0xF7A  }
0x26: {  	[smem:$0x3F88] =	sst s1;
	(tag) =	ssettag s2;
	_ =	strace s9  }
0x27: {  	s1 =	sld [smem:$0x3F98]  }
0x28: {  	s2 =	sld [smem:$0x3F99]  }
0x29: {  	s4 =	sld [smem:$0x3F9B]  }
0x2a: {  	p0 =	seq.s32 s5, $0x0;
	s5 =	sld [smem:$0x3F9C]  }
0x2b: {  	s6 =	sld [smem:$0x3F9D]  }
0x2c: {  	s7 =	sld [smem:$0x3F9E]  }
0x2d: {  	s3 =	simm.s32 $0x108;
	s8 =	sld [smem:$0x3F9F]  }
0x2e: {  	s3 =	simm.s32 @!p0 $0x1082;
	s9 =	sld [smem:$0x3FA0]  }
0x2f: {  	lr =	sadd.s32 s0, s3;
	s0 =	sld [smem:$0x3F97]  }
0x30: {  	s3 =	sld [smem:$0x3F9A]  }
0x31: {  	[smem:$0x3FA3] =	sst s10  }
0x32: {  	s10 =	sld [smem:$0x3FA1];
	_ =	sdelay $0x3  }
0x33: {  	p0 =	seq.s32 s10, $0x1;
	s10 =	sld [smem:$0x3FA3];
	_ =	sdelay $0x3  }
0x34: {  	[smem:$0x3FA3] =	sst s10  }
0x35: {  	s10 =	sld [smem:$0x3FA2];
	_ =	sdelay $0x3  }
0x36: {  	p1 =	seq.s32 s10, $0x1;
	s10 =	sld [smem:$0x3FA3];
	_ =	sdelay $0x3  }
0x37: {  	[smem:$0x3FA3] =	sst s10  }
0x38: {  	s10 =	sld [smem:$0x3FA4]  }
0x39: {  	_ = 	snop;
	(pc) =	sbr.ind lr, $3  }
0x3a: {  	_ = 	snop  }
0x3b: {  	_ = 	snop  }
0x3c: {  	p2 =	seq.s32 s10, $0x1;
	s10 =	sld [smem:$0x3FA3]  }
0x3d: {  	_ =	shalt  }
0x3e: {  	_ =	shalt  }
0x3f: {  	_ =	shalt  }
0x40: {  	_ =	shalt  }
0x41: {  	_ =	shalt  }
0x42: {  	_ =	shalt  }
0x43: {  	_ =	shalt  }
0x44: {  	_ =	shalt  }
0x45: {  	_ =	shalt  }
0x46: {  	_ =	shalt  }
0x47: {  	_ =	shalt  }
0x48: {  	_ =	shalt  }
0x49: {  	_ =	shalt  }
0x4a: {  	_ =	shalt  }
0x4b: {  	_ =	shalt  }
0x4c: {  	_ =	shalt  }
0x4d: {  	_ =	shalt  }
0x4e: {  	_ =	shalt  }
0x4f: {  	_ =	shalt  }
0x50: {  	_ =	shalt  }
0x51: {  	_ =	shalt  }
0x52: {  	_ =	shalt  }
0x53: {  	_ =	shalt  }
0x54: {  	_ =	shalt  }
0x55: {  	_ =	shalt  }
0x56: {  	_ =	shalt  }
0x57: {  	_ =	shalt  }
0x58: {  	_ =	shalt  }
0x59: {  	_ =	shalt  }
0x5a: {  	_ =	shalt  }
0x5b: {  	_ =	shalt  }
0x5c: {  	_ =	shalt  }
0x5d: {  	_ =	shalt  }
0x5e: {  	_ =	shalt  }
0x5f: {  	_ =	shalt  }
0x60: {  	_ =	shalt  }
0x61: {  	_ =	shalt  }
0x62: {  	_ =	shalt  }
0x63: {  	_ =	shalt  }
0x64: {  	_ =	shalt  }
0x65: {  	_ =	shalt  }
0x66: {  	_ =	shalt  }
0x67: {  	_ =	shalt  }
0x68: {  	_ =	shalt  }
0x69: {  	_ =	shalt  }
0x6a: {  	_ =	shalt  }
0x6b: {  	_ =	shalt  }
0x6c: {  	_ =	shalt  }
0x6d: {  	_ =	shalt  }
0x6e: {  	_ =	shalt  }
0x6f: {  	_ =	shalt  }
0x70: {  	_ =	shalt  }
0x71: {  	_ =	shalt  }
0x72: {  	_ =	shalt  }
0x73: {  	_ =	shalt  }
0x74: {  	_ =	shalt  }
0x75: {  	_ =	shalt  }
0x76: {  	_ =	shalt  }
0x77: {  	_ =	shalt  }
0x78: {  	_ =	shalt  }
0x79: {  	_ =	shalt  }
0x7a: {  	_ =	shalt  }
0x7b: {  	_ =	shalt  }
0x7c: {  	_ =	shalt  }
0x7d: {  	_ =	shalt  }
0x7e: {  	_ =	shalt  }
0x7f: {  	_ =	shalt  }
0x80: {  	_ =	shalt  }
0x81: {  	_ =	shalt  }
0x82: {  	_ =	shalt  }
0x83: {  	_ =	shalt  }
0x84: {  	_ =	shalt  }
0x85: {  	_ =	shalt  }
0x86: {  	_ =	shalt  }
0x87: {  	_ =	shalt  }
.Lfunc_end0:
.L_simem_size_0:
called_computation.2_lowered:
.L_overlay_start_0:
0x88: {  	s2 =	sld [smem:$0x3FD9]  }
0x89: {  	s3 =	sld [smem:$0x3FFE];
	_ =	sdelay $0x1  }
0x8a: {  	s1 =	srdreg.scid  }
0x8b: {  	s0 =	sand.u32 $0x1, s1  }
0x8c: {  	s17 =	sshll.u32 s0, $0xA;
	s2 =	sadd.s32 s3, s2  }
0x8d: {  	s2 =	sadd.s32 s2, s17  }
0x8e: {  	[smem:$0x3FAF] =	sst s2  }
0x8f: {  	_ = 	snop  }
0x90: {  	s2 =	sld [smem:$0x3FC9];
	(tm) =	ssettm $0x1  }
0x91: {  	s18 =	sld [smem:$0x3FFB];
	_ =	sdelay $0x3  }
0x92: {  	_ =	strace s18  }
0x93: {  	s3 =	sld [smem:$0x3FFC];
	_ =	sdelay $0x3  }
0x94: {  	_ =	strace s3  }
0x95: {  	s3 =	sld [smem:$0x3FFD];
	_ =	sdelay $0x3  }
0x96: {  	_ =	strace s3  }
0x97: {  	_ =	strace $0x8FFFFFFF  }
0x98: {  	s19 =	sld [smem:$0x3FDB];
	_ =	sdelay $0x1  }
0x99: {  	s4 =	simm.s32 $_scs_section_size  }
0x9a: {  	s5 =	simm.s32 $_size__tile_overlayer_lowered;
	s6 =	simm.s32 $_tile_overlayer_lowered  }
0x9b: {  	s22 =	simm.s32 $0x1BFF;
	s21 =	sshll.u32 s6, $0x1;
	s3 =	sadd.s32 s4, s19  }
0x9c: {  	s7 =	simm.s32 $0x0;
	s20 =	sshll.u32 s5, $0x1;
	s5 =	sadd.s32 s21, s3  }
0x9d: {  	[timem:s7], [sflag:s22] =	dma.local [hbm:s5], s20  }
0x9e: {  	_ =	swait.ge [sflag:s22], s20  }
0x9f: {  	s4 =	ssub.s32 $0x0, s20;
	[sflag:s22] =	ssyncset.done $0x0  }
0xa0: {  	[sflag:s22] =	ssyncadd.s32 s4;
	_ =	sdelay $0x1  }
0xa1: {  	s23 =	simm.s32 $0x1B8B  }
0xa2: {  	_ =	swait.ge [sflag:s23], $0x1  }
0xa3: {  	[sflag:s23] =	ssyncset.done $0x0  }
0xa4: {  	s25 =	simm.s32 $0x1B8E;
	s24 =	sld [smem:$0x3FFE];
	[sflag:s23] =	ssyncadd.s32 $0xFFFFFFFF  }
0xa5: {  	s26 =	simm.s32 $execute0_lowered;
	[smem:$0x3FD2] =	sst s25  }
0xa6: {  	s5 =	sshll.u32 s26, $0x1;
	_ =	strace $0x8000004C;
	[dreg:$0x1] =	wrdreg $0xFFFFFFFF  }
0xa7: {  	s28 =	simm.s32 $_size_execute0_lowered;
	s3 =	sadd.s32 s3, s5;
	[dreg:$0x0] =	wrdreg $0x0  }
0xa8: {  	s5 =	sshll.u32 s28, $0x1;
	[dreg:$0x2] =	wrdreg s3  }
0xa9: {  	[dreg:$0x3] =	wrdreg s5  }
0xaa: {  	[dreg:$0x4] =	wrdreg $0xC0  }
0xab: {  	_ =	task [dreg:s7], $0x5FFFF  }
0xac: {  	[dreg:$0x1] =	wrdreg $0xFFFFFFFF  }
0xad: {  	[dreg:$0x0] =	wrdreg $0x60  }
0xae: {  	[dreg:$0x2] =	wrdreg s2  }
0xaf: {  	[dreg:$0x3] =	wrdreg s24  }
0xb0: {  	[dreg:$0x4] =	wrdreg $0x12D100  }
0xb1: {  	[dreg:$0x5] =	wrdreg $0x9  }
0xb2: {  	_ =	task.clear_ibuf [dreg:s7], $0x6FFFF;
	_ =	strace $0x9000004C  }
0xb3: {  	s29 =	simm.s32 $0x9;
	_ =	strace $0x8000004E  }
0xb4: {  	_ =	swait.ge [sflag:s29], $0x1  }
0xb5: {  	[sflag:s29] =	ssyncadd.s32 $0xFFFFFFFF  }
0xb6: {  	_ =	strace $0x9000004E  }
0xb7: {  	_ =	sfence  }
0xb8: {  	s30 =	sld [smem:$0x0];
	_ =	sdelay $0x2  }
0xb9: {  	s31 =	sshll.u32 s1, $0xD;
	s1 =	sshrl.u32 s1, $0x2  }
0xba: {  	s3 =	sand.u32 $0x4000, s31;
	s1 =	sadd.s32 s1, s30  }
0xbb: {  	s0 =	sor.u32 s3, s0;
	s1 =	sshll.u32 s1, $0x11  }
0xbc: {  	s0 =	sor.u32 s1, s0  }
0xbd: {  	s0 =	sadd.s32 $0x8F2B, s0  }
0xbe: {  	[sflag:s0] =	ssyncadd.remote.s32 $0x1  }
0xbf: {  	_ =	sfence.sel $0xFFFF  }
0xc0: {  	[dreg:$0x0] =	wrdreg $0xFFFFFFFF;
	(pc) =	sbr.abs _section_cstart, $3  }
0xc1: {  	[dreg:$0x1] =	wrdreg $0xFFFFFFFF  }
0xc2: {  	_ =	task.clear_ibuf [dreg:s7], $0x2FFFF;
	_ =	strace $0x9FFFFFFF  }
0xc3: {  	(tm) =	ssettm $0x7FFFFFFF  }
tec
execute0_lowered:
.L_overlay_start_1:
0x0: {  	(tag) =	ssettag $0x1  }
0x1: {  	s2 =	rddreg [dreg:$0x0]  }
0x2: {  	s0 =	rddreg [dreg:$0x1]  }
0x3: {  	s3 =	rddreg [dreg:$0x2];
	s14 =	stileid.u32;
	s4 =	simm.s32 $0x0  }
0x4: {  	s5 =	srdreg.scid;
	s12 =	simm.s32 $0x5;
	s16 =	simm.s32 $0x80  }
0x5: {  	s17 =	simm.s32 $0xED10;
	s18 =	simm.s32 $0xFD10;
	s19 =	simm.s32 $0x1  }
0x6: {  	s20 =	simm.s32 $0x10D10;
	s21 =	simm.s32 $0x2;
	s22 =	simm.s32 $0x4  }
0x7: {  	s23 =	simm.s32 $0x11D10;
	s24 =	simm.s32 $0x3;
	s1 =	smul.u32 $0x9E0, s14  }
0x8: {  	s25 =	simm.s32 $0x0;
	[smem:$0x7FF] =	sst s4;
	s6 =	smul.u32 $0x4F00, s14  }
0x9: {  	s7 =	sand.u32 $0x1, s5;
	s31 =	sshll.u32 s14, $0x6;
	_ =	strace $0x8000004D  }
0xa: {  	s8 =	smul.u32 $0x13C00, s7;
	s7 =	ssub.s32 $0x2, s7;
	s14 =	sor.u32 $0x1C05, s31  }
0xb: {  	s9 =	sadd.s32 s1, s0;
	s5 =	sshrl.u32 s6, $0x3;
	s28 =	sshrl.u32 s7, $0x1  }
0xc: {  	s6 =	sadd.s32 s6, s3;
	s10 =	sadd.s32 s5, s0;
	s29 =	sadd.s32 $0x2E400, s9  }
0xd: {  	s0 =	sadd.s32 s8, s0;
	s30 =	sadd.s32 $0x38200, s9;
	[dreg:$0x4] =	wrdreg s29  }
0xe: {  	s7 =	ssub.s32 s7, s28;
	s15 =	sshrl.u32 s6, $0x3;
	[dreg:$0x5] =	wrdreg s30  }
0xf: {  	s11 =	sadd.s32 $0x6C00, s0;
	s8 =	sadd.s32 $0x42000, s10;
	s0 =	sadd.s32 $0x4BE00, s0  }
0x10: {  	s10 =	smax.u32 s7, $0x1;
	[dreg:$0x6] =	wrdreg s0;
	s13 =	sadd.s32 s1, s11  }
.LBB2_1:
0x11: {  	s0 =	rddreg [dreg:$0x4];
	s1 =	simm.s32 $0x4F00  }
0x12: {  	[tilespmem:s1], [sflag:$0x5] =	stream.linear.gather [hbm4b:s0+s4], $0x4F00, $0x38;
	[tilespmem:$0x17C10] =	vst v63  }
0x13: {  	_ =	swait.ge [sflag:s12], $0x4F00  }
0x14: {  	[sflag:s12] =	ssyncset.done $0x0  }
0x15: {  	s26 =	simm.s32 $0x9E00;
	s31 =	rddreg [dreg:$0x5];
	[sflag:s12] =	ssyncadd.s32 $0xFFFFB100  }
0x16: {  	[tilespmem:s26], [sflag:$0x5] =	stream.linear.gather [hbm4b:s31+s4], $0x4F00, $0x38;
	[tilespmem:$0x17C10] =	vst v63  }
0x17: {  	_ =	swait.ge [sflag:s12], $0x4F00  }
0x18: {  	[sflag:s12] =	ssyncset.done $0x0  }
0x19: {  	[sflag:s12] =	ssyncadd.s32 $0xFFFFB100  }
0x1a: {  	[tilespmem:s4], [sflag:$0x5] =	stream.linear.gather [hbm4b:s13+s4], $0x4F00, $0x38;
	[tilespmem:$0x17C10] =	vst v63  }
0x1b: {  	_ =	swait.ge [sflag:s12], $0x4F00  }
0x1c: {  	[sflag:s12] =	ssyncset.done $0x0  }
0x1d: {  	[sflag:s12] =	ssyncadd.s32 $0xFFFFB100  }
0x1e: {  	[spmem:s15], [sflag:s14] =	dma.local [hbm:s8], $0x9E0  }
0x1f: {  	_ =	swait.ge [sflag:s12], $0x9E0  }
0x20: {  	[sflag:s12] =	ssyncset.done $0x0  }
0x21: {  	[sflag:s12] =	ssyncadd.s32 $0xFFFFF620  }
0x22: {  	s28 =	simm.s32 $0x9E80;
	s29 =	simm.s32 $0x0;
	[bflag:$0x0] =	sbarrier.arrive $0xFFFF  }
0x23: {  	v3 =	vimm.f32 $0.0e+00;
	v1 =	vimm.f32 $0.0e+00;
	[tilespmem:s17], [sflag:$0x1] =	stream.indirect.gather [hbm4b:s2+s16], $0x20, s4, s16, $0xb8;
	[tilespmem:$0x17C10] =	vst v63  }
.LBB2_2:
0x24: {  	s0 =	sshll.u32 s29, $0x8  }
0x25: {  	s30 =	sor.u32 $0x80, s0  }
0x26: {  	[tilespmem:s18], [sflag:$0x2] =	stream.indirect.gather [hbm4b:s2+s16], $0x20, s30, s16, $0xb8;
	[tilespmem:$0x17C10] =	vst v63  }
0x27: {  	_ =	swait.ge [sflag:s19], $0x1000  }
0x28: {  	p0 =	seq.s32 s29, $0x0;
	[sflag:s19] =	ssyncset.done $0x0  }
0x29: {  	s0 =	simm.s32 @!p0 $0x3;
	[sflag:s19] =	ssyncadd.s32 $0xFFFFF000  }
0x2a: {  	_ =	swait.ge @!p0 [sflag:s0], $0x1000  }
0x2b: {  	[sflag:s0] =	ssyncset.done @!p0 $0x0  }
0x2c: {  	s1 =	simm.s32 $0x0;
	[sflag:s0] =	ssyncadd.s32 @!p0 $0xFFFFF000  }
0x2d: {  	v2 =	vld [tilespmem:s1+$0xED10]  }
0x2e: {  	v5 =	vld [tilespmem:s1+$0xED20];
	_ =	sdelay $0x2  }
0x2f: {  	v0 =	vld.msk [tilespmem:s26+$0x0 ss:$0x0], $0xffff  }
0x30: {  	s31 =	simm.s32 $0x20;
	v4 =	vadd.f32 v2, v1  }
0x31: {  	v2 =	vld [tilespmem:s31+$0xED10];
	v3 =	vadd.f32 v5, v3  }
0x32: {  	s6 =	simm.s32 $0x100;
	s11 =	sadd.s32 $0x1, s26;
	s0 =	sshll.u32 s29, $0xA;
	v1 =	vld [tilespmem:s31+$0xED20];
	[tilespmem:s1+$0x10D10] =	vst v4  }
.LBB2_3:
0x33: {  	p1 =	sne.s32 s6, $0x3F80;
	[tilespmem:s1+$0x10D20] =	vst v3;
	s7 =	smov.u32 s6;
	s6 =	sadd.s32 $0x80, s6  }
.Ltmp0:
0x34: {  	v4 =	vmul.f32 v4, v0;
	v3 =	vmul.f32 v3, v0;
	s1 =	smov.u32 s31;
	v0 =	vld.msk [tilespmem:s11+$0x0 ss:$0x0], $0xffff;
	(pc) =	sbr.rel @p1 .LBB2_3-.Ltmp0, $4  }
0x35: {  	_ = 	snop  }
0x36: {  	s31 =	sshra.s32 s7, $0x2;
	v4 =	vadd.f32 v2, v4  }
0x37: {  	v2 =	vld [tilespmem:s31+$0xED10];
	v3 =	vadd.f32 v1, v3  }
0x38: {  	s11 =	sadd.s32 $0x1, s11;
	v1 =	vld [tilespmem:s31+$0xED20];
	[tilespmem:s1+$0x10D10] =	vst v4  }
0x39: {  	_ = 	snop  }
0x3a: {  	v4 =	vmul.f32 v4, v0;
	[tilespmem:s1+$0x10D20] =	vst v3  }
0x3b: {  	v0 =	vmul.f32 v3, v0;
	p1 =	sne.s32 s29, $0x4E;
	v3 =	vld.msk [tilespmem:s11+$0x0 ss:$0x0], $0xffff  }
.Ltmp1:
0x3c: {  	v2 =	vadd.f32 v2, v4;
	(pc) =	sbr.rel @p1 .LBB2_6-.Ltmp1, $4  }
0x3d: {  	v0 =	vadd.f32 v1, v0  }
0x3e: {  	s0 =	sshrl.u32 s0, $0x2;
	[tilespmem:s31+$0x10D10] =	vst v2  }
0x3f: {  	[tilespmem:s31+$0x10D20] =	vst v0;
	s31 =	sadd.s32 $0x4F00, s0  }
0x40: {  	v1 =	vmul.f32 v2, v3;
	v3 =	vmul.f32 v0, v3;
	[spmem:s3] =	stream.indirect.scatter.add.f32 [tilespmem:s20], [sflag:$0x3], $0x20, s31, s16, $0xb8;
	[tilespmem:$0x17C10] =	vst v63  }
.Ltmp2:
0x41: {  	(pc) =	sbr.rel .LBB2_7-.Ltmp2, $4  }
0x42: {  	_ = 	snop  }
0x43: {  	_ =	swait.ge [sflag:s21], $0x1000  }
0x44: {  	[sflag:s21] =	ssyncset.done $0x0  }
0x45: {  	[sflag:s21] =	ssyncadd.s32 $0xFFFFF000  }
.LBB2_6:
.Ltmp3:
0x46: {  	s0 =	sadd.s32 $0x100, s0;
	(pc) =	sbr.rel @p0 .LBB2_8-.Ltmp3, $4  }
0x47: {  	[tilespmem:s17], [sflag:$0x1] =	stream.indirect.gather [hbm4b:s2+s16], $0x20, s0, s16, $0xb8;
	[tilespmem:$0x17C10] =	vst v63  }
0x48: {  	_ =	swait.ge [sflag:s21], $0x1000  }
0x49: {  	[sflag:s21] =	ssyncset.done $0x0  }
0x4a: {  	[sflag:s21] =	ssyncadd.s32 $0xFFFFF000  }
.LBB2_7:
0x4b: {  	_ =	swait.ge [sflag:s22], $0x1000  }
0x4c: {  	[sflag:s22] =	ssyncset.done $0x0  }
0x4d: {  	[sflag:s22] =	ssyncadd.s32 $0xFFFFF000  }
.LBB2_8:
0x4e: {  	s1 =	simm.s32 $0x0  }
0x4f: {  	v2 =	vld [tilespmem:s1+$0xFD10]  }
0x50: {  	v5 =	vld [tilespmem:s1+$0xFD20];
	_ =	sdelay $0x2  }
0x51: {  	v0 =	vld.msk [tilespmem:s28+$0x0 ss:$0x0], $0xffff  }
0x52: {  	s0 =	simm.s32 $0x20;
	v4 =	vadd.f32 v2, v1  }
0x53: {  	v2 =	vld [tilespmem:s0+$0xFD10];
	v3 =	vadd.f32 v5, v3  }
0x54: {  	s6 =	simm.s32 $0x100;
	s11 =	sadd.s32 $0x1, s28;
	v1 =	vld [tilespmem:s0+$0xFD20];
	[tilespmem:s1+$0x11D10] =	vst v4  }
.LBB2_9:
0x55: {  	p0 =	sne.s32 s6, $0x3F80;
	[tilespmem:s1+$0x11D20] =	vst v3;
	s7 =	smov.u32 s6;
	s6 =	sadd.s32 $0x80, s6  }
.Ltmp4:
0x56: {  	v4 =	vmul.f32 v4, v0;
	v3 =	vmul.f32 v3, v0;
	s1 =	smov.u32 s0;
	v0 =	vld.msk [tilespmem:s11+$0x0 ss:$0x0], $0xffff;
	(pc) =	sbr.rel @p0 .LBB2_9-.Ltmp4, $4  }
0x57: {  	_ = 	snop  }
0x58: {  	s0 =	sshra.s32 s7, $0x2;
	v4 =	vadd.f32 v2, v4  }
0x59: {  	v2 =	vld [tilespmem:s0+$0xFD10];
	v3 =	vadd.f32 v1, v3  }
0x5a: {  	s11 =	sadd.s32 $0x1, s11;
	v1 =	vld [tilespmem:s0+$0xFD20];
	[tilespmem:s1+$0x11D10] =	vst v4  }
0x5b: {  	_ = 	snop  }
0x5c: {  	v4 =	vmul.f32 v4, v0;
	[tilespmem:s1+$0x11D20] =	vst v3;
	s29 =	sadd.s32 $0x1, s29  }
0x5d: {  	v0 =	vmul.f32 v3, v0;
	v3 =	vld.msk [tilespmem:s11+$0x0 ss:$0x0], $0xffff;
	p0 =	sne.s32 s29, $0x4F  }
.Ltmp5:
0x5e: {  	v2 =	vadd.f32 v2, v4;
	(pc) =	sbr.rel @p0 .LBB2_2-.Ltmp5, $4  }
0x5f: {  	v0 =	vadd.f32 v1, v0  }
0x60: {  	[tilespmem:s0+$0x11D10] =	vst v2  }
0x61: {  	s31 =	sadd.s32 $0x4F00, s30;
	s26 =	sadd.s32 $0x100, s26;
	s28 =	sadd.s32 $0x100, s28;
	[tilespmem:s0+$0x11D20] =	vst v0  }
0x62: {  	v1 =	vmul.f32 v2, v3;
	v3 =	vmul.f32 v0, v3;
	[spmem:s3] =	stream.indirect.scatter.add.f32 [tilespmem:s23], [sflag:$0x4], $0x20, s31, s16, $0xb8;
	[tilespmem:$0x17C10] =	vst v63  }
0x63: {  	_ =	swait.ge [sflag:s24], $0x1000  }
0x64: {  	[sflag:s24] =	ssyncset.done $0x0  }
0x65: {  	[sflag:s24] =	ssyncadd.s32 $0xFFFFF000  }
0x66: {  	_ =	swait.ge [sflag:s22], $0x1000  }
0x67: {  	[sflag:s22] =	ssyncset.done $0x0  }
0x68: {  	[sflag:s22] =	ssyncadd.s32 $0xFFFFF000  }
0x69: {  	[bflag:$0x0] =	sbarrier.arrive $0xFFFF  }
0x6a: {  	s0 =	rddreg [dreg:$0x6]  }
0x6b: {  	s26 =	sadd.s32 s5, s0  }
0x6c: {  	[hbm:s26], [sflag:s14] =	dma.local [spmem:s15], $0x9E0  }
0x6d: {  	_ =	swait.ge [sflag:s12], $0x9E0  }
0x6e: {  	[sflag:s12] =	ssyncset.done $0x0  }
0x6f: {  	s31 =	sadd.s32 $0x9E00, s13;
	s28 =	simm.s32 $0x0;
	[sflag:s12] =	ssyncadd.s32 $0xFFFFF620  }
0x70: {  	[tilespmem:s28], [sflag:$0x5] =	stream.linear.gather [hbm4b:s31+s28], $0x4F00, $0x38;
	[tilespmem:$0x17C10] =	vst v63  }
0x71: {  	_ =	swait.ge [sflag:s12], $0x4F00  }
0x72: {  	[sflag:s12] =	ssyncset.done $0x0  }
0x73: {  	[sflag:s12] =	ssyncadd.s32 $0xFFFFB100  }
0x74: {  	[spmem:s15], [sflag:s14] =	dma.local [hbm:s8], $0x9E0  }
0x75: {  	_ =	swait.ge [sflag:s12], $0x9E0  }
0x76: {  	[sflag:s12] =	ssyncset.done $0x0  }
0x77: {  	[sflag:s12] =	ssyncadd.s32 $0xFFFFF620  }
0x78: {  	s29 =	simm.s32 $0x9E00;
	s30 =	simm.s32 $0x9E80;
	[bflag:$0x0] =	sbarrier.arrive $0xFFFF  }
0x79: {  	v3 =	vimm.f32 $0.0e+00;
	v1 =	vimm.f32 $0.0e+00;
	[tilespmem:s17], [sflag:$0x1] =	stream.indirect.gather [hbm4b:s2+s16], $0x20, s28, s16, $0xb8;
	[tilespmem:$0x17C10] =	vst v63  }
.LBB2_12:
0x7a: {  	s0 =	sshll.u32 s28, $0x8  }
0x7b: {  	s31 =	sor.u32 $0x80, s0  }
0x7c: {  	[tilespmem:s18], [sflag:$0x2] =	stream.indirect.gather [hbm4b:s2+s16], $0x20, s31, s16, $0xb8;
	[tilespmem:$0x17C10] =	vst v63  }
0x7d: {  	_ =	swait.ge [sflag:s19], $0x1000  }
0x7e: {  	p0 =	seq.s32 s28, $0x0;
	[sflag:s19] =	ssyncset.done $0x0  }
0x7f: {  	s0 =	simm.s32 @!p0 $0x3;
	[sflag:s19] =	ssyncadd.s32 $0xFFFFF000  }
0x80: {  	_ =	swait.ge @!p0 [sflag:s0], $0x1000  }
0x81: {  	[sflag:s0] =	ssyncset.done @!p0 $0x0  }
0x82: {  	s11 =	simm.s32 $0x0;
	[sflag:s0] =	ssyncadd.s32 @!p0 $0xFFFFF000  }
0x83: {  	v2 =	vld [tilespmem:s11+$0xED10]  }
0x84: {  	v5 =	vld [tilespmem:s11+$0xED20];
	_ =	sdelay $0x2  }
0x85: {  	v0 =	vld.msk [tilespmem:s29+$0x0 ss:$0x0], $0xffff  }
0x86: {  	s0 =	simm.s32 $0x20;
	v4 =	vadd.f32 v2, v1  }
0x87: {  	v2 =	vld [tilespmem:s0+$0xED10];
	v3 =	vadd.f32 v5, v3  }
0x88: {  	s1 =	sshll.u32 s28, $0xA;
	s7 =	simm.s32 $0x100;
	s6 =	sadd.s32 $0x1, s29;
	v1 =	vld [tilespmem:s0+$0xED20];
	[tilespmem:s11+$0x10D10] =	vst v4  }
.LBB2_13:
0x89: {  	p1 =	sne.s32 s7, $0x3F80;
	[tilespmem:s11+$0x10D20] =	vst v3;
	s9 =	smov.u32 s7;
	s7 =	sadd.s32 $0x80, s7  }
.Ltmp6:
0x8a: {  	v4 =	vmul.f32 v4, v0;
	v3 =	vmul.f32 v3, v0;
	s11 =	smov.u32 s0;
	v0 =	vld.msk [tilespmem:s6+$0x0 ss:$0x0], $0xffff;
	(pc) =	sbr.rel @p1 .LBB2_13-.Ltmp6, $4  }
0x8b: {  	_ = 	snop  }
0x8c: {  	s0 =	sshra.s32 s9, $0x2;
	v4 =	vadd.f32 v2, v4  }
0x8d: {  	v2 =	vld [tilespmem:s0+$0xED10];
	v3 =	vadd.f32 v1, v3  }
0x8e: {  	s6 =	sadd.s32 $0x1, s6;
	v1 =	vld [tilespmem:s0+$0xED20];
	[tilespmem:s11+$0x10D10] =	vst v4  }
0x8f: {  	_ = 	snop  }
0x90: {  	v4 =	vmul.f32 v4, v0;
	[tilespmem:s11+$0x10D20] =	vst v3  }
0x91: {  	v0 =	vmul.f32 v3, v0;
	p1 =	sne.s32 s28, $0x4E;
	v3 =	vld.msk [tilespmem:s6+$0x0 ss:$0x0], $0xffff  }
.Ltmp7:
0x92: {  	v2 =	vadd.f32 v2, v4;
	(pc) =	sbr.rel @p1 .LBB2_16-.Ltmp7, $4  }
0x93: {  	v0 =	vadd.f32 v1, v0  }
0x94: {  	s1 =	sshrl.u32 s1, $0x2;
	[tilespmem:s0+$0x10D10] =	vst v2  }
0x95: {  	s11 =	sadd.s32 $0x4F00, s1;
	[tilespmem:s0+$0x10D20] =	vst v0  }
0x96: {  	v1 =	vmul.f32 v2, v3;
	v3 =	vmul.f32 v0, v3;
	[spmem:s3] =	stream.indirect.scatter.add.f32 [tilespmem:s20], [sflag:$0x3], $0x20, s11, s16, $0xb8;
	[tilespmem:$0x17C10] =	vst v63  }
.Ltmp8:
0x97: {  	(pc) =	sbr.rel .LBB2_17-.Ltmp8, $4  }
0x98: {  	_ = 	snop  }
0x99: {  	_ =	swait.ge [sflag:s21], $0x1000  }
0x9a: {  	[sflag:s21] =	ssyncset.done $0x0  }
0x9b: {  	[sflag:s21] =	ssyncadd.s32 $0xFFFFF000  }
.LBB2_16:
.Ltmp9:
0x9c: {  	s0 =	sadd.s32 $0x100, s1;
	(pc) =	sbr.rel @p0 .LBB2_18-.Ltmp9, $4  }
0x9d: {  	[tilespmem:s17], [sflag:$0x1] =	stream.indirect.gather [hbm4b:s2+s16], $0x20, s0, s16, $0xb8;
	[tilespmem:$0x17C10] =	vst v63  }
0x9e: {  	_ =	swait.ge [sflag:s21], $0x1000  }
0x9f: {  	[sflag:s21] =	ssyncset.done $0x0  }
0xa0: {  	[sflag:s21] =	ssyncadd.s32 $0xFFFFF000  }
.LBB2_17:
0xa1: {  	_ =	swait.ge [sflag:s22], $0x1000  }
0xa2: {  	[sflag:s22] =	ssyncset.done $0x0  }
0xa3: {  	[sflag:s22] =	ssyncadd.s32 $0xFFFFF000  }
.LBB2_18:
0xa4: {  	s1 =	simm.s32 $0x0  }
0xa5: {  	v2 =	vld [tilespmem:s1+$0xFD10]  }
0xa6: {  	v5 =	vld [tilespmem:s1+$0xFD20];
	_ =	sdelay $0x2  }
0xa7: {  	v0 =	vld.msk [tilespmem:s30+$0x0 ss:$0x0], $0xffff  }
0xa8: {  	s0 =	simm.s32 $0x20;
	v4 =	vadd.f32 v2, v1  }
0xa9: {  	v2 =	vld [tilespmem:s0+$0xFD10];
	v3 =	vadd.f32 v5, v3  }
0xaa: {  	s11 =	simm.s32 $0x100;
	s6 =	sadd.s32 $0x1, s30;
	v1 =	vld [tilespmem:s0+$0xFD20];
	[tilespmem:s1+$0x11D10] =	vst v4  }
.LBB2_19:
0xab: {  	p0 =	sne.s32 s11, $0x3F80;
	[tilespmem:s1+$0x11D20] =	vst v3;
	s7 =	smov.u32 s11;
	s11 =	sadd.s32 $0x80, s11  }
.Ltmp10:
0xac: {  	v4 =	vmul.f32 v4, v0;
	v3 =	vmul.f32 v3, v0;
	s1 =	smov.u32 s0;
	v0 =	vld.msk [tilespmem:s6+$0x0 ss:$0x0], $0xffff;
	(pc) =	sbr.rel @p0 .LBB2_19-.Ltmp10, $4  }
0xad: {  	_ = 	snop  }
0xae: {  	s0 =	sshra.s32 s7, $0x2;
	v4 =	vadd.f32 v2, v4  }
0xaf: {  	v2 =	vld [tilespmem:s0+$0xFD10];
	v3 =	vadd.f32 v1, v3  }
0xb0: {  	s6 =	sadd.s32 $0x1, s6;
	v1 =	vld [tilespmem:s0+$0xFD20];
	[tilespmem:s1+$0x11D10] =	vst v4  }
0xb1: {  	_ = 	snop  }
0xb2: {  	v4 =	vmul.f32 v4, v0;
	[tilespmem:s1+$0x11D20] =	vst v3;
	s28 =	sadd.s32 $0x1, s28  }
0xb3: {  	v0 =	vmul.f32 v3, v0;
	v3 =	vld.msk [tilespmem:s6+$0x0 ss:$0x0], $0xffff;
	p0 =	sne.s32 s28, $0x4F  }
.Ltmp11:
0xb4: {  	v2 =	vadd.f32 v2, v4;
	(pc) =	sbr.rel @p0 .LBB2_12-.Ltmp11, $4  }
0xb5: {  	v0 =	vadd.f32 v1, v0  }
0xb6: {  	[tilespmem:s0+$0x11D10] =	vst v2  }
0xb7: {  	s31 =	sadd.s32 $0x4F00, s31;
	s29 =	sadd.s32 $0x100, s29;
	s30 =	sadd.s32 $0x100, s30;
	[tilespmem:s0+$0x11D20] =	vst v0  }
0xb8: {  	v1 =	vmul.f32 v2, v3;
	v3 =	vmul.f32 v0, v3;
	[spmem:s3] =	stream.indirect.scatter.add.f32 [tilespmem:s23], [sflag:$0x4], $0x20, s31, s16, $0xb8;
	[tilespmem:$0x17C10] =	vst v63  }
0xb9: {  	_ =	swait.ge [sflag:s24], $0x1000  }
0xba: {  	[sflag:s24] =	ssyncset.done $0x0  }
0xbb: {  	[sflag:s24] =	ssyncadd.s32 $0xFFFFF000  }
0xbc: {  	_ =	swait.ge [sflag:s22], $0x1000  }
0xbd: {  	s25 =	sadd.s32 $0x1, s25;
	[sflag:s22] =	ssyncset.done $0x0  }
0xbe: {  	p0 =	sne.s32 s25, s10;
	[sflag:s22] =	ssyncadd.s32 $0xFFFFF000  }
.Ltmp12:
0xbf: {  	s0 =	sadd.s32 $0x9E00, s26;
	[bflag:$0x0] =	sbarrier.arrive $0xFFFF;
	(pc) =	sbr.rel @p0 .LBB2_1-.Ltmp12, $4  }
0xc0: {  	[hbm:s0], [sflag:s14] =	dma.local [spmem:s15], $0x9E0  }
0xc1: {  	_ =	swait.ge [sflag:s12], $0x9E0  }
0xc2: {  	[sflag:s12] =	ssyncset.done $0x0  }
0xc3: {  	[sflag:s12] =	ssyncadd.s32 $0xFFFFF620  }
0xc4: {  	_ =	sfence.sel $0x180000  }
0xc5: {  	[bflag:$0x0] =	sbarrier.arrive $0xFFFF  }
0xc6: {  	_ =	strace $0x9000004D  }
0xc7: {  	s0 =	stileid.u32;
	[bflag:$0x2] =	sbarrier.arrive $0xFFFF  }
0xc8: {  	p0 =	sne.s32 s0, $0x0;
	s0 =	rddreg [dreg:$0x3]  }
0xc9: {  	s0 =	sadd.s32 @!p0 $0x100000, s0  }
0xca: {  	[sflag:s0] =	ssyncadd.tile.s32 @!p0 $0x1;
	_ =	shalt  }
.Lfunc_end2:
_tile_overlayer_lowered:
.L_overlay_start_2:
0xcb: {  	(tag) =	ssettag $0x2  }
0xcc: {  	s0 =	rddreg [dreg:$0x0];
	s2 =	stileid.u32  }
0xcd: {  	s1 =	rddreg [dreg:$0x1];
	p0 =	sne.s32 s2, $0x0  }
0xce: {  	s3 =	rddreg [dreg:$0x2];
	[bflag:$0x3] =	sbarrier.arrive $0xFFFF;
	s2 =	simm.s32 @!p0 $0x1C05  }
0xcf: {  	[timem:s3], [sflag:s2] =	dma.local @!p0 [hbm:s0], s1  }
0xd0: {  	s0 =	simm.s32 @!p0 $0x5  }
0xd1: {  	_ =	swait.ge @!p0 [sflag:s0], s1  }
0xd2: {  	s1 =	ssub.s32 @!p0 $0x0, s1;
	[sflag:s0] =	ssyncset.done @!p0 $0x0  }
0xd3: {  	[sflag:s0] =	ssyncadd.s32 @!p0 s1  }
0xd4: {  	[bflag:$0x3] =	sbarrier.arrive $0xFFFF  }
0xd5: {  	_ =	shalt  }

</sc_bundles>
